<compile_context>
chip_gen: v7x
topology: tpu7x:2x2x1
jax: 0.10.2.dev20260603
libtpu: 0.0.44.dev20260713+nightly
codegen_flags: <defaults>
</compile_context>

<pallas_src>
import functools

import jax
import jax.numpy as jnp
from jax import lax
from jax.experimental import pallas as pl
from jax.experimental.pallas import tpu as pltpu
from jax.experimental.pallas import tpu_sc as plsc

_N = 10000
_D = 128
_H = 4
_DH = 32
_FF = 2048
_HID = 128
_OUT = 64
_E = 320000

_NP = 10240
_NC, _NS = 2, 16
_CH = 128
_NCHUNK = 80
_EPT = _CH * _NCHUNK
_EPAD = _EPT * _NC * _NS
_ROWS_PER_TILE = _NP // _NS

_SCALE = 1.0 / (_DH ** 0.5)

_BQ = 512
_BK = 1024
_BR = 512

_f32 = jnp.float32


def _ln(h, g, b):
    m = jnp.mean(h, axis=-1, keepdims=True)
    v = jnp.mean((h - m) ** 2, axis=-1, keepdims=True)
    return (h - m) / jnp.sqrt(v + 1e-5) * g + b



_DV = 64


_bf16 = jnp.bfloat16
_DQK = 40


def _qkv_body(x_ref, w_ref, b_ref, q_ref, k_ref, v_ref):
    i = pl.program_id(0)
    res = jnp.dot(x_ref[...], w_ref[...], preferred_element_type=_f32) + b_ref[...]
    br = res.shape[0]
    one = jnp.ones((br, 1), _f32)
    zq = jnp.zeros((br, _DQK - _DH - 1), _f32)
    zv = jnp.zeros((br, _DV - _DH - 1), _f32)
    mcol = jnp.where(_rowmask(i, br), 0.0, -1e30)
    for h in range(_H):
        q_ref[h] = jnp.concatenate(
            [res[:, h * _DH:(h + 1) * _DH] * _SCALE, one, zq],
            axis=1).astype(_bf16).T
        k_ref[h] = jnp.concatenate(
            [res[:, _D + h * _DH:_D + (h + 1) * _DH], mcol, zq],
            axis=1).astype(_bf16).T
        v_ref[h] = jnp.concatenate(
            [res[:, 2 * _D + h * _DH:2 * _D + (h + 1) * _DH], one, zv],
            axis=1).astype(_bf16).T


def _qkv(x_pad, wqkv, bqkv):
    nb = _NP // _BR
    shp = jax.ShapeDtypeStruct((_H, _DQK, _NP), _bf16)
    shpv = jax.ShapeDtypeStruct((_H, _DV, _NP), _bf16)
    return pl.pallas_call(
        _qkv_body,
        grid=(nb,),
        in_specs=[
            pl.BlockSpec((_BR, _D), lambda i: (i, 0)),
            pl.BlockSpec((_D, 3 * _D), lambda i: (0, 0)),
            pl.BlockSpec((1, 3 * _D), lambda i: (0, 0)),
        ],
        out_specs=[
            pl.BlockSpec((_H, _DQK, _BR), lambda i: (0, 0, i)),
            pl.BlockSpec((_H, _DQK, _BR), lambda i: (0, 0, i)),
            pl.BlockSpec((_H, _DV, _BR), lambda i: (0, 0, i)),
        ],
        out_shape=[shp, shp, shpv],
    )(x_pad, wqkv, bqkv)


_HPB = 1


def _attn_body(q_ref, k_ref, v_ref, o_ref, acc_ref):
    ki = pl.program_id(2)
    nk = pl.num_programs(2)

    @pl.when(ki == 0)
    def _():
        acc_ref[...] = jnp.zeros_like(acc_ref)

    for hh in range(_HPB):
        s = lax.dot_general(q_ref[hh], k_ref[hh], (((0,), (0,)), ((), ())),
                            preferred_element_type=_f32)
        p = jnp.exp(s.astype(_bf16))
        acc_ref[hh] += lax.dot_general(p, v_ref[hh], (((1,), (1,)), ((), ())),
                                       preferred_element_type=_f32)

    @pl.when(ki == nk - 1)
    def _():
        for hh in range(_HPB):
            o_ref[hh] = acc_ref[hh, :, :_DH] / acc_ref[hh, :, _DH:_DH + 1]


def _attention(q, k, v):
    grid = (_H // _HPB, _NP // _BQ, _NP // _BK)
    return pl.pallas_call(
        _attn_body,
        grid=grid,
        in_specs=[
            pl.BlockSpec((_HPB, _DQK, _BQ), lambda h, qi, ki: (h, 0, qi)),
            pl.BlockSpec((_HPB, _DQK, _BK), lambda h, qi, ki: (h, 0, ki)),
            pl.BlockSpec((_HPB, _DV, _BK), lambda h, qi, ki: (h, 0, ki)),
        ],
        out_specs=pl.BlockSpec((_HPB, _BQ, _DH), lambda h, qi, ki: (h, qi, 0)),
        out_shape=jax.ShapeDtypeStruct((_H, _NP, _DH), _f32),
        scratch_shapes=[
            pltpu.VMEM((_HPB, _BQ, _DV), _f32),
        ],
        compiler_params=pltpu.CompilerParams(
            dimension_semantics=("parallel", "parallel", "arbitrary")),
    )(q, k, v)


def _post_body(x_ref, ctx_ref, wo_ref, bo_ref, g1_ref, b1_ref, wf1_ref,
               bf1_ref, wf2_ref, bf2_ref, g2_ref, b2_ref, o_ref):
    ctx = jnp.concatenate([ctx_ref[h] for h in range(_H)], axis=1)
    t = x_ref[...] + jnp.dot(ctx, wo_ref[...],
                             preferred_element_type=_f32) + bo_ref[...]
    h1 = _ln(t, g1_ref[...], b1_ref[...])
    ff = jnp.dot(
        jnp.maximum(jnp.dot(h1, wf1_ref[...], preferred_element_type=_f32)
                    + bf1_ref[...], 0.0),
        wf2_ref[...], preferred_element_type=_f32) + bf2_ref[...]
    o_ref[...] = _ln(h1 + ff, g2_ref[...], b2_ref[...])


def _post_ffn(x_pad, ctx, wo, bo, g1, b1, wf1, bf1, wf2, bf2, g2, b2):
    nb = _NP // _BR
    vec = lambda: pl.BlockSpec((1, _D), lambda i: (0, 0))
    return pl.pallas_call(
        _post_body,
        grid=(nb,),
        in_specs=[
            pl.BlockSpec((_BR, _D), lambda i: (i, 0)),
            pl.BlockSpec((_H, _BR, _DH), lambda i: (0, i, 0)),
            pl.BlockSpec((_D, _D), lambda i: (0, 0)),
            vec(), vec(), vec(),
            pl.BlockSpec((_D, _FF), lambda i: (0, 0)),
            pl.BlockSpec((1, _FF), lambda i: (0, 0)),
            pl.BlockSpec((_FF, _D), lambda i: (0, 0)),
            vec(), vec(), vec(),
        ],
        out_specs=pl.BlockSpec((_BR, _D), lambda i: (i, 0)),
        out_shape=jax.ShapeDtypeStruct((_NP, _D), _f32),
    )(x_pad, ctx, wo, bo, g1, b1, wf1, bf1, wf2, bf2, g2, b2)


def _dis_from_degp(degp0, degp1):
    deg = degp0[:, 0:1] + degp1[:, 0:1] + 1.0
    return lax.rsqrt(deg)


def _rowmask(i, br):
    rows = i * br + lax.broadcasted_iota(jnp.int32, (br, 1), 0)
    return rows < _N


def _z1_body(h_ref, degp_ref, w_ref, o_ref):
    i = pl.program_id(0)
    dis = _dis_from_degp(degp_ref[0], degp_ref[1])
    z = jnp.dot(h_ref[...], w_ref[...], preferred_element_type=_f32) * dis
    o_ref[...] = jnp.where(_rowmask(i, h_ref.shape[0]), z, 0.0)


def _z_next_body(zp_ref, sp_ref, degp_ref, bp_ref, w_ref, o_ref):
    i = pl.program_id(0)
    dis = _dis_from_degp(degp_ref[0], degp_ref[1])
    hprev = jnp.maximum(
        dis * (sp_ref[0] + sp_ref[1] + zp_ref[...]) + bp_ref[...], 0.0)
    z = jnp.dot(hprev, w_ref[...], preferred_element_type=_f32) * dis
    o_ref[...] = jnp.where(_rowmask(i, zp_ref.shape[0]), z, 0.0)


def _final_body(zp_ref, sp_ref, degp_ref, bp_ref, o_ref):
    dis = _dis_from_degp(degp_ref[0], degp_ref[1])
    o_ref[...] = dis * (sp_ref[0] + sp_ref[1] + zp_ref[...]) + bp_ref[...]


def _z1(h, degp, w):
    nb = _NP // _BR
    fo = w.shape[1]
    return pl.pallas_call(
        _z1_body,
        grid=(nb,),
        in_specs=[
            pl.BlockSpec((_BR, _D), lambda i: (i, 0)),
            pl.BlockSpec((2, _BR, _D), lambda i: (0, i, 0)),
            pl.BlockSpec(w.shape, lambda i: (0, 0)),
        ],
        out_specs=pl.BlockSpec((_BR, fo), lambda i: (i, 0)),
        out_shape=jax.ShapeDtypeStruct((_NP, fo), _f32),
    )(h, degp, w)


def _z_next(zp, spar, degp, bp, w):
    nb = _NP // _BR
    fi = zp.shape[1]
    fo = w.shape[1]
    return pl.pallas_call(
        _z_next_body,
        grid=(nb,),
        in_specs=[
            pl.BlockSpec((_BR, fi), lambda i: (i, 0)),
            pl.BlockSpec((2, _BR, fi), lambda i: (0, i, 0)),
            pl.BlockSpec((2, _BR, _D), lambda i: (0, i, 0)),
            pl.BlockSpec((1, fi), lambda i: (0, 0)),
            pl.BlockSpec(w.shape, lambda i: (0, 0)),
        ],
        out_specs=pl.BlockSpec((_BR, fo), lambda i: (i, 0)),
        out_shape=jax.ShapeDtypeStruct((_NP, fo), _f32),
    )(zp, spar, degp, bp, w)


def _final(zp, spar, degp, bp):
    nb = _NP // _BR
    fo = zp.shape[1]
    return pl.pallas_call(
        _final_body,
        grid=(nb,),
        in_specs=[
            pl.BlockSpec((_BR, fo), lambda i: (i, 0)),
            pl.BlockSpec((2, _BR, fo), lambda i: (0, i, 0)),
            pl.BlockSpec((2, _BR, _D), lambda i: (0, i, 0)),
            pl.BlockSpec((1, fo), lambda i: (0, 0)),
        ],
        out_specs=pl.BlockSpec((_BR, fo), lambda i: (i, 0)),
        out_shape=jax.ShapeDtypeStruct((_NP, fo), _f32),
    )(zp, spar, degp, bp)



@functools.lru_cache(maxsize=None)
def _mesh():
    return plsc.VectorSubcoreMesh(core_axis_name="c", subcore_axis_name="s",
                                  num_cores=_NC, num_subcores=_NS)


def _deg_kernel_body(dst_hbm, ones_hbm, zeros_hbm, out_hbm,
                     idx_v, ones_v, acc_sh, sem):
    c = lax.axis_index("c")
    s = lax.axis_index("s")
    wid = c * _NS + s
    pltpu.sync_copy(zeros_hbm, acc_sh.at[pl.ds(s * _ROWS_PER_TILE,
                                               _ROWS_PER_TILE)])
    pltpu.sync_copy(ones_hbm, ones_v)
    pltpu.sync_copy(dst_hbm.at[pl.ds(wid * _NCHUNK, _NCHUNK)], idx_v)
    plsc.subcore_barrier()

    def body(j, carry):
        pltpu.sync_copy(ones_v, acc_sh.at[idx_v.at[j]], add=True)
        return carry

    lax.fori_loop(0, _NCHUNK, body, 0)
    plsc.subcore_barrier()
    pltpu.sync_copy(acc_sh.at[pl.ds(s * _ROWS_PER_TILE, _ROWS_PER_TILE)],
                    out_hbm.at[c].at[pl.ds(s * _ROWS_PER_TILE,
                                           _ROWS_PER_TILE)])


def _sc_degree(dst2d, ones128, zeros128):
    k = pl.kernel(
        _deg_kernel_body,
        out_type=jax.ShapeDtypeStruct((_NC, _NP, _D), _f32),
        mesh=_mesh(),
        scratch_types=[
            pltpu.VMEM((_NCHUNK, _CH), jnp.int32),
            pltpu.VMEM((_CH, _D), _f32),
            pltpu.VMEM_SHARED((_NP, _D), _f32),
            pltpu.SemaphoreType.DMA,
        ],
    )
    return k(dst2d, ones128, zeros128)


_NSLOT = 2
_NH = _NCHUNK // 2


def _scatter_kernel_body(z_hbm, src_hbm, dst_hbm, zeros_hbm, out_hbm,
                         srcidx_v, dstidx_v, rows_v, acc_sh, gsems):
    c = lax.axis_index("c")
    s = lax.axis_index("s")
    wid = c * _NS + s
    pltpu.sync_copy(zeros_hbm, acc_sh.at[pl.ds(s * _ROWS_PER_TILE,
                                               _ROWS_PER_TILE)])
    plsc.subcore_barrier()

    def gstart(j, b):
        pltpu.async_copy(z_hbm.at[srcidx_v.at[j]], rows_v.at[b], gsems[b])

    def gwait(j, b):
        pltpu.make_async_copy(z_hbm.at[srcidx_v.at[j]], rows_v.at[b],
                              gsems[b]).wait()

    def sadd(j, b):
        pltpu.sync_copy(rows_v.at[b], acc_sh.at[dstidx_v.at[j]], add=True)

    for phase in range(2):
        base = wid * _NCHUNK + phase * _NH
        pltpu.sync_copy(src_hbm.at[pl.ds(base, _NH)], srcidx_v)
        pltpu.sync_copy(dst_hbm.at[pl.ds(base, _NH)], dstidx_v)
        gstart(0, 0)

        def group(i, carry):
            j0 = 2 * i
            gstart(j0 + 1, 1)
            gwait(j0, 0)
            sadd(j0, 0)
            gstart(j0 + 2, 0)
            gwait(j0 + 1, 1)
            sadd(j0 + 1, 1)
            return carry

        lax.fori_loop(0, _NH // 2 - 1, group, 0)
        gstart(_NH - 1, 1)
        gwait(_NH - 2, 0)
        sadd(_NH - 2, 0)
        gwait(_NH - 1, 1)
        sadd(_NH - 1, 1)

    plsc.subcore_barrier()
    pltpu.sync_copy(acc_sh.at[pl.ds(s * _ROWS_PER_TILE, _ROWS_PER_TILE)],
                    out_hbm.at[c].at[pl.ds(s * _ROWS_PER_TILE,
                                           _ROWS_PER_TILE)])


def _sc_edge_scatter(z, src2d, dst2d, zeros_f):
    fo = z.shape[1]
    k = pl.kernel(
        _scatter_kernel_body,
        out_type=jax.ShapeDtypeStruct((_NC, _NP, fo), _f32),
        mesh=_mesh(),
        scratch_types=[
            pltpu.VMEM((_NH, _CH), jnp.int32),
            pltpu.VMEM((_NH, _CH), jnp.int32),
            pltpu.VMEM((_NSLOT, _CH, fo), _f32),
            pltpu.VMEM_SHARED((_NP, fo), _f32),
            [pltpu.SemaphoreType.DMA] * _NSLOT,
        ],
    )
    return k(z, src2d, dst2d, zeros_f)



def kernel(x, edge_index, Wq, bq, Wk, bk, Wv, bv, Wo, bo, ln1_g, ln1_b,
           Wf1, bf1, Wf2, bf2, ln2_g, ln2_b, Wg1, bg1, Wg2, bg2, Wg3, bg3):
    x_pad = jnp.pad(x, ((0, _NP - _N), (0, 0)))
    wqkv = jnp.concatenate([Wq, Wk, Wv], axis=1)
    bqkv = jnp.concatenate([bq, bk, bv]).reshape(1, 3 * _D)

    nw = _NC * _NS
    per_w_pad = (_EPAD - _E) // nw
    pad_vals = _N + jnp.arange(per_w_pad, dtype=jnp.int32) % (_NP - _N)
    pad_blk = jnp.broadcast_to(pad_vals, (nw, per_w_pad))

    def _pack(idx):
        real = idx.reshape(nw, _E // nw)
        return jnp.concatenate([real, pad_blk], axis=1).reshape(-1, _CH)

    src2d = _pack(edge_index[0])
    dst2d = _pack(edge_index[1])

    ones128 = jnp.ones((_CH, _D), _f32)
    zeros128 = jnp.zeros((_ROWS_PER_TILE, _D), _f32)
    wg3p = jnp.pad(Wg3, ((0, 0), (0, _D - _OUT)))
    bg3p = jnp.pad(bg3, (0, _D - _OUT))

    degp = _sc_degree(dst2d, ones128, zeros128)

    q, k, v = _qkv(x_pad, wqkv, bqkv)
    ctx = _attention(q, k, v)
    h = _post_ffn(x_pad, ctx, Wo, bo.reshape(1, _D), ln1_g.reshape(1, _D),
                  ln1_b.reshape(1, _D), Wf1, bf1.reshape(1, _FF), Wf2,
                  bf2.reshape(1, _D), ln2_g.reshape(1, _D),
                  ln2_b.reshape(1, _D))

    z1 = _z1(h, degp, Wg1)
    s1 = _sc_edge_scatter(z1, src2d, dst2d, zeros128)
    z2 = _z_next(z1, s1, degp, bg1.reshape(1, _HID), Wg2)
    s2 = _sc_edge_scatter(z2, src2d, dst2d, zeros128)
    z3 = _z_next(z2, s2, degp, bg2.reshape(1, _HID), wg3p)
    s3 = _sc_edge_scatter(z3, src2d, dst2d, zeros128)
    out = _final(z3, s3, degp, bg3p.reshape(1, _D))
    return out[:_N, :_OUT]

# --- scband reference (transcript-rebuilt; emitter-appended) ---
"""Pipeline reference for scband-water-level-gcn-25288767438901 (READ-ONLY COPY).

The authoritative reference and input builder live on the scoring server;
editing this copy changes nothing except your own understanding.
"""

import jax, jax.numpy as jnp
import numpy as np

N = 10000
D = 128
H = 4
DH = D // H
FF = 2048
HID = 128
OUT = 64
E = 320000


def _ln(h, g, b):
    m = jnp.mean(h, axis=-1, keepdims=True)
    v = jnp.mean((h - m) ** 2, axis=-1, keepdims=True)
    return (h - m) / jnp.sqrt(v + 1e-5) * g + b


def setup_inputs(seed: int = 0):
    key = jax.random.key(seed)
    ks = jax.random.split(key, 16)
    def w(i, shape, s=0.05):
        return jax.random.normal(ks[i], shape, jnp.float32) * s
    inp = {}
    inp['x'] = jax.random.normal(ks[0], (N, D), jnp.float32)
    inp['edge_index'] = jax.random.randint(ks[1], (2, E), 0, N, jnp.int32)
    inp['Wq'] = w(2, (D, D)); inp['bq'] = jnp.zeros((D,), jnp.float32)
    inp['Wk'] = w(3, (D, D)); inp['bk'] = jnp.zeros((D,), jnp.float32)
    inp['Wv'] = w(4, (D, D)); inp['bv'] = jnp.zeros((D,), jnp.float32)
    inp['Wo'] = w(5, (D, D)); inp['bo'] = jnp.zeros((D,), jnp.float32)
    inp['ln1_g'] = jnp.ones((D,), jnp.float32); inp['ln1_b'] = jnp.zeros((D,), jnp.float32)
    inp['Wf1'] = w(6, (D, FF)); inp['bf1'] = jnp.zeros((FF,), jnp.float32)
    inp['Wf2'] = w(7, (FF, D)); inp['bf2'] = jnp.zeros((D,), jnp.float32)
    inp['ln2_g'] = jnp.ones((D,), jnp.float32); inp['ln2_b'] = jnp.zeros((D,), jnp.float32)
    inp['Wg1'] = w(8, (D, HID)); inp['bg1'] = jnp.zeros((HID,), jnp.float32)
    inp['Wg2'] = w(9, (HID, HID)); inp['bg2'] = jnp.zeros((HID,), jnp.float32)
    inp['Wg3'] = w(10, (HID, OUT)); inp['bg3'] = jnp.zeros((OUT,), jnp.float32)
    return inp


def _forward(x, edge_index, Wq, bq, Wk, bk, Wv, bv, Wo, bo, ln1_g, ln1_b, Wf1, bf1, Wf2, bf2, ln2_g, ln2_b, Wg1, bg1, Wg2, bg2, Wg3, bg3):
    # TransformerEncoderLayer (post-norm), unbatched input [N, D]
    q = (x @ Wq + bq).reshape(N, H, DH).transpose(1, 0, 2)
    k = (x @ Wk + bk).reshape(N, H, DH).transpose(1, 0, 2)
    v = (x @ Wv + bv).reshape(N, H, DH).transpose(1, 0, 2)
    scale = 1.0 / np.sqrt(DH)
    ctxs = []
    for hh in range(H):
        s = (q[hh] @ k[hh].T) * scale
        a = jax.nn.softmax(s, axis=-1)
        ctxs.append(a @ v[hh])
    ctx = jnp.stack(ctxs, axis=0).transpose(1, 0, 2).reshape(N, D)
    h = _ln(x + ctx @ Wo + bo, ln1_g, ln1_b)
    ff = jax.nn.relu(h @ Wf1 + bf1) @ Wf2 + bf2
    h = _ln(h + ff, ln2_g, ln2_b)
    # squeeze(-1) is a no-op since last dim is D=128
    # GCNConv stack with symmetric normalization + self loops
    ar = jnp.arange(N, dtype=edge_index.dtype)
    src = jnp.concatenate([edge_index[0], ar])
    dst = jnp.concatenate([edge_index[1], ar])
    deg = jax.ops.segment_sum(jnp.ones(src.shape[0], jnp.float32), dst, N)
    dis = jnp.where(deg > 0, jax.lax.rsqrt(jnp.maximum(deg, 1e-12)), 0.0)
    norm = (dis[src] * dis[dst])[:, None]
    def gconv(z, W, b):
        z = z @ W
        return jax.ops.segment_sum(z[src] * norm, dst, N) + b
    h = jax.nn.relu(gconv(h, Wg1, bg1))
    h = jax.nn.relu(gconv(h, Wg2, bg2))
    return gconv(h, Wg3, bg3)


def reference(x, edge_index, Wq, bq, Wk, bk, Wv, bv, Wo, bo, ln1_g, ln1_b, Wf1, bf1, Wf2, bf2, ln2_g, ln2_b, Wg1, bg1, Wg2, bg2, Wg3, bg3):
    return _forward(x, edge_index, Wq, bq, Wk, bk, Wv, bv, Wo, bo, ln1_g, ln1_b, Wf1, bf1, Wf2, bf2, ln2_g, ln2_b, Wg1, bg1, Wg2, bg2, Wg3, bg3)

if __name__ == "__main__":
    import jax
    _d = setup_inputs()
    print(jax.jit(kernel)(*tuple(_d.values())))

</pallas_src>

<mosaic_0001>
#map = affine_map<(d0, d1) -> (0, 0)>
#map1 = affine_map<(d0, d1) -> (0, 0, 0)>
module attributes {stable_mosaic.version = 14 : i64} {
  func.func @_scatter_kernel_body(%arg0: i32, %arg1: i32, %arg2: memref<10240x128xf32, #tpu.memory_space<hbm>>, %arg3: memref<2560x128xi32, #tpu.memory_space<hbm>>, %arg4: memref<2560x128xi32, #tpu.memory_space<hbm>>, %arg5: memref<640x128xf32, #tpu.memory_space<hbm>>, %arg6: memref<2x10240x128xf32, #tpu.memory_space<hbm>>, %arg7: memref<40x128xi32, #tpu.memory_space<vmem>>, %arg8: memref<40x128xi32, #tpu.memory_space<vmem>>, %arg9: memref<2x128x128xf32, #tpu.memory_space<vmem>>, %arg10: memref<10240x128xf32, #tpu.memory_space<vmem_shared>>, %arg11: memref<!tpu.dma_semaphore, #tpu.memory_space<semaphore_mem>>, %arg12: memref<!tpu.dma_semaphore, #tpu.memory_space<semaphore_mem>>) attributes {dimension_semantics = [#tpu.dimension_semantics<core_parallel>, #tpu.dimension_semantics<subcore_parallel>], iteration_bounds = array<i64: 2, 16>, scalar_prefetch = 0 : i64, scratch_operands = 6 : i64, tpu.core_type = #tpu.core_type<sc_vector_subcore>, window_params = [{transform_indices = #map}, {transform_indices = #map}, {transform_indices = #map}, {transform_indices = #map}, {transform_indices = #map1}]} {
    %mul3A = arith.constant 16 : i32
    %mul3A_0 = arith.muli %arg0, %mul3A : i32
    %add3A = arith.addi %mul3A_0, %arg1 : i32
    %mul3A_1 = arith.constant 640 : i32
    %mul3A_2 = arith.muli %arg1, %mul3A_1 : i32
    "tpu.region"() ({
      %run_scoped3A_128 = tpu.sem_alloc : memref<!tpu.dma_semaphore, #tpu.memory_space<semaphore_mem>>
      %dma_start3A_129 = arith.constant 0 : i32
      %dma_start3A_130 = tpu.memref_slice %arg10[%mul3A_2, %dma_start3A_129] : memref<10240x128xf32, #tpu.memory_space<vmem_shared>> -> memref<640x128xf32, #tpu.memory_space<vmem_shared>>
      tpu.enqueue_dma source(%arg5 : memref<640x128xf32, #tpu.memory_space<hbm>>) target(%dma_start3A_130 : memref<640x128xf32, #tpu.memory_space<vmem_shared>>) target_semaphore(%run_scoped3A_128 : memref<!tpu.dma_semaphore, #tpu.memory_space<semaphore_mem>>)
      %dma_wait3A_131 = arith.constant 0 : i32
      %dma_wait3A_132 = tpu.memref_slice %arg10[%mul3A_2, %dma_wait3A_131] : memref<10240x128xf32, #tpu.memory_space<vmem_shared>> -> memref<640x128xf32, #tpu.memory_space<vmem_shared>>
      tpu.wait_dma2 semaphore(%run_scoped3A_128 : memref<!tpu.dma_semaphore, #tpu.memory_space<semaphore_mem>>) src(%arg5 : memref<640x128xf32, #tpu.memory_space<hbm>>) dst(%dma_wait3A_132 : memref<640x128xf32, #tpu.memory_space<vmem_shared>>)
      tpu.yield
    }) : () -> ()
    %barrier3A = arith.constant 0 : index
    tpu.barrier barrier_id(%barrier3A)
    %mul3A_3 = arith.constant 80 : i32
    %mul3A_4 = arith.muli %add3A, %mul3A_3 : i32
    %add3A_5 = arith.constant 0 : i32
    %add3A_6 = arith.addi %mul3A_4, %add3A_5 : i32
    "tpu.region"() ({
      %run_scoped3A_128 = tpu.sem_alloc : memref<!tpu.dma_semaphore, #tpu.memory_space<semaphore_mem>>
      %dma_start3A_129 = arith.constant 0 : i32
      %dma_start3A_130 = tpu.memref_slice %arg3[%add3A_6, %dma_start3A_129] : memref<2560x128xi32, #tpu.memory_space<hbm>> -> memref<40x128xi32, #tpu.memory_space<hbm>>
      %dma_start3A_131 = arith.constant 0 : i32
      %dma_start3A_132 = tpu.memref_slice %arg3[%add3A_6, %dma_start3A_131] : memref<2560x128xi32, #tpu.memory_space<hbm>> -> memref<40x128xi32, #tpu.memory_space<hbm>>
      tpu.enqueue_dma source(%dma_start3A_132 : memref<40x128xi32, #tpu.memory_space<hbm>>) target(%arg7 : memref<40x128xi32, #tpu.memory_space<vmem>>) target_semaphore(%run_scoped3A_128 : memref<!tpu.dma_semaphore, #tpu.memory_space<semaphore_mem>>)
      %dma_wait3A_133 = arith.constant 0 : i32
      %dma_wait3A_134 = tpu.memref_slice %arg3[%add3A_6, %dma_wait3A_133] : memref<2560x128xi32, #tpu.memory_space<hbm>> -> memref<40x128xi32, #tpu.memory_space<hbm>>
      %dma_wait3A_135 = arith.constant 0 : i32
      %dma_wait3A_136 = tpu.memref_slice %arg3[%add3A_6, %dma_wait3A_135] : memref<2560x128xi32, #tpu.memory_space<hbm>> -> memref<40x128xi32, #tpu.memory_space<hbm>>
      tpu.wait_dma2 semaphore(%run_scoped3A_128 : memref<!tpu.dma_semaphore, #tpu.memory_space<semaphore_mem>>) src(%dma_wait3A_136 : memref<40x128xi32, #tpu.memory_space<hbm>>) dst(%arg7 : memref<40x128xi32, #tpu.memory_space<vmem>>)
      tpu.yield
    }) : () -> ()
    "tpu.region"() ({
      %run_scoped3A_128 = tpu.sem_alloc : memref<!tpu.dma_semaphore, #tpu.memory_space<semaphore_mem>>
      %dma_start3A_129 = arith.constant 0 : i32
      %dma_start3A_130 = tpu.memref_slice %arg4[%add3A_6, %dma_start3A_129] : memref<2560x128xi32, #tpu.memory_space<hbm>> -> memref<40x128xi32, #tpu.memory_space<hbm>>
      %dma_start3A_131 = arith.constant 0 : i32
      %dma_start3A_132 = tpu.memref_slice %arg4[%add3A_6, %dma_start3A_131] : memref<2560x128xi32, #tpu.memory_space<hbm>> -> memref<40x128xi32, #tpu.memory_space<hbm>>
      tpu.enqueue_dma source(%dma_start3A_132 : memref<40x128xi32, #tpu.memory_space<hbm>>) target(%arg8 : memref<40x128xi32, #tpu.memory_space<vmem>>) target_semaphore(%run_scoped3A_128 : memref<!tpu.dma_semaphore, #tpu.memory_space<semaphore_mem>>)
      %dma_wait3A_133 = arith.constant 0 : i32
      %dma_wait3A_134 = tpu.memref_slice %arg4[%add3A_6, %dma_wait3A_133] : memref<2560x128xi32, #tpu.memory_space<hbm>> -> memref<40x128xi32, #tpu.memory_space<hbm>>
      %dma_wait3A_135 = arith.constant 0 : i32
      %dma_wait3A_136 = tpu.memref_slice %arg4[%add3A_6, %dma_wait3A_135] : memref<2560x128xi32, #tpu.memory_space<hbm>> -> memref<40x128xi32, #tpu.memory_space<hbm>>
      tpu.wait_dma2 semaphore(%run_scoped3A_128 : memref<!tpu.dma_semaphore, #tpu.memory_space<semaphore_mem>>) src(%dma_wait3A_136 : memref<40x128xi32, #tpu.memory_space<hbm>>) dst(%arg8 : memref<40x128xi32, #tpu.memory_space<vmem>>)
      tpu.yield
    }) : () -> ()
    %dma_start3A = arith.constant 0 : i32
    %dma_start3A_7 = arith.constant 0 : i32
    %dma_start3A_8 = arith.constant 0 : i32
    %dma_start3A_9 = arith.constant 0 : i32
    %dma_start3A_10 = tpu.memref_slice %arg9[%dma_start3A_7, %dma_start3A_8, %dma_start3A_9] : memref<2x128x128xf32, #tpu.memory_space<vmem>> -> memref<1x128x128xf32, #tpu.memory_space<vmem>>
    %dma_start3A_11 = tpu.memref_squeeze %dma_start3A_10 : memref<1x128x128xf32, #tpu.memory_space<vmem>> -> memref<128x128xf32, #tpu.memory_space<vmem>>
    %dma_start3A_12 = arith.constant 0 : i32
    %dma_start3A_13 = tpu.memref_slice %arg7[%dma_start3A, %dma_start3A_12] : memref<40x128xi32, #tpu.memory_space<vmem>> -> memref<1x128xi32, #tpu.memory_space<vmem>>
    %dma_start3A_14 = tpu.memref_squeeze %dma_start3A_13 : memref<1x128xi32, #tpu.memory_space<vmem>> -> memref<128xi32, #tpu.memory_space<vmem>>
    %dma_start3A_15 = arith.constant 0 : i32
    %dma_start3A_16 = arith.constant 0 : i32
    %dma_start3A_17 = tpu.memref_slice %arg2[%dma_start3A_15, %dma_start3A_16] : memref<10240x128xf32, #tpu.memory_space<hbm>> -> memref<10240x128xf32, #tpu.memory_space<hbm>>
    tpu.enqueue_indirect_dma source(%dma_start3A_17 : memref<10240x128xf32, #tpu.memory_space<hbm>>) target(%dma_start3A_11 : memref<128x128xf32, #tpu.memory_space<vmem>>) offsets(%dma_start3A_14 : memref<128xi32, #tpu.memory_space<vmem>>) semaphore(%arg11 : memref<!tpu.dma_semaphore, #tpu.memory_space<semaphore_mem>>)
    %scan3A = arith.constant 0 : i32
    %scan3A_18 = arith.constant 0 : i32
    %scan3A_19 = arith.constant 19 : i32
    %scan3A_20 = arith.addi %scan3A_18, %scan3A_19 : i32
    %scan3A_21 = arith.constant 1 : i32
    scf.for %scan3A_128 = %scan3A_18 to %scan3A_20 step %scan3A_21  : i32 {
      %mul3A_129 = arith.constant 2 : i32
      %mul3A_130 = arith.muli %mul3A_129, %scan3A_128 : i32
      %add3A_131 = arith.constant 1 : i32
      %add3A_132 = arith.addi %mul3A_130, %add3A_131 : i32
      %dma_start3A_133 = arith.constant 1 : i32
      %dma_start3A_134 = arith.constant 0 : i32
      %dma_start3A_135 = arith.constant 0 : i32
      %dma_start3A_136 = tpu.memref_slice %arg9[%dma_start3A_133, %dma_start3A_134, %dma_start3A_135] : memref<2x128x128xf32, #tpu.memory_space<vmem>> -> memref<1x128x128xf32, #tpu.memory_space<vmem>>
      %dma_start3A_137 = tpu.memref_squeeze %dma_start3A_136 : memref<1x128x128xf32, #tpu.memory_space<vmem>> -> memref<128x128xf32, #tpu.memory_space<vmem>>
      %dma_start3A_138 = arith.constant 0 : i32
      %dma_start3A_139 = tpu.memref_slice %arg7[%add3A_132, %dma_start3A_138] : memref<40x128xi32, #tpu.memory_space<vmem>> -> memref<1x128xi32, #tpu.memory_space<vmem>>
      %dma_start3A_140 = tpu.memref_squeeze %dma_start3A_139 : memref<1x128xi32, #tpu.memory_space<vmem>> -> memref<128xi32, #tpu.memory_space<vmem>>
      %dma_start3A_141 = arith.constant 0 : i32
      %dma_start3A_142 = arith.constant 0 : i32
      %dma_start3A_143 = tpu.memref_slice %arg2[%dma_start3A_141, %dma_start3A_142] : memref<10240x128xf32, #tpu.memory_space<hbm>> -> memref<10240x128xf32, #tpu.memory_space<hbm>>
      tpu.enqueue_indirect_dma source(%dma_start3A_143 : memref<10240x128xf32, #tpu.memory_space<hbm>>) target(%dma_start3A_137 : memref<128x128xf32, #tpu.memory_space<vmem>>) offsets(%dma_start3A_140 : memref<128xi32, #tpu.memory_space<vmem>>) semaphore(%arg12 : memref<!tpu.dma_semaphore, #tpu.memory_space<semaphore_mem>>)
      %dma_wait3A_144 = arith.constant 0 : i32
      %dma_wait3A_145 = arith.constant 0 : i32
      %dma_wait3A_146 = arith.constant 0 : i32
      %dma_wait3A_147 = tpu.memref_slice %arg9[%dma_wait3A_144, %dma_wait3A_145, %dma_wait3A_146] : memref<2x128x128xf32, #tpu.memory_space<vmem>> -> memref<1x128x128xf32, #tpu.memory_space<vmem>>
      %dma_wait3A_148 = tpu.memref_squeeze %dma_wait3A_147 : memref<1x128x128xf32, #tpu.memory_space<vmem>> -> memref<128x128xf32, #tpu.memory_space<vmem>>
      %dma_wait3A_149 = arith.constant 0 : i32
      %dma_wait3A_150 = tpu.memref_slice %arg7[%mul3A_130, %dma_wait3A_149] : memref<40x128xi32, #tpu.memory_space<vmem>> -> memref<1x128xi32, #tpu.memory_space<vmem>>
      %dma_wait3A_151 = tpu.memref_squeeze %dma_wait3A_150 : memref<1x128xi32, #tpu.memory_space<vmem>> -> memref<128xi32, #tpu.memory_space<vmem>>
      %dma_wait3A_152 = arith.constant 0 : i32
      %dma_wait3A_153 = arith.constant 0 : i32
      %dma_wait3A_154 = tpu.memref_slice %arg2[%dma_wait3A_152, %dma_wait3A_153] : memref<10240x128xf32, #tpu.memory_space<hbm>> -> memref<10240x128xf32, #tpu.memory_space<hbm>>
      tpu.wait_indirect_dma semaphore(%arg11 : memref<!tpu.dma_semaphore, #tpu.memory_space<semaphore_mem>>) src(%dma_wait3A_154 : memref<10240x128xf32, #tpu.memory_space<hbm>>) dst(%dma_wait3A_148 : memref<128x128xf32, #tpu.memory_space<vmem>>)
      %run_scoped3A_155 = arith.constant 0 : i32
      "tpu.region"() ({
        %run_scoped3A_185 = tpu.sem_alloc : memref<!tpu.dma_semaphore, #tpu.memory_space<semaphore_mem>>
        %dma_start3A_186 = arith.constant 0 : i32
        %dma_start3A_187 = arith.constant 0 : i32
        %dma_start3A_188 = tpu.memref_slice %arg9[%run_scoped3A_155, %dma_start3A_186, %dma_start3A_187] : memref<2x128x128xf32, #tpu.memory_space<vmem>> -> memref<1x128x128xf32, #tpu.memory_space<vmem>>
        %dma_start3A_189 = tpu.memref_squeeze %dma_start3A_188 : memref<1x128x128xf32, #tpu.memory_space<vmem>> -> memref<128x128xf32, #tpu.memory_space<vmem>>
        %dma_start3A_190 = arith.constant 0 : i32
        %dma_start3A_191 = tpu.memref_slice %arg8[%mul3A_130, %dma_start3A_190] : memref<40x128xi32, #tpu.memory_space<vmem>> -> memref<1x128xi32, #tpu.memory_space<vmem>>
        %dma_start3A_192 = tpu.memref_squeeze %dma_start3A_191 : memref<1x128xi32, #tpu.memory_space<vmem>> -> memref<128xi32, #tpu.memory_space<vmem>>
        %dma_start3A_193 = arith.constant 0 : i32
        %dma_start3A_194 = arith.constant 0 : i32
        %dma_start3A_195 = tpu.memref_slice %arg10[%dma_start3A_193, %dma_start3A_194] : memref<10240x128xf32, #tpu.memory_space<vmem_shared>> -> memref<10240x128xf32, #tpu.memory_space<vmem_shared>>
        tpu.enqueue_indirect_dma source(%dma_start3A_189 : memref<128x128xf32, #tpu.memory_space<vmem>>) target(%dma_start3A_195 : memref<10240x128xf32, #tpu.memory_space<vmem_shared>>) offsets(%dma_start3A_192 : memref<128xi32, #tpu.memory_space<vmem>>) semaphore(%run_scoped3A_185 : memref<!tpu.dma_semaphore, #tpu.memory_space<semaphore_mem>>) {add = true}
        %dma_wait3A_196 = arith.constant 0 : i32
        %dma_wait3A_197 = arith.constant 0 : i32
        %dma_wait3A_198 = tpu.memref_slice %arg9[%run_scoped3A_155, %dma_wait3A_196, %dma_wait3A_197] : memref<2x128x128xf32, #tpu.memory_space<vmem>> -> memref<1x128x128xf32, #tpu.memory_space<vmem>>
        %dma_wait3A_199 = tpu.memref_squeeze %dma_wait3A_198 : memref<1x128x128xf32, #tpu.memory_space<vmem>> -> memref<128x128xf32, #tpu.memory_space<vmem>>
        %dma_wait3A_200 = arith.constant 0 : i32
        %dma_wait3A_201 = tpu.memref_slice %arg8[%mul3A_130, %dma_wait3A_200] : memref<40x128xi32, #tpu.memory_space<vmem>> -> memref<1x128xi32, #tpu.memory_space<vmem>>
        %dma_wait3A_202 = tpu.memref_squeeze %dma_wait3A_201 : memref<1x128xi32, #tpu.memory_space<vmem>> -> memref<128xi32, #tpu.memory_space<vmem>>
        %dma_wait3A_203 = arith.constant 0 : i32
        %dma_wait3A_204 = arith.constant 0 : i32
        %dma_wait3A_205 = tpu.memref_slice %arg10[%dma_wait3A_203, %dma_wait3A_204] : memref<10240x128xf32, #tpu.memory_space<vmem_shared>> -> memref<10240x128xf32, #tpu.memory_space<vmem_shared>>
        tpu.wait_indirect_dma semaphore(%run_scoped3A_185 : memref<!tpu.dma_semaphore, #tpu.memory_space<semaphore_mem>>) src(%dma_wait3A_199 : memref<128x128xf32, #tpu.memory_space<vmem>>) dst(%dma_wait3A_205 : memref<10240x128xf32, #tpu.memory_space<vmem_shared>>)
        tpu.yield
      }) : () -> ()
      %add3A_156 = arith.constant 2 : i32
      %add3A_157 = arith.addi %mul3A_130, %add3A_156 : i32
      %dma_start3A_158 = arith.constant 0 : i32
      %dma_start3A_159 = arith.constant 0 : i32
      %dma_start3A_160 = arith.constant 0 : i32
      %dma_start3A_161 = tpu.memref_slice %arg9[%dma_start3A_158, %dma_start3A_159, %dma_start3A_160] : memref<2x128x128xf32, #tpu.memory_space<vmem>> -> memref<1x128x128xf32, #tpu.memory_space<vmem>>
      %dma_start3A_162 = tpu.memref_squeeze %dma_start3A_161 : memref<1x128x128xf32, #tpu.memory_space<vmem>> -> memref<128x128xf32, #tpu.memory_space<vmem>>
      %dma_start3A_163 = arith.constant 0 : i32
      %dma_start3A_164 = tpu.memref_slice %arg7[%add3A_157, %dma_start3A_163] : memref<40x128xi32, #tpu.memory_space<vmem>> -> memref<1x128xi32, #tpu.memory_space<vmem>>
      %dma_start3A_165 = tpu.memref_squeeze %dma_start3A_164 : memref<1x128xi32, #tpu.memory_space<vmem>> -> memref<128xi32, #tpu.memory_space<vmem>>
      %dma_start3A_166 = arith.constant 0 : i32
      %dma_start3A_167 = arith.constant 0 : i32
      %dma_start3A_168 = tpu.memref_slice %arg2[%dma_start3A_166, %dma_start3A_167] : memref<10240x128xf32, #tpu.memory_space<hbm>> -> memref<10240x128xf32, #tpu.memory_space<hbm>>
      tpu.enqueue_indirect_dma source(%dma_start3A_168 : memref<10240x128xf32, #tpu.memory_space<hbm>>) target(%dma_start3A_162 : memref<128x128xf32, #tpu.memory_space<vmem>>) offsets(%dma_start3A_165 : memref<128xi32, #tpu.memory_space<vmem>>) semaphore(%arg11 : memref<!tpu.dma_semaphore, #tpu.memory_space<semaphore_mem>>)
      %add3A_169 = arith.constant 1 : i32
      %add3A_170 = arith.addi %mul3A_130, %add3A_169 : i32
      %dma_wait3A_171 = arith.constant 1 : i32
      %dma_wait3A_172 = arith.constant 0 : i32
      %dma_wait3A_173 = arith.constant 0 : i32
      %dma_wait3A_174 = tpu.memref_slice %arg9[%dma_wait3A_171, %dma_wait3A_172, %dma_wait3A_173] : memref<2x128x128xf32, #tpu.memory_space<vmem>> -> memref<1x128x128xf32, #tpu.memory_space<vmem>>
      %dma_wait3A_175 = tpu.memref_squeeze %dma_wait3A_174 : memref<1x128x128xf32, #tpu.memory_space<vmem>> -> memref<128x128xf32, #tpu.memory_space<vmem>>
      %dma_wait3A_176 = arith.constant 0 : i32
      %dma_wait3A_177 = tpu.memref_slice %arg7[%add3A_170, %dma_wait3A_176] : memref<40x128xi32, #tpu.memory_space<vmem>> -> memref<1x128xi32, #tpu.memory_space<vmem>>
      %dma_wait3A_178 = tpu.memref_squeeze %dma_wait3A_177 : memref<1x128xi32, #tpu.memory_space<vmem>> -> memref<128xi32, #tpu.memory_space<vmem>>
      %dma_wait3A_179 = arith.constant 0 : i32
      %dma_wait3A_180 = arith.constant 0 : i32
      %dma_wait3A_181 = tpu.memref_slice %arg2[%dma_wait3A_179, %dma_wait3A_180] : memref<10240x128xf32, #tpu.memory_space<hbm>> -> memref<10240x128xf32, #tpu.memory_space<hbm>>
      tpu.wait_indirect_dma semaphore(%arg12 : memref<!tpu.dma_semaphore, #tpu.memory_space<semaphore_mem>>) src(%dma_wait3A_181 : memref<10240x128xf32, #tpu.memory_space<hbm>>) dst(%dma_wait3A_175 : memref<128x128xf32, #tpu.memory_space<vmem>>)
      %add3A_182 = arith.constant 1 : i32
      %add3A_183 = arith.addi %mul3A_130, %add3A_182 : i32
      %run_scoped3A_184 = arith.constant 1 : i32
      "tpu.region"() ({
        %run_scoped3A_185 = tpu.sem_alloc : memref<!tpu.dma_semaphore, #tpu.memory_space<semaphore_mem>>
        %dma_start3A_186 = arith.constant 0 : i32
        %dma_start3A_187 = arith.constant 0 : i32
        %dma_start3A_188 = tpu.memref_slice %arg9[%run_scoped3A_184, %dma_start3A_186, %dma_start3A_187] : memref<2x128x128xf32, #tpu.memory_space<vmem>> -> memref<1x128x128xf32, #tpu.memory_space<vmem>>
        %dma_start3A_189 = tpu.memref_squeeze %dma_start3A_188 : memref<1x128x128xf32, #tpu.memory_space<vmem>> -> memref<128x128xf32, #tpu.memory_space<vmem>>
        %dma_start3A_190 = arith.constant 0 : i32
        %dma_start3A_191 = tpu.memref_slice %arg8[%add3A_183, %dma_start3A_190] : memref<40x128xi32, #tpu.memory_space<vmem>> -> memref<1x128xi32, #tpu.memory_space<vmem>>
        %dma_start3A_192 = tpu.memref_squeeze %dma_start3A_191 : memref<1x128xi32, #tpu.memory_space<vmem>> -> memref<128xi32, #tpu.memory_space<vmem>>
        %dma_start3A_193 = arith.constant 0 : i32
        %dma_start3A_194 = arith.constant 0 : i32
        %dma_start3A_195 = tpu.memref_slice %arg10[%dma_start3A_193, %dma_start3A_194] : memref<10240x128xf32, #tpu.memory_space<vmem_shared>> -> memref<10240x128xf32, #tpu.memory_space<vmem_shared>>
        tpu.enqueue_indirect_dma source(%dma_start3A_189 : memref<128x128xf32, #tpu.memory_space<vmem>>) target(%dma_start3A_195 : memref<10240x128xf32, #tpu.memory_space<vmem_shared>>) offsets(%dma_start3A_192 : memref<128xi32, #tpu.memory_space<vmem>>) semaphore(%run_scoped3A_185 : memref<!tpu.dma_semaphore, #tpu.memory_space<semaphore_mem>>) {add = true}
        %dma_wait3A_196 = arith.constant 0 : i32
        %dma_wait3A_197 = arith.constant 0 : i32
        %dma_wait3A_198 = tpu.memref_slice %arg9[%run_scoped3A_184, %dma_wait3A_196, %dma_wait3A_197] : memref<2x128x128xf32, #tpu.memory_space<vmem>> -> memref<1x128x128xf32, #tpu.memory_space<vmem>>
        %dma_wait3A_199 = tpu.memref_squeeze %dma_wait3A_198 : memref<1x128x128xf32, #tpu.memory_space<vmem>> -> memref<128x128xf32, #tpu.memory_space<vmem>>
        %dma_wait3A_200 = arith.constant 0 : i32
        %dma_wait3A_201 = tpu.memref_slice %arg8[%add3A_183, %dma_wait3A_200] : memref<40x128xi32, #tpu.memory_space<vmem>> -> memref<1x128xi32, #tpu.memory_space<vmem>>
        %dma_wait3A_202 = tpu.memref_squeeze %dma_wait3A_201 : memref<1x128xi32, #tpu.memory_space<vmem>> -> memref<128xi32, #tpu.memory_space<vmem>>
        %dma_wait3A_203 = arith.constant 0 : i32
        %dma_wait3A_204 = arith.constant 0 : i32
        %dma_wait3A_205 = tpu.memref_slice %arg10[%dma_wait3A_203, %dma_wait3A_204] : memref<10240x128xf32, #tpu.memory_space<vmem_shared>> -> memref<10240x128xf32, #tpu.memory_space<vmem_shared>>
        tpu.wait_indirect_dma semaphore(%run_scoped3A_185 : memref<!tpu.dma_semaphore, #tpu.memory_space<semaphore_mem>>) src(%dma_wait3A_199 : memref<128x128xf32, #tpu.memory_space<vmem>>) dst(%dma_wait3A_205 : memref<10240x128xf32, #tpu.memory_space<vmem_shared>>)
        tpu.yield
      }) : () -> ()
    }
    %scan3A_22 = arith.constant 19 : i32
    %dma_start3A_23 = arith.constant 39 : i32
    %dma_start3A_24 = arith.constant 1 : i32
    %dma_start3A_25 = arith.constant 0 : i32
    %dma_start3A_26 = arith.constant 0 : i32
    %dma_start3A_27 = tpu.memref_slice %arg9[%dma_start3A_24, %dma_start3A_25, %dma_start3A_26] : memref<2x128x128xf32, #tpu.memory_space<vmem>> -> memref<1x128x128xf32, #tpu.memory_space<vmem>>
    %dma_start3A_28 = tpu.memref_squeeze %dma_start3A_27 : memref<1x128x128xf32, #tpu.memory_space<vmem>> -> memref<128x128xf32, #tpu.memory_space<vmem>>
    %dma_start3A_29 = arith.constant 0 : i32
    %dma_start3A_30 = tpu.memref_slice %arg7[%dma_start3A_23, %dma_start3A_29] : memref<40x128xi32, #tpu.memory_space<vmem>> -> memref<1x128xi32, #tpu.memory_space<vmem>>
    %dma_start3A_31 = tpu.memref_squeeze %dma_start3A_30 : memref<1x128xi32, #tpu.memory_space<vmem>> -> memref<128xi32, #tpu.memory_space<vmem>>
    %dma_start3A_32 = arith.constant 0 : i32
    %dma_start3A_33 = arith.constant 0 : i32
    %dma_start3A_34 = tpu.memref_slice %arg2[%dma_start3A_32, %dma_start3A_33] : memref<10240x128xf32, #tpu.memory_space<hbm>> -> memref<10240x128xf32, #tpu.memory_space<hbm>>
    tpu.enqueue_indirect_dma source(%dma_start3A_34 : memref<10240x128xf32, #tpu.memory_space<hbm>>) target(%dma_start3A_28 : memref<128x128xf32, #tpu.memory_space<vmem>>) offsets(%dma_start3A_31 : memref<128xi32, #tpu.memory_space<vmem>>) semaphore(%arg12 : memref<!tpu.dma_semaphore, #tpu.memory_space<semaphore_mem>>)
    %dma_wait3A = arith.constant 38 : i32
    %dma_wait3A_35 = arith.constant 0 : i32
    %dma_wait3A_36 = arith.constant 0 : i32
    %dma_wait3A_37 = arith.constant 0 : i32
    %dma_wait3A_38 = tpu.memref_slice %arg9[%dma_wait3A_35, %dma_wait3A_36, %dma_wait3A_37] : memref<2x128x128xf32, #tpu.memory_space<vmem>> -> memref<1x128x128xf32, #tpu.memory_space<vmem>>
    %dma_wait3A_39 = tpu.memref_squeeze %dma_wait3A_38 : memref<1x128x128xf32, #tpu.memory_space<vmem>> -> memref<128x128xf32, #tpu.memory_space<vmem>>
    %dma_wait3A_40 = arith.constant 0 : i32
    %dma_wait3A_41 = tpu.memref_slice %arg7[%dma_wait3A, %dma_wait3A_40] : memref<40x128xi32, #tpu.memory_space<vmem>> -> memref<1x128xi32, #tpu.memory_space<vmem>>
    %dma_wait3A_42 = tpu.memref_squeeze %dma_wait3A_41 : memref<1x128xi32, #tpu.memory_space<vmem>> -> memref<128xi32, #tpu.memory_space<vmem>>
    %dma_wait3A_43 = arith.constant 0 : i32
    %dma_wait3A_44 = arith.constant 0 : i32
    %dma_wait3A_45 = tpu.memref_slice %arg2[%dma_wait3A_43, %dma_wait3A_44] : memref<10240x128xf32, #tpu.memory_space<hbm>> -> memref<10240x128xf32, #tpu.memory_space<hbm>>
    tpu.wait_indirect_dma semaphore(%arg11 : memref<!tpu.dma_semaphore, #tpu.memory_space<semaphore_mem>>) src(%dma_wait3A_45 : memref<10240x128xf32, #tpu.memory_space<hbm>>) dst(%dma_wait3A_39 : memref<128x128xf32, #tpu.memory_space<vmem>>)
    %run_scoped3A = arith.constant 0 : i32
    %run_scoped3A_46 = arith.constant 38 : i32
    "tpu.region"() ({
      %run_scoped3A_128 = tpu.sem_alloc : memref<!tpu.dma_semaphore, #tpu.memory_space<semaphore_mem>>
      %dma_start3A_129 = arith.constant 0 : i32
      %dma_start3A_130 = arith.constant 0 : i32
      %dma_start3A_131 = tpu.memref_slice %arg9[%run_scoped3A, %dma_start3A_129, %dma_start3A_130] : memref<2x128x128xf32, #tpu.memory_space<vmem>> -> memref<1x128x128xf32, #tpu.memory_space<vmem>>
      %dma_start3A_132 = tpu.memref_squeeze %dma_start3A_131 : memref<1x128x128xf32, #tpu.memory_space<vmem>> -> memref<128x128xf32, #tpu.memory_space<vmem>>
      %dma_start3A_133 = arith.constant 0 : i32
      %dma_start3A_134 = tpu.memref_slice %arg8[%run_scoped3A_46, %dma_start3A_133] : memref<40x128xi32, #tpu.memory_space<vmem>> -> memref<1x128xi32, #tpu.memory_space<vmem>>
      %dma_start3A_135 = tpu.memref_squeeze %dma_start3A_134 : memref<1x128xi32, #tpu.memory_space<vmem>> -> memref<128xi32, #tpu.memory_space<vmem>>
      %dma_start3A_136 = arith.constant 0 : i32
      %dma_start3A_137 = arith.constant 0 : i32
      %dma_start3A_138 = tpu.memref_slice %arg10[%dma_start3A_136, %dma_start3A_137] : memref<10240x128xf32, #tpu.memory_space<vmem_shared>> -> memref<10240x128xf32, #tpu.memory_space<vmem_shared>>
      tpu.enqueue_indirect_dma source(%dma_start3A_132 : memref<128x128xf32, #tpu.memory_space<vmem>>) target(%dma_start3A_138 : memref<10240x128xf32, #tpu.memory_space<vmem_shared>>) offsets(%dma_start3A_135 : memref<128xi32, #tpu.memory_space<vmem>>) semaphore(%run_scoped3A_128 : memref<!tpu.dma_semaphore, #tpu.memory_space<semaphore_mem>>) {add = true}
      %dma_wait3A_139 = arith.constant 0 : i32
      %dma_wait3A_140 = arith.constant 0 : i32
      %dma_wait3A_141 = tpu.memref_slice %arg9[%run_scoped3A, %dma_wait3A_139, %dma_wait3A_140] : memref<2x128x128xf32, #tpu.memory_space<vmem>> -> memref<1x128x128xf32, #tpu.memory_space<vmem>>
      %dma_wait3A_142 = tpu.memref_squeeze %dma_wait3A_141 : memref<1x128x128xf32, #tpu.memory_space<vmem>> -> memref<128x128xf32, #tpu.memory_space<vmem>>
      %dma_wait3A_143 = arith.constant 0 : i32
      %dma_wait3A_144 = tpu.memref_slice %arg8[%run_scoped3A_46, %dma_wait3A_143] : memref<40x128xi32, #tpu.memory_space<vmem>> -> memref<1x128xi32, #tpu.memory_space<vmem>>
      %dma_wait3A_145 = tpu.memref_squeeze %dma_wait3A_144 : memref<1x128xi32, #tpu.memory_space<vmem>> -> memref<128xi32, #tpu.memory_space<vmem>>
      %dma_wait3A_146 = arith.constant 0 : i32
      %dma_wait3A_147 = arith.constant 0 : i32
      %dma_wait3A_148 = tpu.memref_slice %arg10[%dma_wait3A_146, %dma_wait3A_147] : memref<10240x128xf32, #tpu.memory_space<vmem_shared>> -> memref<10240x128xf32, #tpu.memory_space<vmem_shared>>
      tpu.wait_indirect_dma semaphore(%run_scoped3A_128 : memref<!tpu.dma_semaphore, #tpu.memory_space<semaphore_mem>>) src(%dma_wait3A_142 : memref<128x128xf32, #tpu.memory_space<vmem>>) dst(%dma_wait3A_148 : memref<10240x128xf32, #tpu.memory_space<vmem_shared>>)
      tpu.yield
    }) : () -> ()
    %dma_wait3A_47 = arith.constant 39 : i32
    %dma_wait3A_48 = arith.constant 1 : i32
    %dma_wait3A_49 = arith.constant 0 : i32
    %dma_wait3A_50 = arith.constant 0 : i32
    %dma_wait3A_51 = tpu.memref_slice %arg9[%dma_wait3A_48, %dma_wait3A_49, %dma_wait3A_50] : memref<2x128x128xf32, #tpu.memory_space<vmem>> -> memref<1x128x128xf32, #tpu.memory_space<vmem>>
    %dma_wait3A_52 = tpu.memref_squeeze %dma_wait3A_51 : memref<1x128x128xf32, #tpu.memory_space<vmem>> -> memref<128x128xf32, #tpu.memory_space<vmem>>
    %dma_wait3A_53 = arith.constant 0 : i32
    %dma_wait3A_54 = tpu.memref_slice %arg7[%dma_wait3A_47, %dma_wait3A_53] : memref<40x128xi32, #tpu.memory_space<vmem>> -> memref<1x128xi32, #tpu.memory_space<vmem>>
    %dma_wait3A_55 = tpu.memref_squeeze %dma_wait3A_54 : memref<1x128xi32, #tpu.memory_space<vmem>> -> memref<128xi32, #tpu.memory_space<vmem>>
    %dma_wait3A_56 = arith.constant 0 : i32
    %dma_wait3A_57 = arith.constant 0 : i32
    %dma_wait3A_58 = tpu.memref_slice %arg2[%dma_wait3A_56, %dma_wait3A_57] : memref<10240x128xf32, #tpu.memory_space<hbm>> -> memref<10240x128xf32, #tpu.memory_space<hbm>>
    tpu.wait_indirect_dma semaphore(%arg12 : memref<!tpu.dma_semaphore, #tpu.memory_space<semaphore_mem>>) src(%dma_wait3A_58 : memref<10240x128xf32, #tpu.memory_space<hbm>>) dst(%dma_wait3A_52 : memref<128x128xf32, #tpu.memory_space<vmem>>)
    %run_scoped3A_59 = arith.constant 1 : i32
    %run_scoped3A_60 = arith.constant 39 : i32
    "tpu.region"() ({
      %run_scoped3A_128 = tpu.sem_alloc : memref<!tpu.dma_semaphore, #tpu.memory_space<semaphore_mem>>
      %dma_start3A_129 = arith.constant 0 : i32
      %dma_start3A_130 = arith.constant 0 : i32
      %dma_start3A_131 = tpu.memref_slice %arg9[%run_scoped3A_59, %dma_start3A_129, %dma_start3A_130] : memref<2x128x128xf32, #tpu.memory_space<vmem>> -> memref<1x128x128xf32, #tpu.memory_space<vmem>>
      %dma_start3A_132 = tpu.memref_squeeze %dma_start3A_131 : memref<1x128x128xf32, #tpu.memory_space<vmem>> -> memref<128x128xf32, #tpu.memory_space<vmem>>
      %dma_start3A_133 = arith.constant 0 : i32
      %dma_start3A_134 = tpu.memref_slice %arg8[%run_scoped3A_60, %dma_start3A_133] : memref<40x128xi32, #tpu.memory_space<vmem>> -> memref<1x128xi32, #tpu.memory_space<vmem>>
      %dma_start3A_135 = tpu.memref_squeeze %dma_start3A_134 : memref<1x128xi32, #tpu.memory_space<vmem>> -> memref<128xi32, #tpu.memory_space<vmem>>
      %dma_start3A_136 = arith.constant 0 : i32
      %dma_start3A_137 = arith.constant 0 : i32
      %dma_start3A_138 = tpu.memref_slice %arg10[%dma_start3A_136, %dma_start3A_137] : memref<10240x128xf32, #tpu.memory_space<vmem_shared>> -> memref<10240x128xf32, #tpu.memory_space<vmem_shared>>
      tpu.enqueue_indirect_dma source(%dma_start3A_132 : memref<128x128xf32, #tpu.memory_space<vmem>>) target(%dma_start3A_138 : memref<10240x128xf32, #tpu.memory_space<vmem_shared>>) offsets(%dma_start3A_135 : memref<128xi32, #tpu.memory_space<vmem>>) semaphore(%run_scoped3A_128 : memref<!tpu.dma_semaphore, #tpu.memory_space<semaphore_mem>>) {add = true}
      %dma_wait3A_139 = arith.constant 0 : i32
      %dma_wait3A_140 = arith.constant 0 : i32
      %dma_wait3A_141 = tpu.memref_slice %arg9[%run_scoped3A_59, %dma_wait3A_139, %dma_wait3A_140] : memref<2x128x128xf32, #tpu.memory_space<vmem>> -> memref<1x128x128xf32, #tpu.memory_space<vmem>>
      %dma_wait3A_142 = tpu.memref_squeeze %dma_wait3A_141 : memref<1x128x128xf32, #tpu.memory_space<vmem>> -> memref<128x128xf32, #tpu.memory_space<vmem>>
      %dma_wait3A_143 = arith.constant 0 : i32
      %dma_wait3A_144 = tpu.memref_slice %arg8[%run_scoped3A_60, %dma_wait3A_143] : memref<40x128xi32, #tpu.memory_space<vmem>> -> memref<1x128xi32, #tpu.memory_space<vmem>>
      %dma_wait3A_145 = tpu.memref_squeeze %dma_wait3A_144 : memref<1x128xi32, #tpu.memory_space<vmem>> -> memref<128xi32, #tpu.memory_space<vmem>>
      %dma_wait3A_146 = arith.constant 0 : i32
      %dma_wait3A_147 = arith.constant 0 : i32
      %dma_wait3A_148 = tpu.memref_slice %arg10[%dma_wait3A_146, %dma_wait3A_147] : memref<10240x128xf32, #tpu.memory_space<vmem_shared>> -> memref<10240x128xf32, #tpu.memory_space<vmem_shared>>
      tpu.wait_indirect_dma semaphore(%run_scoped3A_128 : memref<!tpu.dma_semaphore, #tpu.memory_space<semaphore_mem>>) src(%dma_wait3A_142 : memref<128x128xf32, #tpu.memory_space<vmem>>) dst(%dma_wait3A_148 : memref<10240x128xf32, #tpu.memory_space<vmem_shared>>)
      tpu.yield
    }) : () -> ()
    %mul3A_61 = arith.constant 80 : i32
    %mul3A_62 = arith.muli %add3A, %mul3A_61 : i32
    %add3A_63 = arith.constant 40 : i32
    %add3A_64 = arith.addi %mul3A_62, %add3A_63 : i32
    "tpu.region"() ({
      %run_scoped3A_128 = tpu.sem_alloc : memref<!tpu.dma_semaphore, #tpu.memory_space<semaphore_mem>>
      %dma_start3A_129 = arith.constant 0 : i32
      %dma_start3A_130 = tpu.memref_slice %arg3[%add3A_64, %dma_start3A_129] : memref<2560x128xi32, #tpu.memory_space<hbm>> -> memref<40x128xi32, #tpu.memory_space<hbm>>
      %dma_start3A_131 = arith.constant 0 : i32
      %dma_start3A_132 = tpu.memref_slice %arg3[%add3A_64, %dma_start3A_131] : memref<2560x128xi32, #tpu.memory_space<hbm>> -> memref<40x128xi32, #tpu.memory_space<hbm>>
      tpu.enqueue_dma source(%dma_start3A_132 : memref<40x128xi32, #tpu.memory_space<hbm>>) target(%arg7 : memref<40x128xi32, #tpu.memory_space<vmem>>) target_semaphore(%run_scoped3A_128 : memref<!tpu.dma_semaphore, #tpu.memory_space<semaphore_mem>>)
      %dma_wait3A_133 = arith.constant 0 : i32
      %dma_wait3A_134 = tpu.memref_slice %arg3[%add3A_64, %dma_wait3A_133] : memref<2560x128xi32, #tpu.memory_space<hbm>> -> memref<40x128xi32, #tpu.memory_space<hbm>>
      %dma_wait3A_135 = arith.constant 0 : i32
      %dma_wait3A_136 = tpu.memref_slice %arg3[%add3A_64, %dma_wait3A_135] : memref<2560x128xi32, #tpu.memory_space<hbm>> -> memref<40x128xi32, #tpu.memory_space<hbm>>
      tpu.wait_dma2 semaphore(%run_scoped3A_128 : memref<!tpu.dma_semaphore, #tpu.memory_space<semaphore_mem>>) src(%dma_wait3A_136 : memref<40x128xi32, #tpu.memory_space<hbm>>) dst(%arg7 : memref<40x128xi32, #tpu.memory_space<vmem>>)
      tpu.yield
    }) : () -> ()
    "tpu.region"() ({
      %run_scoped3A_128 = tpu.sem_alloc : memref<!tpu.dma_semaphore, #tpu.memory_space<semaphore_mem>>
      %dma_start3A_129 = arith.constant 0 : i32
      %dma_start3A_130 = tpu.memref_slice %arg4[%add3A_64, %dma_start3A_129] : memref<2560x128xi32, #tpu.memory_space<hbm>> -> memref<40x128xi32, #tpu.memory_space<hbm>>
      %dma_start3A_131 = arith.constant 0 : i32
      %dma_start3A_132 = tpu.memref_slice %arg4[%add3A_64, %dma_start3A_131] : memref<2560x128xi32, #tpu.memory_space<hbm>> -> memref<40x128xi32, #tpu.memory_space<hbm>>
      tpu.enqueue_dma source(%dma_start3A_132 : memref<40x128xi32, #tpu.memory_space<hbm>>) target(%arg8 : memref<40x128xi32, #tpu.memory_space<vmem>>) target_semaphore(%run_scoped3A_128 : memref<!tpu.dma_semaphore, #tpu.memory_space<semaphore_mem>>)
      %dma_wait3A_133 = arith.constant 0 : i32
      %dma_wait3A_134 = tpu.memref_slice %arg4[%add3A_64, %dma_wait3A_133] : memref<2560x128xi32, #tpu.memory_space<hbm>> -> memref<40x128xi32, #tpu.memory_space<hbm>>
      %dma_wait3A_135 = arith.constant 0 : i32
      %dma_wait3A_136 = tpu.memref_slice %arg4[%add3A_64, %dma_wait3A_135] : memref<2560x128xi32, #tpu.memory_space<hbm>> -> memref<40x128xi32, #tpu.memory_space<hbm>>
      tpu.wait_dma2 semaphore(%run_scoped3A_128 : memref<!tpu.dma_semaphore, #tpu.memory_space<semaphore_mem>>) src(%dma_wait3A_136 : memref<40x128xi32, #tpu.memory_space<hbm>>) dst(%arg8 : memref<40x128xi32, #tpu.memory_space<vmem>>)
      tpu.yield
    }) : () -> ()
    %dma_start3A_65 = arith.constant 0 : i32
    %dma_start3A_66 = arith.constant 0 : i32
    %dma_start3A_67 = arith.constant 0 : i32
    %dma_start3A_68 = arith.constant 0 : i32
    %dma_start3A_69 = tpu.memref_slice %arg9[%dma_start3A_66, %dma_start3A_67, %dma_start3A_68] : memref<2x128x128xf32, #tpu.memory_space<vmem>> -> memref<1x128x128xf32, #tpu.memory_space<vmem>>
    %dma_start3A_70 = tpu.memref_squeeze %dma_start3A_69 : memref<1x128x128xf32, #tpu.memory_space<vmem>> -> memref<128x128xf32, #tpu.memory_space<vmem>>
    %dma_start3A_71 = arith.constant 0 : i32
    %dma_start3A_72 = tpu.memref_slice %arg7[%dma_start3A_65, %dma_start3A_71] : memref<40x128xi32, #tpu.memory_space<vmem>> -> memref<1x128xi32, #tpu.memory_space<vmem>>
    %dma_start3A_73 = tpu.memref_squeeze %dma_start3A_72 : memref<1x128xi32, #tpu.memory_space<vmem>> -> memref<128xi32, #tpu.memory_space<vmem>>
    %dma_start3A_74 = arith.constant 0 : i32
    %dma_start3A_75 = arith.constant 0 : i32
    %dma_start3A_76 = tpu.memref_slice %arg2[%dma_start3A_74, %dma_start3A_75] : memref<10240x128xf32, #tpu.memory_space<hbm>> -> memref<10240x128xf32, #tpu.memory_space<hbm>>
    tpu.enqueue_indirect_dma source(%dma_start3A_76 : memref<10240x128xf32, #tpu.memory_space<hbm>>) target(%dma_start3A_70 : memref<128x128xf32, #tpu.memory_space<vmem>>) offsets(%dma_start3A_73 : memref<128xi32, #tpu.memory_space<vmem>>) semaphore(%arg11 : memref<!tpu.dma_semaphore, #tpu.memory_space<semaphore_mem>>)
    %scan3A_77 = arith.constant 0 : i32
    %scan3A_78 = arith.constant 0 : i32
    %scan3A_79 = arith.constant 19 : i32
    %scan3A_80 = arith.addi %scan3A_78, %scan3A_79 : i32
    %scan3A_81 = arith.constant 1 : i32
    scf.for %scan3A_128 = %scan3A_78 to %scan3A_80 step %scan3A_81  : i32 {
      %mul3A_129 = arith.constant 2 : i32
      %mul3A_130 = arith.muli %mul3A_129, %scan3A_128 : i32
      %add3A_131 = arith.constant 1 : i32
      %add3A_132 = arith.addi %mul3A_130, %add3A_131 : i32
      %dma_start3A_133 = arith.constant 1 : i32
      %dma_start3A_134 = arith.constant 0 : i32
      %dma_start3A_135 = arith.constant 0 : i32
      %dma_start3A_136 = tpu.memref_slice %arg9[%dma_start3A_133, %dma_start3A_134, %dma_start3A_135] : memref<2x128x128xf32, #tpu.memory_space<vmem>> -> memref<1x128x128xf32, #tpu.memory_space<vmem>>
      %dma_start3A_137 = tpu.memref_squeeze %dma_start3A_136 : memref<1x128x128xf32, #tpu.memory_space<vmem>> -> memref<128x128xf32, #tpu.memory_space<vmem>>
      %dma_start3A_138 = arith.constant 0 : i32
      %dma_start3A_139 = tpu.memref_slice %arg7[%add3A_132, %dma_start3A_138] : memref<40x128xi32, #tpu.memory_space<vmem>> -> memref<1x128xi32, #tpu.memory_space<vmem>>
      %dma_start3A_140 = tpu.memref_squeeze %dma_start3A_139 : memref<1x128xi32, #tpu.memory_space<vmem>> -> memref<128xi32, #tpu.memory_space<vmem>>
      %dma_start3A_141 = arith.constant 0 : i32
      %dma_start3A_142 = arith.constant 0 : i32
      %dma_start3A_143 = tpu.memref_slice %arg2[%dma_start3A_141, %dma_start3A_142] : memref<10240x128xf32, #tpu.memory_space<hbm>> -> memref<10240x128xf32, #tpu.memory_space<hbm>>
      tpu.enqueue_indirect_dma source(%dma_start3A_143 : memref<10240x128xf32, #tpu.memory_space<hbm>>) target(%dma_start3A_137 : memref<128x128xf32, #tpu.memory_space<vmem>>) offsets(%dma_start3A_140 : memref<128xi32, #tpu.memory_space<vmem>>) semaphore(%arg12 : memref<!tpu.dma_semaphore, #tpu.memory_space<semaphore_mem>>)
      %dma_wait3A_144 = arith.constant 0 : i32
      %dma_wait3A_145 = arith.constant 0 : i32
      %dma_wait3A_146 = arith.constant 0 : i32
      %dma_wait3A_147 = tpu.memref_slice %arg9[%dma_wait3A_144, %dma_wait3A_145, %dma_wait3A_146] : memref<2x128x128xf32, #tpu.memory_space<vmem>> -> memref<1x128x128xf32, #tpu.memory_space<vmem>>
      %dma_wait3A_148 = tpu.memref_squeeze %dma_wait3A_147 : memref<1x128x128xf32, #tpu.memory_space<vmem>> -> memref<128x128xf32, #tpu.memory_space<vmem>>
      %dma_wait3A_149 = arith.constant 0 : i32
      %dma_wait3A_150 = tpu.memref_slice %arg7[%mul3A_130, %dma_wait3A_149] : memref<40x128xi32, #tpu.memory_space<vmem>> -> memref<1x128xi32, #tpu.memory_space<vmem>>
      %dma_wait3A_151 = tpu.memref_squeeze %dma_wait3A_150 : memref<1x128xi32, #tpu.memory_space<vmem>> -> memref<128xi32, #tpu.memory_space<vmem>>
      %dma_wait3A_152 = arith.constant 0 : i32
      %dma_wait3A_153 = arith.constant 0 : i32
      %dma_wait3A_154 = tpu.memref_slice %arg2[%dma_wait3A_152, %dma_wait3A_153] : memref<10240x128xf32, #tpu.memory_space<hbm>> -> memref<10240x128xf32, #tpu.memory_space<hbm>>
      tpu.wait_indirect_dma semaphore(%arg11 : memref<!tpu.dma_semaphore, #tpu.memory_space<semaphore_mem>>) src(%dma_wait3A_154 : memref<10240x128xf32, #tpu.memory_space<hbm>>) dst(%dma_wait3A_148 : memref<128x128xf32, #tpu.memory_space<vmem>>)
      %run_scoped3A_155 = arith.constant 0 : i32
      "tpu.region"() ({
        %run_scoped3A_185 = tpu.sem_alloc : memref<!tpu.dma_semaphore, #tpu.memory_space<semaphore_mem>>
        %dma_start3A_186 = arith.constant 0 : i32
        %dma_start3A_187 = arith.constant 0 : i32
        %dma_start3A_188 = tpu.memref_slice %arg9[%run_scoped3A_155, %dma_start3A_186, %dma_start3A_187] : memref<2x128x128xf32, #tpu.memory_space<vmem>> -> memref<1x128x128xf32, #tpu.memory_space<vmem>>
        %dma_start3A_189 = tpu.memref_squeeze %dma_start3A_188 : memref<1x128x128xf32, #tpu.memory_space<vmem>> -> memref<128x128xf32, #tpu.memory_space<vmem>>
        %dma_start3A_190 = arith.constant 0 : i32
        %dma_start3A_191 = tpu.memref_slice %arg8[%mul3A_130, %dma_start3A_190] : memref<40x128xi32, #tpu.memory_space<vmem>> -> memref<1x128xi32, #tpu.memory_space<vmem>>
        %dma_start3A_192 = tpu.memref_squeeze %dma_start3A_191 : memref<1x128xi32, #tpu.memory_space<vmem>> -> memref<128xi32, #tpu.memory_space<vmem>>
        %dma_start3A_193 = arith.constant 0 : i32
        %dma_start3A_194 = arith.constant 0 : i32
        %dma_start3A_195 = tpu.memref_slice %arg10[%dma_start3A_193, %dma_start3A_194] : memref<10240x128xf32, #tpu.memory_space<vmem_shared>> -> memref<10240x128xf32, #tpu.memory_space<vmem_shared>>
        tpu.enqueue_indirect_dma source(%dma_start3A_189 : memref<128x128xf32, #tpu.memory_space<vmem>>) target(%dma_start3A_195 : memref<10240x128xf32, #tpu.memory_space<vmem_shared>>) offsets(%dma_start3A_192 : memref<128xi32, #tpu.memory_space<vmem>>) semaphore(%run_scoped3A_185 : memref<!tpu.dma_semaphore, #tpu.memory_space<semaphore_mem>>) {add = true}
        %dma_wait3A_196 = arith.constant 0 : i32
        %dma_wait3A_197 = arith.constant 0 : i32
        %dma_wait3A_198 = tpu.memref_slice %arg9[%run_scoped3A_155, %dma_wait3A_196, %dma_wait3A_197] : memref<2x128x128xf32, #tpu.memory_space<vmem>> -> memref<1x128x128xf32, #tpu.memory_space<vmem>>
        %dma_wait3A_199 = tpu.memref_squeeze %dma_wait3A_198 : memref<1x128x128xf32, #tpu.memory_space<vmem>> -> memref<128x128xf32, #tpu.memory_space<vmem>>
        %dma_wait3A_200 = arith.constant 0 : i32
        %dma_wait3A_201 = tpu.memref_slice %arg8[%mul3A_130, %dma_wait3A_200] : memref<40x128xi32, #tpu.memory_space<vmem>> -> memref<1x128xi32, #tpu.memory_space<vmem>>
        %dma_wait3A_202 = tpu.memref_squeeze %dma_wait3A_201 : memref<1x128xi32, #tpu.memory_space<vmem>> -> memref<128xi32, #tpu.memory_space<vmem>>
        %dma_wait3A_203 = arith.constant 0 : i32
        %dma_wait3A_204 = arith.constant 0 : i32
        %dma_wait3A_205 = tpu.memref_slice %arg10[%dma_wait3A_203, %dma_wait3A_204] : memref<10240x128xf32, #tpu.memory_space<vmem_shared>> -> memref<10240x128xf32, #tpu.memory_space<vmem_shared>>
        tpu.wait_indirect_dma semaphore(%run_scoped3A_185 : memref<!tpu.dma_semaphore, #tpu.memory_space<semaphore_mem>>) src(%dma_wait3A_199 : memref<128x128xf32, #tpu.memory_space<vmem>>) dst(%dma_wait3A_205 : memref<10240x128xf32, #tpu.memory_space<vmem_shared>>)
        tpu.yield
      }) : () -> ()
      %add3A_156 = arith.constant 2 : i32
      %add3A_157 = arith.addi %mul3A_130, %add3A_156 : i32
      %dma_start3A_158 = arith.constant 0 : i32
      %dma_start3A_159 = arith.constant 0 : i32
      %dma_start3A_160 = arith.constant 0 : i32
      %dma_start3A_161 = tpu.memref_slice %arg9[%dma_start3A_158, %dma_start3A_159, %dma_start3A_160] : memref<2x128x128xf32, #tpu.memory_space<vmem>> -> memref<1x128x128xf32, #tpu.memory_space<vmem>>
      %dma_start3A_162 = tpu.memref_squeeze %dma_start3A_161 : memref<1x128x128xf32, #tpu.memory_space<vmem>> -> memref<128x128xf32, #tpu.memory_space<vmem>>
      %dma_start3A_163 = arith.constant 0 : i32
      %dma_start3A_164 = tpu.memref_slice %arg7[%add3A_157, %dma_start3A_163] : memref<40x128xi32, #tpu.memory_space<vmem>> -> memref<1x128xi32, #tpu.memory_space<vmem>>
      %dma_start3A_165 = tpu.memref_squeeze %dma_start3A_164 : memref<1x128xi32, #tpu.memory_space<vmem>> -> memref<128xi32, #tpu.memory_space<vmem>>
      %dma_start3A_166 = arith.constant 0 : i32
      %dma_start3A_167 = arith.constant 0 : i32
      %dma_start3A_168 = tpu.memref_slice %arg2[%dma_start3A_166, %dma_start3A_167] : memref<10240x128xf32, #tpu.memory_space<hbm>> -> memref<10240x128xf32, #tpu.memory_space<hbm>>
      tpu.enqueue_indirect_dma source(%dma_start3A_168 : memref<10240x128xf32, #tpu.memory_space<hbm>>) target(%dma_start3A_162 : memref<128x128xf32, #tpu.memory_space<vmem>>) offsets(%dma_start3A_165 : memref<128xi32, #tpu.memory_space<vmem>>) semaphore(%arg11 : memref<!tpu.dma_semaphore, #tpu.memory_space<semaphore_mem>>)
      %add3A_169 = arith.constant 1 : i32
      %add3A_170 = arith.addi %mul3A_130, %add3A_169 : i32
      %dma_wait3A_171 = arith.constant 1 : i32
      %dma_wait3A_172 = arith.constant 0 : i32
      %dma_wait3A_173 = arith.constant 0 : i32
      %dma_wait3A_174 = tpu.memref_slice %arg9[%dma_wait3A_171, %dma_wait3A_172, %dma_wait3A_173] : memref<2x128x128xf32, #tpu.memory_space<vmem>> -> memref<1x128x128xf32, #tpu.memory_space<vmem>>
      %dma_wait3A_175 = tpu.memref_squeeze %dma_wait3A_174 : memref<1x128x128xf32, #tpu.memory_space<vmem>> -> memref<128x128xf32, #tpu.memory_space<vmem>>
      %dma_wait3A_176 = arith.constant 0 : i32
      %dma_wait3A_177 = tpu.memref_slice %arg7[%add3A_170, %dma_wait3A_176] : memref<40x128xi32, #tpu.memory_space<vmem>> -> memref<1x128xi32, #tpu.memory_space<vmem>>
      %dma_wait3A_178 = tpu.memref_squeeze %dma_wait3A_177 : memref<1x128xi32, #tpu.memory_space<vmem>> -> memref<128xi32, #tpu.memory_space<vmem>>
      %dma_wait3A_179 = arith.constant 0 : i32
      %dma_wait3A_180 = arith.constant 0 : i32
      %dma_wait3A_181 = tpu.memref_slice %arg2[%dma_wait3A_179, %dma_wait3A_180] : memref<10240x128xf32, #tpu.memory_space<hbm>> -> memref<10240x128xf32, #tpu.memory_space<hbm>>
      tpu.wait_indirect_dma semaphore(%arg12 : memref<!tpu.dma_semaphore, #tpu.memory_space<semaphore_mem>>) src(%dma_wait3A_181 : memref<10240x128xf32, #tpu.memory_space<hbm>>) dst(%dma_wait3A_175 : memref<128x128xf32, #tpu.memory_space<vmem>>)
      %add3A_182 = arith.constant 1 : i32
      %add3A_183 = arith.addi %mul3A_130, %add3A_182 : i32
      %run_scoped3A_184 = arith.constant 1 : i32
      "tpu.region"() ({
        %run_scoped3A_185 = tpu.sem_alloc : memref<!tpu.dma_semaphore, #tpu.memory_space<semaphore_mem>>
        %dma_start3A_186 = arith.constant 0 : i32
        %dma_start3A_187 = arith.constant 0 : i32
        %dma_start3A_188 = tpu.memref_slice %arg9[%run_scoped3A_184, %dma_start3A_186, %dma_start3A_187] : memref<2x128x128xf32, #tpu.memory_space<vmem>> -> memref<1x128x128xf32, #tpu.memory_space<vmem>>
        %dma_start3A_189 = tpu.memref_squeeze %dma_start3A_188 : memref<1x128x128xf32, #tpu.memory_space<vmem>> -> memref<128x128xf32, #tpu.memory_space<vmem>>
        %dma_start3A_190 = arith.constant 0 : i32
        %dma_start3A_191 = tpu.memref_slice %arg8[%add3A_183, %dma_start3A_190] : memref<40x128xi32, #tpu.memory_space<vmem>> -> memref<1x128xi32, #tpu.memory_space<vmem>>
        %dma_start3A_192 = tpu.memref_squeeze %dma_start3A_191 : memref<1x128xi32, #tpu.memory_space<vmem>> -> memref<128xi32, #tpu.memory_space<vmem>>
        %dma_start3A_193 = arith.constant 0 : i32
        %dma_start3A_194 = arith.constant 0 : i32
        %dma_start3A_195 = tpu.memref_slice %arg10[%dma_start3A_193, %dma_start3A_194] : memref<10240x128xf32, #tpu.memory_space<vmem_shared>> -> memref<10240x128xf32, #tpu.memory_space<vmem_shared>>
        tpu.enqueue_indirect_dma source(%dma_start3A_189 : memref<128x128xf32, #tpu.memory_space<vmem>>) target(%dma_start3A_195 : memref<10240x128xf32, #tpu.memory_space<vmem_shared>>) offsets(%dma_start3A_192 : memref<128xi32, #tpu.memory_space<vmem>>) semaphore(%run_scoped3A_185 : memref<!tpu.dma_semaphore, #tpu.memory_space<semaphore_mem>>) {add = true}
        %dma_wait3A_196 = arith.constant 0 : i32
        %dma_wait3A_197 = arith.constant 0 : i32
        %dma_wait3A_198 = tpu.memref_slice %arg9[%run_scoped3A_184, %dma_wait3A_196, %dma_wait3A_197] : memref<2x128x128xf32, #tpu.memory_space<vmem>> -> memref<1x128x128xf32, #tpu.memory_space<vmem>>
        %dma_wait3A_199 = tpu.memref_squeeze %dma_wait3A_198 : memref<1x128x128xf32, #tpu.memory_space<vmem>> -> memref<128x128xf32, #tpu.memory_space<vmem>>
        %dma_wait3A_200 = arith.constant 0 : i32
        %dma_wait3A_201 = tpu.memref_slice %arg8[%add3A_183, %dma_wait3A_200] : memref<40x128xi32, #tpu.memory_space<vmem>> -> memref<1x128xi32, #tpu.memory_space<vmem>>
        %dma_wait3A_202 = tpu.memref_squeeze %dma_wait3A_201 : memref<1x128xi32, #tpu.memory_space<vmem>> -> memref<128xi32, #tpu.memory_space<vmem>>
        %dma_wait3A_203 = arith.constant 0 : i32
        %dma_wait3A_204 = arith.constant 0 : i32
        %dma_wait3A_205 = tpu.memref_slice %arg10[%dma_wait3A_203, %dma_wait3A_204] : memref<10240x128xf32, #tpu.memory_space<vmem_shared>> -> memref<10240x128xf32, #tpu.memory_space<vmem_shared>>
        tpu.wait_indirect_dma semaphore(%run_scoped3A_185 : memref<!tpu.dma_semaphore, #tpu.memory_space<semaphore_mem>>) src(%dma_wait3A_199 : memref<128x128xf32, #tpu.memory_space<vmem>>) dst(%dma_wait3A_205 : memref<10240x128xf32, #tpu.memory_space<vmem_shared>>)
        tpu.yield
      }) : () -> ()
    }
    %scan3A_82 = arith.constant 19 : i32
    %dma_start3A_83 = arith.constant 39 : i32
    %dma_start3A_84 = arith.constant 1 : i32
    %dma_start3A_85 = arith.constant 0 : i32
    %dma_start3A_86 = arith.constant 0 : i32
    %dma_start3A_87 = tpu.memref_slice %arg9[%dma_start3A_84, %dma_start3A_85, %dma_start3A_86] : memref<2x128x128xf32, #tpu.memory_space<vmem>> -> memref<1x128x128xf32, #tpu.memory_space<vmem>>
    %dma_start3A_88 = tpu.memref_squeeze %dma_start3A_87 : memref<1x128x128xf32, #tpu.memory_space<vmem>> -> memref<128x128xf32, #tpu.memory_space<vmem>>
    %dma_start3A_89 = arith.constant 0 : i32
    %dma_start3A_90 = tpu.memref_slice %arg7[%dma_start3A_83, %dma_start3A_89] : memref<40x128xi32, #tpu.memory_space<vmem>> -> memref<1x128xi32, #tpu.memory_space<vmem>>
    %dma_start3A_91 = tpu.memref_squeeze %dma_start3A_90 : memref<1x128xi32, #tpu.memory_space<vmem>> -> memref<128xi32, #tpu.memory_space<vmem>>
    %dma_start3A_92 = arith.constant 0 : i32
    %dma_start3A_93 = arith.constant 0 : i32
    %dma_start3A_94 = tpu.memref_slice %arg2[%dma_start3A_92, %dma_start3A_93] : memref<10240x128xf32, #tpu.memory_space<hbm>> -> memref<10240x128xf32, #tpu.memory_space<hbm>>
    tpu.enqueue_indirect_dma source(%dma_start3A_94 : memref<10240x128xf32, #tpu.memory_space<hbm>>) target(%dma_start3A_88 : memref<128x128xf32, #tpu.memory_space<vmem>>) offsets(%dma_start3A_91 : memref<128xi32, #tpu.memory_space<vmem>>) semaphore(%arg12 : memref<!tpu.dma_semaphore, #tpu.memory_space<semaphore_mem>>)
    %dma_wait3A_95 = arith.constant 38 : i32
    %dma_wait3A_96 = arith.constant 0 : i32
    %dma_wait3A_97 = arith.constant 0 : i32
    %dma_wait3A_98 = arith.constant 0 : i32
    %dma_wait3A_99 = tpu.memref_slice %arg9[%dma_wait3A_96, %dma_wait3A_97, %dma_wait3A_98] : memref<2x128x128xf32, #tpu.memory_space<vmem>> -> memref<1x128x128xf32, #tpu.memory_space<vmem>>
    %dma_wait3A_100 = tpu.memref_squeeze %dma_wait3A_99 : memref<1x128x128xf32, #tpu.memory_space<vmem>> -> memref<128x128xf32, #tpu.memory_space<vmem>>
    %dma_wait3A_101 = arith.constant 0 : i32
    %dma_wait3A_102 = tpu.memref_slice %arg7[%dma_wait3A_95, %dma_wait3A_101] : memref<40x128xi32, #tpu.memory_space<vmem>> -> memref<1x128xi32, #tpu.memory_space<vmem>>
    %dma_wait3A_103 = tpu.memref_squeeze %dma_wait3A_102 : memref<1x128xi32, #tpu.memory_space<vmem>> -> memref<128xi32, #tpu.memory_space<vmem>>
    %dma_wait3A_104 = arith.constant 0 : i32
    %dma_wait3A_105 = arith.constant 0 : i32
    %dma_wait3A_106 = tpu.memref_slice %arg2[%dma_wait3A_104, %dma_wait3A_105] : memref<10240x128xf32, #tpu.memory_space<hbm>> -> memref<10240x128xf32, #tpu.memory_space<hbm>>
    tpu.wait_indirect_dma semaphore(%arg11 : memref<!tpu.dma_semaphore, #tpu.memory_space<semaphore_mem>>) src(%dma_wait3A_106 : memref<10240x128xf32, #tpu.memory_space<hbm>>) dst(%dma_wait3A_100 : memref<128x128xf32, #tpu.memory_space<vmem>>)
    %run_scoped3A_107 = arith.constant 0 : i32
    %run_scoped3A_108 = arith.constant 38 : i32
    "tpu.region"() ({
      %run_scoped3A_128 = tpu.sem_alloc : memref<!tpu.dma_semaphore, #tpu.memory_space<semaphore_mem>>
      %dma_start3A_129 = arith.constant 0 : i32
      %dma_start3A_130 = arith.constant 0 : i32
      %dma_start3A_131 = tpu.memref_slice %arg9[%run_scoped3A_107, %dma_start3A_129, %dma_start3A_130] : memref<2x128x128xf32, #tpu.memory_space<vmem>> -> memref<1x128x128xf32, #tpu.memory_space<vmem>>
      %dma_start3A_132 = tpu.memref_squeeze %dma_start3A_131 : memref<1x128x128xf32, #tpu.memory_space<vmem>> -> memref<128x128xf32, #tpu.memory_space<vmem>>
      %dma_start3A_133 = arith.constant 0 : i32
      %dma_start3A_134 = tpu.memref_slice %arg8[%run_scoped3A_108, %dma_start3A_133] : memref<40x128xi32, #tpu.memory_space<vmem>> -> memref<1x128xi32, #tpu.memory_space<vmem>>
      %dma_start3A_135 = tpu.memref_squeeze %dma_start3A_134 : memref<1x128xi32, #tpu.memory_space<vmem>> -> memref<128xi32, #tpu.memory_space<vmem>>
      %dma_start3A_136 = arith.constant 0 : i32
      %dma_start3A_137 = arith.constant 0 : i32
      %dma_start3A_138 = tpu.memref_slice %arg10[%dma_start3A_136, %dma_start3A_137] : memref<10240x128xf32, #tpu.memory_space<vmem_shared>> -> memref<10240x128xf32, #tpu.memory_space<vmem_shared>>
      tpu.enqueue_indirect_dma source(%dma_start3A_132 : memref<128x128xf32, #tpu.memory_space<vmem>>) target(%dma_start3A_138 : memref<10240x128xf32, #tpu.memory_space<vmem_shared>>) offsets(%dma_start3A_135 : memref<128xi32, #tpu.memory_space<vmem>>) semaphore(%run_scoped3A_128 : memref<!tpu.dma_semaphore, #tpu.memory_space<semaphore_mem>>) {add = true}
      %dma_wait3A_139 = arith.constant 0 : i32
      %dma_wait3A_140 = arith.constant 0 : i32
      %dma_wait3A_141 = tpu.memref_slice %arg9[%run_scoped3A_107, %dma_wait3A_139, %dma_wait3A_140] : memref<2x128x128xf32, #tpu.memory_space<vmem>> -> memref<1x128x128xf32, #tpu.memory_space<vmem>>
      %dma_wait3A_142 = tpu.memref_squeeze %dma_wait3A_141 : memref<1x128x128xf32, #tpu.memory_space<vmem>> -> memref<128x128xf32, #tpu.memory_space<vmem>>
      %dma_wait3A_143 = arith.constant 0 : i32
      %dma_wait3A_144 = tpu.memref_slice %arg8[%run_scoped3A_108, %dma_wait3A_143] : memref<40x128xi32, #tpu.memory_space<vmem>> -> memref<1x128xi32, #tpu.memory_space<vmem>>
      %dma_wait3A_145 = tpu.memref_squeeze %dma_wait3A_144 : memref<1x128xi32, #tpu.memory_space<vmem>> -> memref<128xi32, #tpu.memory_space<vmem>>
      %dma_wait3A_146 = arith.constant 0 : i32
      %dma_wait3A_147 = arith.constant 0 : i32
      %dma_wait3A_148 = tpu.memref_slice %arg10[%dma_wait3A_146, %dma_wait3A_147] : memref<10240x128xf32, #tpu.memory_space<vmem_shared>> -> memref<10240x128xf32, #tpu.memory_space<vmem_shared>>
      tpu.wait_indirect_dma semaphore(%run_scoped3A_128 : memref<!tpu.dma_semaphore, #tpu.memory_space<semaphore_mem>>) src(%dma_wait3A_142 : memref<128x128xf32, #tpu.memory_space<vmem>>) dst(%dma_wait3A_148 : memref<10240x128xf32, #tpu.memory_space<vmem_shared>>)
      tpu.yield
    }) : () -> ()
    %dma_wait3A_109 = arith.constant 39 : i32
    %dma_wait3A_110 = arith.constant 1 : i32
    %dma_wait3A_111 = arith.constant 0 : i32
    %dma_wait3A_112 = arith.constant 0 : i32
    %dma_wait3A_113 = tpu.memref_slice %arg9[%dma_wait3A_110, %dma_wait3A_111, %dma_wait3A_112] : memref<2x128x128xf32, #tpu.memory_space<vmem>> -> memref<1x128x128xf32, #tpu.memory_space<vmem>>
    %dma_wait3A_114 = tpu.memref_squeeze %dma_wait3A_113 : memref<1x128x128xf32, #tpu.memory_space<vmem>> -> memref<128x128xf32, #tpu.memory_space<vmem>>
    %dma_wait3A_115 = arith.constant 0 : i32
    %dma_wait3A_116 = tpu.memref_slice %arg7[%dma_wait3A_109, %dma_wait3A_115] : memref<40x128xi32, #tpu.memory_space<vmem>> -> memref<1x128xi32, #tpu.memory_space<vmem>>
    %dma_wait3A_117 = tpu.memref_squeeze %dma_wait3A_116 : memref<1x128xi32, #tpu.memory_space<vmem>> -> memref<128xi32, #tpu.memory_space<vmem>>
    %dma_wait3A_118 = arith.constant 0 : i32
    %dma_wait3A_119 = arith.constant 0 : i32
    %dma_wait3A_120 = tpu.memref_slice %arg2[%dma_wait3A_118, %dma_wait3A_119] : memref<10240x128xf32, #tpu.memory_space<hbm>> -> memref<10240x128xf32, #tpu.memory_space<hbm>>
    tpu.wait_indirect_dma semaphore(%arg12 : memref<!tpu.dma_semaphore, #tpu.memory_space<semaphore_mem>>) src(%dma_wait3A_120 : memref<10240x128xf32, #tpu.memory_space<hbm>>) dst(%dma_wait3A_114 : memref<128x128xf32, #tpu.memory_space<vmem>>)
    %run_scoped3A_121 = arith.constant 1 : i32
    %run_scoped3A_122 = arith.constant 39 : i32
    "tpu.region"() ({
      %run_scoped3A_128 = tpu.sem_alloc : memref<!tpu.dma_semaphore, #tpu.memory_space<semaphore_mem>>
      %dma_start3A_129 = arith.constant 0 : i32
      %dma_start3A_130 = arith.constant 0 : i32
      %dma_start3A_131 = tpu.memref_slice %arg9[%run_scoped3A_121, %dma_start3A_129, %dma_start3A_130] : memref<2x128x128xf32, #tpu.memory_space<vmem>> -> memref<1x128x128xf32, #tpu.memory_space<vmem>>
      %dma_start3A_132 = tpu.memref_squeeze %dma_start3A_131 : memref<1x128x128xf32, #tpu.memory_space<vmem>> -> memref<128x128xf32, #tpu.memory_space<vmem>>
      %dma_start3A_133 = arith.constant 0 : i32
      %dma_start3A_134 = tpu.memref_slice %arg8[%run_scoped3A_122, %dma_start3A_133] : memref<40x128xi32, #tpu.memory_space<vmem>> -> memref<1x128xi32, #tpu.memory_space<vmem>>
      %dma_start3A_135 = tpu.memref_squeeze %dma_start3A_134 : memref<1x128xi32, #tpu.memory_space<vmem>> -> memref<128xi32, #tpu.memory_space<vmem>>
      %dma_start3A_136 = arith.constant 0 : i32
      %dma_start3A_137 = arith.constant 0 : i32
      %dma_start3A_138 = tpu.memref_slice %arg10[%dma_start3A_136, %dma_start3A_137] : memref<10240x128xf32, #tpu.memory_space<vmem_shared>> -> memref<10240x128xf32, #tpu.memory_space<vmem_shared>>
      tpu.enqueue_indirect_dma source(%dma_start3A_132 : memref<128x128xf32, #tpu.memory_space<vmem>>) target(%dma_start3A_138 : memref<10240x128xf32, #tpu.memory_space<vmem_shared>>) offsets(%dma_start3A_135 : memref<128xi32, #tpu.memory_space<vmem>>) semaphore(%run_scoped3A_128 : memref<!tpu.dma_semaphore, #tpu.memory_space<semaphore_mem>>) {add = true}
      %dma_wait3A_139 = arith.constant 0 : i32
      %dma_wait3A_140 = arith.constant 0 : i32
      %dma_wait3A_141 = tpu.memref_slice %arg9[%run_scoped3A_121, %dma_wait3A_139, %dma_wait3A_140] : memref<2x128x128xf32, #tpu.memory_space<vmem>> -> memref<1x128x128xf32, #tpu.memory_space<vmem>>
      %dma_wait3A_142 = tpu.memref_squeeze %dma_wait3A_141 : memref<1x128x128xf32, #tpu.memory_space<vmem>> -> memref<128x128xf32, #tpu.memory_space<vmem>>
      %dma_wait3A_143 = arith.constant 0 : i32
      %dma_wait3A_144 = tpu.memref_slice %arg8[%run_scoped3A_122, %dma_wait3A_143] : memref<40x128xi32, #tpu.memory_space<vmem>> -> memref<1x128xi32, #tpu.memory_space<vmem>>
      %dma_wait3A_145 = tpu.memref_squeeze %dma_wait3A_144 : memref<1x128xi32, #tpu.memory_space<vmem>> -> memref<128xi32, #tpu.memory_space<vmem>>
      %dma_wait3A_146 = arith.constant 0 : i32
      %dma_wait3A_147 = arith.constant 0 : i32
      %dma_wait3A_148 = tpu.memref_slice %arg10[%dma_wait3A_146, %dma_wait3A_147] : memref<10240x128xf32, #tpu.memory_space<vmem_shared>> -> memref<10240x128xf32, #tpu.memory_space<vmem_shared>>
      tpu.wait_indirect_dma semaphore(%run_scoped3A_128 : memref<!tpu.dma_semaphore, #tpu.memory_space<semaphore_mem>>) src(%dma_wait3A_142 : memref<128x128xf32, #tpu.memory_space<vmem>>) dst(%dma_wait3A_148 : memref<10240x128xf32, #tpu.memory_space<vmem_shared>>)
      tpu.yield
    }) : () -> ()
    %barrier3A_123 = arith.constant 0 : index
    tpu.barrier barrier_id(%barrier3A_123)
    %mul3A_124 = arith.constant 640 : i32
    %mul3A_125 = arith.muli %arg1, %mul3A_124 : i32
    %mul3A_126 = arith.constant 640 : i32
    %mul3A_127 = arith.muli %arg1, %mul3A_126 : i32
    "tpu.region"() ({
      %run_scoped3A_128 = tpu.sem_alloc : memref<!tpu.dma_semaphore, #tpu.memory_space<semaphore_mem>>
      %dma_start3A_129 = arith.constant 0 : i32
      %dma_start3A_130 = arith.constant 0 : i32
      %dma_start3A_131 = tpu.memref_slice %arg6[%arg0, %dma_start3A_129, %dma_start3A_130] : memref<2x10240x128xf32, #tpu.memory_space<hbm>> -> memref<1x10240x128xf32, #tpu.memory_space<hbm>>
      %dma_start3A_132 = tpu.memref_squeeze %dma_start3A_131 : memref<1x10240x128xf32, #tpu.memory_space<hbm>> -> memref<10240x128xf32, #tpu.memory_space<hbm>>
      %dma_start3A_133 = arith.constant 0 : i32
      %dma_start3A_134 = tpu.memref_slice %dma_start3A_132[%mul3A_127, %dma_start3A_133] : memref<10240x128xf32, #tpu.memory_space<hbm>> -> memref<640x128xf32, #tpu.memory_space<hbm>>
      %dma_start3A_135 = arith.constant 0 : i32
      %dma_start3A_136 = tpu.memref_slice %arg10[%mul3A_125, %dma_start3A_135] : memref<10240x128xf32, #tpu.memory_space<vmem_shared>> -> memref<640x128xf32, #tpu.memory_space<vmem_shared>>
      tpu.enqueue_dma source(%dma_start3A_136 : memref<640x128xf32, #tpu.memory_space<vmem_shared>>) target(%dma_start3A_134 : memref<640x128xf32, #tpu.memory_space<hbm>>) target_semaphore(%run_scoped3A_128 : memref<!tpu.dma_semaphore, #tpu.memory_space<semaphore_mem>>)
      %dma_wait3A_137 = arith.constant 0 : i32
      %dma_wait3A_138 = arith.constant 0 : i32
      %dma_wait3A_139 = tpu.memref_slice %arg6[%arg0, %dma_wait3A_137, %dma_wait3A_138] : memref<2x10240x128xf32, #tpu.memory_space<hbm>> -> memref<1x10240x128xf32, #tpu.memory_space<hbm>>
      %dma_wait3A_140 = tpu.memref_squeeze %dma_wait3A_139 : memref<1x10240x128xf32, #tpu.memory_space<hbm>> -> memref<10240x128xf32, #tpu.memory_space<hbm>>
      %dma_wait3A_141 = arith.constant 0 : i32
      %dma_wait3A_142 = tpu.memref_slice %dma_wait3A_140[%mul3A_127, %dma_wait3A_141] : memref<10240x128xf32, #tpu.memory_space<hbm>> -> memref<640x128xf32, #tpu.memory_space<hbm>>
      %dma_wait3A_143 = arith.constant 0 : i32
      %dma_wait3A_144 = tpu.memref_slice %arg10[%mul3A_125, %dma_wait3A_143] : memref<10240x128xf32, #tpu.memory_space<vmem_shared>> -> memref<640x128xf32, #tpu.memory_space<vmem_shared>>
      tpu.wait_dma2 semaphore(%run_scoped3A_128 : memref<!tpu.dma_semaphore, #tpu.memory_space<semaphore_mem>>) src(%dma_wait3A_144 : memref<640x128xf32, #tpu.memory_space<vmem_shared>>) dst(%dma_wait3A_142 : memref<640x128xf32, #tpu.memory_space<hbm>>)
      tpu.yield
    }) : () -> ()
    return
  }
}

#map = affine_map<(d0, d1) -> (0, 0)>
#map1 = affine_map<(d0, d1) -> (0, 0, 0)>
module attributes {stable_mosaic.version = 14 : i64} {
  func.func @_deg_kernel_body(%arg0: i32, %arg1: i32, %arg2: memref<2560x128xi32, #tpu.memory_space<hbm>>, %arg3: memref<128x128xf32, #tpu.memory_space<hbm>>, %arg4: memref<640x128xf32, #tpu.memory_space<hbm>>, %arg5: memref<2x10240x128xf32, #tpu.memory_space<hbm>>, %arg6: memref<80x128xi32, #tpu.memory_space<vmem>>, %arg7: memref<128x128xf32, #tpu.memory_space<vmem>>, %arg8: memref<10240x128xf32, #tpu.memory_space<vmem_shared>>, %arg9: memref<!tpu.dma_semaphore, #tpu.memory_space<semaphore_mem>>) attributes {dimension_semantics = [#tpu.dimension_semantics<core_parallel>, #tpu.dimension_semantics<subcore_parallel>], iteration_bounds = array<i64: 2, 16>, scalar_prefetch = 0 : i64, scratch_operands = 4 : i64, tpu.core_type = #tpu.core_type<sc_vector_subcore>, window_params = [{transform_indices = #map}, {transform_indices = #map}, {transform_indices = #map}, {transform_indices = #map1}]} {
    %mul3A = arith.constant 16 : i32
    %mul3A_0 = arith.muli %arg0, %mul3A : i32
    %add3A = arith.addi %mul3A_0, %arg1 : i32
    %mul3A_1 = arith.constant 640 : i32
    %mul3A_2 = arith.muli %arg1, %mul3A_1 : i32
    "tpu.region"() ({
      %run_scoped3A = tpu.sem_alloc : memref<!tpu.dma_semaphore, #tpu.memory_space<semaphore_mem>>
      %dma_start3A = arith.constant 0 : i32
      %dma_start3A_15 = tpu.memref_slice %arg8[%mul3A_2, %dma_start3A] : memref<10240x128xf32, #tpu.memory_space<vmem_shared>> -> memref<640x128xf32, #tpu.memory_space<vmem_shared>>
      tpu.enqueue_dma source(%arg4 : memref<640x128xf32, #tpu.memory_space<hbm>>) target(%dma_start3A_15 : memref<640x128xf32, #tpu.memory_space<vmem_shared>>) target_semaphore(%run_scoped3A : memref<!tpu.dma_semaphore, #tpu.memory_space<semaphore_mem>>)
      %dma_wait3A = arith.constant 0 : i32
      %dma_wait3A_16 = tpu.memref_slice %arg8[%mul3A_2, %dma_wait3A] : memref<10240x128xf32, #tpu.memory_space<vmem_shared>> -> memref<640x128xf32, #tpu.memory_space<vmem_shared>>
      tpu.wait_dma2 semaphore(%run_scoped3A : memref<!tpu.dma_semaphore, #tpu.memory_space<semaphore_mem>>) src(%arg4 : memref<640x128xf32, #tpu.memory_space<hbm>>) dst(%dma_wait3A_16 : memref<640x128xf32, #tpu.memory_space<vmem_shared>>)
      tpu.yield
    }) : () -> ()
    "tpu.region"() ({
      %run_scoped3A = tpu.sem_alloc : memref<!tpu.dma_semaphore, #tpu.memory_space<semaphore_mem>>
      tpu.enqueue_dma source(%arg3 : memref<128x128xf32, #tpu.memory_space<hbm>>) target(%arg7 : memref<128x128xf32, #tpu.memory_space<vmem>>) target_semaphore(%run_scoped3A : memref<!tpu.dma_semaphore, #tpu.memory_space<semaphore_mem>>)
      tpu.wait_dma2 semaphore(%run_scoped3A : memref<!tpu.dma_semaphore, #tpu.memory_space<semaphore_mem>>) src(%arg3 : memref<128x128xf32, #tpu.memory_space<hbm>>) dst(%arg7 : memref<128x128xf32, #tpu.memory_space<vmem>>)
      tpu.yield
    }) : () -> ()
    %mul3A_3 = arith.constant 80 : i32
    %mul3A_4 = arith.muli %add3A, %mul3A_3 : i32
    "tpu.region"() ({
      %run_scoped3A = tpu.sem_alloc : memref<!tpu.dma_semaphore, #tpu.memory_space<semaphore_mem>>
      %dma_start3A = arith.constant 0 : i32
      %dma_start3A_15 = tpu.memref_slice %arg2[%mul3A_4, %dma_start3A] : memref<2560x128xi32, #tpu.memory_space<hbm>> -> memref<80x128xi32, #tpu.memory_space<hbm>>
      %dma_start3A_16 = arith.constant 0 : i32
      %dma_start3A_17 = tpu.memref_slice %arg2[%mul3A_4, %dma_start3A_16] : memref<2560x128xi32, #tpu.memory_space<hbm>> -> memref<80x128xi32, #tpu.memory_space<hbm>>
      tpu.enqueue_dma source(%dma_start3A_17 : memref<80x128xi32, #tpu.memory_space<hbm>>) target(%arg6 : memref<80x128xi32, #tpu.memory_space<vmem>>) target_semaphore(%run_scoped3A : memref<!tpu.dma_semaphore, #tpu.memory_space<semaphore_mem>>)
      %dma_wait3A = arith.constant 0 : i32
      %dma_wait3A_18 = tpu.memref_slice %arg2[%mul3A_4, %dma_wait3A] : memref<2560x128xi32, #tpu.memory_space<hbm>> -> memref<80x128xi32, #tpu.memory_space<hbm>>
      %dma_wait3A_19 = arith.constant 0 : i32
      %dma_wait3A_20 = tpu.memref_slice %arg2[%mul3A_4, %dma_wait3A_19] : memref<2560x128xi32, #tpu.memory_space<hbm>> -> memref<80x128xi32, #tpu.memory_space<hbm>>
      tpu.wait_dma2 semaphore(%run_scoped3A : memref<!tpu.dma_semaphore, #tpu.memory_space<semaphore_mem>>) src(%dma_wait3A_20 : memref<80x128xi32, #tpu.memory_space<hbm>>) dst(%arg6 : memref<80x128xi32, #tpu.memory_space<vmem>>)
      tpu.yield
    }) : () -> ()
    %barrier3A = arith.constant 0 : index
    tpu.barrier barrier_id(%barrier3A)
    %scan3A = arith.constant 0 : i32
    %scan3A_5 = arith.constant 0 : i32
    %scan3A_6 = arith.constant 80 : i32
    %scan3A_7 = arith.addi %scan3A_5, %scan3A_6 : i32
    %scan3A_8 = arith.constant 1 : i32
    scf.for %scan3A_15 = %scan3A_5 to %scan3A_7 step %scan3A_8  : i32 {
      "tpu.region"() ({
        %run_scoped3A = tpu.sem_alloc : memref<!tpu.dma_semaphore, #tpu.memory_space<semaphore_mem>>
        %dma_start3A = arith.constant 0 : i32
        %dma_start3A_16 = tpu.memref_slice %arg6[%scan3A_15, %dma_start3A] : memref<80x128xi32, #tpu.memory_space<vmem>> -> memref<1x128xi32, #tpu.memory_space<vmem>>
        %dma_start3A_17 = tpu.memref_squeeze %dma_start3A_16 : memref<1x128xi32, #tpu.memory_space<vmem>> -> memref<128xi32, #tpu.memory_space<vmem>>
        %dma_start3A_18 = arith.constant 0 : i32
        %dma_start3A_19 = arith.constant 0 : i32
        %dma_start3A_20 = tpu.memref_slice %arg8[%dma_start3A_18, %dma_start3A_19] : memref<10240x128xf32, #tpu.memory_space<vmem_shared>> -> memref<10240x128xf32, #tpu.memory_space<vmem_shared>>
        tpu.enqueue_indirect_dma source(%arg7 : memref<128x128xf32, #tpu.memory_space<vmem>>) target(%dma_start3A_20 : memref<10240x128xf32, #tpu.memory_space<vmem_shared>>) offsets(%dma_start3A_17 : memref<128xi32, #tpu.memory_space<vmem>>) semaphore(%run_scoped3A : memref<!tpu.dma_semaphore, #tpu.memory_space<semaphore_mem>>) {add = true}
        %dma_wait3A = arith.constant 0 : i32
        %dma_wait3A_21 = tpu.memref_slice %arg6[%scan3A_15, %dma_wait3A] : memref<80x128xi32, #tpu.memory_space<vmem>> -> memref<1x128xi32, #tpu.memory_space<vmem>>
        %dma_wait3A_22 = tpu.memref_squeeze %dma_wait3A_21 : memref<1x128xi32, #tpu.memory_space<vmem>> -> memref<128xi32, #tpu.memory_space<vmem>>
        %dma_wait3A_23 = arith.constant 0 : i32
        %dma_wait3A_24 = arith.constant 0 : i32
        %dma_wait3A_25 = tpu.memref_slice %arg8[%dma_wait3A_23, %dma_wait3A_24] : memref<10240x128xf32, #tpu.memory_space<vmem_shared>> -> memref<10240x128xf32, #tpu.memory_space<vmem_shared>>
        tpu.wait_indirect_dma semaphore(%run_scoped3A : memref<!tpu.dma_semaphore, #tpu.memory_space<semaphore_mem>>) src(%arg7 : memref<128x128xf32, #tpu.memory_space<vmem>>) dst(%dma_wait3A_25 : memref<10240x128xf32, #tpu.memory_space<vmem_shared>>)
        tpu.yield
      }) : () -> ()
    }
    %scan3A_9 = arith.constant 80 : i32
    %barrier3A_10 = arith.constant 0 : index
    tpu.barrier barrier_id(%barrier3A_10)
    %mul3A_11 = arith.constant 640 : i32
    %mul3A_12 = arith.muli %arg1, %mul3A_11 : i32
    %mul3A_13 = arith.constant 640 : i32
    %mul3A_14 = arith.muli %arg1, %mul3A_13 : i32
    "tpu.region"() ({
      %run_scoped3A = tpu.sem_alloc : memref<!tpu.dma_semaphore, #tpu.memory_space<semaphore_mem>>
      %dma_start3A = arith.constant 0 : i32
      %dma_start3A_15 = arith.constant 0 : i32
      %dma_start3A_16 = tpu.memref_slice %arg5[%arg0, %dma_start3A, %dma_start3A_15] : memref<2x10240x128xf32, #tpu.memory_space<hbm>> -> memref<1x10240x128xf32, #tpu.memory_space<hbm>>
      %dma_start3A_17 = tpu.memref_squeeze %dma_start3A_16 : memref<1x10240x128xf32, #tpu.memory_space<hbm>> -> memref<10240x128xf32, #tpu.memory_space<hbm>>
      %dma_start3A_18 = arith.constant 0 : i32
      %dma_start3A_19 = tpu.memref_slice %dma_start3A_17[%mul3A_14, %dma_start3A_18] : memref<10240x128xf32, #tpu.memory_space<hbm>> -> memref<640x128xf32, #tpu.memory_space<hbm>>
      %dma_start3A_20 = arith.constant 0 : i32
      %dma_start3A_21 = tpu.memref_slice %arg8[%mul3A_12, %dma_start3A_20] : memref<10240x128xf32, #tpu.memory_space<vmem_shared>> -> memref<640x128xf32, #tpu.memory_space<vmem_shared>>
      tpu.enqueue_dma source(%dma_start3A_21 : memref<640x128xf32, #tpu.memory_space<vmem_shared>>) target(%dma_start3A_19 : memref<640x128xf32, #tpu.memory_space<hbm>>) target_semaphore(%run_scoped3A : memref<!tpu.dma_semaphore, #tpu.memory_space<semaphore_mem>>)
      %dma_wait3A = arith.constant 0 : i32
      %dma_wait3A_22 = arith.constant 0 : i32
      %dma_wait3A_23 = tpu.memref_slice %arg5[%arg0, %dma_wait3A, %dma_wait3A_22] : memref<2x10240x128xf32, #tpu.memory_space<hbm>> -> memref<1x10240x128xf32, #tpu.memory_space<hbm>>
      %dma_wait3A_24 = tpu.memref_squeeze %dma_wait3A_23 : memref<1x10240x128xf32, #tpu.memory_space<hbm>> -> memref<10240x128xf32, #tpu.memory_space<hbm>>
      %dma_wait3A_25 = arith.constant 0 : i32
      %dma_wait3A_26 = tpu.memref_slice %dma_wait3A_24[%mul3A_14, %dma_wait3A_25] : memref<10240x128xf32, #tpu.memory_space<hbm>> -> memref<640x128xf32, #tpu.memory_space<hbm>>
      %dma_wait3A_27 = arith.constant 0 : i32
      %dma_wait3A_28 = tpu.memref_slice %arg8[%mul3A_12, %dma_wait3A_27] : memref<10240x128xf32, #tpu.memory_space<vmem_shared>> -> memref<640x128xf32, #tpu.memory_space<vmem_shared>>
      tpu.wait_dma2 semaphore(%run_scoped3A : memref<!tpu.dma_semaphore, #tpu.memory_space<semaphore_mem>>) src(%dma_wait3A_28 : memref<640x128xf32, #tpu.memory_space<vmem_shared>>) dst(%dma_wait3A_26 : memref<640x128xf32, #tpu.memory_space<hbm>>)
      tpu.yield
    }) : () -> ()
    return
  }
}

#map = affine_map<(d0, d1) -> (0, 0)>
#map1 = affine_map<(d0, d1) -> (0, 0, 0)>
module attributes {stable_mosaic.version = 14 : i64} {
  func.func @_scatter_kernel_body(%arg0: i32, %arg1: i32, %arg2: memref<10240x128xf32, #tpu.memory_space<hbm>>, %arg3: memref<2560x128xi32, #tpu.memory_space<hbm>>, %arg4: memref<2560x128xi32, #tpu.memory_space<hbm>>, %arg5: memref<640x128xf32, #tpu.memory_space<hbm>>, %arg6: memref<2x10240x128xf32, #tpu.memory_space<hbm>>, %arg7: memref<40x128xi32, #tpu.memory_space<vmem>>, %arg8: memref<40x128xi32, #tpu.memory_space<vmem>>, %arg9: memref<2x128x128xf32, #tpu.memory_space<vmem>>, %arg10: memref<10240x128xf32, #tpu.memory_space<vmem_shared>>, %arg11: memref<!tpu.dma_semaphore, #tpu.memory_space<semaphore_mem>>, %arg12: memref<!tpu.dma_semaphore, #tpu.memory_space<semaphore_mem>>) attributes {dimension_semantics = [#tpu.dimension_semantics<core_parallel>, #tpu.dimension_semantics<subcore_parallel>], iteration_bounds = array<i64: 2, 16>, scalar_prefetch = 0 : i64, scratch_operands = 6 : i64, tpu.core_type = #tpu.core_type<sc_vector_subcore>, window_params = [{transform_indices = #map}, {transform_indices = #map}, {transform_indices = #map}, {transform_indices = #map}, {transform_indices = #map1}]} {
    %mul3A = arith.constant 16 : i32
    %mul3A_0 = arith.muli %arg0, %mul3A : i32
    %add3A = arith.addi %mul3A_0, %arg1 : i32
    %mul3A_1 = arith.constant 640 : i32
    %mul3A_2 = arith.muli %arg1, %mul3A_1 : i32
    "tpu.region"() ({
      %run_scoped3A_128 = tpu.sem_alloc : memref<!tpu.dma_semaphore, #tpu.memory_space<semaphore_mem>>
      %dma_start3A_129 = arith.constant 0 : i32
      %dma_start3A_130 = tpu.memref_slice %arg10[%mul3A_2, %dma_start3A_129] : memref<10240x128xf32, #tpu.memory_space<vmem_shared>> -> memref<640x128xf32, #tpu.memory_space<vmem_shared>>
      tpu.enqueue_dma source(%arg5 : memref<640x128xf32, #tpu.memory_space<hbm>>) target(%dma_start3A_130 : memref<640x128xf32, #tpu.memory_space<vmem_shared>>) target_semaphore(%run_scoped3A_128 : memref<!tpu.dma_semaphore, #tpu.memory_space<semaphore_mem>>)
      %dma_wait3A_131 = arith.constant 0 : i32
      %dma_wait3A_132 = tpu.memref_slice %arg10[%mul3A_2, %dma_wait3A_131] : memref<10240x128xf32, #tpu.memory_space<vmem_shared>> -> memref<640x128xf32, #tpu.memory_space<vmem_shared>>
      tpu.wait_dma2 semaphore(%run_scoped3A_128 : memref<!tpu.dma_semaphore, #tpu.memory_space<semaphore_mem>>) src(%arg5 : memref<640x128xf32, #tpu.memory_space<hbm>>) dst(%dma_wait3A_132 : memref<640x128xf32, #tpu.memory_space<vmem_shared>>)
      tpu.yield
    }) : () -> ()
    %barrier3A = arith.constant 0 : index
    tpu.barrier barrier_id(%barrier3A)
    %mul3A_3 = arith.constant 80 : i32
    %mul3A_4 = arith.muli %add3A, %mul3A_3 : i32
    %add3A_5 = arith.constant 0 : i32
    %add3A_6 = arith.addi %mul3A_4, %add3A_5 : i32
    "tpu.region"() ({
      %run_scoped3A_128 = tpu.sem_alloc : memref<!tpu.dma_semaphore, #tpu.memory_space<semaphore_mem>>
      %dma_start3A_129 = arith.constant 0 : i32
      %dma_start3A_130 = tpu.memref_slice %arg3[%add3A_6, %dma_start3A_129] : memref<2560x128xi32, #tpu.memory_space<hbm>> -> memref<40x128xi32, #tpu.memory_space<hbm>>
      %dma_start3A_131 = arith.constant 0 : i32
      %dma_start3A_132 = tpu.memref_slice %arg3[%add3A_6, %dma_start3A_131] : memref<2560x128xi32, #tpu.memory_space<hbm>> -> memref<40x128xi32, #tpu.memory_space<hbm>>
      tpu.enqueue_dma source(%dma_start3A_132 : memref<40x128xi32, #tpu.memory_space<hbm>>) target(%arg7 : memref<40x128xi32, #tpu.memory_space<vmem>>) target_semaphore(%run_scoped3A_128 : memref<!tpu.dma_semaphore, #tpu.memory_space<semaphore_mem>>)
      %dma_wait3A_133 = arith.constant 0 : i32
      %dma_wait3A_134 = tpu.memref_slice %arg3[%add3A_6, %dma_wait3A_133] : memref<2560x128xi32, #tpu.memory_space<hbm>> -> memref<40x128xi32, #tpu.memory_space<hbm>>
      %dma_wait3A_135 = arith.constant 0 : i32
      %dma_wait3A_136 = tpu.memref_slice %arg3[%add3A_6, %dma_wait3A_135] : memref<2560x128xi32, #tpu.memory_space<hbm>> -> memref<40x128xi32, #tpu.memory_space<hbm>>
      tpu.wait_dma2 semaphore(%run_scoped3A_128 : memref<!tpu.dma_semaphore, #tpu.memory_space<semaphore_mem>>) src(%dma_wait3A_136 : memref<40x128xi32, #tpu.memory_space<hbm>>) dst(%arg7 : memref<40x128xi32, #tpu.memory_space<vmem>>)
      tpu.yield
    }) : () -> ()
    "tpu.region"() ({
      %run_scoped3A_128 = tpu.sem_alloc : memref<!tpu.dma_semaphore, #tpu.memory_space<semaphore_mem>>
      %dma_start3A_129 = arith.constant 0 : i32
      %dma_start3A_130 = tpu.memref_slice %arg4[%add3A_6, %dma_start3A_129] : memref<2560x128xi32, #tpu.memory_space<hbm>> -> memref<40x128xi32, #tpu.memory_space<hbm>>
      %dma_start3A_131 = arith.constant 0 : i32
      %dma_start3A_132 = tpu.memref_slice %arg4[%add3A_6, %dma_start3A_131] : memref<2560x128xi32, #tpu.memory_space<hbm>> -> memref<40x128xi32, #tpu.memory_space<hbm>>
      tpu.enqueue_dma source(%dma_start3A_132 : memref<40x128xi32, #tpu.memory_space<hbm>>) target(%arg8 : memref<40x128xi32, #tpu.memory_space<vmem>>) target_semaphore(%run_scoped3A_128 : memref<!tpu.dma_semaphore, #tpu.memory_space<semaphore_mem>>)
      %dma_wait3A_133 = arith.constant 0 : i32
      %dma_wait3A_134 = tpu.memref_slice %arg4[%add3A_6, %dma_wait3A_133] : memref<2560x128xi32, #tpu.memory_space<hbm>> -> memref<40x128xi32, #tpu.memory_space<hbm>>
      %dma_wait3A_135 = arith.constant 0 : i32
      %dma_wait3A_136 = tpu.memref_slice %arg4[%add3A_6, %dma_wait3A_135] : memref<2560x128xi32, #tpu.memory_space<hbm>> -> memref<40x128xi32, #tpu.memory_space<hbm>>
      tpu.wait_dma2 semaphore(%run_scoped3A_128 : memref<!tpu.dma_semaphore, #tpu.memory_space<semaphore_mem>>) src(%dma_wait3A_136 : memref<40x128xi32, #tpu.memory_space<hbm>>) dst(%arg8 : memref<40x128xi32, #tpu.memory_space<vmem>>)
      tpu.yield
    }) : () -> ()
    %dma_start3A = arith.constant 0 : i32
    %dma_start3A_7 = arith.constant 0 : i32
    %dma_start3A_8 = arith.constant 0 : i32
    %dma_start3A_9 = arith.constant 0 : i32
    %dma_start3A_10 = tpu.memref_slice %arg9[%dma_start3A_7, %dma_start3A_8, %dma_start3A_9] : memref<2x128x128xf32, #tpu.memory_space<vmem>> -> memref<1x128x128xf32, #tpu.memory_space<vmem>>
    %dma_start3A_11 = tpu.memref_squeeze %dma_start3A_10 : memref<1x128x128xf32, #tpu.memory_space<vmem>> -> memref<128x128xf32, #tpu.memory_space<vmem>>
    %dma_start3A_12 = arith.constant 0 : i32
    %dma_start3A_13 = tpu.memref_slice %arg7[%dma_start3A, %dma_start3A_12] : memref<40x128xi32, #tpu.memory_space<vmem>> -> memref<1x128xi32, #tpu.memory_space<vmem>>
    %dma_start3A_14 = tpu.memref_squeeze %dma_start3A_13 : memref<1x128xi32, #tpu.memory_space<vmem>> -> memref<128xi32, #tpu.memory_space<vmem>>
    %dma_start3A_15 = arith.constant 0 : i32
    %dma_start3A_16 = arith.constant 0 : i32
    %dma_start3A_17 = tpu.memref_slice %arg2[%dma_start3A_15, %dma_start3A_16] : memref<10240x128xf32, #tpu.memory_space<hbm>> -> memref<10240x128xf32, #tpu.memory_space<hbm>>
    tpu.enqueue_indirect_dma source(%dma_start3A_17 : memref<10240x128xf32, #tpu.memory_space<hbm>>) target(%dma_start3A_11 : memref<128x128xf32, #tpu.memory_space<vmem>>) offsets(%dma_start3A_14 : memref<128xi32, #tpu.memory_space<vmem>>) semaphore(%arg11 : memref<!tpu.dma_semaphore, #tpu.memory_space<semaphore_mem>>)
    %scan3A = arith.constant 0 : i32
    %scan3A_18 = arith.constant 0 : i32
    %scan3A_19 = arith.constant 19 : i32
    %scan3A_20 = arith.addi %scan3A_18, %scan3A_19 : i32
    %scan3A_21 = arith.constant 1 : i32
    scf.for %scan3A_128 = %scan3A_18 to %scan3A_20 step %scan3A_21  : i32 {
      %mul3A_129 = arith.constant 2 : i32
      %mul3A_130 = arith.muli %mul3A_129, %scan3A_128 : i32
      %add3A_131 = arith.constant 1 : i32
      %add3A_132 = arith.addi %mul3A_130, %add3A_131 : i32
      %dma_start3A_133 = arith.constant 1 : i32
      %dma_start3A_134 = arith.constant 0 : i32
      %dma_start3A_135 = arith.constant 0 : i32
      %dma_start3A_136 = tpu.memref_slice %arg9[%dma_start3A_133, %dma_start3A_134, %dma_start3A_135] : memref<2x128x128xf32, #tpu.memory_space<vmem>> -> memref<1x128x128xf32, #tpu.memory_space<vmem>>
      %dma_start3A_137 = tpu.memref_squeeze %dma_start3A_136 : memref<1x128x128xf32, #tpu.memory_space<vmem>> -> memref<128x128xf32, #tpu.memory_space<vmem>>
      %dma_start3A_138 = arith.constant 0 : i32
      %dma_start3A_139 = tpu.memref_slice %arg7[%add3A_132, %dma_start3A_138] : memref<40x128xi32, #tpu.memory_space<vmem>> -> memref<1x128xi32, #tpu.memory_space<vmem>>
      %dma_start3A_140 = tpu.memref_squeeze %dma_start3A_139 : memref<1x128xi32, #tpu.memory_space<vmem>> -> memref<128xi32, #tpu.memory_space<vmem>>
      %dma_start3A_141 = arith.constant 0 : i32
      %dma_start3A_142 = arith.constant 0 : i32
      %dma_start3A_143 = tpu.memref_slice %arg2[%dma_start3A_141, %dma_start3A_142] : memref<10240x128xf32, #tpu.memory_space<hbm>> -> memref<10240x128xf32, #tpu.memory_space<hbm>>
      tpu.enqueue_indirect_dma source(%dma_start3A_143 : memref<10240x128xf32, #tpu.memory_space<hbm>>) target(%dma_start3A_137 : memref<128x128xf32, #tpu.memory_space<vmem>>) offsets(%dma_start3A_140 : memref<128xi32, #tpu.memory_space<vmem>>) semaphore(%arg12 : memref<!tpu.dma_semaphore, #tpu.memory_space<semaphore_mem>>)
      %dma_wait3A_144 = arith.constant 0 : i32
      %dma_wait3A_145 = arith.constant 0 : i32
      %dma_wait3A_146 = arith.constant 0 : i32
      %dma_wait3A_147 = tpu.memref_slice %arg9[%dma_wait3A_144, %dma_wait3A_145, %dma_wait3A_146] : memref<2x128x128xf32, #tpu.memory_space<vmem>> -> memref<1x128x128xf32, #tpu.memory_space<vmem>>
      %dma_wait3A_148 = tpu.memref_squeeze %dma_wait3A_147 : memref<1x128x128xf32, #tpu.memory_space<vmem>> -> memref<128x128xf32, #tpu.memory_space<vmem>>
      %dma_wait3A_149 = arith.constant 0 : i32
      %dma_wait3A_150 = tpu.memref_slice %arg7[%mul3A_130, %dma_wait3A_149] : memref<40x128xi32, #tpu.memory_space<vmem>> -> memref<1x128xi32, #tpu.memory_space<vmem>>
      %dma_wait3A_151 = tpu.memref_squeeze %dma_wait3A_150 : memref<1x128xi32, #tpu.memory_space<vmem>> -> memref<128xi32, #tpu.memory_space<vmem>>
      %dma_wait3A_152 = arith.constant 0 : i32
      %dma_wait3A_153 = arith.constant 0 : i32
      %dma_wait3A_154 = tpu.memref_slice %arg2[%dma_wait3A_152, %dma_wait3A_153] : memref<10240x128xf32, #tpu.memory_space<hbm>> -> memref<10240x128xf32, #tpu.memory_space<hbm>>
      tpu.wait_indirect_dma semaphore(%arg11 : memref<!tpu.dma_semaphore, #tpu.memory_space<semaphore_mem>>) src(%dma_wait3A_154 : memref<10240x128xf32, #tpu.memory_space<hbm>>) dst(%dma_wait3A_148 : memref<128x128xf32, #tpu.memory_space<vmem>>)
      %run_scoped3A_155 = arith.constant 0 : i32
      "tpu.region"() ({
        %run_scoped3A_185 = tpu.sem_alloc : memref<!tpu.dma_semaphore, #tpu.memory_space<semaphore_mem>>
        %dma_start3A_186 = arith.constant 0 : i32
        %dma_start3A_187 = arith.constant 0 : i32
        %dma_start3A_188 = tpu.memref_slice %arg9[%run_scoped3A_155, %dma_start3A_186, %dma_start3A_187] : memref<2x128x128xf32, #tpu.memory_space<vmem>> -> memref<1x128x128xf32, #tpu.memory_space<vmem>>
        %dma_start3A_189 = tpu.memref_squeeze %dma_start3A_188 : memref<1x128x128xf32, #tpu.memory_space<vmem>> -> memref<128x128xf32, #tpu.memory_space<vmem>>
        %dma_start3A_190 = arith.constant 0 : i32
        %dma_start3A_191 = tpu.memref_slice %arg8[%mul3A_130, %dma_start3A_190] : memref<40x128xi32, #tpu.memory_space<vmem>> -> memref<1x128xi32, #tpu.memory_space<vmem>>
        %dma_start3A_192 = tpu.memref_squeeze %dma_start3A_191 : memref<1x128xi32, #tpu.memory_space<vmem>> -> memref<128xi32, #tpu.memory_space<vmem>>
        %dma_start3A_193 = arith.constant 0 : i32
        %dma_start3A_194 = arith.constant 0 : i32
        %dma_start3A_195 = tpu.memref_slice %arg10[%dma_start3A_193, %dma_start3A_194] : memref<10240x128xf32, #tpu.memory_space<vmem_shared>> -> memref<10240x128xf32, #tpu.memory_space<vmem_shared>>
        tpu.enqueue_indirect_dma source(%dma_start3A_189 : memref<128x128xf32, #tpu.memory_space<vmem>>) target(%dma_start3A_195 : memref<10240x128xf32, #tpu.memory_space<vmem_shared>>) offsets(%dma_start3A_192 : memref<128xi32, #tpu.memory_space<vmem>>) semaphore(%run_scoped3A_185 : memref<!tpu.dma_semaphore, #tpu.memory_space<semaphore_mem>>) {add = true}
        %dma_wait3A_196 = arith.constant 0 : i32
        %dma_wait3A_197 = arith.constant 0 : i32
        %dma_wait3A_198 = tpu.memref_slice %arg9[%run_scoped3A_155, %dma_wait3A_196, %dma_wait3A_197] : memref<2x128x128xf32, #tpu.memory_space<vmem>> -> memref<1x128x128xf32, #tpu.memory_space<vmem>>
        %dma_wait3A_199 = tpu.memref_squeeze %dma_wait3A_198 : memref<1x128x128xf32, #tpu.memory_space<vmem>> -> memref<128x128xf32, #tpu.memory_space<vmem>>
        %dma_wait3A_200 = arith.constant 0 : i32
        %dma_wait3A_201 = tpu.memref_slice %arg8[%mul3A_130, %dma_wait3A_200] : memref<40x128xi32, #tpu.memory_space<vmem>> -> memref<1x128xi32, #tpu.memory_space<vmem>>
        %dma_wait3A_202 = tpu.memref_squeeze %dma_wait3A_201 : memref<1x128xi32, #tpu.memory_space<vmem>> -> memref<128xi32, #tpu.memory_space<vmem>>
        %dma_wait3A_203 = arith.constant 0 : i32
        %dma_wait3A_204 = arith.constant 0 : i32
        %dma_wait3A_205 = tpu.memref_slice %arg10[%dma_wait3A_203, %dma_wait3A_204] : memref<10240x128xf32, #tpu.memory_space<vmem_shared>> -> memref<10240x128xf32, #tpu.memory_space<vmem_shared>>
        tpu.wait_indirect_dma semaphore(%run_scoped3A_185 : memref<!tpu.dma_semaphore, #tpu.memory_space<semaphore_mem>>) src(%dma_wait3A_199 : memref<128x128xf32, #tpu.memory_space<vmem>>) dst(%dma_wait3A_205 : memref<10240x128xf32, #tpu.memory_space<vmem_shared>>)
        tpu.yield
      }) : () -> ()
      %add3A_156 = arith.constant 2 : i32
      %add3A_157 = arith.addi %mul3A_130, %add3A_156 : i32
      %dma_start3A_158 = arith.constant 0 : i32
      %dma_start3A_159 = arith.constant 0 : i32
      %dma_start3A_160 = arith.constant 0 : i32
      %dma_start3A_161 = tpu.memref_slice %arg9[%dma_start3A_158, %dma_start3A_159, %dma_start3A_160] : memref<2x128x128xf32, #tpu.memory_space<vmem>> -> memref<1x128x128xf32, #tpu.memory_space<vmem>>
      %dma_start3A_162 = tpu.memref_squeeze %dma_start3A_161 : memref<1x128x128xf32, #tpu.memory_space<vmem>> -> memref<128x128xf32, #tpu.memory_space<vmem>>
      %dma_start3A_163 = arith.constant 0 : i32
      %dma_start3A_164 = tpu.memref_slice %arg7[%add3A_157, %dma_start3A_163] : memref<40x128xi32, #tpu.memory_space<vmem>> -> memref<1x128xi32, #tpu.memory_space<vmem>>
      %dma_start3A_165 = tpu.memref_squeeze %dma_start3A_164 : memref<1x128xi32, #tpu.memory_space<vmem>> -> memref<128xi32, #tpu.memory_space<vmem>>
      %dma_start3A_166 = arith.constant 0 : i32
      %dma_start3A_167 = arith.constant 0 : i32
      %dma_start3A_168 = tpu.memref_slice %arg2[%dma_start3A_166, %dma_start3A_167] : memref<10240x128xf32, #tpu.memory_space<hbm>> -> memref<10240x128xf32, #tpu.memory_space<hbm>>
      tpu.enqueue_indirect_dma source(%dma_start3A_168 : memref<10240x128xf32, #tpu.memory_space<hbm>>) target(%dma_start3A_162 : memref<128x128xf32, #tpu.memory_space<vmem>>) offsets(%dma_start3A_165 : memref<128xi32, #tpu.memory_space<vmem>>) semaphore(%arg11 : memref<!tpu.dma_semaphore, #tpu.memory_space<semaphore_mem>>)
      %add3A_169 = arith.constant 1 : i32
      %add3A_170 = arith.addi %mul3A_130, %add3A_169 : i32
      %dma_wait3A_171 = arith.constant 1 : i32
      %dma_wait3A_172 = arith.constant 0 : i32
      %dma_wait3A_173 = arith.constant 0 : i32
      %dma_wait3A_174 = tpu.memref_slice %arg9[%dma_wait3A_171, %dma_wait3A_172, %dma_wait3A_173] : memref<2x128x128xf32, #tpu.memory_space<vmem>> -> memref<1x128x128xf32, #tpu.memory_space<vmem>>
      %dma_wait3A_175 = tpu.memref_squeeze %dma_wait3A_174 : memref<1x128x128xf32, #tpu.memory_space<vmem>> -> memref<128x128xf32, #tpu.memory_space<vmem>>
      %dma_wait3A_176 = arith.constant 0 : i32
      %dma_wait3A_177 = tpu.memref_slice %arg7[%add3A_170, %dma_wait3A_176] : memref<40x128xi32, #tpu.memory_space<vmem>> -> memref<1x128xi32, #tpu.memory_space<vmem>>
      %dma_wait3A_178 = tpu.memref_squeeze %dma_wait3A_177 : memref<1x128xi32, #tpu.memory_space<vmem>> -> memref<128xi32, #tpu.memory_space<vmem>>
      %dma_wait3A_179 = arith.constant 0 : i32
      %dma_wait3A_180 = arith.constant 0 : i32
      %dma_wait3A_181 = tpu.memref_slice %arg2[%dma_wait3A_179, %dma_wait3A_180] : memref<10240x128xf32, #tpu.memory_space<hbm>> -> memref<10240x128xf32, #tpu.memory_space<hbm>>
      tpu.wait_indirect_dma semaphore(%arg12 : memref<!tpu.dma_semaphore, #tpu.memory_space<semaphore_mem>>) src(%dma_wait3A_181 : memref<10240x128xf32, #tpu.memory_space<hbm>>) dst(%dma_wait3A_175 : memref<128x128xf32, #tpu.memory_space<vmem>>)
      %add3A_182 = arith.constant 1 : i32
      %add3A_183 = arith.addi %mul3A_130, %add3A_182 : i32
      %run_scoped3A_184 = arith.constant 1 : i32
      "tpu.region"() ({
        %run_scoped3A_185 = tpu.sem_alloc : memref<!tpu.dma_semaphore, #tpu.memory_space<semaphore_mem>>
        %dma_start3A_186 = arith.constant 0 : i32
        %dma_start3A_187 = arith.constant 0 : i32
        %dma_start3A_188 = tpu.memref_slice %arg9[%run_scoped3A_184, %dma_start3A_186, %dma_start3A_187] : memref<2x128x128xf32, #tpu.memory_space<vmem>> -> memref<1x128x128xf32, #tpu.memory_space<vmem>>
        %dma_start3A_189 = tpu.memref_squeeze %dma_start3A_188 : memref<1x128x128xf32, #tpu.memory_space<vmem>> -> memref<128x128xf32, #tpu.memory_space<vmem>>
        %dma_start3A_190 = arith.constant 0 : i32
        %dma_start3A_191 = tpu.memref_slice %arg8[%add3A_183, %dma_start3A_190] : memref<40x128xi32, #tpu.memory_space<vmem>> -> memref<1x128xi32, #tpu.memory_space<vmem>>
        %dma_start3A_192 = tpu.memref_squeeze %dma_start3A_191 : memref<1x128xi32, #tpu.memory_space<vmem>> -> memref<128xi32, #tpu.memory_space<vmem>>
        %dma_start3A_193 = arith.constant 0 : i32
        %dma_start3A_194 = arith.constant 0 : i32
        %dma_start3A_195 = tpu.memref_slice %arg10[%dma_start3A_193, %dma_start3A_194] : memref<10240x128xf32, #tpu.memory_space<vmem_shared>> -> memref<10240x128xf32, #tpu.memory_space<vmem_shared>>
        tpu.enqueue_indirect_dma source(%dma_start3A_189 : memref<128x128xf32, #tpu.memory_space<vmem>>) target(%dma_start3A_195 : memref<10240x128xf32, #tpu.memory_space<vmem_shared>>) offsets(%dma_start3A_192 : memref<128xi32, #tpu.memory_space<vmem>>) semaphore(%run_scoped3A_185 : memref<!tpu.dma_semaphore, #tpu.memory_space<semaphore_mem>>) {add = true}
        %dma_wait3A_196 = arith.constant 0 : i32
        %dma_wait3A_197 = arith.constant 0 : i32
        %dma_wait3A_198 = tpu.memref_slice %arg9[%run_scoped3A_184, %dma_wait3A_196, %dma_wait3A_197] : memref<2x128x128xf32, #tpu.memory_space<vmem>> -> memref<1x128x128xf32, #tpu.memory_space<vmem>>
        %dma_wait3A_199 = tpu.memref_squeeze %dma_wait3A_198 : memref<1x128x128xf32, #tpu.memory_space<vmem>> -> memref<128x128xf32, #tpu.memory_space<vmem>>
        %dma_wait3A_200 = arith.constant 0 : i32
        %dma_wait3A_201 = tpu.memref_slice %arg8[%add3A_183, %dma_wait3A_200] : memref<40x128xi32, #tpu.memory_space<vmem>> -> memref<1x128xi32, #tpu.memory_space<vmem>>
        %dma_wait3A_202 = tpu.memref_squeeze %dma_wait3A_201 : memref<1x128xi32, #tpu.memory_space<vmem>> -> memref<128xi32, #tpu.memory_space<vmem>>
        %dma_wait3A_203 = arith.constant 0 : i32
        %dma_wait3A_204 = arith.constant 0 : i32
        %dma_wait3A_205 = tpu.memref_slice %arg10[%dma_wait3A_203, %dma_wait3A_204] : memref<10240x128xf32, #tpu.memory_space<vmem_shared>> -> memref<10240x128xf32, #tpu.memory_space<vmem_shared>>
        tpu.wait_indirect_dma semaphore(%run_scoped3A_185 : memref<!tpu.dma_semaphore, #tpu.memory_space<semaphore_mem>>) src(%dma_wait3A_199 : memref<128x128xf32, #tpu.memory_space<vmem>>) dst(%dma_wait3A_205 : memref<10240x128xf32, #tpu.memory_space<vmem_shared>>)
        tpu.yield
      }) : () -> ()
    }
    %scan3A_22 = arith.constant 19 : i32
    %dma_start3A_23 = arith.constant 39 : i32
    %dma_start3A_24 = arith.constant 1 : i32
    %dma_start3A_25 = arith.constant 0 : i32
    %dma_start3A_26 = arith.constant 0 : i32
    %dma_start3A_27 = tpu.memref_slice %arg9[%dma_start3A_24, %dma_start3A_25, %dma_start3A_26] : memref<2x128x128xf32, #tpu.memory_space<vmem>> -> memref<1x128x128xf32, #tpu.memory_space<vmem>>
    %dma_start3A_28 = tpu.memref_squeeze %dma_start3A_27 : memref<1x128x128xf32, #tpu.memory_space<vmem>> -> memref<128x128xf32, #tpu.memory_space<vmem>>
    %dma_start3A_29 = arith.constant 0 : i32
    %dma_start3A_30 = tpu.memref_slice %arg7[%dma_start3A_23, %dma_start3A_29] : memref<40x128xi32, #tpu.memory_space<vmem>> -> memref<1x128xi32, #tpu.memory_space<vmem>>
    %dma_start3A_31 = tpu.memref_squeeze %dma_start3A_30 : memref<1x128xi32, #tpu.memory_space<vmem>> -> memref<128xi32, #tpu.memory_space<vmem>>
    %dma_start3A_32 = arith.constant 0 : i32
    %dma_start3A_33 = arith.constant 0 : i32
    %dma_start3A_34 = tpu.memref_slice %arg2[%dma_start3A_32, %dma_start3A_33] : memref<10240x128xf32, #tpu.memory_space<hbm>> -> memref<10240x128xf32, #tpu.memory_space<hbm>>
    tpu.enqueue_indirect_dma source(%dma_start3A_34 : memref<10240x128xf32, #tpu.memory_space<hbm>>) target(%dma_start3A_28 : memref<128x128xf32, #tpu.memory_space<vmem>>) offsets(%dma_start3A_31 : memref<128xi32, #tpu.memory_space<vmem>>) semaphore(%arg12 : memref<!tpu.dma_semaphore, #tpu.memory_space<semaphore_mem>>)
    %dma_wait3A = arith.constant 38 : i32
    %dma_wait3A_35 = arith.constant 0 : i32
    %dma_wait3A_36 = arith.constant 0 : i32
    %dma_wait3A_37 = arith.constant 0 : i32
    %dma_wait3A_38 = tpu.memref_slice %arg9[%dma_wait3A_35, %dma_wait3A_36, %dma_wait3A_37] : memref<2x128x128xf32, #tpu.memory_space<vmem>> -> memref<1x128x128xf32, #tpu.memory_space<vmem>>
    %dma_wait3A_39 = tpu.memref_squeeze %dma_wait3A_38 : memref<1x128x128xf32, #tpu.memory_space<vmem>> -> memref<128x128xf32, #tpu.memory_space<vmem>>
    %dma_wait3A_40 = arith.constant 0 : i32
    %dma_wait3A_41 = tpu.memref_slice %arg7[%dma_wait3A, %dma_wait3A_40] : memref<40x128xi32, #tpu.memory_space<vmem>> -> memref<1x128xi32, #tpu.memory_space<vmem>>
    %dma_wait3A_42 = tpu.memref_squeeze %dma_wait3A_41 : memref<1x128xi32, #tpu.memory_space<vmem>> -> memref<128xi32, #tpu.memory_space<vmem>>
    %dma_wait3A_43 = arith.constant 0 : i32
    %dma_wait3A_44 = arith.constant 0 : i32
    %dma_wait3A_45 = tpu.memref_slice %arg2[%dma_wait3A_43, %dma_wait3A_44] : memref<10240x128xf32, #tpu.memory_space<hbm>> -> memref<10240x128xf32, #tpu.memory_space<hbm>>
    tpu.wait_indirect_dma semaphore(%arg11 : memref<!tpu.dma_semaphore, #tpu.memory_space<semaphore_mem>>) src(%dma_wait3A_45 : memref<10240x128xf32, #tpu.memory_space<hbm>>) dst(%dma_wait3A_39 : memref<128x128xf32, #tpu.memory_space<vmem>>)
    %run_scoped3A = arith.constant 0 : i32
    %run_scoped3A_46 = arith.constant 38 : i32
    "tpu.region"() ({
      %run_scoped3A_128 = tpu.sem_alloc : memref<!tpu.dma_semaphore, #tpu.memory_space<semaphore_mem>>
      %dma_start3A_129 = arith.constant 0 : i32
      %dma_start3A_130 = arith.constant 0 : i32
      %dma_start3A_131 = tpu.memref_slice %arg9[%run_scoped3A, %dma_start3A_129, %dma_start3A_130] : memref<2x128x128xf32, #tpu.memory_space<vmem>> -> memref<1x128x128xf32, #tpu.memory_space<vmem>>
      %dma_start3A_132 = tpu.memref_squeeze %dma_start3A_131 : memref<1x128x128xf32, #tpu.memory_space<vmem>> -> memref<128x128xf32, #tpu.memory_space<vmem>>
      %dma_start3A_133 = arith.constant 0 : i32
      %dma_start3A_134 = tpu.memref_slice %arg8[%run_scoped3A_46, %dma_start3A_133] : memref<40x128xi32, #tpu.memory_space<vmem>> -> memref<1x128xi32, #tpu.memory_space<vmem>>
      %dma_start3A_135 = tpu.memref_squeeze %dma_start3A_134 : memref<1x128xi32, #tpu.memory_space<vmem>> -> memref<128xi32, #tpu.memory_space<vmem>>
      %dma_start3A_136 = arith.constant 0 : i32
      %dma_start3A_137 = arith.constant 0 : i32
      %dma_start3A_138 = tpu.memref_slice %arg10[%dma_start3A_136, %dma_start3A_137] : memref<10240x128xf32, #tpu.memory_space<vmem_shared>> -> memref<10240x128xf32, #tpu.memory_space<vmem_shared>>
      tpu.enqueue_indirect_dma source(%dma_start3A_132 : memref<128x128xf32, #tpu.memory_space<vmem>>) target(%dma_start3A_138 : memref<10240x128xf32, #tpu.memory_space<vmem_shared>>) offsets(%dma_start3A_135 : memref<128xi32, #tpu.memory_space<vmem>>) semaphore(%run_scoped3A_128 : memref<!tpu.dma_semaphore, #tpu.memory_space<semaphore_mem>>) {add = true}
      %dma_wait3A_139 = arith.constant 0 : i32
      %dma_wait3A_140 = arith.constant 0 : i32
      %dma_wait3A_141 = tpu.memref_slice %arg9[%run_scoped3A, %dma_wait3A_139, %dma_wait3A_140] : memref<2x128x128xf32, #tpu.memory_space<vmem>> -> memref<1x128x128xf32, #tpu.memory_space<vmem>>
      %dma_wait3A_142 = tpu.memref_squeeze %dma_wait3A_141 : memref<1x128x128xf32, #tpu.memory_space<vmem>> -> memref<128x128xf32, #tpu.memory_space<vmem>>
      %dma_wait3A_143 = arith.constant 0 : i32
      %dma_wait3A_144 = tpu.memref_slice %arg8[%run_scoped3A_46, %dma_wait3A_143] : memref<40x128xi32, #tpu.memory_space<vmem>> -> memref<1x128xi32, #tpu.memory_space<vmem>>
      %dma_wait3A_145 = tpu.memref_squeeze %dma_wait3A_144 : memref<1x128xi32, #tpu.memory_space<vmem>> -> memref<128xi32, #tpu.memory_space<vmem>>
      %dma_wait3A_146 = arith.constant 0 : i32
      %dma_wait3A_147 = arith.constant 0 : i32
      %dma_wait3A_148 = tpu.memref_slice %arg10[%dma_wait3A_146, %dma_wait3A_147] : memref<10240x128xf32, #tpu.memory_space<vmem_shared>> -> memref<10240x128xf32, #tpu.memory_space<vmem_shared>>
      tpu.wait_indirect_dma semaphore(%run_scoped3A_128 : memref<!tpu.dma_semaphore, #tpu.memory_space<semaphore_mem>>) src(%dma_wait3A_142 : memref<128x128xf32, #tpu.memory_space<vmem>>) dst(%dma_wait3A_148 : memref<10240x128xf32, #tpu.memory_space<vmem_shared>>)
      tpu.yield
    }) : () -> ()
    %dma_wait3A_47 = arith.constant 39 : i32
    %dma_wait3A_48 = arith.constant 1 : i32
    %dma_wait3A_49 = arith.constant 0 : i32
    %dma_wait3A_50 = arith.constant 0 : i32
    %dma_wait3A_51 = tpu.memref_slice %arg9[%dma_wait3A_48, %dma_wait3A_49, %dma_wait3A_50] : memref<2x128x128xf32, #tpu.memory_space<vmem>> -> memref<1x128x128xf32, #tpu.memory_space<vmem>>
    %dma_wait3A_52 = tpu.memref_squeeze %dma_wait3A_51 : memref<1x128x128xf32, #tpu.memory_space<vmem>> -> memref<128x128xf32, #tpu.memory_space<vmem>>
    %dma_wait3A_53 = arith.constant 0 : i32
    %dma_wait3A_54 = tpu.memref_slice %arg7[%dma_wait3A_47, %dma_wait3A_53] : memref<40x128xi32, #tpu.memory_space<vmem>> -> memref<1x128xi32, #tpu.memory_space<vmem>>
    %dma_wait3A_55 = tpu.memref_squeeze %dma_wait3A_54 : memref<1x128xi32, #tpu.memory_space<vmem>> -> memref<128xi32, #tpu.memory_space<vmem>>
    %dma_wait3A_56 = arith.constant 0 : i32
    %dma_wait3A_57 = arith.constant 0 : i32
    %dma_wait3A_58 = tpu.memref_slice %arg2[%dma_wait3A_56, %dma_wait3A_57] : memref<10240x128xf32, #tpu.memory_space<hbm>> -> memref<10240x128xf32, #tpu.memory_space<hbm>>
    tpu.wait_indirect_dma semaphore(%arg12 : memref<!tpu.dma_semaphore, #tpu.memory_space<semaphore_mem>>) src(%dma_wait3A_58 : memref<10240x128xf32, #tpu.memory_space<hbm>>) dst(%dma_wait3A_52 : memref<128x128xf32, #tpu.memory_space<vmem>>)
    %run_scoped3A_59 = arith.constant 1 : i32
    %run_scoped3A_60 = arith.constant 39 : i32
    "tpu.region"() ({
      %run_scoped3A_128 = tpu.sem_alloc : memref<!tpu.dma_semaphore, #tpu.memory_space<semaphore_mem>>
      %dma_start3A_129 = arith.constant 0 : i32
      %dma_start3A_130 = arith.constant 0 : i32
      %dma_start3A_131 = tpu.memref_slice %arg9[%run_scoped3A_59, %dma_start3A_129, %dma_start3A_130] : memref<2x128x128xf32, #tpu.memory_space<vmem>> -> memref<1x128x128xf32, #tpu.memory_space<vmem>>
      %dma_start3A_132 = tpu.memref_squeeze %dma_start3A_131 : memref<1x128x128xf32, #tpu.memory_space<vmem>> -> memref<128x128xf32, #tpu.memory_space<vmem>>
      %dma_start3A_133 = arith.constant 0 : i32
      %dma_start3A_134 = tpu.memref_slice %arg8[%run_scoped3A_60, %dma_start3A_133] : memref<40x128xi32, #tpu.memory_space<vmem>> -> memref<1x128xi32, #tpu.memory_space<vmem>>
      %dma_start3A_135 = tpu.memref_squeeze %dma_start3A_134 : memref<1x128xi32, #tpu.memory_space<vmem>> -> memref<128xi32, #tpu.memory_space<vmem>>
      %dma_start3A_136 = arith.constant 0 : i32
      %dma_start3A_137 = arith.constant 0 : i32
      %dma_start3A_138 = tpu.memref_slice %arg10[%dma_start3A_136, %dma_start3A_137] : memref<10240x128xf32, #tpu.memory_space<vmem_shared>> -> memref<10240x128xf32, #tpu.memory_space<vmem_shared>>
      tpu.enqueue_indirect_dma source(%dma_start3A_132 : memref<128x128xf32, #tpu.memory_space<vmem>>) target(%dma_start3A_138 : memref<10240x128xf32, #tpu.memory_space<vmem_shared>>) offsets(%dma_start3A_135 : memref<128xi32, #tpu.memory_space<vmem>>) semaphore(%run_scoped3A_128 : memref<!tpu.dma_semaphore, #tpu.memory_space<semaphore_mem>>) {add = true}
      %dma_wait3A_139 = arith.constant 0 : i32
      %dma_wait3A_140 = arith.constant 0 : i32
      %dma_wait3A_141 = tpu.memref_slice %arg9[%run_scoped3A_59, %dma_wait3A_139, %dma_wait3A_140] : memref<2x128x128xf32, #tpu.memory_space<vmem>> -> memref<1x128x128xf32, #tpu.memory_space<vmem>>
      %dma_wait3A_142 = tpu.memref_squeeze %dma_wait3A_141 : memref<1x128x128xf32, #tpu.memory_space<vmem>> -> memref<128x128xf32, #tpu.memory_space<vmem>>
      %dma_wait3A_143 = arith.constant 0 : i32
      %dma_wait3A_144 = tpu.memref_slice %arg8[%run_scoped3A_60, %dma_wait3A_143] : memref<40x128xi32, #tpu.memory_space<vmem>> -> memref<1x128xi32, #tpu.memory_space<vmem>>
      %dma_wait3A_145 = tpu.memref_squeeze %dma_wait3A_144 : memref<1x128xi32, #tpu.memory_space<vmem>> -> memref<128xi32, #tpu.memory_space<vmem>>
      %dma_wait3A_146 = arith.constant 0 : i32
      %dma_wait3A_147 = arith.constant 0 : i32
      %dma_wait3A_148 = tpu.memref_slice %arg10[%dma_wait3A_146, %dma_wait3A_147] : memref<10240x128xf32, #tpu.memory_space<vmem_shared>> -> memref<10240x128xf32, #tpu.memory_space<vmem_shared>>
      tpu.wait_indirect_dma semaphore(%run_scoped3A_128 : memref<!tpu.dma_semaphore, #tpu.memory_space<semaphore_mem>>) src(%dma_wait3A_142 : memref<128x128xf32, #tpu.memory_space<vmem>>) dst(%dma_wait3A_148 : memref<10240x128xf32, #tpu.memory_space<vmem_shared>>)
      tpu.yield
    }) : () -> ()
    %mul3A_61 = arith.constant 80 : i32
    %mul3A_62 = arith.muli %add3A, %mul3A_61 : i32
    %add3A_63 = arith.constant 40 : i32
    %add3A_64 = arith.addi %mul3A_62, %add3A_63 : i32
    "tpu.region"() ({
      %run_scoped3A_128 = tpu.sem_alloc : memref<!tpu.dma_semaphore, #tpu.memory_space<semaphore_mem>>
      %dma_start3A_129 = arith.constant 0 : i32
      %dma_start3A_130 = tpu.memref_slice %arg3[%add3A_64, %dma_start3A_129] : memref<2560x128xi32, #tpu.memory_space<hbm>> -> memref<40x128xi32, #tpu.memory_space<hbm>>
      %dma_start3A_131 = arith.constant 0 : i32
      %dma_start3A_132 = tpu.memref_slice %arg3[%add3A_64, %dma_start3A_131] : memref<2560x128xi32, #tpu.memory_space<hbm>> -> memref<40x128xi32, #tpu.memory_space<hbm>>
      tpu.enqueue_dma source(%dma_start3A_132 : memref<40x128xi32, #tpu.memory_space<hbm>>) target(%arg7 : memref<40x128xi32, #tpu.memory_space<vmem>>) target_semaphore(%run_scoped3A_128 : memref<!tpu.dma_semaphore, #tpu.memory_space<semaphore_mem>>)
      %dma_wait3A_133 = arith.constant 0 : i32
      %dma_wait3A_134 = tpu.memref_slice %arg3[%add3A_64, %dma_wait3A_133] : memref<2560x128xi32, #tpu.memory_space<hbm>> -> memref<40x128xi32, #tpu.memory_space<hbm>>
      %dma_wait3A_135 = arith.constant 0 : i32
      %dma_wait3A_136 = tpu.memref_slice %arg3[%add3A_64, %dma_wait3A_135] : memref<2560x128xi32, #tpu.memory_space<hbm>> -> memref<40x128xi32, #tpu.memory_space<hbm>>
      tpu.wait_dma2 semaphore(%run_scoped3A_128 : memref<!tpu.dma_semaphore, #tpu.memory_space<semaphore_mem>>) src(%dma_wait3A_136 : memref<40x128xi32, #tpu.memory_space<hbm>>) dst(%arg7 : memref<40x128xi32, #tpu.memory_space<vmem>>)
      tpu.yield
    }) : () -> ()
    "tpu.region"() ({
      %run_scoped3A_128 = tpu.sem_alloc : memref<!tpu.dma_semaphore, #tpu.memory_space<semaphore_mem>>
      %dma_start3A_129 = arith.constant 0 : i32
      %dma_start3A_130 = tpu.memref_slice %arg4[%add3A_64, %dma_start3A_129] : memref<2560x128xi32, #tpu.memory_space<hbm>> -> memref<40x128xi32, #tpu.memory_space<hbm>>
      %dma_start3A_131 = arith.constant 0 : i32
      %dma_start3A_132 = tpu.memref_slice %arg4[%add3A_64, %dma_start3A_131] : memref<2560x128xi32, #tpu.memory_space<hbm>> -> memref<40x128xi32, #tpu.memory_space<hbm>>
      tpu.enqueue_dma source(%dma_start3A_132 : memref<40x128xi32, #tpu.memory_space<hbm>>) target(%arg8 : memref<40x128xi32, #tpu.memory_space<vmem>>) target_semaphore(%run_scoped3A_128 : memref<!tpu.dma_semaphore, #tpu.memory_space<semaphore_mem>>)
      %dma_wait3A_133 = arith.constant 0 : i32
      %dma_wait3A_134 = tpu.memref_slice %arg4[%add3A_64, %dma_wait3A_133] : memref<2560x128xi32, #tpu.memory_space<hbm>> -> memref<40x128xi32, #tpu.memory_space<hbm>>
      %dma_wait3A_135 = arith.constant 0 : i32
      %dma_wait3A_136 = tpu.memref_slice %arg4[%add3A_64, %dma_wait3A_135] : memref<2560x128xi32, #tpu.memory_space<hbm>> -> memref<40x128xi32, #tpu.memory_space<hbm>>
      tpu.wait_dma2 semaphore(%run_scoped3A_128 : memref<!tpu.dma_semaphore, #tpu.memory_space<semaphore_mem>>) src(%dma_wait3A_136 : memref<40x128xi32, #tpu.memory_space<hbm>>) dst(%arg8 : memref<40x128xi32, #tpu.memory_space<vmem>>)
      tpu.yield
    }) : () -> ()
    %dma_start3A_65 = arith.constant 0 : i32
    %dma_start3A_66 = arith.constant 0 : i32
    %dma_start3A_67 = arith.constant 0 : i32
    %dma_start3A_68 = arith.constant 0 : i32
    %dma_start3A_69 = tpu.memref_slice %arg9[%dma_start3A_66, %dma_start3A_67, %dma_start3A_68] : memref<2x128x128xf32, #tpu.memory_space<vmem>> -> memref<1x128x128xf32, #tpu.memory_space<vmem>>
    %dma_start3A_70 = tpu.memref_squeeze %dma_start3A_69 : memref<1x128x128xf32, #tpu.memory_space<vmem>> -> memref<128x128xf32, #tpu.memory_space<vmem>>
    %dma_start3A_71 = arith.constant 0 : i32
    %dma_start3A_72 = tpu.memref_slice %arg7[%dma_start3A_65, %dma_start3A_71] : memref<40x128xi32, #tpu.memory_space<vmem>> -> memref<1x128xi32, #tpu.memory_space<vmem>>
    %dma_start3A_73 = tpu.memref_squeeze %dma_start3A_72 : memref<1x128xi32, #tpu.memory_space<vmem>> -> memref<128xi32, #tpu.memory_space<vmem>>
    %dma_start3A_74 = arith.constant 0 : i32
    %dma_start3A_75 = arith.constant 0 : i32
    %dma_start3A_76 = tpu.memref_slice %arg2[%dma_start3A_74, %dma_start3A_75] : memref<10240x128xf32, #tpu.memory_space<hbm>> -> memref<10240x128xf32, #tpu.memory_space<hbm>>
    tpu.enqueue_indirect_dma source(%dma_start3A_76 : memref<10240x128xf32, #tpu.memory_space<hbm>>) target(%dma_start3A_70 : memref<128x128xf32, #tpu.memory_space<vmem>>) offsets(%dma_start3A_73 : memref<128xi32, #tpu.memory_space<vmem>>) semaphore(%arg11 : memref<!tpu.dma_semaphore, #tpu.memory_space<semaphore_mem>>)
    %scan3A_77 = arith.constant 0 : i32
    %scan3A_78 = arith.constant 0 : i32
    %scan3A_79 = arith.constant 19 : i32
    %scan3A_80 = arith.addi %scan3A_78, %scan3A_79 : i32
    %scan3A_81 = arith.constant 1 : i32
    scf.for %scan3A_128 = %scan3A_78 to %scan3A_80 step %scan3A_81  : i32 {
      %mul3A_129 = arith.constant 2 : i32
      %mul3A_130 = arith.muli %mul3A_129, %scan3A_128 : i32
      %add3A_131 = arith.constant 1 : i32
      %add3A_132 = arith.addi %mul3A_130, %add3A_131 : i32
      %dma_start3A_133 = arith.constant 1 : i32
      %dma_start3A_134 = arith.constant 0 : i32
      %dma_start3A_135 = arith.constant 0 : i32
      %dma_start3A_136 = tpu.memref_slice %arg9[%dma_start3A_133, %dma_start3A_134, %dma_start3A_135] : memref<2x128x128xf32, #tpu.memory_space<vmem>> -> memref<1x128x128xf32, #tpu.memory_space<vmem>>
      %dma_start3A_137 = tpu.memref_squeeze %dma_start3A_136 : memref<1x128x128xf32, #tpu.memory_space<vmem>> -> memref<128x128xf32, #tpu.memory_space<vmem>>
      %dma_start3A_138 = arith.constant 0 : i32
      %dma_start3A_139 = tpu.memref_slice %arg7[%add3A_132, %dma_start3A_138] : memref<40x128xi32, #tpu.memory_space<vmem>> -> memref<1x128xi32, #tpu.memory_space<vmem>>
      %dma_start3A_140 = tpu.memref_squeeze %dma_start3A_139 : memref<1x128xi32, #tpu.memory_space<vmem>> -> memref<128xi32, #tpu.memory_space<vmem>>
      %dma_start3A_141 = arith.constant 0 : i32
      %dma_start3A_142 = arith.constant 0 : i32
      %dma_start3A_143 = tpu.memref_slice %arg2[%dma_start3A_141, %dma_start3A_142] : memref<10240x128xf32, #tpu.memory_space<hbm>> -> memref<10240x128xf32, #tpu.memory_space<hbm>>
      tpu.enqueue_indirect_dma source(%dma_start3A_143 : memref<10240x128xf32, #tpu.memory_space<hbm>>) target(%dma_start3A_137 : memref<128x128xf32, #tpu.memory_space<vmem>>) offsets(%dma_start3A_140 : memref<128xi32, #tpu.memory_space<vmem>>) semaphore(%arg12 : memref<!tpu.dma_semaphore, #tpu.memory_space<semaphore_mem>>)
      %dma_wait3A_144 = arith.constant 0 : i32
      %dma_wait3A_145 = arith.constant 0 : i32
      %dma_wait3A_146 = arith.constant 0 : i32
      %dma_wait3A_147 = tpu.memref_slice %arg9[%dma_wait3A_144, %dma_wait3A_145, %dma_wait3A_146] : memref<2x128x128xf32, #tpu.memory_space<vmem>> -> memref<1x128x128xf32, #tpu.memory_space<vmem>>
      %dma_wait3A_148 = tpu.memref_squeeze %dma_wait3A_147 : memref<1x128x128xf32, #tpu.memory_space<vmem>> -> memref<128x128xf32, #tpu.memory_space<vmem>>
      %dma_wait3A_149 = arith.constant 0 : i32
      %dma_wait3A_150 = tpu.memref_slice %arg7[%mul3A_130, %dma_wait3A_149] : memref<40x128xi32, #tpu.memory_space<vmem>> -> memref<1x128xi32, #tpu.memory_space<vmem>>
      %dma_wait3A_151 = tpu.memref_squeeze %dma_wait3A_150 : memref<1x128xi32, #tpu.memory_space<vmem>> -> memref<128xi32, #tpu.memory_space<vmem>>
      %dma_wait3A_152 = arith.constant 0 : i32
      %dma_wait3A_153 = arith.constant 0 : i32
      %dma_wait3A_154 = tpu.memref_slice %arg2[%dma_wait3A_152, %dma_wait3A_153] : memref<10240x128xf32, #tpu.memory_space<hbm>> -> memref<10240x128xf32, #tpu.memory_space<hbm>>
      tpu.wait_indirect_dma semaphore(%arg11 : memref<!tpu.dma_semaphore, #tpu.memory_space<semaphore_mem>>) src(%dma_wait3A_154 : memref<10240x128xf32, #tpu.memory_space<hbm>>) dst(%dma_wait3A_148 : memref<128x128xf32, #tpu.memory_space<vmem>>)
      %run_scoped3A_155 = arith.constant 0 : i32
      "tpu.region"() ({
        %run_scoped3A_185 = tpu.sem_alloc : memref<!tpu.dma_semaphore, #tpu.memory_space<semaphore_mem>>
        %dma_start3A_186 = arith.constant 0 : i32
        %dma_start3A_187 = arith.constant 0 : i32
        %dma_start3A_188 = tpu.memref_slice %arg9[%run_scoped3A_155, %dma_start3A_186, %dma_start3A_187] : memref<2x128x128xf32, #tpu.memory_space<vmem>> -> memref<1x128x128xf32, #tpu.memory_space<vmem>>
        %dma_start3A_189 = tpu.memref_squeeze %dma_start3A_188 : memref<1x128x128xf32, #tpu.memory_space<vmem>> -> memref<128x128xf32, #tpu.memory_space<vmem>>
        %dma_start3A_190 = arith.constant 0 : i32
        %dma_start3A_191 = tpu.memref_slice %arg8[%mul3A_130, %dma_start3A_190] : memref<40x128xi32, #tpu.memory_space<vmem>> -> memref<1x128xi32, #tpu.memory_space<vmem>>
        %dma_start3A_192 = tpu.memref_squeeze %dma_start3A_191 : memref<1x128xi32, #tpu.memory_space<vmem>> -> memref<128xi32, #tpu.memory_space<vmem>>
        %dma_start3A_193 = arith.constant 0 : i32
        %dma_start3A_194 = arith.constant 0 : i32
        %dma_start3A_195 = tpu.memref_slice %arg10[%dma_start3A_193, %dma_start3A_194] : memref<10240x128xf32, #tpu.memory_space<vmem_shared>> -> memref<10240x128xf32, #tpu.memory_space<vmem_shared>>
        tpu.enqueue_indirect_dma source(%dma_start3A_189 : memref<128x128xf32, #tpu.memory_space<vmem>>) target(%dma_start3A_195 : memref<10240x128xf32, #tpu.memory_space<vmem_shared>>) offsets(%dma_start3A_192 : memref<128xi32, #tpu.memory_space<vmem>>) semaphore(%run_scoped3A_185 : memref<!tpu.dma_semaphore, #tpu.memory_space<semaphore_mem>>) {add = true}
        %dma_wait3A_196 = arith.constant 0 : i32
        %dma_wait3A_197 = arith.constant 0 : i32
        %dma_wait3A_198 = tpu.memref_slice %arg9[%run_scoped3A_155, %dma_wait3A_196, %dma_wait3A_197] : memref<2x128x128xf32, #tpu.memory_space<vmem>> -> memref<1x128x128xf32, #tpu.memory_space<vmem>>
        %dma_wait3A_199 = tpu.memref_squeeze %dma_wait3A_198 : memref<1x128x128xf32, #tpu.memory_space<vmem>> -> memref<128x128xf32, #tpu.memory_space<vmem>>
        %dma_wait3A_200 = arith.constant 0 : i32
        %dma_wait3A_201 = tpu.memref_slice %arg8[%mul3A_130, %dma_wait3A_200] : memref<40x128xi32, #tpu.memory_space<vmem>> -> memref<1x128xi32, #tpu.memory_space<vmem>>
        %dma_wait3A_202 = tpu.memref_squeeze %dma_wait3A_201 : memref<1x128xi32, #tpu.memory_space<vmem>> -> memref<128xi32, #tpu.memory_space<vmem>>
        %dma_wait3A_203 = arith.constant 0 : i32
        %dma_wait3A_204 = arith.constant 0 : i32
        %dma_wait3A_205 = tpu.memref_slice %arg10[%dma_wait3A_203, %dma_wait3A_204] : memref<10240x128xf32, #tpu.memory_space<vmem_shared>> -> memref<10240x128xf32, #tpu.memory_space<vmem_shared>>
        tpu.wait_indirect_dma semaphore(%run_scoped3A_185 : memref<!tpu.dma_semaphore, #tpu.memory_space<semaphore_mem>>) src(%dma_wait3A_199 : memref<128x128xf32, #tpu.memory_space<vmem>>) dst(%dma_wait3A_205 : memref<10240x128xf32, #tpu.memory_space<vmem_shared>>)
        tpu.yield
      }) : () -> ()
      %add3A_156 = arith.constant 2 : i32
      %add3A_157 = arith.addi %mul3A_130, %add3A_156 : i32
      %dma_start3A_158 = arith.constant 0 : i32
      %dma_start3A_159 = arith.constant 0 : i32
      %dma_start3A_160 = arith.constant 0 : i32
      %dma_start3A_161 = tpu.memref_slice %arg9[%dma_start3A_158, %dma_start3A_159, %dma_start3A_160] : memref<2x128x128xf32, #tpu.memory_space<vmem>> -> memref<1x128x128xf32, #tpu.memory_space<vmem>>
      %dma_start3A_162 = tpu.memref_squeeze %dma_start3A_161 : memref<1x128x128xf32, #tpu.memory_space<vmem>> -> memref<128x128xf32, #tpu.memory_space<vmem>>
      %dma_start3A_163 = arith.constant 0 : i32
      %dma_start3A_164 = tpu.memref_slice %arg7[%add3A_157, %dma_start3A_163] : memref<40x128xi32, #tpu.memory_space<vmem>> -> memref<1x128xi32, #tpu.memory_space<vmem>>
      %dma_start3A_165 = tpu.memref_squeeze %dma_start3A_164 : memref<1x128xi32, #tpu.memory_space<vmem>> -> memref<128xi32, #tpu.memory_space<vmem>>
      %dma_start3A_166 = arith.constant 0 : i32
      %dma_start3A_167 = arith.constant 0 : i32
      %dma_start3A_168 = tpu.memref_slice %arg2[%dma_start3A_166, %dma_start3A_167] : memref<10240x128xf32, #tpu.memory_space<hbm>> -> memref<10240x128xf32, #tpu.memory_space<hbm>>
      tpu.enqueue_indirect_dma source(%dma_start3A_168 : memref<10240x128xf32, #tpu.memory_space<hbm>>) target(%dma_start3A_162 : memref<128x128xf32, #tpu.memory_space<vmem>>) offsets(%dma_start3A_165 : memref<128xi32, #tpu.memory_space<vmem>>) semaphore(%arg11 : memref<!tpu.dma_semaphore, #tpu.memory_space<semaphore_mem>>)
      %add3A_169 = arith.constant 1 : i32
      %add3A_170 = arith.addi %mul3A_130, %add3A_169 : i32
      %dma_wait3A_171 = arith.constant 1 : i32
      %dma_wait3A_172 = arith.constant 0 : i32
      %dma_wait3A_173 = arith.constant 0 : i32
      %dma_wait3A_174 = tpu.memref_slice %arg9[%dma_wait3A_171, %dma_wait3A_172, %dma_wait3A_173] : memref<2x128x128xf32, #tpu.memory_space<vmem>> -> memref<1x128x128xf32, #tpu.memory_space<vmem>>
      %dma_wait3A_175 = tpu.memref_squeeze %dma_wait3A_174 : memref<1x128x128xf32, #tpu.memory_space<vmem>> -> memref<128x128xf32, #tpu.memory_space<vmem>>
      %dma_wait3A_176 = arith.constant 0 : i32
      %dma_wait3A_177 = tpu.memref_slice %arg7[%add3A_170, %dma_wait3A_176] : memref<40x128xi32, #tpu.memory_space<vmem>> -> memref<1x128xi32, #tpu.memory_space<vmem>>
      %dma_wait3A_178 = tpu.memref_squeeze %dma_wait3A_177 : memref<1x128xi32, #tpu.memory_space<vmem>> -> memref<128xi32, #tpu.memory_space<vmem>>
      %dma_wait3A_179 = arith.constant 0 : i32
      %dma_wait3A_180 = arith.constant 0 : i32
      %dma_wait3A_181 = tpu.memref_slice %arg2[%dma_wait3A_179, %dma_wait3A_180] : memref<10240x128xf32, #tpu.memory_space<hbm>> -> memref<10240x128xf32, #tpu.memory_space<hbm>>
      tpu.wait_indirect_dma semaphore(%arg12 : memref<!tpu.dma_semaphore, #tpu.memory_space<semaphore_mem>>) src(%dma_wait3A_181 : memref<10240x128xf32, #tpu.memory_space<hbm>>) dst(%dma_wait3A_175 : memref<128x128xf32, #tpu.memory_space<vmem>>)
      %add3A_182 = arith.constant 1 : i32
      %add3A_183 = arith.addi %mul3A_130, %add3A_182 : i32
      %run_scoped3A_184 = arith.constant 1 : i32
      "tpu.region"() ({
        %run_scoped3A_185 = tpu.sem_alloc : memref<!tpu.dma_semaphore, #tpu.memory_space<semaphore_mem>>
        %dma_start3A_186 = arith.constant 0 : i32
        %dma_start3A_187 = arith.constant 0 : i32
        %dma_start3A_188 = tpu.memref_slice %arg9[%run_scoped3A_184, %dma_start3A_186, %dma_start3A_187] : memref<2x128x128xf32, #tpu.memory_space<vmem>> -> memref<1x128x128xf32, #tpu.memory_space<vmem>>
        %dma_start3A_189 = tpu.memref_squeeze %dma_start3A_188 : memref<1x128x128xf32, #tpu.memory_space<vmem>> -> memref<128x128xf32, #tpu.memory_space<vmem>>
        %dma_start3A_190 = arith.constant 0 : i32
        %dma_start3A_191 = tpu.memref_slice %arg8[%add3A_183, %dma_start3A_190] : memref<40x128xi32, #tpu.memory_space<vmem>> -> memref<1x128xi32, #tpu.memory_space<vmem>>
        %dma_start3A_192 = tpu.memref_squeeze %dma_start3A_191 : memref<1x128xi32, #tpu.memory_space<vmem>> -> memref<128xi32, #tpu.memory_space<vmem>>
        %dma_start3A_193 = arith.constant 0 : i32
        %dma_start3A_194 = arith.constant 0 : i32
        %dma_start3A_195 = tpu.memref_slice %arg10[%dma_start3A_193, %dma_start3A_194] : memref<10240x128xf32, #tpu.memory_space<vmem_shared>> -> memref<10240x128xf32, #tpu.memory_space<vmem_shared>>
        tpu.enqueue_indirect_dma source(%dma_start3A_189 : memref<128x128xf32, #tpu.memory_space<vmem>>) target(%dma_start3A_195 : memref<10240x128xf32, #tpu.memory_space<vmem_shared>>) offsets(%dma_start3A_192 : memref<128xi32, #tpu.memory_space<vmem>>) semaphore(%run_scoped3A_185 : memref<!tpu.dma_semaphore, #tpu.memory_space<semaphore_mem>>) {add = true}
        %dma_wait3A_196 = arith.constant 0 : i32
        %dma_wait3A_197 = arith.constant 0 : i32
        %dma_wait3A_198 = tpu.memref_slice %arg9[%run_scoped3A_184, %dma_wait3A_196, %dma_wait3A_197] : memref<2x128x128xf32, #tpu.memory_space<vmem>> -> memref<1x128x128xf32, #tpu.memory_space<vmem>>
        %dma_wait3A_199 = tpu.memref_squeeze %dma_wait3A_198 : memref<1x128x128xf32, #tpu.memory_space<vmem>> -> memref<128x128xf32, #tpu.memory_space<vmem>>
        %dma_wait3A_200 = arith.constant 0 : i32
        %dma_wait3A_201 = tpu.memref_slice %arg8[%add3A_183, %dma_wait3A_200] : memref<40x128xi32, #tpu.memory_space<vmem>> -> memref<1x128xi32, #tpu.memory_space<vmem>>
        %dma_wait3A_202 = tpu.memref_squeeze %dma_wait3A_201 : memref<1x128xi32, #tpu.memory_space<vmem>> -> memref<128xi32, #tpu.memory_space<vmem>>
        %dma_wait3A_203 = arith.constant 0 : i32
        %dma_wait3A_204 = arith.constant 0 : i32
        %dma_wait3A_205 = tpu.memref_slice %arg10[%dma_wait3A_203, %dma_wait3A_204] : memref<10240x128xf32, #tpu.memory_space<vmem_shared>> -> memref<10240x128xf32, #tpu.memory_space<vmem_shared>>
        tpu.wait_indirect_dma semaphore(%run_scoped3A_185 : memref<!tpu.dma_semaphore, #tpu.memory_space<semaphore_mem>>) src(%dma_wait3A_199 : memref<128x128xf32, #tpu.memory_space<vmem>>) dst(%dma_wait3A_205 : memref<10240x128xf32, #tpu.memory_space<vmem_shared>>)
        tpu.yield
      }) : () -> ()
    }
    %scan3A_82 = arith.constant 19 : i32
    %dma_start3A_83 = arith.constant 39 : i32
    %dma_start3A_84 = arith.constant 1 : i32
    %dma_start3A_85 = arith.constant 0 : i32
    %dma_start3A_86 = arith.constant 0 : i32
    %dma_start3A_87 = tpu.memref_slice %arg9[%dma_start3A_84, %dma_start3A_85, %dma_start3A_86] : memref<2x128x128xf32, #tpu.memory_space<vmem>> -> memref<1x128x128xf32, #tpu.memory_space<vmem>>
    %dma_start3A_88 = tpu.memref_squeeze %dma_start3A_87 : memref<1x128x128xf32, #tpu.memory_space<vmem>> -> memref<128x128xf32, #tpu.memory_space<vmem>>
    %dma_start3A_89 = arith.constant 0 : i32
    %dma_start3A_90 = tpu.memref_slice %arg7[%dma_start3A_83, %dma_start3A_89] : memref<40x128xi32, #tpu.memory_space<vmem>> -> memref<1x128xi32, #tpu.memory_space<vmem>>
    %dma_start3A_91 = tpu.memref_squeeze %dma_start3A_90 : memref<1x128xi32, #tpu.memory_space<vmem>> -> memref<128xi32, #tpu.memory_space<vmem>>
    %dma_start3A_92 = arith.constant 0 : i32
    %dma_start3A_93 = arith.constant 0 : i32
    %dma_start3A_94 = tpu.memref_slice %arg2[%dma_start3A_92, %dma_start3A_93] : memref<10240x128xf32, #tpu.memory_space<hbm>> -> memref<10240x128xf32, #tpu.memory_space<hbm>>
    tpu.enqueue_indirect_dma source(%dma_start3A_94 : memref<10240x128xf32, #tpu.memory_space<hbm>>) target(%dma_start3A_88 : memref<128x128xf32, #tpu.memory_space<vmem>>) offsets(%dma_start3A_91 : memref<128xi32, #tpu.memory_space<vmem>>) semaphore(%arg12 : memref<!tpu.dma_semaphore, #tpu.memory_space<semaphore_mem>>)
    %dma_wait3A_95 = arith.constant 38 : i32
    %dma_wait3A_96 = arith.constant 0 : i32
    %dma_wait3A_97 = arith.constant 0 : i32
    %dma_wait3A_98 = arith.constant 0 : i32
    %dma_wait3A_99 = tpu.memref_slice %arg9[%dma_wait3A_96, %dma_wait3A_97, %dma_wait3A_98] : memref<2x128x128xf32, #tpu.memory_space<vmem>> -> memref<1x128x128xf32, #tpu.memory_space<vmem>>
    %dma_wait3A_100 = tpu.memref_squeeze %dma_wait3A_99 : memref<1x128x128xf32, #tpu.memory_space<vmem>> -> memref<128x128xf32, #tpu.memory_space<vmem>>
    %dma_wait3A_101 = arith.constant 0 : i32
    %dma_wait3A_102 = tpu.memref_slice %arg7[%dma_wait3A_95, %dma_wait3A_101] : memref<40x128xi32, #tpu.memory_space<vmem>> -> memref<1x128xi32, #tpu.memory_space<vmem>>
    %dma_wait3A_103 = tpu.memref_squeeze %dma_wait3A_102 : memref<1x128xi32, #tpu.memory_space<vmem>> -> memref<128xi32, #tpu.memory_space<vmem>>
    %dma_wait3A_104 = arith.constant 0 : i32
    %dma_wait3A_105 = arith.constant 0 : i32
    %dma_wait3A_106 = tpu.memref_slice %arg2[%dma_wait3A_104, %dma_wait3A_105] : memref<10240x128xf32, #tpu.memory_space<hbm>> -> memref<10240x128xf32, #tpu.memory_space<hbm>>
    tpu.wait_indirect_dma semaphore(%arg11 : memref<!tpu.dma_semaphore, #tpu.memory_space<semaphore_mem>>) src(%dma_wait3A_106 : memref<10240x128xf32, #tpu.memory_space<hbm>>) dst(%dma_wait3A_100 : memref<128x128xf32, #tpu.memory_space<vmem>>)
    %run_scoped3A_107 = arith.constant 0 : i32
    %run_scoped3A_108 = arith.constant 38 : i32
    "tpu.region"() ({
      %run_scoped3A_128 = tpu.sem_alloc : memref<!tpu.dma_semaphore, #tpu.memory_space<semaphore_mem>>
      %dma_start3A_129 = arith.constant 0 : i32
      %dma_start3A_130 = arith.constant 0 : i32
      %dma_start3A_131 = tpu.memref_slice %arg9[%run_scoped3A_107, %dma_start3A_129, %dma_start3A_130] : memref<2x128x128xf32, #tpu.memory_space<vmem>> -> memref<1x128x128xf32, #tpu.memory_space<vmem>>
      %dma_start3A_132 = tpu.memref_squeeze %dma_start3A_131 : memref<1x128x128xf32, #tpu.memory_space<vmem>> -> memref<128x128xf32, #tpu.memory_space<vmem>>
      %dma_start3A_133 = arith.constant 0 : i32
      %dma_start3A_134 = tpu.memref_slice %arg8[%run_scoped3A_108, %dma_start3A_133] : memref<40x128xi32, #tpu.memory_space<vmem>> -> memref<1x128xi32, #tpu.memory_space<vmem>>
      %dma_start3A_135 = tpu.memref_squeeze %dma_start3A_134 : memref<1x128xi32, #tpu.memory_space<vmem>> -> memref<128xi32, #tpu.memory_space<vmem>>
      %dma_start3A_136 = arith.constant 0 : i32
      %dma_start3A_137 = arith.constant 0 : i32
      %dma_start3A_138 = tpu.memref_slice %arg10[%dma_start3A_136, %dma_start3A_137] : memref<10240x128xf32, #tpu.memory_space<vmem_shared>> -> memref<10240x128xf32, #tpu.memory_space<vmem_shared>>
      tpu.enqueue_indirect_dma source(%dma_start3A_132 : memref<128x128xf32, #tpu.memory_space<vmem>>) target(%dma_start3A_138 : memref<10240x128xf32, #tpu.memory_space<vmem_shared>>) offsets(%dma_start3A_135 : memref<128xi32, #tpu.memory_space<vmem>>) semaphore(%run_scoped3A_128 : memref<!tpu.dma_semaphore, #tpu.memory_space<semaphore_mem>>) {add = true}
      %dma_wait3A_139 = arith.constant 0 : i32
      %dma_wait3A_140 = arith.constant 0 : i32
      %dma_wait3A_141 = tpu.memref_slice %arg9[%run_scoped3A_107, %dma_wait3A_139, %dma_wait3A_140] : memref<2x128x128xf32, #tpu.memory_space<vmem>> -> memref<1x128x128xf32, #tpu.memory_space<vmem>>
      %dma_wait3A_142 = tpu.memref_squeeze %dma_wait3A_141 : memref<1x128x128xf32, #tpu.memory_space<vmem>> -> memref<128x128xf32, #tpu.memory_space<vmem>>
      %dma_wait3A_143 = arith.constant 0 : i32
      %dma_wait3A_144 = tpu.memref_slice %arg8[%run_scoped3A_108, %dma_wait3A_143] : memref<40x128xi32, #tpu.memory_space<vmem>> -> memref<1x128xi32, #tpu.memory_space<vmem>>
      %dma_wait3A_145 = tpu.memref_squeeze %dma_wait3A_144 : memref<1x128xi32, #tpu.memory_space<vmem>> -> memref<128xi32, #tpu.memory_space<vmem>>
      %dma_wait3A_146 = arith.constant 0 : i32
      %dma_wait3A_147 = arith.constant 0 : i32
      %dma_wait3A_148 = tpu.memref_slice %arg10[%dma_wait3A_146, %dma_wait3A_147] : memref<10240x128xf32, #tpu.memory_space<vmem_shared>> -> memref<10240x128xf32, #tpu.memory_space<vmem_shared>>
      tpu.wait_indirect_dma semaphore(%run_scoped3A_128 : memref<!tpu.dma_semaphore, #tpu.memory_space<semaphore_mem>>) src(%dma_wait3A_142 : memref<128x128xf32, #tpu.memory_space<vmem>>) dst(%dma_wait3A_148 : memref<10240x128xf32, #tpu.memory_space<vmem_shared>>)
      tpu.yield
    }) : () -> ()
    %dma_wait3A_109 = arith.constant 39 : i32
    %dma_wait3A_110 = arith.constant 1 : i32
    %dma_wait3A_111 = arith.constant 0 : i32
    %dma_wait3A_112 = arith.constant 0 : i32
    %dma_wait3A_113 = tpu.memref_slice %arg9[%dma_wait3A_110, %dma_wait3A_111, %dma_wait3A_112] : memref<2x128x128xf32, #tpu.memory_space<vmem>> -> memref<1x128x128xf32, #tpu.memory_space<vmem>>
    %dma_wait3A_114 = tpu.memref_squeeze %dma_wait3A_113 : memref<1x128x128xf32, #tpu.memory_space<vmem>> -> memref<128x128xf32, #tpu.memory_space<vmem>>
    %dma_wait3A_115 = arith.constant 0 : i32
    %dma_wait3A_116 = tpu.memref_slice %arg7[%dma_wait3A_109, %dma_wait3A_115] : memref<40x128xi32, #tpu.memory_space<vmem>> -> memref<1x128xi32, #tpu.memory_space<vmem>>
    %dma_wait3A_117 = tpu.memref_squeeze %dma_wait3A_116 : memref<1x128xi32, #tpu.memory_space<vmem>> -> memref<128xi32, #tpu.memory_space<vmem>>
    %dma_wait3A_118 = arith.constant 0 : i32
    %dma_wait3A_119 = arith.constant 0 : i32
    %dma_wait3A_120 = tpu.memref_slice %arg2[%dma_wait3A_118, %dma_wait3A_119] : memref<10240x128xf32, #tpu.memory_space<hbm>> -> memref<10240x128xf32, #tpu.memory_space<hbm>>
    tpu.wait_indirect_dma semaphore(%arg12 : memref<!tpu.dma_semaphore, #tpu.memory_space<semaphore_mem>>) src(%dma_wait3A_120 : memref<10240x128xf32, #tpu.memory_space<hbm>>) dst(%dma_wait3A_114 : memref<128x128xf32, #tpu.memory_space<vmem>>)
    %run_scoped3A_121 = arith.constant 1 : i32
    %run_scoped3A_122 = arith.constant 39 : i32
    "tpu.region"() ({
      %run_scoped3A_128 = tpu.sem_alloc : memref<!tpu.dma_semaphore, #tpu.memory_space<semaphore_mem>>
      %dma_start3A_129 = arith.constant 0 : i32
      %dma_start3A_130 = arith.constant 0 : i32
      %dma_start3A_131 = tpu.memref_slice %arg9[%run_scoped3A_121, %dma_start3A_129, %dma_start3A_130] : memref<2x128x128xf32, #tpu.memory_space<vmem>> -> memref<1x128x128xf32, #tpu.memory_space<vmem>>
      %dma_start3A_132 = tpu.memref_squeeze %dma_start3A_131 : memref<1x128x128xf32, #tpu.memory_space<vmem>> -> memref<128x128xf32, #tpu.memory_space<vmem>>
      %dma_start3A_133 = arith.constant 0 : i32
      %dma_start3A_134 = tpu.memref_slice %arg8[%run_scoped3A_122, %dma_start3A_133] : memref<40x128xi32, #tpu.memory_space<vmem>> -> memref<1x128xi32, #tpu.memory_space<vmem>>
      %dma_start3A_135 = tpu.memref_squeeze %dma_start3A_134 : memref<1x128xi32, #tpu.memory_space<vmem>> -> memref<128xi32, #tpu.memory_space<vmem>>
      %dma_start3A_136 = arith.constant 0 : i32
      %dma_start3A_137 = arith.constant 0 : i32
      %dma_start3A_138 = tpu.memref_slice %arg10[%dma_start3A_136, %dma_start3A_137] : memref<10240x128xf32, #tpu.memory_space<vmem_shared>> -> memref<10240x128xf32, #tpu.memory_space<vmem_shared>>
      tpu.enqueue_indirect_dma source(%dma_start3A_132 : memref<128x128xf32, #tpu.memory_space<vmem>>) target(%dma_start3A_138 : memref<10240x128xf32, #tpu.memory_space<vmem_shared>>) offsets(%dma_start3A_135 : memref<128xi32, #tpu.memory_space<vmem>>) semaphore(%run_scoped3A_128 : memref<!tpu.dma_semaphore, #tpu.memory_space<semaphore_mem>>) {add = true}
      %dma_wait3A_139 = arith.constant 0 : i32
      %dma_wait3A_140 = arith.constant 0 : i32
      %dma_wait3A_141 = tpu.memref_slice %arg9[%run_scoped3A_121, %dma_wait3A_139, %dma_wait3A_140] : memref<2x128x128xf32, #tpu.memory_space<vmem>> -> memref<1x128x128xf32, #tpu.memory_space<vmem>>
      %dma_wait3A_142 = tpu.memref_squeeze %dma_wait3A_141 : memref<1x128x128xf32, #tpu.memory_space<vmem>> -> memref<128x128xf32, #tpu.memory_space<vmem>>
      %dma_wait3A_143 = arith.constant 0 : i32
      %dma_wait3A_144 = tpu.memref_slice %arg8[%run_scoped3A_122, %dma_wait3A_143] : memref<40x128xi32, #tpu.memory_space<vmem>> -> memref<1x128xi32, #tpu.memory_space<vmem>>
      %dma_wait3A_145 = tpu.memref_squeeze %dma_wait3A_144 : memref<1x128xi32, #tpu.memory_space<vmem>> -> memref<128xi32, #tpu.memory_space<vmem>>
      %dma_wait3A_146 = arith.constant 0 : i32
      %dma_wait3A_147 = arith.constant 0 : i32
      %dma_wait3A_148 = tpu.memref_slice %arg10[%dma_wait3A_146, %dma_wait3A_147] : memref<10240x128xf32, #tpu.memory_space<vmem_shared>> -> memref<10240x128xf32, #tpu.memory_space<vmem_shared>>
      tpu.wait_indirect_dma semaphore(%run_scoped3A_128 : memref<!tpu.dma_semaphore, #tpu.memory_space<semaphore_mem>>) src(%dma_wait3A_142 : memref<128x128xf32, #tpu.memory_space<vmem>>) dst(%dma_wait3A_148 : memref<10240x128xf32, #tpu.memory_space<vmem_shared>>)
      tpu.yield
    }) : () -> ()
    %barrier3A_123 = arith.constant 0 : index
    tpu.barrier barrier_id(%barrier3A_123)
    %mul3A_124 = arith.constant 640 : i32
    %mul3A_125 = arith.muli %arg1, %mul3A_124 : i32
    %mul3A_126 = arith.constant 640 : i32
    %mul3A_127 = arith.muli %arg1, %mul3A_126 : i32
    "tpu.region"() ({
      %run_scoped3A_128 = tpu.sem_alloc : memref<!tpu.dma_semaphore, #tpu.memory_space<semaphore_mem>>
      %dma_start3A_129 = arith.constant 0 : i32
      %dma_start3A_130 = arith.constant 0 : i32
      %dma_start3A_131 = tpu.memref_slice %arg6[%arg0, %dma_start3A_129, %dma_start3A_130] : memref<2x10240x128xf32, #tpu.memory_space<hbm>> -> memref<1x10240x128xf32, #tpu.memory_space<hbm>>
      %dma_start3A_132 = tpu.memref_squeeze %dma_start3A_131 : memref<1x10240x128xf32, #tpu.memory_space<hbm>> -> memref<10240x128xf32, #tpu.memory_space<hbm>>
      %dma_start3A_133 = arith.constant 0 : i32
      %dma_start3A_134 = tpu.memref_slice %dma_start3A_132[%mul3A_127, %dma_start3A_133] : memref<10240x128xf32, #tpu.memory_space<hbm>> -> memref<640x128xf32, #tpu.memory_space<hbm>>
      %dma_start3A_135 = arith.constant 0 : i32
      %dma_start3A_136 = tpu.memref_slice %arg10[%mul3A_125, %dma_start3A_135] : memref<10240x128xf32, #tpu.memory_space<vmem_shared>> -> memref<640x128xf32, #tpu.memory_space<vmem_shared>>
      tpu.enqueue_dma source(%dma_start3A_136 : memref<640x128xf32, #tpu.memory_space<vmem_shared>>) target(%dma_start3A_134 : memref<640x128xf32, #tpu.memory_space<hbm>>) target_semaphore(%run_scoped3A_128 : memref<!tpu.dma_semaphore, #tpu.memory_space<semaphore_mem>>)
      %dma_wait3A_137 = arith.constant 0 : i32
      %dma_wait3A_138 = arith.constant 0 : i32
      %dma_wait3A_139 = tpu.memref_slice %arg6[%arg0, %dma_wait3A_137, %dma_wait3A_138] : memref<2x10240x128xf32, #tpu.memory_space<hbm>> -> memref<1x10240x128xf32, #tpu.memory_space<hbm>>
      %dma_wait3A_140 = tpu.memref_squeeze %dma_wait3A_139 : memref<1x10240x128xf32, #tpu.memory_space<hbm>> -> memref<10240x128xf32, #tpu.memory_space<hbm>>
      %dma_wait3A_141 = arith.constant 0 : i32
      %dma_wait3A_142 = tpu.memref_slice %dma_wait3A_140[%mul3A_127, %dma_wait3A_141] : memref<10240x128xf32, #tpu.memory_space<hbm>> -> memref<640x128xf32, #tpu.memory_space<hbm>>
      %dma_wait3A_143 = arith.constant 0 : i32
      %dma_wait3A_144 = tpu.memref_slice %arg10[%mul3A_125, %dma_wait3A_143] : memref<10240x128xf32, #tpu.memory_space<vmem_shared>> -> memref<640x128xf32, #tpu.memory_space<vmem_shared>>
      tpu.wait_dma2 semaphore(%run_scoped3A_128 : memref<!tpu.dma_semaphore, #tpu.memory_space<semaphore_mem>>) src(%dma_wait3A_144 : memref<640x128xf32, #tpu.memory_space<vmem_shared>>) dst(%dma_wait3A_142 : memref<640x128xf32, #tpu.memory_space<hbm>>)
      tpu.yield
    }) : () -> ()
    return
  }
}

#map = affine_map<(d0, d1) -> (0, 0)>
#map1 = affine_map<(d0, d1) -> (0, 0, 0)>
module attributes {stable_mosaic.version = 14 : i64} {
  func.func @_scatter_kernel_body(%arg0: i32, %arg1: i32, %arg2: memref<10240x128xf32, #tpu.memory_space<hbm>>, %arg3: memref<2560x128xi32, #tpu.memory_space<hbm>>, %arg4: memref<2560x128xi32, #tpu.memory_space<hbm>>, %arg5: memref<640x128xf32, #tpu.memory_space<hbm>>, %arg6: memref<2x10240x128xf32, #tpu.memory_space<hbm>>, %arg7: memref<40x128xi32, #tpu.memory_space<vmem>>, %arg8: memref<40x128xi32, #tpu.memory_space<vmem>>, %arg9: memref<2x128x128xf32, #tpu.memory_space<vmem>>, %arg10: memref<10240x128xf32, #tpu.memory_space<vmem_shared>>, %arg11: memref<!tpu.dma_semaphore, #tpu.memory_space<semaphore_mem>>, %arg12: memref<!tpu.dma_semaphore, #tpu.memory_space<semaphore_mem>>) attributes {dimension_semantics = [#tpu.dimension_semantics<core_parallel>, #tpu.dimension_semantics<subcore_parallel>], iteration_bounds = array<i64: 2, 16>, scalar_prefetch = 0 : i64, scratch_operands = 6 : i64, tpu.core_type = #tpu.core_type<sc_vector_subcore>, window_params = [{transform_indices = #map}, {transform_indices = #map}, {transform_indices = #map}, {transform_indices = #map}, {transform_indices = #map1}]} {
    %mul3A = arith.constant 16 : i32
    %mul3A_0 = arith.muli %arg0, %mul3A : i32
    %add3A = arith.addi %mul3A_0, %arg1 : i32
    %mul3A_1 = arith.constant 640 : i32
    %mul3A_2 = arith.muli %arg1, %mul3A_1 : i32
    "tpu.region"() ({
      %run_scoped3A_128 = tpu.sem_alloc : memref<!tpu.dma_semaphore, #tpu.memory_space<semaphore_mem>>
      %dma_start3A_129 = arith.constant 0 : i32
      %dma_start3A_130 = tpu.memref_slice %arg10[%mul3A_2, %dma_start3A_129] : memref<10240x128xf32, #tpu.memory_space<vmem_shared>> -> memref<640x128xf32, #tpu.memory_space<vmem_shared>>
      tpu.enqueue_dma source(%arg5 : memref<640x128xf32, #tpu.memory_space<hbm>>) target(%dma_start3A_130 : memref<640x128xf32, #tpu.memory_space<vmem_shared>>) target_semaphore(%run_scoped3A_128 : memref<!tpu.dma_semaphore, #tpu.memory_space<semaphore_mem>>)
      %dma_wait3A_131 = arith.constant 0 : i32
      %dma_wait3A_132 = tpu.memref_slice %arg10[%mul3A_2, %dma_wait3A_131] : memref<10240x128xf32, #tpu.memory_space<vmem_shared>> -> memref<640x128xf32, #tpu.memory_space<vmem_shared>>
      tpu.wait_dma2 semaphore(%run_scoped3A_128 : memref<!tpu.dma_semaphore, #tpu.memory_space<semaphore_mem>>) src(%arg5 : memref<640x128xf32, #tpu.memory_space<hbm>>) dst(%dma_wait3A_132 : memref<640x128xf32, #tpu.memory_space<vmem_shared>>)
      tpu.yield
    }) : () -> ()
    %barrier3A = arith.constant 0 : index
    tpu.barrier barrier_id(%barrier3A)
    %mul3A_3 = arith.constant 80 : i32
    %mul3A_4 = arith.muli %add3A, %mul3A_3 : i32
    %add3A_5 = arith.constant 0 : i32
    %add3A_6 = arith.addi %mul3A_4, %add3A_5 : i32
    "tpu.region"() ({
      %run_scoped3A_128 = tpu.sem_alloc : memref<!tpu.dma_semaphore, #tpu.memory_space<semaphore_mem>>
      %dma_start3A_129 = arith.constant 0 : i32
      %dma_start3A_130 = tpu.memref_slice %arg3[%add3A_6, %dma_start3A_129] : memref<2560x128xi32, #tpu.memory_space<hbm>> -> memref<40x128xi32, #tpu.memory_space<hbm>>
      %dma_start3A_131 = arith.constant 0 : i32
      %dma_start3A_132 = tpu.memref_slice %arg3[%add3A_6, %dma_start3A_131] : memref<2560x128xi32, #tpu.memory_space<hbm>> -> memref<40x128xi32, #tpu.memory_space<hbm>>
      tpu.enqueue_dma source(%dma_start3A_132 : memref<40x128xi32, #tpu.memory_space<hbm>>) target(%arg7 : memref<40x128xi32, #tpu.memory_space<vmem>>) target_semaphore(%run_scoped3A_128 : memref<!tpu.dma_semaphore, #tpu.memory_space<semaphore_mem>>)
      %dma_wait3A_133 = arith.constant 0 : i32
      %dma_wait3A_134 = tpu.memref_slice %arg3[%add3A_6, %dma_wait3A_133] : memref<2560x128xi32, #tpu.memory_space<hbm>> -> memref<40x128xi32, #tpu.memory_space<hbm>>
      %dma_wait3A_135 = arith.constant 0 : i32
      %dma_wait3A_136 = tpu.memref_slice %arg3[%add3A_6, %dma_wait3A_135] : memref<2560x128xi32, #tpu.memory_space<hbm>> -> memref<40x128xi32, #tpu.memory_space<hbm>>
      tpu.wait_dma2 semaphore(%run_scoped3A_128 : memref<!tpu.dma_semaphore, #tpu.memory_space<semaphore_mem>>) src(%dma_wait3A_136 : memref<40x128xi32, #tpu.memory_space<hbm>>) dst(%arg7 : memref<40x128xi32, #tpu.memory_space<vmem>>)
      tpu.yield
    }) : () -> ()
    "tpu.region"() ({
      %run_scoped3A_128 = tpu.sem_alloc : memref<!tpu.dma_semaphore, #tpu.memory_space<semaphore_mem>>
      %dma_start3A_129 = arith.constant 0 : i32
      %dma_start3A_130 = tpu.memref_slice %arg4[%add3A_6, %dma_start3A_129] : memref<2560x128xi32, #tpu.memory_space<hbm>> -> memref<40x128xi32, #tpu.memory_space<hbm>>
      %dma_start3A_131 = arith.constant 0 : i32
      %dma_start3A_132 = tpu.memref_slice %arg4[%add3A_6, %dma_start3A_131] : memref<2560x128xi32, #tpu.memory_space<hbm>> -> memref<40x128xi32, #tpu.memory_space<hbm>>
      tpu.enqueue_dma source(%dma_start3A_132 : memref<40x128xi32, #tpu.memory_space<hbm>>) target(%arg8 : memref<40x128xi32, #tpu.memory_space<vmem>>) target_semaphore(%run_scoped3A_128 : memref<!tpu.dma_semaphore, #tpu.memory_space<semaphore_mem>>)
      %dma_wait3A_133 = arith.constant 0 : i32
      %dma_wait3A_134 = tpu.memref_slice %arg4[%add3A_6, %dma_wait3A_133] : memref<2560x128xi32, #tpu.memory_space<hbm>> -> memref<40x128xi32, #tpu.memory_space<hbm>>
      %dma_wait3A_135 = arith.constant 0 : i32
      %dma_wait3A_136 = tpu.memref_slice %arg4[%add3A_6, %dma_wait3A_135] : memref<2560x128xi32, #tpu.memory_space<hbm>> -> memref<40x128xi32, #tpu.memory_space<hbm>>
      tpu.wait_dma2 semaphore(%run_scoped3A_128 : memref<!tpu.dma_semaphore, #tpu.memory_space<semaphore_mem>>) src(%dma_wait3A_136 : memref<40x128xi32, #tpu.memory_space<hbm>>) dst(%arg8 : memref<40x128xi32, #tpu.memory_space<vmem>>)
      tpu.yield
    }) : () -> ()
    %dma_start3A = arith.constant 0 : i32
    %dma_start3A_7 = arith.constant 0 : i32
    %dma_start3A_8 = arith.constant 0 : i32
    %dma_start3A_9 = arith.constant 0 : i32
    %dma_start3A_10 = tpu.memref_slice %arg9[%dma_start3A_7, %dma_start3A_8, %dma_start3A_9] : memref<2x128x128xf32, #tpu.memory_space<vmem>> -> memref<1x128x128xf32, #tpu.memory_space<vmem>>
    %dma_start3A_11 = tpu.memref_squeeze %dma_start3A_10 : memref<1x128x128xf32, #tpu.memory_space<vmem>> -> memref<128x128xf32, #tpu.memory_space<vmem>>
    %dma_start3A_12 = arith.constant 0 : i32
    %dma_start3A_13 = tpu.memref_slice %arg7[%dma_start3A, %dma_start3A_12] : memref<40x128xi32, #tpu.memory_space<vmem>> -> memref<1x128xi32, #tpu.memory_space<vmem>>
    %dma_start3A_14 = tpu.memref_squeeze %dma_start3A_13 : memref<1x128xi32, #tpu.memory_space<vmem>> -> memref<128xi32, #tpu.memory_space<vmem>>
    %dma_start3A_15 = arith.constant 0 : i32
    %dma_start3A_16 = arith.constant 0 : i32
    %dma_start3A_17 = tpu.memref_slice %arg2[%dma_start3A_15, %dma_start3A_16] : memref<10240x128xf32, #tpu.memory_space<hbm>> -> memref<10240x128xf32, #tpu.memory_space<hbm>>
    tpu.enqueue_indirect_dma source(%dma_start3A_17 : memref<10240x128xf32, #tpu.memory_space<hbm>>) target(%dma_start3A_11 : memref<128x128xf32, #tpu.memory_space<vmem>>) offsets(%dma_start3A_14 : memref<128xi32, #tpu.memory_space<vmem>>) semaphore(%arg11 : memref<!tpu.dma_semaphore, #tpu.memory_space<semaphore_mem>>)
    %scan3A = arith.constant 0 : i32
    %scan3A_18 = arith.constant 0 : i32
    %scan3A_19 = arith.constant 19 : i32
    %scan3A_20 = arith.addi %scan3A_18, %scan3A_19 : i32
    %scan3A_21 = arith.constant 1 : i32
    scf.for %scan3A_128 = %scan3A_18 to %scan3A_20 step %scan3A_21  : i32 {
      %mul3A_129 = arith.constant 2 : i32
      %mul3A_130 = arith.muli %mul3A_129, %scan3A_128 : i32
      %add3A_131 = arith.constant 1 : i32
      %add3A_132 = arith.addi %mul3A_130, %add3A_131 : i32
      %dma_start3A_133 = arith.constant 1 : i32
      %dma_start3A_134 = arith.constant 0 : i32
      %dma_start3A_135 = arith.constant 0 : i32
      %dma_start3A_136 = tpu.memref_slice %arg9[%dma_start3A_133, %dma_start3A_134, %dma_start3A_135] : memref<2x128x128xf32, #tpu.memory_space<vmem>> -> memref<1x128x128xf32, #tpu.memory_space<vmem>>
      %dma_start3A_137 = tpu.memref_squeeze %dma_start3A_136 : memref<1x128x128xf32, #tpu.memory_space<vmem>> -> memref<128x128xf32, #tpu.memory_space<vmem>>
      %dma_start3A_138 = arith.constant 0 : i32
      %dma_start3A_139 = tpu.memref_slice %arg7[%add3A_132, %dma_start3A_138] : memref<40x128xi32, #tpu.memory_space<vmem>> -> memref<1x128xi32, #tpu.memory_space<vmem>>
      %dma_start3A_140 = tpu.memref_squeeze %dma_start3A_139 : memref<1x128xi32, #tpu.memory_space<vmem>> -> memref<128xi32, #tpu.memory_space<vmem>>
      %dma_start3A_141 = arith.constant 0 : i32
      %dma_start3A_142 = arith.constant 0 : i32
      %dma_start3A_143 = tpu.memref_slice %arg2[%dma_start3A_141, %dma_start3A_142] : memref<10240x128xf32, #tpu.memory_space<hbm>> -> memref<10240x128xf32, #tpu.memory_space<hbm>>
      tpu.enqueue_indirect_dma source(%dma_start3A_143 : memref<10240x128xf32, #tpu.memory_space<hbm>>) target(%dma_start3A_137 : memref<128x128xf32, #tpu.memory_space<vmem>>) offsets(%dma_start3A_140 : memref<128xi32, #tpu.memory_space<vmem>>) semaphore(%arg12 : memref<!tpu.dma_semaphore, #tpu.memory_space<semaphore_mem>>)
      %dma_wait3A_144 = arith.constant 0 : i32
      %dma_wait3A_145 = arith.constant 0 : i32
      %dma_wait3A_146 = arith.constant 0 : i32
      %dma_wait3A_147 = tpu.memref_slice %arg9[%dma_wait3A_144, %dma_wait3A_145, %dma_wait3A_146] : memref<2x128x128xf32, #tpu.memory_space<vmem>> -> memref<1x128x128xf32, #tpu.memory_space<vmem>>
      %dma_wait3A_148 = tpu.memref_squeeze %dma_wait3A_147 : memref<1x128x128xf32, #tpu.memory_space<vmem>> -> memref<128x128xf32, #tpu.memory_space<vmem>>
      %dma_wait3A_149 = arith.constant 0 : i32
      %dma_wait3A_150 = tpu.memref_slice %arg7[%mul3A_130, %dma_wait3A_149] : memref<40x128xi32, #tpu.memory_space<vmem>> -> memref<1x128xi32, #tpu.memory_space<vmem>>
      %dma_wait3A_151 = tpu.memref_squeeze %dma_wait3A_150 : memref<1x128xi32, #tpu.memory_space<vmem>> -> memref<128xi32, #tpu.memory_space<vmem>>
      %dma_wait3A_152 = arith.constant 0 : i32
      %dma_wait3A_153 = arith.constant 0 : i32
      %dma_wait3A_154 = tpu.memref_slice %arg2[%dma_wait3A_152, %dma_wait3A_153] : memref<10240x128xf32, #tpu.memory_space<hbm>> -> memref<10240x128xf32, #tpu.memory_space<hbm>>
      tpu.wait_indirect_dma semaphore(%arg11 : memref<!tpu.dma_semaphore, #tpu.memory_space<semaphore_mem>>) src(%dma_wait3A_154 : memref<10240x128xf32, #tpu.memory_space<hbm>>) dst(%dma_wait3A_148 : memref<128x128xf32, #tpu.memory_space<vmem>>)
      %run_scoped3A_155 = arith.constant 0 : i32
      "tpu.region"() ({
        %run_scoped3A_185 = tpu.sem_alloc : memref<!tpu.dma_semaphore, #tpu.memory_space<semaphore_mem>>
        %dma_start3A_186 = arith.constant 0 : i32
        %dma_start3A_187 = arith.constant 0 : i32
        %dma_start3A_188 = tpu.memref_slice %arg9[%run_scoped3A_155, %dma_start3A_186, %dma_start3A_187] : memref<2x128x128xf32, #tpu.memory_space<vmem>> -> memref<1x128x128xf32, #tpu.memory_space<vmem>>
        %dma_start3A_189 = tpu.memref_squeeze %dma_start3A_188 : memref<1x128x128xf32, #tpu.memory_space<vmem>> -> memref<128x128xf32, #tpu.memory_space<vmem>>
        %dma_start3A_190 = arith.constant 0 : i32
        %dma_start3A_191 = tpu.memref_slice %arg8[%mul3A_130, %dma_start3A_190] : memref<40x128xi32, #tpu.memory_space<vmem>> -> memref<1x128xi32, #tpu.memory_space<vmem>>
        %dma_start3A_192 = tpu.memref_squeeze %dma_start3A_191 : memref<1x128xi32, #tpu.memory_space<vmem>> -> memref<128xi32, #tpu.memory_space<vmem>>
        %dma_start3A_193 = arith.constant 0 : i32
        %dma_start3A_194 = arith.constant 0 : i32
        %dma_start3A_195 = tpu.memref_slice %arg10[%dma_start3A_193, %dma_start3A_194] : memref<10240x128xf32, #tpu.memory_space<vmem_shared>> -> memref<10240x128xf32, #tpu.memory_space<vmem_shared>>
        tpu.enqueue_indirect_dma source(%dma_start3A_189 : memref<128x128xf32, #tpu.memory_space<vmem>>) target(%dma_start3A_195 : memref<10240x128xf32, #tpu.memory_space<vmem_shared>>) offsets(%dma_start3A_192 : memref<128xi32, #tpu.memory_space<vmem>>) semaphore(%run_scoped3A_185 : memref<!tpu.dma_semaphore, #tpu.memory_space<semaphore_mem>>) {add = true}
        %dma_wait3A_196 = arith.constant 0 : i32
        %dma_wait3A_197 = arith.constant 0 : i32
        %dma_wait3A_198 = tpu.memref_slice %arg9[%run_scoped3A_155, %dma_wait3A_196, %dma_wait3A_197] : memref<2x128x128xf32, #tpu.memory_space<vmem>> -> memref<1x128x128xf32, #tpu.memory_space<vmem>>
        %dma_wait3A_199 = tpu.memref_squeeze %dma_wait3A_198 : memref<1x128x128xf32, #tpu.memory_space<vmem>> -> memref<128x128xf32, #tpu.memory_space<vmem>>
        %dma_wait3A_200 = arith.constant 0 : i32
        %dma_wait3A_201 = tpu.memref_slice %arg8[%mul3A_130, %dma_wait3A_200] : memref<40x128xi32, #tpu.memory_space<vmem>> -> memref<1x128xi32, #tpu.memory_space<vmem>>
        %dma_wait3A_202 = tpu.memref_squeeze %dma_wait3A_201 : memref<1x128xi32, #tpu.memory_space<vmem>> -> memref<128xi32, #tpu.memory_space<vmem>>
        %dma_wait3A_203 = arith.constant 0 : i32
        %dma_wait3A_204 = arith.constant 0 : i32
        %dma_wait3A_205 = tpu.memref_slice %arg10[%dma_wait3A_203, %dma_wait3A_204] : memref<10240x128xf32, #tpu.memory_space<vmem_shared>> -> memref<10240x128xf32, #tpu.memory_space<vmem_shared>>
        tpu.wait_indirect_dma semaphore(%run_scoped3A_185 : memref<!tpu.dma_semaphore, #tpu.memory_space<semaphore_mem>>) src(%dma_wait3A_199 : memref<128x128xf32, #tpu.memory_space<vmem>>) dst(%dma_wait3A_205 : memref<10240x128xf32, #tpu.memory_space<vmem_shared>>)
        tpu.yield
      }) : () -> ()
      %add3A_156 = arith.constant 2 : i32
      %add3A_157 = arith.addi %mul3A_130, %add3A_156 : i32
      %dma_start3A_158 = arith.constant 0 : i32
      %dma_start3A_159 = arith.constant 0 : i32
      %dma_start3A_160 = arith.constant 0 : i32
      %dma_start3A_161 = tpu.memref_slice %arg9[%dma_start3A_158, %dma_start3A_159, %dma_start3A_160] : memref<2x128x128xf32, #tpu.memory_space<vmem>> -> memref<1x128x128xf32, #tpu.memory_space<vmem>>
      %dma_start3A_162 = tpu.memref_squeeze %dma_start3A_161 : memref<1x128x128xf32, #tpu.memory_space<vmem>> -> memref<128x128xf32, #tpu.memory_space<vmem>>
      %dma_start3A_163 = arith.constant 0 : i32
      %dma_start3A_164 = tpu.memref_slice %arg7[%add3A_157, %dma_start3A_163] : memref<40x128xi32, #tpu.memory_space<vmem>> -> memref<1x128xi32, #tpu.memory_space<vmem>>
      %dma_start3A_165 = tpu.memref_squeeze %dma_start3A_164 : memref<1x128xi32, #tpu.memory_space<vmem>> -> memref<128xi32, #tpu.memory_space<vmem>>
      %dma_start3A_166 = arith.constant 0 : i32
      %dma_start3A_167 = arith.constant 0 : i32
      %dma_start3A_168 = tpu.memref_slice %arg2[%dma_start3A_166, %dma_start3A_167] : memref<10240x128xf32, #tpu.memory_space<hbm>> -> memref<10240x128xf32, #tpu.memory_space<hbm>>
      tpu.enqueue_indirect_dma source(%dma_start3A_168 : memref<10240x128xf32, #tpu.memory_space<hbm>>) target(%dma_start3A_162 : memref<128x128xf32, #tpu.memory_space<vmem>>) offsets(%dma_start3A_165 : memref<128xi32, #tpu.memory_space<vmem>>) semaphore(%arg11 : memref<!tpu.dma_semaphore, #tpu.memory_space<semaphore_mem>>)
      %add3A_169 = arith.constant 1 : i32
      %add3A_170 = arith.addi %mul3A_130, %add3A_169 : i32
      %dma_wait3A_171 = arith.constant 1 : i32
      %dma_wait3A_172 = arith.constant 0 : i32
      %dma_wait3A_173 = arith.constant 0 : i32
      %dma_wait3A_174 = tpu.memref_slice %arg9[%dma_wait3A_171, %dma_wait3A_172, %dma_wait3A_173] : memref<2x128x128xf32, #tpu.memory_space<vmem>> -> memref<1x128x128xf32, #tpu.memory_space<vmem>>
      %dma_wait3A_175 = tpu.memref_squeeze %dma_wait3A_174 : memref<1x128x128xf32, #tpu.memory_space<vmem>> -> memref<128x128xf32, #tpu.memory_space<vmem>>
      %dma_wait3A_176 = arith.constant 0 : i32
      %dma_wait3A_177 = tpu.memref_slice %arg7[%add3A_170, %dma_wait3A_176] : memref<40x128xi32, #tpu.memory_space<vmem>> -> memref<1x128xi32, #tpu.memory_space<vmem>>
      %dma_wait3A_178 = tpu.memref_squeeze %dma_wait3A_177 : memref<1x128xi32, #tpu.memory_space<vmem>> -> memref<128xi32, #tpu.memory_space<vmem>>
      %dma_wait3A_179 = arith.constant 0 : i32
      %dma_wait3A_180 = arith.constant 0 : i32
      %dma_wait3A_181 = tpu.memref_slice %arg2[%dma_wait3A_179, %dma_wait3A_180] : memref<10240x128xf32, #tpu.memory_space<hbm>> -> memref<10240x128xf32, #tpu.memory_space<hbm>>
      tpu.wait_indirect_dma semaphore(%arg12 : memref<!tpu.dma_semaphore, #tpu.memory_space<semaphore_mem>>) src(%dma_wait3A_181 : memref<10240x128xf32, #tpu.memory_space<hbm>>) dst(%dma_wait3A_175 : memref<128x128xf32, #tpu.memory_space<vmem>>)
      %add3A_182 = arith.constant 1 : i32
      %add3A_183 = arith.addi %mul3A_130, %add3A_182 : i32
      %run_scoped3A_184 = arith.constant 1 : i32
      "tpu.region"() ({
        %run_scoped3A_185 = tpu.sem_alloc : memref<!tpu.dma_semaphore, #tpu.memory_space<semaphore_mem>>
        %dma_start3A_186 = arith.constant 0 : i32
        %dma_start3A_187 = arith.constant 0 : i32
        %dma_start3A_188 = tpu.memref_slice %arg9[%run_scoped3A_184, %dma_start3A_186, %dma_start3A_187] : memref<2x128x128xf32, #tpu.memory_space<vmem>> -> memref<1x128x128xf32, #tpu.memory_space<vmem>>
        %dma_start3A_189 = tpu.memref_squeeze %dma_start3A_188 : memref<1x128x128xf32, #tpu.memory_space<vmem>> -> memref<128x128xf32, #tpu.memory_space<vmem>>
        %dma_start3A_190 = arith.constant 0 : i32
        %dma_start3A_191 = tpu.memref_slice %arg8[%add3A_183, %dma_start3A_190] : memref<40x128xi32, #tpu.memory_space<vmem>> -> memref<1x128xi32, #tpu.memory_space<vmem>>
        %dma_start3A_192 = tpu.memref_squeeze %dma_start3A_191 : memref<1x128xi32, #tpu.memory_space<vmem>> -> memref<128xi32, #tpu.memory_space<vmem>>
        %dma_start3A_193 = arith.constant 0 : i32
        %dma_start3A_194 = arith.constant 0 : i32
        %dma_start3A_195 = tpu.memref_slice %arg10[%dma_start3A_193, %dma_start3A_194] : memref<10240x128xf32, #tpu.memory_space<vmem_shared>> -> memref<10240x128xf32, #tpu.memory_space<vmem_shared>>
        tpu.enqueue_indirect_dma source(%dma_start3A_189 : memref<128x128xf32, #tpu.memory_space<vmem>>) target(%dma_start3A_195 : memref<10240x128xf32, #tpu.memory_space<vmem_shared>>) offsets(%dma_start3A_192 : memref<128xi32, #tpu.memory_space<vmem>>) semaphore(%run_scoped3A_185 : memref<!tpu.dma_semaphore, #tpu.memory_space<semaphore_mem>>) {add = true}
        %dma_wait3A_196 = arith.constant 0 : i32
        %dma_wait3A_197 = arith.constant 0 : i32
        %dma_wait3A_198 = tpu.memref_slice %arg9[%run_scoped3A_184, %dma_wait3A_196, %dma_wait3A_197] : memref<2x128x128xf32, #tpu.memory_space<vmem>> -> memref<1x128x128xf32, #tpu.memory_space<vmem>>
        %dma_wait3A_199 = tpu.memref_squeeze %dma_wait3A_198 : memref<1x128x128xf32, #tpu.memory_space<vmem>> -> memref<128x128xf32, #tpu.memory_space<vmem>>
        %dma_wait3A_200 = arith.constant 0 : i32
        %dma_wait3A_201 = tpu.memref_slice %arg8[%add3A_183, %dma_wait3A_200] : memref<40x128xi32, #tpu.memory_space<vmem>> -> memref<1x128xi32, #tpu.memory_space<vmem>>
        %dma_wait3A_202 = tpu.memref_squeeze %dma_wait3A_201 : memref<1x128xi32, #tpu.memory_space<vmem>> -> memref<128xi32, #tpu.memory_space<vmem>>
        %dma_wait3A_203 = arith.constant 0 : i32
        %dma_wait3A_204 = arith.constant 0 : i32
        %dma_wait3A_205 = tpu.memref_slice %arg10[%dma_wait3A_203, %dma_wait3A_204] : memref<10240x128xf32, #tpu.memory_space<vmem_shared>> -> memref<10240x128xf32, #tpu.memory_space<vmem_shared>>
        tpu.wait_indirect_dma semaphore(%run_scoped3A_185 : memref<!tpu.dma_semaphore, #tpu.memory_space<semaphore_mem>>) src(%dma_wait3A_199 : memref<128x128xf32, #tpu.memory_space<vmem>>) dst(%dma_wait3A_205 : memref<10240x128xf32, #tpu.memory_space<vmem_shared>>)
        tpu.yield
      }) : () -> ()
    }
    %scan3A_22 = arith.constant 19 : i32
    %dma_start3A_23 = arith.constant 39 : i32
    %dma_start3A_24 = arith.constant 1 : i32
    %dma_start3A_25 = arith.constant 0 : i32
    %dma_start3A_26 = arith.constant 0 : i32
    %dma_start3A_27 = tpu.memref_slice %arg9[%dma_start3A_24, %dma_start3A_25, %dma_start3A_26] : memref<2x128x128xf32, #tpu.memory_space<vmem>> -> memref<1x128x128xf32, #tpu.memory_space<vmem>>
    %dma_start3A_28 = tpu.memref_squeeze %dma_start3A_27 : memref<1x128x128xf32, #tpu.memory_space<vmem>> -> memref<128x128xf32, #tpu.memory_space<vmem>>
    %dma_start3A_29 = arith.constant 0 : i32
    %dma_start3A_30 = tpu.memref_slice %arg7[%dma_start3A_23, %dma_start3A_29] : memref<40x128xi32, #tpu.memory_space<vmem>> -> memref<1x128xi32, #tpu.memory_space<vmem>>
    %dma_start3A_31 = tpu.memref_squeeze %dma_start3A_30 : memref<1x128xi32, #tpu.memory_space<vmem>> -> memref<128xi32, #tpu.memory_space<vmem>>
    %dma_start3A_32 = arith.constant 0 : i32
    %dma_start3A_33 = arith.constant 0 : i32
    %dma_start3A_34 = tpu.memref_slice %arg2[%dma_start3A_32, %dma_start3A_33] : memref<10240x128xf32, #tpu.memory_space<hbm>> -> memref<10240x128xf32, #tpu.memory_space<hbm>>
    tpu.enqueue_indirect_dma source(%dma_start3A_34 : memref<10240x128xf32, #tpu.memory_space<hbm>>) target(%dma_start3A_28 : memref<128x128xf32, #tpu.memory_space<vmem>>) offsets(%dma_start3A_31 : memref<128xi32, #tpu.memory_space<vmem>>) semaphore(%arg12 : memref<!tpu.dma_semaphore, #tpu.memory_space<semaphore_mem>>)
    %dma_wait3A = arith.constant 38 : i32
    %dma_wait3A_35 = arith.constant 0 : i32
    %dma_wait3A_36 = arith.constant 0 : i32
    %dma_wait3A_37 = arith.constant 0 : i32
    %dma_wait3A_38 = tpu.memref_slice %arg9[%dma_wait3A_35, %dma_wait3A_36, %dma_wait3A_37] : memref<2x128x128xf32, #tpu.memory_space<vmem>> -> memref<1x128x128xf32, #tpu.memory_space<vmem>>
    %dma_wait3A_39 = tpu.memref_squeeze %dma_wait3A_38 : memref<1x128x128xf32, #tpu.memory_space<vmem>> -> memref<128x128xf32, #tpu.memory_space<vmem>>
    %dma_wait3A_40 = arith.constant 0 : i32
    %dma_wait3A_41 = tpu.memref_slice %arg7[%dma_wait3A, %dma_wait3A_40] : memref<40x128xi32, #tpu.memory_space<vmem>> -> memref<1x128xi32, #tpu.memory_space<vmem>>
    %dma_wait3A_42 = tpu.memref_squeeze %dma_wait3A_41 : memref<1x128xi32, #tpu.memory_space<vmem>> -> memref<128xi32, #tpu.memory_space<vmem>>
    %dma_wait3A_43 = arith.constant 0 : i32
    %dma_wait3A_44 = arith.constant 0 : i32
    %dma_wait3A_45 = tpu.memref_slice %arg2[%dma_wait3A_43, %dma_wait3A_44] : memref<10240x128xf32, #tpu.memory_space<hbm>> -> memref<10240x128xf32, #tpu.memory_space<hbm>>
    tpu.wait_indirect_dma semaphore(%arg11 : memref<!tpu.dma_semaphore, #tpu.memory_space<semaphore_mem>>) src(%dma_wait3A_45 : memref<10240x128xf32, #tpu.memory_space<hbm>>) dst(%dma_wait3A_39 : memref<128x128xf32, #tpu.memory_space<vmem>>)
    %run_scoped3A = arith.constant 0 : i32
    %run_scoped3A_46 = arith.constant 38 : i32
    "tpu.region"() ({
      %run_scoped3A_128 = tpu.sem_alloc : memref<!tpu.dma_semaphore, #tpu.memory_space<semaphore_mem>>
      %dma_start3A_129 = arith.constant 0 : i32
      %dma_start3A_130 = arith.constant 0 : i32
      %dma_start3A_131 = tpu.memref_slice %arg9[%run_scoped3A, %dma_start3A_129, %dma_start3A_130] : memref<2x128x128xf32, #tpu.memory_space<vmem>> -> memref<1x128x128xf32, #tpu.memory_space<vmem>>
      %dma_start3A_132 = tpu.memref_squeeze %dma_start3A_131 : memref<1x128x128xf32, #tpu.memory_space<vmem>> -> memref<128x128xf32, #tpu.memory_space<vmem>>
      %dma_start3A_133 = arith.constant 0 : i32
      %dma_start3A_134 = tpu.memref_slice %arg8[%run_scoped3A_46, %dma_start3A_133] : memref<40x128xi32, #tpu.memory_space<vmem>> -> memref<1x128xi32, #tpu.memory_space<vmem>>
      %dma_start3A_135 = tpu.memref_squeeze %dma_start3A_134 : memref<1x128xi32, #tpu.memory_space<vmem>> -> memref<128xi32, #tpu.memory_space<vmem>>
      %dma_start3A_136 = arith.constant 0 : i32
      %dma_start3A_137 = arith.constant 0 : i32
      %dma_start3A_138 = tpu.memref_slice %arg10[%dma_start3A_136, %dma_start3A_137] : memref<10240x128xf32, #tpu.memory_space<vmem_shared>> -> memref<10240x128xf32, #tpu.memory_space<vmem_shared>>
      tpu.enqueue_indirect_dma source(%dma_start3A_132 : memref<128x128xf32, #tpu.memory_space<vmem>>) target(%dma_start3A_138 : memref<10240x128xf32, #tpu.memory_space<vmem_shared>>) offsets(%dma_start3A_135 : memref<128xi32, #tpu.memory_space<vmem>>) semaphore(%run_scoped3A_128 : memref<!tpu.dma_semaphore, #tpu.memory_space<semaphore_mem>>) {add = true}
      %dma_wait3A_139 = arith.constant 0 : i32
      %dma_wait3A_140 = arith.constant 0 : i32
      %dma_wait3A_141 = tpu.memref_slice %arg9[%run_scoped3A, %dma_wait3A_139, %dma_wait3A_140] : memref<2x128x128xf32, #tpu.memory_space<vmem>> -> memref<1x128x128xf32, #tpu.memory_space<vmem>>
      %dma_wait3A_142 = tpu.memref_squeeze %dma_wait3A_141 : memref<1x128x128xf32, #tpu.memory_space<vmem>> -> memref<128x128xf32, #tpu.memory_space<vmem>>
      %dma_wait3A_143 = arith.constant 0 : i32
      %dma_wait3A_144 = tpu.memref_slice %arg8[%run_scoped3A_46, %dma_wait3A_143] : memref<40x128xi32, #tpu.memory_space<vmem>> -> memref<1x128xi32, #tpu.memory_space<vmem>>
      %dma_wait3A_145 = tpu.memref_squeeze %dma_wait3A_144 : memref<1x128xi32, #tpu.memory_space<vmem>> -> memref<128xi32, #tpu.memory_space<vmem>>
      %dma_wait3A_146 = arith.constant 0 : i32
      %dma_wait3A_147 = arith.constant 0 : i32
      %dma_wait3A_148 = tpu.memref_slice %arg10[%dma_wait3A_146, %dma_wait3A_147] : memref<10240x128xf32, #tpu.memory_space<vmem_shared>> -> memref<10240x128xf32, #tpu.memory_space<vmem_shared>>
      tpu.wait_indirect_dma semaphore(%run_scoped3A_128 : memref<!tpu.dma_semaphore, #tpu.memory_space<semaphore_mem>>) src(%dma_wait3A_142 : memref<128x128xf32, #tpu.memory_space<vmem>>) dst(%dma_wait3A_148 : memref<10240x128xf32, #tpu.memory_space<vmem_shared>>)
      tpu.yield
    }) : () -> ()
    %dma_wait3A_47 = arith.constant 39 : i32
    %dma_wait3A_48 = arith.constant 1 : i32
    %dma_wait3A_49 = arith.constant 0 : i32
    %dma_wait3A_50 = arith.constant 0 : i32
    %dma_wait3A_51 = tpu.memref_slice %arg9[%dma_wait3A_48, %dma_wait3A_49, %dma_wait3A_50] : memref<2x128x128xf32, #tpu.memory_space<vmem>> -> memref<1x128x128xf32, #tpu.memory_space<vmem>>
    %dma_wait3A_52 = tpu.memref_squeeze %dma_wait3A_51 : memref<1x128x128xf32, #tpu.memory_space<vmem>> -> memref<128x128xf32, #tpu.memory_space<vmem>>
    %dma_wait3A_53 = arith.constant 0 : i32
    %dma_wait3A_54 = tpu.memref_slice %arg7[%dma_wait3A_47, %dma_wait3A_53] : memref<40x128xi32, #tpu.memory_space<vmem>> -> memref<1x128xi32, #tpu.memory_space<vmem>>
    %dma_wait3A_55 = tpu.memref_squeeze %dma_wait3A_54 : memref<1x128xi32, #tpu.memory_space<vmem>> -> memref<128xi32, #tpu.memory_space<vmem>>
    %dma_wait3A_56 = arith.constant 0 : i32
    %dma_wait3A_57 = arith.constant 0 : i32
    %dma_wait3A_58 = tpu.memref_slice %arg2[%dma_wait3A_56, %dma_wait3A_57] : memref<10240x128xf32, #tpu.memory_space<hbm>> -> memref<10240x128xf32, #tpu.memory_space<hbm>>
    tpu.wait_indirect_dma semaphore(%arg12 : memref<!tpu.dma_semaphore, #tpu.memory_space<semaphore_mem>>) src(%dma_wait3A_58 : memref<10240x128xf32, #tpu.memory_space<hbm>>) dst(%dma_wait3A_52 : memref<128x128xf32, #tpu.memory_space<vmem>>)
    %run_scoped3A_59 = arith.constant 1 : i32
    %run_scoped3A_60 = arith.constant 39 : i32
    "tpu.region"() ({
      %run_scoped3A_128 = tpu.sem_alloc : memref<!tpu.dma_semaphore, #tpu.memory_space<semaphore_mem>>
      %dma_start3A_129 = arith.constant 0 : i32
      %dma_start3A_130 = arith.constant 0 : i32
      %dma_start3A_131 = tpu.memref_slice %arg9[%run_scoped3A_59, %dma_start3A_129, %dma_start3A_130] : memref<2x128x128xf32, #tpu.memory_space<vmem>> -> memref<1x128x128xf32, #tpu.memory_space<vmem>>
      %dma_start3A_132 = tpu.memref_squeeze %dma_start3A_131 : memref<1x128x128xf32, #tpu.memory_space<vmem>> -> memref<128x128xf32, #tpu.memory_space<vmem>>
      %dma_start3A_133 = arith.constant 0 : i32
      %dma_start3A_134 = tpu.memref_slice %arg8[%run_scoped3A_60, %dma_start3A_133] : memref<40x128xi32, #tpu.memory_space<vmem>> -> memref<1x128xi32, #tpu.memory_space<vmem>>
      %dma_start3A_135 = tpu.memref_squeeze %dma_start3A_134 : memref<1x128xi32, #tpu.memory_space<vmem>> -> memref<128xi32, #tpu.memory_space<vmem>>
      %dma_start3A_136 = arith.constant 0 : i32
      %dma_start3A_137 = arith.constant 0 : i32
      %dma_start3A_138 = tpu.memref_slice %arg10[%dma_start3A_136, %dma_start3A_137] : memref<10240x128xf32, #tpu.memory_space<vmem_shared>> -> memref<10240x128xf32, #tpu.memory_space<vmem_shared>>
      tpu.enqueue_indirect_dma source(%dma_start3A_132 : memref<128x128xf32, #tpu.memory_space<vmem>>) target(%dma_start3A_138 : memref<10240x128xf32, #tpu.memory_space<vmem_shared>>) offsets(%dma_start3A_135 : memref<128xi32, #tpu.memory_space<vmem>>) semaphore(%run_scoped3A_128 : memref<!tpu.dma_semaphore, #tpu.memory_space<semaphore_mem>>) {add = true}
      %dma_wait3A_139 = arith.constant 0 : i32
      %dma_wait3A_140 = arith.constant 0 : i32
      %dma_wait3A_141 = tpu.memref_slice %arg9[%run_scoped3A_59, %dma_wait3A_139, %dma_wait3A_140] : memref<2x128x128xf32, #tpu.memory_space<vmem>> -> memref<1x128x128xf32, #tpu.memory_space<vmem>>
      %dma_wait3A_142 = tpu.memref_squeeze %dma_wait3A_141 : memref<1x128x128xf32, #tpu.memory_space<vmem>> -> memref<128x128xf32, #tpu.memory_space<vmem>>
      %dma_wait3A_143 = arith.constant 0 : i32
      %dma_wait3A_144 = tpu.memref_slice %arg8[%run_scoped3A_60, %dma_wait3A_143] : memref<40x128xi32, #tpu.memory_space<vmem>> -> memref<1x128xi32, #tpu.memory_space<vmem>>
      %dma_wait3A_145 = tpu.memref_squeeze %dma_wait3A_144 : memref<1x128xi32, #tpu.memory_space<vmem>> -> memref<128xi32, #tpu.memory_space<vmem>>
      %dma_wait3A_146 = arith.constant 0 : i32
      %dma_wait3A_147 = arith.constant 0 : i32
      %dma_wait3A_148 = tpu.memref_slice %arg10[%dma_wait3A_146, %dma_wait3A_147] : memref<10240x128xf32, #tpu.memory_space<vmem_shared>> -> memref<10240x128xf32, #tpu.memory_space<vmem_shared>>
      tpu.wait_indirect_dma semaphore(%run_scoped3A_128 : memref<!tpu.dma_semaphore, #tpu.memory_space<semaphore_mem>>) src(%dma_wait3A_142 : memref<128x128xf32, #tpu.memory_space<vmem>>) dst(%dma_wait3A_148 : memref<10240x128xf32, #tpu.memory_space<vmem_shared>>)
      tpu.yield
    }) : () -> ()
    %mul3A_61 = arith.constant 80 : i32
    %mul3A_62 = arith.muli %add3A, %mul3A_61 : i32
    %add3A_63 = arith.constant 40 : i32
    %add3A_64 = arith.addi %mul3A_62, %add3A_63 : i32
    "tpu.region"() ({
      %run_scoped3A_128 = tpu.sem_alloc : memref<!tpu.dma_semaphore, #tpu.memory_space<semaphore_mem>>
      %dma_start3A_129 = arith.constant 0 : i32
      %dma_start3A_130 = tpu.memref_slice %arg3[%add3A_64, %dma_start3A_129] : memref<2560x128xi32, #tpu.memory_space<hbm>> -> memref<40x128xi32, #tpu.memory_space<hbm>>
      %dma_start3A_131 = arith.constant 0 : i32
      %dma_start3A_132 = tpu.memref_slice %arg3[%add3A_64, %dma_start3A_131] : memref<2560x128xi32, #tpu.memory_space<hbm>> -> memref<40x128xi32, #tpu.memory_space<hbm>>
      tpu.enqueue_dma source(%dma_start3A_132 : memref<40x128xi32, #tpu.memory_space<hbm>>) target(%arg7 : memref<40x128xi32, #tpu.memory_space<vmem>>) target_semaphore(%run_scoped3A_128 : memref<!tpu.dma_semaphore, #tpu.memory_space<semaphore_mem>>)
      %dma_wait3A_133 = arith.constant 0 : i32
      %dma_wait3A_134 = tpu.memref_slice %arg3[%add3A_64, %dma_wait3A_133] : memref<2560x128xi32, #tpu.memory_space<hbm>> -> memref<40x128xi32, #tpu.memory_space<hbm>>
      %dma_wait3A_135 = arith.constant 0 : i32
      %dma_wait3A_136 = tpu.memref_slice %arg3[%add3A_64, %dma_wait3A_135] : memref<2560x128xi32, #tpu.memory_space<hbm>> -> memref<40x128xi32, #tpu.memory_space<hbm>>
      tpu.wait_dma2 semaphore(%run_scoped3A_128 : memref<!tpu.dma_semaphore, #tpu.memory_space<semaphore_mem>>) src(%dma_wait3A_136 : memref<40x128xi32, #tpu.memory_space<hbm>>) dst(%arg7 : memref<40x128xi32, #tpu.memory_space<vmem>>)
      tpu.yield
    }) : () -> ()
    "tpu.region"() ({
      %run_scoped3A_128 = tpu.sem_alloc : memref<!tpu.dma_semaphore, #tpu.memory_space<semaphore_mem>>
      %dma_start3A_129 = arith.constant 0 : i32
      %dma_start3A_130 = tpu.memref_slice %arg4[%add3A_64, %dma_start3A_129] : memref<2560x128xi32, #tpu.memory_space<hbm>> -> memref<40x128xi32, #tpu.memory_space<hbm>>
      %dma_start3A_131 = arith.constant 0 : i32
      %dma_start3A_132 = tpu.memref_slice %arg4[%add3A_64, %dma_start3A_131] : memref<2560x128xi32, #tpu.memory_space<hbm>> -> memref<40x128xi32, #tpu.memory_space<hbm>>
      tpu.enqueue_dma source(%dma_start3A_132 : memref<40x128xi32, #tpu.memory_space<hbm>>) target(%arg8 : memref<40x128xi32, #tpu.memory_space<vmem>>) target_semaphore(%run_scoped3A_128 : memref<!tpu.dma_semaphore, #tpu.memory_space<semaphore_mem>>)
      %dma_wait3A_133 = arith.constant 0 : i32
      %dma_wait3A_134 = tpu.memref_slice %arg4[%add3A_64, %dma_wait3A_133] : memref<2560x128xi32, #tpu.memory_space<hbm>> -> memref<40x128xi32, #tpu.memory_space<hbm>>
      %dma_wait3A_135 = arith.constant 0 : i32
      %dma_wait3A_136 = tpu.memref_slice %arg4[%add3A_64, %dma_wait3A_135] : memref<2560x128xi32, #tpu.memory_space<hbm>> -> memref<40x128xi32, #tpu.memory_space<hbm>>
      tpu.wait_dma2 semaphore(%run_scoped3A_128 : memref<!tpu.dma_semaphore, #tpu.memory_space<semaphore_mem>>) src(%dma_wait3A_136 : memref<40x128xi32, #tpu.memory_space<hbm>>) dst(%arg8 : memref<40x128xi32, #tpu.memory_space<vmem>>)
      tpu.yield
    }) : () -> ()
    %dma_start3A_65 = arith.constant 0 : i32
    %dma_start3A_66 = arith.constant 0 : i32
    %dma_start3A_67 = arith.constant 0 : i32
    %dma_start3A_68 = arith.constant 0 : i32
    %dma_start3A_69 = tpu.memref_slice %arg9[%dma_start3A_66, %dma_start3A_67, %dma_start3A_68] : memref<2x128x128xf32, #tpu.memory_space<vmem>> -> memref<1x128x128xf32, #tpu.memory_space<vmem>>
    %dma_start3A_70 = tpu.memref_squeeze %dma_start3A_69 : memref<1x128x128xf32, #tpu.memory_space<vmem>> -> memref<128x128xf32, #tpu.memory_space<vmem>>
    %dma_start3A_71 = arith.constant 0 : i32
    %dma_start3A_72 = tpu.memref_slice %arg7[%dma_start3A_65, %dma_start3A_71] : memref<40x128xi32, #tpu.memory_space<vmem>> -> memref<1x128xi32, #tpu.memory_space<vmem>>
    %dma_start3A_73 = tpu.memref_squeeze %dma_start3A_72 : memref<1x128xi32, #tpu.memory_space<vmem>> -> memref<128xi32, #tpu.memory_space<vmem>>
    %dma_start3A_74 = arith.constant 0 : i32
    %dma_start3A_75 = arith.constant 0 : i32
    %dma_start3A_76 = tpu.memref_slice %arg2[%dma_start3A_74, %dma_start3A_75] : memref<10240x128xf32, #tpu.memory_space<hbm>> -> memref<10240x128xf32, #tpu.memory_space<hbm>>
    tpu.enqueue_indirect_dma source(%dma_start3A_76 : memref<10240x128xf32, #tpu.memory_space<hbm>>) target(%dma_start3A_70 : memref<128x128xf32, #tpu.memory_space<vmem>>) offsets(%dma_start3A_73 : memref<128xi32, #tpu.memory_space<vmem>>) semaphore(%arg11 : memref<!tpu.dma_semaphore, #tpu.memory_space<semaphore_mem>>)
    %scan3A_77 = arith.constant 0 : i32
    %scan3A_78 = arith.constant 0 : i32
    %scan3A_79 = arith.constant 19 : i32
    %scan3A_80 = arith.addi %scan3A_78, %scan3A_79 : i32
    %scan3A_81 = arith.constant 1 : i32
    scf.for %scan3A_128 = %scan3A_78 to %scan3A_80 step %scan3A_81  : i32 {
      %mul3A_129 = arith.constant 2 : i32
      %mul3A_130 = arith.muli %mul3A_129, %scan3A_128 : i32
      %add3A_131 = arith.constant 1 : i32
      %add3A_132 = arith.addi %mul3A_130, %add3A_131 : i32
      %dma_start3A_133 = arith.constant 1 : i32
      %dma_start3A_134 = arith.constant 0 : i32
      %dma_start3A_135 = arith.constant 0 : i32
      %dma_start3A_136 = tpu.memref_slice %arg9[%dma_start3A_133, %dma_start3A_134, %dma_start3A_135] : memref<2x128x128xf32, #tpu.memory_space<vmem>> -> memref<1x128x128xf32, #tpu.memory_space<vmem>>
      %dma_start3A_137 = tpu.memref_squeeze %dma_start3A_136 : memref<1x128x128xf32, #tpu.memory_space<vmem>> -> memref<128x128xf32, #tpu.memory_space<vmem>>
      %dma_start3A_138 = arith.constant 0 : i32
      %dma_start3A_139 = tpu.memref_slice %arg7[%add3A_132, %dma_start3A_138] : memref<40x128xi32, #tpu.memory_space<vmem>> -> memref<1x128xi32, #tpu.memory_space<vmem>>
      %dma_start3A_140 = tpu.memref_squeeze %dma_start3A_139 : memref<1x128xi32, #tpu.memory_space<vmem>> -> memref<128xi32, #tpu.memory_space<vmem>>
      %dma_start3A_141 = arith.constant 0 : i32
      %dma_start3A_142 = arith.constant 0 : i32
      %dma_start3A_143 = tpu.memref_slice %arg2[%dma_start3A_141, %dma_start3A_142] : memref<10240x128xf32, #tpu.memory_space<hbm>> -> memref<10240x128xf32, #tpu.memory_space<hbm>>
      tpu.enqueue_indirect_dma source(%dma_start3A_143 : memref<10240x128xf32, #tpu.memory_space<hbm>>) target(%dma_start3A_137 : memref<128x128xf32, #tpu.memory_space<vmem>>) offsets(%dma_start3A_140 : memref<128xi32, #tpu.memory_space<vmem>>) semaphore(%arg12 : memref<!tpu.dma_semaphore, #tpu.memory_space<semaphore_mem>>)
      %dma_wait3A_144 = arith.constant 0 : i32
      %dma_wait3A_145 = arith.constant 0 : i32
      %dma_wait3A_146 = arith.constant 0 : i32
      %dma_wait3A_147 = tpu.memref_slice %arg9[%dma_wait3A_144, %dma_wait3A_145, %dma_wait3A_146] : memref<2x128x128xf32, #tpu.memory_space<vmem>> -> memref<1x128x128xf32, #tpu.memory_space<vmem>>
      %dma_wait3A_148 = tpu.memref_squeeze %dma_wait3A_147 : memref<1x128x128xf32, #tpu.memory_space<vmem>> -> memref<128x128xf32, #tpu.memory_space<vmem>>
      %dma_wait3A_149 = arith.constant 0 : i32
      %dma_wait3A_150 = tpu.memref_slice %arg7[%mul3A_130, %dma_wait3A_149] : memref<40x128xi32, #tpu.memory_space<vmem>> -> memref<1x128xi32, #tpu.memory_space<vmem>>
      %dma_wait3A_151 = tpu.memref_squeeze %dma_wait3A_150 : memref<1x128xi32, #tpu.memory_space<vmem>> -> memref<128xi32, #tpu.memory_space<vmem>>
      %dma_wait3A_152 = arith.constant 0 : i32
      %dma_wait3A_153 = arith.constant 0 : i32
      %dma_wait3A_154 = tpu.memref_slice %arg2[%dma_wait3A_152, %dma_wait3A_153] : memref<10240x128xf32, #tpu.memory_space<hbm>> -> memref<10240x128xf32, #tpu.memory_space<hbm>>
      tpu.wait_indirect_dma semaphore(%arg11 : memref<!tpu.dma_semaphore, #tpu.memory_space<semaphore_mem>>) src(%dma_wait3A_154 : memref<10240x128xf32, #tpu.memory_space<hbm>>) dst(%dma_wait3A_148 : memref<128x128xf32, #tpu.memory_space<vmem>>)
      %run_scoped3A_155 = arith.constant 0 : i32
      "tpu.region"() ({
        %run_scoped3A_185 = tpu.sem_alloc : memref<!tpu.dma_semaphore, #tpu.memory_space<semaphore_mem>>
        %dma_start3A_186 = arith.constant 0 : i32
        %dma_start3A_187 = arith.constant 0 : i32
        %dma_start3A_188 = tpu.memref_slice %arg9[%run_scoped3A_155, %dma_start3A_186, %dma_start3A_187] : memref<2x128x128xf32, #tpu.memory_space<vmem>> -> memref<1x128x128xf32, #tpu.memory_space<vmem>>
        %dma_start3A_189 = tpu.memref_squeeze %dma_start3A_188 : memref<1x128x128xf32, #tpu.memory_space<vmem>> -> memref<128x128xf32, #tpu.memory_space<vmem>>
        %dma_start3A_190 = arith.constant 0 : i32
        %dma_start3A_191 = tpu.memref_slice %arg8[%mul3A_130, %dma_start3A_190] : memref<40x128xi32, #tpu.memory_space<vmem>> -> memref<1x128xi32, #tpu.memory_space<vmem>>
        %dma_start3A_192 = tpu.memref_squeeze %dma_start3A_191 : memref<1x128xi32, #tpu.memory_space<vmem>> -> memref<128xi32, #tpu.memory_space<vmem>>
        %dma_start3A_193 = arith.constant 0 : i32
        %dma_start3A_194 = arith.constant 0 : i32
        %dma_start3A_195 = tpu.memref_slice %arg10[%dma_start3A_193, %dma_start3A_194] : memref<10240x128xf32, #tpu.memory_space<vmem_shared>> -> memref<10240x128xf32, #tpu.memory_space<vmem_shared>>
        tpu.enqueue_indirect_dma source(%dma_start3A_189 : memref<128x128xf32, #tpu.memory_space<vmem>>) target(%dma_start3A_195 : memref<10240x128xf32, #tpu.memory_space<vmem_shared>>) offsets(%dma_start3A_192 : memref<128xi32, #tpu.memory_space<vmem>>) semaphore(%run_scoped3A_185 : memref<!tpu.dma_semaphore, #tpu.memory_space<semaphore_mem>>) {add = true}
        %dma_wait3A_196 = arith.constant 0 : i32
        %dma_wait3A_197 = arith.constant 0 : i32
        %dma_wait3A_198 = tpu.memref_slice %arg9[%run_scoped3A_155, %dma_wait3A_196, %dma_wait3A_197] : memref<2x128x128xf32, #tpu.memory_space<vmem>> -> memref<1x128x128xf32, #tpu.memory_space<vmem>>
        %dma_wait3A_199 = tpu.memref_squeeze %dma_wait3A_198 : memref<1x128x128xf32, #tpu.memory_space<vmem>> -> memref<128x128xf32, #tpu.memory_space<vmem>>
        %dma_wait3A_200 = arith.constant 0 : i32
        %dma_wait3A_201 = tpu.memref_slice %arg8[%mul3A_130, %dma_wait3A_200] : memref<40x128xi32, #tpu.memory_space<vmem>> -> memref<1x128xi32, #tpu.memory_space<vmem>>
        %dma_wait3A_202 = tpu.memref_squeeze %dma_wait3A_201 : memref<1x128xi32, #tpu.memory_space<vmem>> -> memref<128xi32, #tpu.memory_space<vmem>>
        %dma_wait3A_203 = arith.constant 0 : i32
        %dma_wait3A_204 = arith.constant 0 : i32
        %dma_wait3A_205 = tpu.memref_slice %arg10[%dma_wait3A_203, %dma_wait3A_204] : memref<10240x128xf32, #tpu.memory_space<vmem_shared>> -> memref<10240x128xf32, #tpu.memory_space<vmem_shared>>
        tpu.wait_indirect_dma semaphore(%run_scoped3A_185 : memref<!tpu.dma_semaphore, #tpu.memory_space<semaphore_mem>>) src(%dma_wait3A_199 : memref<128x128xf32, #tpu.memory_space<vmem>>) dst(%dma_wait3A_205 : memref<10240x128xf32, #tpu.memory_space<vmem_shared>>)
        tpu.yield
      }) : () -> ()
      %add3A_156 = arith.constant 2 : i32
      %add3A_157 = arith.addi %mul3A_130, %add3A_156 : i32
      %dma_start3A_158 = arith.constant 0 : i32
      %dma_start3A_159 = arith.constant 0 : i32
      %dma_start3A_160 = arith.constant 0 : i32
      %dma_start3A_161 = tpu.memref_slice %arg9[%dma_start3A_158, %dma_start3A_159, %dma_start3A_160] : memref<2x128x128xf32, #tpu.memory_space<vmem>> -> memref<1x128x128xf32, #tpu.memory_space<vmem>>
      %dma_start3A_162 = tpu.memref_squeeze %dma_start3A_161 : memref<1x128x128xf32, #tpu.memory_space<vmem>> -> memref<128x128xf32, #tpu.memory_space<vmem>>
      %dma_start3A_163 = arith.constant 0 : i32
      %dma_start3A_164 = tpu.memref_slice %arg7[%add3A_157, %dma_start3A_163] : memref<40x128xi32, #tpu.memory_space<vmem>> -> memref<1x128xi32, #tpu.memory_space<vmem>>
      %dma_start3A_165 = tpu.memref_squeeze %dma_start3A_164 : memref<1x128xi32, #tpu.memory_space<vmem>> -> memref<128xi32, #tpu.memory_space<vmem>>
      %dma_start3A_166 = arith.constant 0 : i32
      %dma_start3A_167 = arith.constant 0 : i32
      %dma_start3A_168 = tpu.memref_slice %arg2[%dma_start3A_166, %dma_start3A_167] : memref<10240x128xf32, #tpu.memory_space<hbm>> -> memref<10240x128xf32, #tpu.memory_space<hbm>>
      tpu.enqueue_indirect_dma source(%dma_start3A_168 : memref<10240x128xf32, #tpu.memory_space<hbm>>) target(%dma_start3A_162 : memref<128x128xf32, #tpu.memory_space<vmem>>) offsets(%dma_start3A_165 : memref<128xi32, #tpu.memory_space<vmem>>) semaphore(%arg11 : memref<!tpu.dma_semaphore, #tpu.memory_space<semaphore_mem>>)
      %add3A_169 = arith.constant 1 : i32
      %add3A_170 = arith.addi %mul3A_130, %add3A_169 : i32
      %dma_wait3A_171 = arith.constant 1 : i32
      %dma_wait3A_172 = arith.constant 0 : i32
      %dma_wait3A_173 = arith.constant 0 : i32
      %dma_wait3A_174 = tpu.memref_slice %arg9[%dma_wait3A_171, %dma_wait3A_172, %dma_wait3A_173] : memref<2x128x128xf32, #tpu.memory_space<vmem>> -> memref<1x128x128xf32, #tpu.memory_space<vmem>>
      %dma_wait3A_175 = tpu.memref_squeeze %dma_wait3A_174 : memref<1x128x128xf32, #tpu.memory_space<vmem>> -> memref<128x128xf32, #tpu.memory_space<vmem>>
      %dma_wait3A_176 = arith.constant 0 : i32
      %dma_wait3A_177 = tpu.memref_slice %arg7[%add3A_170, %dma_wait3A_176] : memref<40x128xi32, #tpu.memory_space<vmem>> -> memref<1x128xi32, #tpu.memory_space<vmem>>
      %dma_wait3A_178 = tpu.memref_squeeze %dma_wait3A_177 : memref<1x128xi32, #tpu.memory_space<vmem>> -> memref<128xi32, #tpu.memory_space<vmem>>
      %dma_wait3A_179 = arith.constant 0 : i32
      %dma_wait3A_180 = arith.constant 0 : i32
      %dma_wait3A_181 = tpu.memref_slice %arg2[%dma_wait3A_179, %dma_wait3A_180] : memref<10240x128xf32, #tpu.memory_space<hbm>> -> memref<10240x128xf32, #tpu.memory_space<hbm>>
      tpu.wait_indirect_dma semaphore(%arg12 : memref<!tpu.dma_semaphore, #tpu.memory_space<semaphore_mem>>) src(%dma_wait3A_181 : memref<10240x128xf32, #tpu.memory_space<hbm>>) dst(%dma_wait3A_175 : memref<128x128xf32, #tpu.memory_space<vmem>>)
      %add3A_182 = arith.constant 1 : i32
      %add3A_183 = arith.addi %mul3A_130, %add3A_182 : i32
      %run_scoped3A_184 = arith.constant 1 : i32
      "tpu.region"() ({
        %run_scoped3A_185 = tpu.sem_alloc : memref<!tpu.dma_semaphore, #tpu.memory_space<semaphore_mem>>
        %dma_start3A_186 = arith.constant 0 : i32
        %dma_start3A_187 = arith.constant 0 : i32
        %dma_start3A_188 = tpu.memref_slice %arg9[%run_scoped3A_184, %dma_start3A_186, %dma_start3A_187] : memref<2x128x128xf32, #tpu.memory_space<vmem>> -> memref<1x128x128xf32, #tpu.memory_space<vmem>>
        %dma_start3A_189 = tpu.memref_squeeze %dma_start3A_188 : memref<1x128x128xf32, #tpu.memory_space<vmem>> -> memref<128x128xf32, #tpu.memory_space<vmem>>
        %dma_start3A_190 = arith.constant 0 : i32
        %dma_start3A_191 = tpu.memref_slice %arg8[%add3A_183, %dma_start3A_190] : memref<40x128xi32, #tpu.memory_space<vmem>> -> memref<1x128xi32, #tpu.memory_space<vmem>>
        %dma_start3A_192 = tpu.memref_squeeze %dma_start3A_191 : memref<1x128xi32, #tpu.memory_space<vmem>> -> memref<128xi32, #tpu.memory_space<vmem>>
        %dma_start3A_193 = arith.constant 0 : i32
        %dma_start3A_194 = arith.constant 0 : i32
        %dma_start3A_195 = tpu.memref_slice %arg10[%dma_start3A_193, %dma_start3A_194] : memref<10240x128xf32, #tpu.memory_space<vmem_shared>> -> memref<10240x128xf32, #tpu.memory_space<vmem_shared>>
        tpu.enqueue_indirect_dma source(%dma_start3A_189 : memref<128x128xf32, #tpu.memory_space<vmem>>) target(%dma_start3A_195 : memref<10240x128xf32, #tpu.memory_space<vmem_shared>>) offsets(%dma_start3A_192 : memref<128xi32, #tpu.memory_space<vmem>>) semaphore(%run_scoped3A_185 : memref<!tpu.dma_semaphore, #tpu.memory_space<semaphore_mem>>) {add = true}
        %dma_wait3A_196 = arith.constant 0 : i32
        %dma_wait3A_197 = arith.constant 0 : i32
        %dma_wait3A_198 = tpu.memref_slice %arg9[%run_scoped3A_184, %dma_wait3A_196, %dma_wait3A_197] : memref<2x128x128xf32, #tpu.memory_space<vmem>> -> memref<1x128x128xf32, #tpu.memory_space<vmem>>
        %dma_wait3A_199 = tpu.memref_squeeze %dma_wait3A_198 : memref<1x128x128xf32, #tpu.memory_space<vmem>> -> memref<128x128xf32, #tpu.memory_space<vmem>>
        %dma_wait3A_200 = arith.constant 0 : i32
        %dma_wait3A_201 = tpu.memref_slice %arg8[%add3A_183, %dma_wait3A_200] : memref<40x128xi32, #tpu.memory_space<vmem>> -> memref<1x128xi32, #tpu.memory_space<vmem>>
        %dma_wait3A_202 = tpu.memref_squeeze %dma_wait3A_201 : memref<1x128xi32, #tpu.memory_space<vmem>> -> memref<128xi32, #tpu.memory_space<vmem>>
        %dma_wait3A_203 = arith.constant 0 : i32
        %dma_wait3A_204 = arith.constant 0 : i32
        %dma_wait3A_205 = tpu.memref_slice %arg10[%dma_wait3A_203, %dma_wait3A_204] : memref<10240x128xf32, #tpu.memory_space<vmem_shared>> -> memref<10240x128xf32, #tpu.memory_space<vmem_shared>>
        tpu.wait_indirect_dma semaphore(%run_scoped3A_185 : memref<!tpu.dma_semaphore, #tpu.memory_space<semaphore_mem>>) src(%dma_wait3A_199 : memref<128x128xf32, #tpu.memory_space<vmem>>) dst(%dma_wait3A_205 : memref<10240x128xf32, #tpu.memory_space<vmem_shared>>)
        tpu.yield
      }) : () -> ()
    }
    %scan3A_82 = arith.constant 19 : i32
    %dma_start3A_83 = arith.constant 39 : i32
    %dma_start3A_84 = arith.constant 1 : i32
    %dma_start3A_85 = arith.constant 0 : i32
    %dma_start3A_86 = arith.constant 0 : i32
    %dma_start3A_87 = tpu.memref_slice %arg9[%dma_start3A_84, %dma_start3A_85, %dma_start3A_86] : memref<2x128x128xf32, #tpu.memory_space<vmem>> -> memref<1x128x128xf32, #tpu.memory_space<vmem>>
    %dma_start3A_88 = tpu.memref_squeeze %dma_start3A_87 : memref<1x128x128xf32, #tpu.memory_space<vmem>> -> memref<128x128xf32, #tpu.memory_space<vmem>>
    %dma_start3A_89 = arith.constant 0 : i32
    %dma_start3A_90 = tpu.memref_slice %arg7[%dma_start3A_83, %dma_start3A_89] : memref<40x128xi32, #tpu.memory_space<vmem>> -> memref<1x128xi32, #tpu.memory_space<vmem>>
    %dma_start3A_91 = tpu.memref_squeeze %dma_start3A_90 : memref<1x128xi32, #tpu.memory_space<vmem>> -> memref<128xi32, #tpu.memory_space<vmem>>
    %dma_start3A_92 = arith.constant 0 : i32
    %dma_start3A_93 = arith.constant 0 : i32
    %dma_start3A_94 = tpu.memref_slice %arg2[%dma_start3A_92, %dma_start3A_93] : memref<10240x128xf32, #tpu.memory_space<hbm>> -> memref<10240x128xf32, #tpu.memory_space<hbm>>
    tpu.enqueue_indirect_dma source(%dma_start3A_94 : memref<10240x128xf32, #tpu.memory_space<hbm>>) target(%dma_start3A_88 : memref<128x128xf32, #tpu.memory_space<vmem>>) offsets(%dma_start3A_91 : memref<128xi32, #tpu.memory_space<vmem>>) semaphore(%arg12 : memref<!tpu.dma_semaphore, #tpu.memory_space<semaphore_mem>>)
    %dma_wait3A_95 = arith.constant 38 : i32
    %dma_wait3A_96 = arith.constant 0 : i32
    %dma_wait3A_97 = arith.constant 0 : i32
    %dma_wait3A_98 = arith.constant 0 : i32
    %dma_wait3A_99 = tpu.memref_slice %arg9[%dma_wait3A_96, %dma_wait3A_97, %dma_wait3A_98] : memref<2x128x128xf32, #tpu.memory_space<vmem>> -> memref<1x128x128xf32, #tpu.memory_space<vmem>>
    %dma_wait3A_100 = tpu.memref_squeeze %dma_wait3A_99 : memref<1x128x128xf32, #tpu.memory_space<vmem>> -> memref<128x128xf32, #tpu.memory_space<vmem>>
    %dma_wait3A_101 = arith.constant 0 : i32
    %dma_wait3A_102 = tpu.memref_slice %arg7[%dma_wait3A_95, %dma_wait3A_101] : memref<40x128xi32, #tpu.memory_space<vmem>> -> memref<1x128xi32, #tpu.memory_space<vmem>>
    %dma_wait3A_103 = tpu.memref_squeeze %dma_wait3A_102 : memref<1x128xi32, #tpu.memory_space<vmem>> -> memref<128xi32, #tpu.memory_space<vmem>>
    %dma_wait3A_104 = arith.constant 0 : i32
    %dma_wait3A_105 = arith.constant 0 : i32
    %dma_wait3A_106 = tpu.memref_slice %arg2[%dma_wait3A_104, %dma_wait3A_105] : memref<10240x128xf32, #tpu.memory_space<hbm>> -> memref<10240x128xf32, #tpu.memory_space<hbm>>
    tpu.wait_indirect_dma semaphore(%arg11 : memref<!tpu.dma_semaphore, #tpu.memory_space<semaphore_mem>>) src(%dma_wait3A_106 : memref<10240x128xf32, #tpu.memory_space<hbm>>) dst(%dma_wait3A_100 : memref<128x128xf32, #tpu.memory_space<vmem>>)
    %run_scoped3A_107 = arith.constant 0 : i32
    %run_scoped3A_108 = arith.constant 38 : i32
    "tpu.region"() ({
      %run_scoped3A_128 = tpu.sem_alloc : memref<!tpu.dma_semaphore, #tpu.memory_space<semaphore_mem>>
      %dma_start3A_129 = arith.constant 0 : i32
      %dma_start3A_130 = arith.constant 0 : i32
      %dma_start3A_131 = tpu.memref_slice %arg9[%run_scoped3A_107, %dma_start3A_129, %dma_start3A_130] : memref<2x128x128xf32, #tpu.memory_space<vmem>> -> memref<1x128x128xf32, #tpu.memory_space<vmem>>
      %dma_start3A_132 = tpu.memref_squeeze %dma_start3A_131 : memref<1x128x128xf32, #tpu.memory_space<vmem>> -> memref<128x128xf32, #tpu.memory_space<vmem>>
      %dma_start3A_133 = arith.constant 0 : i32
      %dma_start3A_134 = tpu.memref_slice %arg8[%run_scoped3A_108, %dma_start3A_133] : memref<40x128xi32, #tpu.memory_space<vmem>> -> memref<1x128xi32, #tpu.memory_space<vmem>>
      %dma_start3A_135 = tpu.memref_squeeze %dma_start3A_134 : memref<1x128xi32, #tpu.memory_space<vmem>> -> memref<128xi32, #tpu.memory_space<vmem>>
      %dma_start3A_136 = arith.constant 0 : i32
      %dma_start3A_137 = arith.constant 0 : i32
      %dma_start3A_138 = tpu.memref_slice %arg10[%dma_start3A_136, %dma_start3A_137] : memref<10240x128xf32, #tpu.memory_space<vmem_shared>> -> memref<10240x128xf32, #tpu.memory_space<vmem_shared>>
      tpu.enqueue_indirect_dma source(%dma_start3A_132 : memref<128x128xf32, #tpu.memory_space<vmem>>) target(%dma_start3A_138 : memref<10240x128xf32, #tpu.memory_space<vmem_shared>>) offsets(%dma_start3A_135 : memref<128xi32, #tpu.memory_space<vmem>>) semaphore(%run_scoped3A_128 : memref<!tpu.dma_semaphore, #tpu.memory_space<semaphore_mem>>) {add = true}
      %dma_wait3A_139 = arith.constant 0 : i32
      %dma_wait3A_140 = arith.constant 0 : i32
      %dma_wait3A_141 = tpu.memref_slice %arg9[%run_scoped3A_107, %dma_wait3A_139, %dma_wait3A_140] : memref<2x128x128xf32, #tpu.memory_space<vmem>> -> memref<1x128x128xf32, #tpu.memory_space<vmem>>
      %dma_wait3A_142 = tpu.memref_squeeze %dma_wait3A_141 : memref<1x128x128xf32, #tpu.memory_space<vmem>> -> memref<128x128xf32, #tpu.memory_space<vmem>>
      %dma_wait3A_143 = arith.constant 0 : i32
      %dma_wait3A_144 = tpu.memref_slice %arg8[%run_scoped3A_108, %dma_wait3A_143] : memref<40x128xi32, #tpu.memory_space<vmem>> -> memref<1x128xi32, #tpu.memory_space<vmem>>
      %dma_wait3A_145 = tpu.memref_squeeze %dma_wait3A_144 : memref<1x128xi32, #tpu.memory_space<vmem>> -> memref<128xi32, #tpu.memory_space<vmem>>
      %dma_wait3A_146 = arith.constant 0 : i32
      %dma_wait3A_147 = arith.constant 0 : i32
      %dma_wait3A_148 = tpu.memref_slice %arg10[%dma_wait3A_146, %dma_wait3A_147] : memref<10240x128xf32, #tpu.memory_space<vmem_shared>> -> memref<10240x128xf32, #tpu.memory_space<vmem_shared>>
      tpu.wait_indirect_dma semaphore(%run_scoped3A_128 : memref<!tpu.dma_semaphore, #tpu.memory_space<semaphore_mem>>) src(%dma_wait3A_142 : memref<128x128xf32, #tpu.memory_space<vmem>>) dst(%dma_wait3A_148 : memref<10240x128xf32, #tpu.memory_space<vmem_shared>>)
      tpu.yield
    }) : () -> ()
    %dma_wait3A_109 = arith.constant 39 : i32
    %dma_wait3A_110 = arith.constant 1 : i32
    %dma_wait3A_111 = arith.constant 0 : i32
    %dma_wait3A_112 = arith.constant 0 : i32
    %dma_wait3A_113 = tpu.memref_slice %arg9[%dma_wait3A_110, %dma_wait3A_111, %dma_wait3A_112] : memref<2x128x128xf32, #tpu.memory_space<vmem>> -> memref<1x128x128xf32, #tpu.memory_space<vmem>>
    %dma_wait3A_114 = tpu.memref_squeeze %dma_wait3A_113 : memref<1x128x128xf32, #tpu.memory_space<vmem>> -> memref<128x128xf32, #tpu.memory_space<vmem>>
    %dma_wait3A_115 = arith.constant 0 : i32
    %dma_wait3A_116 = tpu.memref_slice %arg7[%dma_wait3A_109, %dma_wait3A_115] : memref<40x128xi32, #tpu.memory_space<vmem>> -> memref<1x128xi32, #tpu.memory_space<vmem>>
    %dma_wait3A_117 = tpu.memref_squeeze %dma_wait3A_116 : memref<1x128xi32, #tpu.memory_space<vmem>> -> memref<128xi32, #tpu.memory_space<vmem>>
    %dma_wait3A_118 = arith.constant 0 : i32
    %dma_wait3A_119 = arith.constant 0 : i32
    %dma_wait3A_120 = tpu.memref_slice %arg2[%dma_wait3A_118, %dma_wait3A_119] : memref<10240x128xf32, #tpu.memory_space<hbm>> -> memref<10240x128xf32, #tpu.memory_space<hbm>>
    tpu.wait_indirect_dma semaphore(%arg12 : memref<!tpu.dma_semaphore, #tpu.memory_space<semaphore_mem>>) src(%dma_wait3A_120 : memref<10240x128xf32, #tpu.memory_space<hbm>>) dst(%dma_wait3A_114 : memref<128x128xf32, #tpu.memory_space<vmem>>)
    %run_scoped3A_121 = arith.constant 1 : i32
    %run_scoped3A_122 = arith.constant 39 : i32
    "tpu.region"() ({
      %run_scoped3A_128 = tpu.sem_alloc : memref<!tpu.dma_semaphore, #tpu.memory_space<semaphore_mem>>
      %dma_start3A_129 = arith.constant 0 : i32
      %dma_start3A_130 = arith.constant 0 : i32
      %dma_start3A_131 = tpu.memref_slice %arg9[%run_scoped3A_121, %dma_start3A_129, %dma_start3A_130] : memref<2x128x128xf32, #tpu.memory_space<vmem>> -> memref<1x128x128xf32, #tpu.memory_space<vmem>>
      %dma_start3A_132 = tpu.memref_squeeze %dma_start3A_131 : memref<1x128x128xf32, #tpu.memory_space<vmem>> -> memref<128x128xf32, #tpu.memory_space<vmem>>
      %dma_start3A_133 = arith.constant 0 : i32
      %dma_start3A_134 = tpu.memref_slice %arg8[%run_scoped3A_122, %dma_start3A_133] : memref<40x128xi32, #tpu.memory_space<vmem>> -> memref<1x128xi32, #tpu.memory_space<vmem>>
      %dma_start3A_135 = tpu.memref_squeeze %dma_start3A_134 : memref<1x128xi32, #tpu.memory_space<vmem>> -> memref<128xi32, #tpu.memory_space<vmem>>
      %dma_start3A_136 = arith.constant 0 : i32
      %dma_start3A_137 = arith.constant 0 : i32
      %dma_start3A_138 = tpu.memref_slice %arg10[%dma_start3A_136, %dma_start3A_137] : memref<10240x128xf32, #tpu.memory_space<vmem_shared>> -> memref<10240x128xf32, #tpu.memory_space<vmem_shared>>
      tpu.enqueue_indirect_dma source(%dma_start3A_132 : memref<128x128xf32, #tpu.memory_space<vmem>>) target(%dma_start3A_138 : memref<10240x128xf32, #tpu.memory_space<vmem_shared>>) offsets(%dma_start3A_135 : memref<128xi32, #tpu.memory_space<vmem>>) semaphore(%run_scoped3A_128 : memref<!tpu.dma_semaphore, #tpu.memory_space<semaphore_mem>>) {add = true}
      %dma_wait3A_139 = arith.constant 0 : i32
      %dma_wait3A_140 = arith.constant 0 : i32
      %dma_wait3A_141 = tpu.memref_slice %arg9[%run_scoped3A_121, %dma_wait3A_139, %dma_wait3A_140] : memref<2x128x128xf32, #tpu.memory_space<vmem>> -> memref<1x128x128xf32, #tpu.memory_space<vmem>>
      %dma_wait3A_142 = tpu.memref_squeeze %dma_wait3A_141 : memref<1x128x128xf32, #tpu.memory_space<vmem>> -> memref<128x128xf32, #tpu.memory_space<vmem>>
      %dma_wait3A_143 = arith.constant 0 : i32
      %dma_wait3A_144 = tpu.memref_slice %arg8[%run_scoped3A_122, %dma_wait3A_143] : memref<40x128xi32, #tpu.memory_space<vmem>> -> memref<1x128xi32, #tpu.memory_space<vmem>>
      %dma_wait3A_145 = tpu.memref_squeeze %dma_wait3A_144 : memref<1x128xi32, #tpu.memory_space<vmem>> -> memref<128xi32, #tpu.memory_space<vmem>>
      %dma_wait3A_146 = arith.constant 0 : i32
      %dma_wait3A_147 = arith.constant 0 : i32
      %dma_wait3A_148 = tpu.memref_slice %arg10[%dma_wait3A_146, %dma_wait3A_147] : memref<10240x128xf32, #tpu.memory_space<vmem_shared>> -> memref<10240x128xf32, #tpu.memory_space<vmem_shared>>
      tpu.wait_indirect_dma semaphore(%run_scoped3A_128 : memref<!tpu.dma_semaphore, #tpu.memory_space<semaphore_mem>>) src(%dma_wait3A_142 : memref<128x128xf32, #tpu.memory_space<vmem>>) dst(%dma_wait3A_148 : memref<10240x128xf32, #tpu.memory_space<vmem_shared>>)
      tpu.yield
    }) : () -> ()
    %barrier3A_123 = arith.constant 0 : index
    tpu.barrier barrier_id(%barrier3A_123)
    %mul3A_124 = arith.constant 640 : i32
    %mul3A_125 = arith.muli %arg1, %mul3A_124 : i32
    %mul3A_126 = arith.constant 640 : i32
    %mul3A_127 = arith.muli %arg1, %mul3A_126 : i32
    "tpu.region"() ({
      %run_scoped3A_128 = tpu.sem_alloc : memref<!tpu.dma_semaphore, #tpu.memory_space<semaphore_mem>>
      %dma_start3A_129 = arith.constant 0 : i32
      %dma_start3A_130 = arith.constant 0 : i32
      %dma_start3A_131 = tpu.memref_slice %arg6[%arg0, %dma_start3A_129, %dma_start3A_130] : memref<2x10240x128xf32, #tpu.memory_space<hbm>> -> memref<1x10240x128xf32, #tpu.memory_space<hbm>>
      %dma_start3A_132 = tpu.memref_squeeze %dma_start3A_131 : memref<1x10240x128xf32, #tpu.memory_space<hbm>> -> memref<10240x128xf32, #tpu.memory_space<hbm>>
      %dma_start3A_133 = arith.constant 0 : i32
      %dma_start3A_134 = tpu.memref_slice %dma_start3A_132[%mul3A_127, %dma_start3A_133] : memref<10240x128xf32, #tpu.memory_space<hbm>> -> memref<640x128xf32, #tpu.memory_space<hbm>>
      %dma_start3A_135 = arith.constant 0 : i32
      %dma_start3A_136 = tpu.memref_slice %arg10[%mul3A_125, %dma_start3A_135] : memref<10240x128xf32, #tpu.memory_space<vmem_shared>> -> memref<640x128xf32, #tpu.memory_space<vmem_shared>>
      tpu.enqueue_dma source(%dma_start3A_136 : memref<640x128xf32, #tpu.memory_space<vmem_shared>>) target(%dma_start3A_134 : memref<640x128xf32, #tpu.memory_space<hbm>>) target_semaphore(%run_scoped3A_128 : memref<!tpu.dma_semaphore, #tpu.memory_space<semaphore_mem>>)
      %dma_wait3A_137 = arith.constant 0 : i32
      %dma_wait3A_138 = arith.constant 0 : i32
      %dma_wait3A_139 = tpu.memref_slice %arg6[%arg0, %dma_wait3A_137, %dma_wait3A_138] : memref<2x10240x128xf32, #tpu.memory_space<hbm>> -> memref<1x10240x128xf32, #tpu.memory_space<hbm>>
      %dma_wait3A_140 = tpu.memref_squeeze %dma_wait3A_139 : memref<1x10240x128xf32, #tpu.memory_space<hbm>> -> memref<10240x128xf32, #tpu.memory_space<hbm>>
      %dma_wait3A_141 = arith.constant 0 : i32
      %dma_wait3A_142 = tpu.memref_slice %dma_wait3A_140[%mul3A_127, %dma_wait3A_141] : memref<10240x128xf32, #tpu.memory_space<hbm>> -> memref<640x128xf32, #tpu.memory_space<hbm>>
      %dma_wait3A_143 = arith.constant 0 : i32
      %dma_wait3A_144 = tpu.memref_slice %arg10[%mul3A_125, %dma_wait3A_143] : memref<10240x128xf32, #tpu.memory_space<vmem_shared>> -> memref<640x128xf32, #tpu.memory_space<vmem_shared>>
      tpu.wait_dma2 semaphore(%run_scoped3A_128 : memref<!tpu.dma_semaphore, #tpu.memory_space<semaphore_mem>>) src(%dma_wait3A_144 : memref<640x128xf32, #tpu.memory_space<vmem_shared>>) dst(%dma_wait3A_142 : memref<640x128xf32, #tpu.memory_space<hbm>>)
      tpu.yield
    }) : () -> ()
    return
  }
}

module attributes {stable_mosaic.version = 14 : i64} {
  func.func @_qkv_body(%arg0: i32, %arg1: memref<512x128xf32, #tpu.memory_space<vmem>>, %arg2: memref<128x384xf32, #tpu.memory_space<vmem>>, %arg3: memref<1x384xf32, #tpu.memory_space<vmem>>, %arg4: memref<4x40x512xbf16, #tpu.memory_space<vmem>>, %arg5: memref<4x40x512xbf16, #tpu.memory_space<vmem>>, %arg6: memref<4x64x512xbf16, #tpu.memory_space<vmem>>) attributes {dimension_semantics = [#tpu.dimension_semantics<arbitrary>], iteration_bounds = array<i64: 20>, scalar_prefetch = 0 : i64, scratch_operands = 0 : i64, tpu.core_type = #tpu.core_type<tc>, window_params = [{transform_indices = @transform_0, window_bounds = array<i64: 512, 128>}, {pipeline_mode = #tpu.pipeline_mode<synchronous>, transform_indices = @transform_1, window_bounds = array<i64: 128, 384>}, {pipeline_mode = #tpu.pipeline_mode<synchronous>, transform_indices = @transform_2, window_bounds = array<i64: 1, 384>}, {transform_indices = @transform_3, window_bounds = array<i64: 4, 40, 512>}, {transform_indices = @transform_4, window_bounds = array<i64: 4, 40, 512>}, {transform_indices = @transform_5, window_bounds = array<i64: 4, 64, 512>}]} {
    %get3A = arith.constant 0 : index
    %get3A_0 = arith.constant 0 : index
    %get3A_1 = vector.load %arg1[%get3A, %get3A_0] : memref<512x128xf32, #tpu.memory_space<vmem>>, vector<512x128xf32>
    %get3A_2 = arith.constant 0 : index
    %get3A_3 = arith.constant 0 : index
    %get3A_4 = vector.load %arg2[%get3A_2, %get3A_3] : memref<128x384xf32, #tpu.memory_space<vmem>>, vector<128x384xf32>
    %dot_general3A = arith.constant dense<0.000000e+00> : vector<512x384xf32>
    %dot_general3A_5 = tpu.matmul %get3A_1, %get3A_4, %dot_general3A {dimension_numbers = #tpu.dot_dimension_numbers<[1], [0], [0], [1], [0, 0, 1, 1], [], []>, transpose_lhs_hint = false} : vector<512x128xf32>, vector<128x384xf32>, vector<512x384xf32> -> vector<512x384xf32>
    %get3A_6 = arith.constant 0 : index
    %get3A_7 = arith.constant 0 : index
    %get3A_8 = vector.load %arg3[%get3A_6, %get3A_7] : memref<1x384xf32, #tpu.memory_space<vmem>>, vector<1x384xf32>
    %add3A = vector.broadcast %get3A_8 : vector<1x384xf32> to vector<512x384xf32>
    %add3A_9 = arith.addf %dot_general3A_5, %add3A : vector<512x384xf32>
    %broadcast_in_dim3A = arith.constant 1.000000e+00 : f32
    %broadcast_in_dim3A_10 = vector.broadcast %broadcast_in_dim3A : f32 to vector<512x1xf32>
    %broadcast_in_dim3A_11 = arith.constant 0.000000e+00 : f32
    %broadcast_in_dim3A_12 = vector.broadcast %broadcast_in_dim3A_11 : f32 to vector<512x7xf32>
    %broadcast_in_dim3A_13 = arith.constant 0.000000e+00 : f32
    %broadcast_in_dim3A_14 = vector.broadcast %broadcast_in_dim3A_13 : f32 to vector<512x31xf32>
    %mul3A = arith.constant 512 : i32
    %mul3A_15 = arith.muli %arg0, %mul3A : i32
    %iota3A = tpu.iota {dimensions = array<i32: 0>} : vector<512x1xi32>
    %add3A_16 = vector.broadcast %mul3A_15 : i32 to vector<512x1xi32>
    %add3A_17 = arith.addi %add3A_16, %iota3A : vector<512x1xi32>
    %lt3A = arith.constant 10000 : i32
    %lt3A_18 = vector.broadcast %lt3A : i32 to vector<512x1xi32>
    %lt3A_19 = arith.cmpi slt, %add3A_17, %lt3A_18 : vector<512x1xi32>
    %jit3A = arith.constant 0.000000e+00 : f32
    %jit3A_20 = arith.constant -1.000000e+30 : f32
    %broadcast_in_dim3A_21 = vector.broadcast %jit3A : f32 to vector<512x1xf32>
    %broadcast_in_dim3A_22 = vector.broadcast %jit3A_20 : f32 to vector<512x1xf32>
    %select_n3A = arith.select %lt3A_19, %broadcast_in_dim3A_21, %broadcast_in_dim3A_22 : vector<512x1xi1>, vector<512x1xf32>
    %slice3A = vector.extract_strided_slice %add3A_9 {offsets = [0, 0], sizes = [512, 32], strides = [1, 1]} : vector<512x384xf32> to vector<512x32xf32>
    %mul3A_23 = arith.constant 0.176776692 : f32
    %mul3A_24 = vector.broadcast %mul3A_23 : f32 to vector<512x32xf32>
    %mul3A_25 = arith.mulf %slice3A, %mul3A_24 : vector<512x32xf32>
    %concatenate3A = tpu.concatenate %mul3A_25, %broadcast_in_dim3A_10, %broadcast_in_dim3A_12 in 1 : vector<512x32xf32>, vector<512x1xf32>, vector<512x7xf32> -> vector<512x40xf32>
    %convert_element_type3A = arith.truncf %concatenate3A : vector<512x40xf32> to vector<512x40xbf16>
    %transpose3A = tpu.transpose %convert_element_type3A, [1, 0] : vector<512x40xbf16> -> vector<40x512xbf16>
    %swap3A = arith.constant 0 : index
    %swap3A_26 = arith.constant 0 : index
    %swap3A_27 = arith.constant 0 : index
    %swap3A_28 = vector.load %arg4[%swap3A, %swap3A_26, %swap3A_27] : memref<4x40x512xbf16, #tpu.memory_space<vmem>>, vector<1x40x512xbf16>
    %swap3A_29 = vector.shape_cast %swap3A_28 : vector<1x40x512xbf16> to vector<40x512xbf16>
    %swap3A_30 = vector.shape_cast %transpose3A : vector<40x512xbf16> to vector<1x40x512xbf16>
    tpu.vector_store %arg4[%swap3A, %swap3A_26, %swap3A_27], %swap3A_30 {strides = array<i32>} : memref<4x40x512xbf16, #tpu.memory_space<vmem>>, vector<1x40x512xbf16>,
    %slice3A_31 = vector.extract_strided_slice %add3A_9 {offsets = [0, 128], sizes = [512, 32], strides = [1, 1]} : vector<512x384xf32> to vector<512x32xf32>
    %concatenate3A_32 = tpu.concatenate %slice3A_31, %select_n3A, %broadcast_in_dim3A_12 in 1 : vector<512x32xf32>, vector<512x1xf32>, vector<512x7xf32> -> vector<512x40xf32>
    %convert_element_type3A_33 = arith.truncf %concatenate3A_32 : vector<512x40xf32> to vector<512x40xbf16>
    %transpose3A_34 = tpu.transpose %convert_element_type3A_33, [1, 0] : vector<512x40xbf16> -> vector<40x512xbf16>
    %swap3A_35 = arith.constant 0 : index
    %swap3A_36 = arith.constant 0 : index
    %swap3A_37 = arith.constant 0 : index
    %swap3A_38 = vector.load %arg5[%swap3A_35, %swap3A_36, %swap3A_37] : memref<4x40x512xbf16, #tpu.memory_space<vmem>>, vector<1x40x512xbf16>
    %swap3A_39 = vector.shape_cast %swap3A_38 : vector<1x40x512xbf16> to vector<40x512xbf16>
    %swap3A_40 = vector.shape_cast %transpose3A_34 : vector<40x512xbf16> to vector<1x40x512xbf16>
    tpu.vector_store %arg5[%swap3A_35, %swap3A_36, %swap3A_37], %swap3A_40 {strides = array<i32>} : memref<4x40x512xbf16, #tpu.memory_space<vmem>>, vector<1x40x512xbf16>,
    %slice3A_41 = vector.extract_strided_slice %add3A_9 {offsets = [0, 256], sizes = [512, 32], strides = [1, 1]} : vector<512x384xf32> to vector<512x32xf32>
    %concatenate3A_42 = tpu.concatenate %slice3A_41, %broadcast_in_dim3A_10, %broadcast_in_dim3A_14 in 1 : vector<512x32xf32>, vector<512x1xf32>, vector<512x31xf32> -> vector<512x64xf32>
    %convert_element_type3A_43 = arith.truncf %concatenate3A_42 : vector<512x64xf32> to vector<512x64xbf16>
    %transpose3A_44 = tpu.transpose %convert_element_type3A_43, [1, 0] : vector<512x64xbf16> -> vector<64x512xbf16>
    %swap3A_45 = arith.constant 0 : index
    %swap3A_46 = arith.constant 0 : index
    %swap3A_47 = arith.constant 0 : index
    %swap3A_48 = vector.load %arg6[%swap3A_45, %swap3A_46, %swap3A_47] : memref<4x64x512xbf16, #tpu.memory_space<vmem>>, vector<1x64x512xbf16>
    %swap3A_49 = vector.shape_cast %swap3A_48 : vector<1x64x512xbf16> to vector<64x512xbf16>
    %swap3A_50 = vector.shape_cast %transpose3A_44 : vector<64x512xbf16> to vector<1x64x512xbf16>
    tpu.vector_store %arg6[%swap3A_45, %swap3A_46, %swap3A_47], %swap3A_50 {strides = array<i32>} : memref<4x64x512xbf16, #tpu.memory_space<vmem>>, vector<1x64x512xbf16>,
    %slice3A_51 = vector.extract_strided_slice %add3A_9 {offsets = [0, 32], sizes = [512, 32], strides = [1, 1]} : vector<512x384xf32> to vector<512x32xf32>
    %mul3A_52 = arith.constant 0.176776692 : f32
    %mul3A_53 = vector.broadcast %mul3A_52 : f32 to vector<512x32xf32>
    %mul3A_54 = arith.mulf %slice3A_51, %mul3A_53 : vector<512x32xf32>
    %concatenate3A_55 = tpu.concatenate %mul3A_54, %broadcast_in_dim3A_10, %broadcast_in_dim3A_12 in 1 : vector<512x32xf32>, vector<512x1xf32>, vector<512x7xf32> -> vector<512x40xf32>
    %convert_element_type3A_56 = arith.truncf %concatenate3A_55 : vector<512x40xf32> to vector<512x40xbf16>
    %transpose3A_57 = tpu.transpose %convert_element_type3A_56, [1, 0] : vector<512x40xbf16> -> vector<40x512xbf16>
    %swap3A_58 = arith.constant 1 : index
    %swap3A_59 = arith.constant 0 : index
    %swap3A_60 = arith.constant 0 : index
    %swap3A_61 = vector.load %arg4[%swap3A_58, %swap3A_59, %swap3A_60] : memref<4x40x512xbf16, #tpu.memory_space<vmem>>, vector<1x40x512xbf16>
    %swap3A_62 = vector.shape_cast %swap3A_61 : vector<1x40x512xbf16> to vector<40x512xbf16>
    %swap3A_63 = vector.shape_cast %transpose3A_57 : vector<40x512xbf16> to vector<1x40x512xbf16>
    tpu.vector_store %arg4[%swap3A_58, %swap3A_59, %swap3A_60], %swap3A_63 {strides = array<i32>} : memref<4x40x512xbf16, #tpu.memory_space<vmem>>, vector<1x40x512xbf16>,
    %slice3A_64 = vector.extract_strided_slice %add3A_9 {offsets = [0, 160], sizes = [512, 32], strides = [1, 1]} : vector<512x384xf32> to vector<512x32xf32>
    %concatenate3A_65 = tpu.concatenate %slice3A_64, %select_n3A, %broadcast_in_dim3A_12 in 1 : vector<512x32xf32>, vector<512x1xf32>, vector<512x7xf32> -> vector<512x40xf32>
    %convert_element_type3A_66 = arith.truncf %concatenate3A_65 : vector<512x40xf32> to vector<512x40xbf16>
    %transpose3A_67 = tpu.transpose %convert_element_type3A_66, [1, 0] : vector<512x40xbf16> -> vector<40x512xbf16>
    %swap3A_68 = arith.constant 1 : index
    %swap3A_69 = arith.constant 0 : index
    %swap3A_70 = arith.constant 0 : index
    %swap3A_71 = vector.load %arg5[%swap3A_68, %swap3A_69, %swap3A_70] : memref<4x40x512xbf16, #tpu.memory_space<vmem>>, vector<1x40x512xbf16>
    %swap3A_72 = vector.shape_cast %swap3A_71 : vector<1x40x512xbf16> to vector<40x512xbf16>
    %swap3A_73 = vector.shape_cast %transpose3A_67 : vector<40x512xbf16> to vector<1x40x512xbf16>
    tpu.vector_store %arg5[%swap3A_68, %swap3A_69, %swap3A_70], %swap3A_73 {strides = array<i32>} : memref<4x40x512xbf16, #tpu.memory_space<vmem>>, vector<1x40x512xbf16>,
    %slice3A_74 = vector.extract_strided_slice %add3A_9 {offsets = [0, 288], sizes = [512, 32], strides = [1, 1]} : vector<512x384xf32> to vector<512x32xf32>
    %concatenate3A_75 = tpu.concatenate %slice3A_74, %broadcast_in_dim3A_10, %broadcast_in_dim3A_14 in 1 : vector<512x32xf32>, vector<512x1xf32>, vector<512x31xf32> -> vector<512x64xf32>
    %convert_element_type3A_76 = arith.truncf %concatenate3A_75 : vector<512x64xf32> to vector<512x64xbf16>
    %transpose3A_77 = tpu.transpose %convert_element_type3A_76, [1, 0] : vector<512x64xbf16> -> vector<64x512xbf16>
    %swap3A_78 = arith.constant 1 : index
    %swap3A_79 = arith.constant 0 : index
    %swap3A_80 = arith.constant 0 : index
    %swap3A_81 = vector.load %arg6[%swap3A_78, %swap3A_79, %swap3A_80] : memref<4x64x512xbf16, #tpu.memory_space<vmem>>, vector<1x64x512xbf16>
    %swap3A_82 = vector.shape_cast %swap3A_81 : vector<1x64x512xbf16> to vector<64x512xbf16>
    %swap3A_83 = vector.shape_cast %transpose3A_77 : vector<64x512xbf16> to vector<1x64x512xbf16>
    tpu.vector_store %arg6[%swap3A_78, %swap3A_79, %swap3A_80], %swap3A_83 {strides = array<i32>} : memref<4x64x512xbf16, #tpu.memory_space<vmem>>, vector<1x64x512xbf16>,
    %slice3A_84 = vector.extract_strided_slice %add3A_9 {offsets = [0, 64], sizes = [512, 32], strides = [1, 1]} : vector<512x384xf32> to vector<512x32xf32>
    %mul3A_85 = arith.constant 0.176776692 : f32
    %mul3A_86 = vector.broadcast %mul3A_85 : f32 to vector<512x32xf32>
    %mul3A_87 = arith.mulf %slice3A_84, %mul3A_86 : vector<512x32xf32>
    %concatenate3A_88 = tpu.concatenate %mul3A_87, %broadcast_in_dim3A_10, %broadcast_in_dim3A_12 in 1 : vector<512x32xf32>, vector<512x1xf32>, vector<512x7xf32> -> vector<512x40xf32>
    %convert_element_type3A_89 = arith.truncf %concatenate3A_88 : vector<512x40xf32> to vector<512x40xbf16>
    %transpose3A_90 = tpu.transpose %convert_element_type3A_89, [1, 0] : vector<512x40xbf16> -> vector<40x512xbf16>
    %swap3A_91 = arith.constant 2 : index
    %swap3A_92 = arith.constant 0 : index
    %swap3A_93 = arith.constant 0 : index
    %swap3A_94 = vector.load %arg4[%swap3A_91, %swap3A_92, %swap3A_93] : memref<4x40x512xbf16, #tpu.memory_space<vmem>>, vector<1x40x512xbf16>
    %swap3A_95 = vector.shape_cast %swap3A_94 : vector<1x40x512xbf16> to vector<40x512xbf16>
    %swap3A_96 = vector.shape_cast %transpose3A_90 : vector<40x512xbf16> to vector<1x40x512xbf16>
    tpu.vector_store %arg4[%swap3A_91, %swap3A_92, %swap3A_93], %swap3A_96 {strides = array<i32>} : memref<4x40x512xbf16, #tpu.memory_space<vmem>>, vector<1x40x512xbf16>,
    %slice3A_97 = vector.extract_strided_slice %add3A_9 {offsets = [0, 192], sizes = [512, 32], strides = [1, 1]} : vector<512x384xf32> to vector<512x32xf32>
    %concatenate3A_98 = tpu.concatenate %slice3A_97, %select_n3A, %broadcast_in_dim3A_12 in 1 : vector<512x32xf32>, vector<512x1xf32>, vector<512x7xf32> -> vector<512x40xf32>
    %convert_element_type3A_99 = arith.truncf %concatenate3A_98 : vector<512x40xf32> to vector<512x40xbf16>
    %transpose3A_100 = tpu.transpose %convert_element_type3A_99, [1, 0] : vector<512x40xbf16> -> vector<40x512xbf16>
    %swap3A_101 = arith.constant 2 : index
    %swap3A_102 = arith.constant 0 : index
    %swap3A_103 = arith.constant 0 : index
    %swap3A_104 = vector.load %arg5[%swap3A_101, %swap3A_102, %swap3A_103] : memref<4x40x512xbf16, #tpu.memory_space<vmem>>, vector<1x40x512xbf16>
    %swap3A_105 = vector.shape_cast %swap3A_104 : vector<1x40x512xbf16> to vector<40x512xbf16>
    %swap3A_106 = vector.shape_cast %transpose3A_100 : vector<40x512xbf16> to vector<1x40x512xbf16>
    tpu.vector_store %arg5[%swap3A_101, %swap3A_102, %swap3A_103], %swap3A_106 {strides = array<i32>} : memref<4x40x512xbf16, #tpu.memory_space<vmem>>, vector<1x40x512xbf16>,
    %slice3A_107 = vector.extract_strided_slice %add3A_9 {offsets = [0, 320], sizes = [512, 32], strides = [1, 1]} : vector<512x384xf32> to vector<512x32xf32>
    %concatenate3A_108 = tpu.concatenate %slice3A_107, %broadcast_in_dim3A_10, %broadcast_in_dim3A_14 in 1 : vector<512x32xf32>, vector<512x1xf32>, vector<512x31xf32> -> vector<512x64xf32>
    %convert_element_type3A_109 = arith.truncf %concatenate3A_108 : vector<512x64xf32> to vector<512x64xbf16>
    %transpose3A_110 = tpu.transpose %convert_element_type3A_109, [1, 0] : vector<512x64xbf16> -> vector<64x512xbf16>
    %swap3A_111 = arith.constant 2 : index
    %swap3A_112 = arith.constant 0 : index
    %swap3A_113 = arith.constant 0 : index
    %swap3A_114 = vector.load %arg6[%swap3A_111, %swap3A_112, %swap3A_113] : memref<4x64x512xbf16, #tpu.memory_space<vmem>>, vector<1x64x512xbf16>
    %swap3A_115 = vector.shape_cast %swap3A_114 : vector<1x64x512xbf16> to vector<64x512xbf16>
    %swap3A_116 = vector.shape_cast %transpose3A_110 : vector<64x512xbf16> to vector<1x64x512xbf16>
    tpu.vector_store %arg6[%swap3A_111, %swap3A_112, %swap3A_113], %swap3A_116 {strides = array<i32>} : memref<4x64x512xbf16, #tpu.memory_space<vmem>>, vector<1x64x512xbf16>,
    %slice3A_117 = vector.extract_strided_slice %add3A_9 {offsets = [0, 96], sizes = [512, 32], strides = [1, 1]} : vector<512x384xf32> to vector<512x32xf32>
    %mul3A_118 = arith.constant 0.176776692 : f32
    %mul3A_119 = vector.broadcast %mul3A_118 : f32 to vector<512x32xf32>
    %mul3A_120 = arith.mulf %slice3A_117, %mul3A_119 : vector<512x32xf32>
    %concatenate3A_121 = tpu.concatenate %mul3A_120, %broadcast_in_dim3A_10, %broadcast_in_dim3A_12 in 1 : vector<512x32xf32>, vector<512x1xf32>, vector<512x7xf32> -> vector<512x40xf32>
    %convert_element_type3A_122 = arith.truncf %concatenate3A_121 : vector<512x40xf32> to vector<512x40xbf16>
    %transpose3A_123 = tpu.transpose %convert_element_type3A_122, [1, 0] : vector<512x40xbf16> -> vector<40x512xbf16>
    %swap3A_124 = arith.constant 3 : index
    %swap3A_125 = arith.constant 0 : index
    %swap3A_126 = arith.constant 0 : index
    %swap3A_127 = vector.load %arg4[%swap3A_124, %swap3A_125, %swap3A_126] : memref<4x40x512xbf16, #tpu.memory_space<vmem>>, vector<1x40x512xbf16>
    %swap3A_128 = vector.shape_cast %swap3A_127 : vector<1x40x512xbf16> to vector<40x512xbf16>
    %swap3A_129 = vector.shape_cast %transpose3A_123 : vector<40x512xbf16> to vector<1x40x512xbf16>
    tpu.vector_store %arg4[%swap3A_124, %swap3A_125, %swap3A_126], %swap3A_129 {strides = array<i32>} : memref<4x40x512xbf16, #tpu.memory_space<vmem>>, vector<1x40x512xbf16>,
    %slice3A_130 = vector.extract_strided_slice %add3A_9 {offsets = [0, 224], sizes = [512, 32], strides = [1, 1]} : vector<512x384xf32> to vector<512x32xf32>
    %concatenate3A_131 = tpu.concatenate %slice3A_130, %select_n3A, %broadcast_in_dim3A_12 in 1 : vector<512x32xf32>, vector<512x1xf32>, vector<512x7xf32> -> vector<512x40xf32>
    %convert_element_type3A_132 = arith.truncf %concatenate3A_131 : vector<512x40xf32> to vector<512x40xbf16>
    %transpose3A_133 = tpu.transpose %convert_element_type3A_132, [1, 0] : vector<512x40xbf16> -> vector<40x512xbf16>
    %swap3A_134 = arith.constant 3 : index
    %swap3A_135 = arith.constant 0 : index
    %swap3A_136 = arith.constant 0 : index
    %swap3A_137 = vector.load %arg5[%swap3A_134, %swap3A_135, %swap3A_136] : memref<4x40x512xbf16, #tpu.memory_space<vmem>>, vector<1x40x512xbf16>
    %swap3A_138 = vector.shape_cast %swap3A_137 : vector<1x40x512xbf16> to vector<40x512xbf16>
    %swap3A_139 = vector.shape_cast %transpose3A_133 : vector<40x512xbf16> to vector<1x40x512xbf16>
    tpu.vector_store %arg5[%swap3A_134, %swap3A_135, %swap3A_136], %swap3A_139 {strides = array<i32>} : memref<4x40x512xbf16, #tpu.memory_space<vmem>>, vector<1x40x512xbf16>,
    %slice3A_140 = vector.extract_strided_slice %add3A_9 {offsets = [0, 352], sizes = [512, 32], strides = [1, 1]} : vector<512x384xf32> to vector<512x32xf32>
    %concatenate3A_141 = tpu.concatenate %slice3A_140, %broadcast_in_dim3A_10, %broadcast_in_dim3A_14 in 1 : vector<512x32xf32>, vector<512x1xf32>, vector<512x31xf32> -> vector<512x64xf32>
    %convert_element_type3A_142 = arith.truncf %concatenate3A_141 : vector<512x64xf32> to vector<512x64xbf16>
    %transpose3A_143 = tpu.transpose %convert_element_type3A_142, [1, 0] : vector<512x64xbf16> -> vector<64x512xbf16>
    %swap3A_144 = arith.constant 3 : index
    %swap3A_145 = arith.constant 0 : index
    %swap3A_146 = arith.constant 0 : index
    %swap3A_147 = vector.load %arg6[%swap3A_144, %swap3A_145, %swap3A_146] : memref<4x64x512xbf16, #tpu.memory_space<vmem>>, vector<1x64x512xbf16>
    %swap3A_148 = vector.shape_cast %swap3A_147 : vector<1x64x512xbf16> to vector<64x512xbf16>
    %swap3A_149 = vector.shape_cast %transpose3A_143 : vector<64x512xbf16> to vector<1x64x512xbf16>
    tpu.vector_store %arg6[%swap3A_144, %swap3A_145, %swap3A_146], %swap3A_149 {strides = array<i32>} : memref<4x64x512xbf16, #tpu.memory_space<vmem>>, vector<1x64x512xbf16>,
    return
  }
  func.func @transform_0(%arg0: i32) -> (i32, i32) {
    %c0_i32 = arith.constant 0 : i32
    %c0_i32_0 = arith.constant 0 : i32
    return %arg0, %c0_i32 : i32, i32
  }
  func.func @transform_1(%arg0: i32) -> (i32, i32) {
    %c0_i32 = arith.constant 0 : i32
    %c0_i32_0 = arith.constant 0 : i32
    %c0_i32_1 = arith.constant 0 : i32
    return %c0_i32, %c0_i32_0 : i32, i32
  }
  func.func @transform_2(%arg0: i32) -> (i32, i32) {
    %c0_i32 = arith.constant 0 : i32
    %c0_i32_0 = arith.constant 0 : i32
    %c0_i32_1 = arith.constant 0 : i32
    return %c0_i32, %c0_i32_0 : i32, i32
  }
  func.func @transform_3(%arg0: i32) -> (i32, i32, i32) {
    %c0_i32 = arith.constant 0 : i32
    %c0_i32_0 = arith.constant 0 : i32
    %c0_i32_1 = arith.constant 0 : i32
    return %c0_i32, %c0_i32_0, %arg0 : i32, i32, i32
  }
  func.func @transform_4(%arg0: i32) -> (i32, i32, i32) {
    %c0_i32 = arith.constant 0 : i32
    %c0_i32_0 = arith.constant 0 : i32
    %c0_i32_1 = arith.constant 0 : i32
    return %c0_i32, %c0_i32_0, %arg0 : i32, i32, i32
  }
  func.func @transform_5(%arg0: i32) -> (i32, i32, i32) {
    %c0_i32 = arith.constant 0 : i32
    %c0_i32_0 = arith.constant 0 : i32
    %c0_i32_1 = arith.constant 0 : i32
    return %c0_i32, %c0_i32_0, %arg0 : i32, i32, i32
  }
}

module attributes {stable_mosaic.version = 14 : i64} {
  func.func @_attn_body(%arg0: i32, %arg1: i32, %arg2: i32, %arg3: memref<1x40x512xbf16, #tpu.memory_space<vmem>>, %arg4: memref<1x40x1024xbf16, #tpu.memory_space<vmem>>, %arg5: memref<1x64x1024xbf16, #tpu.memory_space<vmem>>, %arg6: memref<1x512x32xf32, #tpu.memory_space<vmem>>, %arg7: memref<1x512x64xf32, #tpu.memory_space<vmem>>) attributes {dimension_semantics = [#tpu.dimension_semantics<parallel>, #tpu.dimension_semantics<parallel>, #tpu.dimension_semantics<arbitrary>], iteration_bounds = array<i64: 4, 20, 10>, scalar_prefetch = 0 : i64, scratch_operands = 1 : i64, tpu.core_type = #tpu.core_type<tc>, window_params = [{transform_indices = @transform_0, window_bounds = array<i64: 1, 40, 512>}, {transform_indices = @transform_1, window_bounds = array<i64: 1, 40, 1024>}, {transform_indices = @transform_2, window_bounds = array<i64: 1, 64, 1024>}, {transform_indices = @transform_3, window_bounds = array<i64: 1, 512, 32>}]} {
    %eq3A = arith.constant 0 : i32
    %eq3A_0 = arith.cmpi eq, %arg2, %eq3A : i32
    %convert_element_type3A = arith.extui %eq3A_0 : i1 to i32
    %cond3A = arith.constant 0 : i32
    %cond3A_1 = arith.cmpi ne, %convert_element_type3A, %cond3A : i32
    scf.if %cond3A_1 {
      %broadcast_in_dim3A = arith.constant 0.000000e+00 : f32
      %broadcast_in_dim3A_35 = vector.broadcast %broadcast_in_dim3A : f32 to vector<1x512x64xf32>
      %swap3A_36 = arith.constant 0 : index
      %swap3A_37 = arith.constant 0 : index
      %swap3A_38 = arith.constant 0 : index
      %swap3A_39 = vector.load %arg7[%swap3A_36, %swap3A_37, %swap3A_38] : memref<1x512x64xf32, #tpu.memory_space<vmem>>, vector<1x512x64xf32>
      tpu.vector_store %arg7[%swap3A_36, %swap3A_37, %swap3A_38], %broadcast_in_dim3A_35 {strides = array<i32>} : memref<1x512x64xf32, #tpu.memory_space<vmem>>, vector<1x512x64xf32>,
    } else {
    }
    %get3A = arith.constant 0 : index
    %get3A_2 = arith.constant 0 : index
    %get3A_3 = arith.constant 0 : index
    %get3A_4 = vector.load %arg3[%get3A, %get3A_2, %get3A_3] : memref<1x40x512xbf16, #tpu.memory_space<vmem>>, vector<1x40x512xbf16>
    %get3A_5 = vector.shape_cast %get3A_4 : vector<1x40x512xbf16> to vector<40x512xbf16>
    %get3A_6 = arith.constant 0 : index
    %get3A_7 = arith.constant 0 : index
    %get3A_8 = arith.constant 0 : index
    %get3A_9 = vector.load %arg4[%get3A_6, %get3A_7, %get3A_8] : memref<1x40x1024xbf16, #tpu.memory_space<vmem>>, vector<1x40x1024xbf16>
    %get3A_10 = vector.shape_cast %get3A_9 : vector<1x40x1024xbf16> to vector<40x1024xbf16>
    %dot_general3A = arith.constant dense<0.000000e+00> : vector<512x1024xf32>
    %dot_general3A_11 = tpu.matmul %get3A_5, %get3A_10, %dot_general3A {dimension_numbers = #tpu.dot_dimension_numbers<[0], [0], [1], [1], [0, 1, 1, 1], [], []>, transpose_lhs_hint = false} : vector<40x512xbf16>, vector<40x1024xbf16>, vector<512x1024xf32> -> vector<512x1024xf32>
    %convert_element_type3A_12 = arith.truncf %dot_general3A_11 : vector<512x1024xf32> to vector<512x1024xbf16>
    %exp3A = math.exp %convert_element_type3A_12 : vector<512x1024xbf16>
    %get3A_13 = arith.constant 0 : index
    %get3A_14 = arith.constant 0 : index
    %get3A_15 = arith.constant 0 : index
    %get3A_16 = vector.load %arg7[%get3A_13, %get3A_14, %get3A_15] : memref<1x512x64xf32, #tpu.memory_space<vmem>>, vector<1x512x64xf32>
    %get3A_17 = vector.shape_cast %get3A_16 : vector<1x512x64xf32> to vector<512x64xf32>
    %get3A_18 = arith.constant 0 : index
    %get3A_19 = arith.constant 0 : index
    %get3A_20 = arith.constant 0 : index
    %get3A_21 = vector.load %arg5[%get3A_18, %get3A_19, %get3A_20] : memref<1x64x1024xbf16, #tpu.memory_space<vmem>>, vector<1x64x1024xbf16>
    %get3A_22 = vector.shape_cast %get3A_21 : vector<1x64x1024xbf16> to vector<64x1024xbf16>
    %dot_general3A_23 = arith.constant dense<0.000000e+00> : vector<512x64xf32>
    %dot_general3A_24 = tpu.matmul %exp3A, %get3A_22, %dot_general3A_23 {dimension_numbers = #tpu.dot_dimension_numbers<[1], [1], [0], [0], [0, 0, 1, 0], [], []>, transpose_lhs_hint = false} : vector<512x1024xbf16>, vector<64x1024xbf16>, vector<512x64xf32> -> vector<512x64xf32>
    %add3A = arith.addf %get3A_17, %dot_general3A_24 : vector<512x64xf32>
    %swap3A = arith.constant 0 : index
    %swap3A_25 = arith.constant 0 : index
    %swap3A_26 = arith.constant 0 : index
    %swap3A_27 = vector.load %arg7[%swap3A, %swap3A_25, %swap3A_26] : memref<1x512x64xf32, #tpu.memory_space<vmem>>, vector<1x512x64xf32>
    %swap3A_28 = vector.shape_cast %swap3A_27 : vector<1x512x64xf32> to vector<512x64xf32>
    %swap3A_29 = vector.shape_cast %add3A : vector<512x64xf32> to vector<1x512x64xf32>
    tpu.vector_store %arg7[%swap3A, %swap3A_25, %swap3A_26], %swap3A_29 {strides = array<i32>} : memref<1x512x64xf32, #tpu.memory_space<vmem>>, vector<1x512x64xf32>,
    %eq3A_30 = arith.constant 9 : i32
    %eq3A_31 = arith.cmpi eq, %arg2, %eq3A_30 : i32
    %convert_element_type3A_32 = arith.extui %eq3A_31 : i1 to i32
    %cond3A_33 = arith.constant 0 : i32
    %cond3A_34 = arith.cmpi ne, %convert_element_type3A_32, %cond3A_33 : i32
    scf.if %cond3A_34 {
      %get3A_35 = arith.constant 0 : index
      %get3A_36 = arith.constant 0 : index
      %get3A_37 = arith.constant 0 : index
      %get3A_38 = vector.load %arg7[%get3A_35, %get3A_36, %get3A_37] : memref<1x512x64xf32, #tpu.memory_space<vmem>>, vector<1x512x32xf32>
      %get3A_39 = vector.shape_cast %get3A_38 : vector<1x512x32xf32> to vector<512x32xf32>
      %get3A_40 = arith.constant 0 : index
      %get3A_41 = arith.constant 0 : index
      %get3A_42 = arith.constant 32 : index
      %get3A_43 = vector.load %arg7[%get3A_40, %get3A_41, %get3A_42] : memref<1x512x64xf32, #tpu.memory_space<vmem>>, vector<1x512x1xf32>
      %get3A_44 = vector.shape_cast %get3A_43 : vector<1x512x1xf32> to vector<512x1xf32>
      %div3A = vector.broadcast %get3A_44 : vector<512x1xf32> to vector<512x32xf32>
      %div3A_45 = arith.divf %get3A_39, %div3A : vector<512x32xf32>
      %swap3A_46 = arith.constant 0 : index
      %swap3A_47 = arith.constant 0 : index
      %swap3A_48 = arith.constant 0 : index
      %swap3A_49 = vector.load %arg6[%swap3A_46, %swap3A_47, %swap3A_48] : memref<1x512x32xf32, #tpu.memory_space<vmem>>, vector<1x512x32xf32>
      %swap3A_50 = vector.shape_cast %swap3A_49 : vector<1x512x32xf32> to vector<512x32xf32>
      %swap3A_51 = vector.shape_cast %div3A_45 : vector<512x32xf32> to vector<1x512x32xf32>
      tpu.vector_store %arg6[%swap3A_46, %swap3A_47, %swap3A_48], %swap3A_51 {strides = array<i32>} : memref<1x512x32xf32, #tpu.memory_space<vmem>>, vector<1x512x32xf32>,
    } else {
    }
    return
  }
  func.func @transform_0(%arg0: i32, %arg1: i32, %arg2: i32) -> (i32, i32, i32) {
    %c0_i32 = arith.constant 0 : i32
    %c0_i32_0 = arith.constant 0 : i32
    return %arg0, %c0_i32, %arg1 : i32, i32, i32
  }
  func.func @transform_1(%arg0: i32, %arg1: i32, %arg2: i32) -> (i32, i32, i32) {
    %c0_i32 = arith.constant 0 : i32
    %c0_i32_0 = arith.constant 0 : i32
    return %arg0, %c0_i32, %arg2 : i32, i32, i32
  }
  func.func @transform_2(%arg0: i32, %arg1: i32, %arg2: i32) -> (i32, i32, i32) {
    %c0_i32 = arith.constant 0 : i32
    %c0_i32_0 = arith.constant 0 : i32
    return %arg0, %c0_i32, %arg2 : i32, i32, i32
  }
  func.func @transform_3(%arg0: i32, %arg1: i32, %arg2: i32) -> (i32, i32, i32) {
    %c0_i32 = arith.constant 0 : i32
    %c0_i32_0 = arith.constant 0 : i32
    return %arg0, %arg1, %c0_i32 : i32, i32, i32
  }
}

module attributes {stable_mosaic.version = 14 : i64} {
  func.func @_post_body(%arg0: i32, %arg1: memref<512x128xf32, #tpu.memory_space<vmem>>, %arg2: memref<4x512x32xf32, #tpu.memory_space<vmem>>, %arg3: memref<128x128xf32, #tpu.memory_space<vmem>>, %arg4: memref<1x128xf32, #tpu.memory_space<vmem>>, %arg5: memref<1x128xf32, #tpu.memory_space<vmem>>, %arg6: memref<1x128xf32, #tpu.memory_space<vmem>>, %arg7: memref<128x2048xf32, #tpu.memory_space<vmem>>, %arg8: memref<1x2048xf32, #tpu.memory_space<vmem>>, %arg9: memref<2048x128xf32, #tpu.memory_space<vmem>>, %arg10: memref<1x128xf32, #tpu.memory_space<vmem>>, %arg11: memref<1x128xf32, #tpu.memory_space<vmem>>, %arg12: memref<1x128xf32, #tpu.memory_space<vmem>>, %arg13: memref<512x128xf32, #tpu.memory_space<vmem>>) attributes {dimension_semantics = [#tpu.dimension_semantics<arbitrary>], iteration_bounds = array<i64: 20>, scalar_prefetch = 0 : i64, scratch_operands = 0 : i64, tpu.core_type = #tpu.core_type<tc>, window_params = [{transform_indices = @transform_0, window_bounds = array<i64: 512, 128>}, {transform_indices = @transform_1, window_bounds = array<i64: 4, 512, 32>}, {pipeline_mode = #tpu.pipeline_mode<synchronous>, transform_indices = @transform_2, window_bounds = array<i64: 128, 128>}, {pipeline_mode = #tpu.pipeline_mode<synchronous>, transform_indices = @transform_3, window_bounds = array<i64: 1, 128>}, {pipeline_mode = #tpu.pipeline_mode<synchronous>, transform_indices = @transform_4, window_bounds = array<i64: 1, 128>}, {pipeline_mode = #tpu.pipeline_mode<synchronous>, transform_indices = @transform_5, window_bounds = array<i64: 1, 128>}, {pipeline_mode = #tpu.pipeline_mode<synchronous>, transform_indices = @transform_6, window_bounds = array<i64: 128, 2048>}, {pipeline_mode = #tpu.pipeline_mode<synchronous>, transform_indices = @transform_7, window_bounds = array<i64: 1, 2048>}, {pipeline_mode = #tpu.pipeline_mode<synchronous>, transform_indices = @transform_8, window_bounds = array<i64: 2048, 128>}, {pipeline_mode = #tpu.pipeline_mode<synchronous>, transform_indices = @transform_9, window_bounds = array<i64: 1, 128>}, {pipeline_mode = #tpu.pipeline_mode<synchronous>, transform_indices = @transform_10, window_bounds = array<i64: 1, 128>}, {pipeline_mode = #tpu.pipeline_mode<synchronous>, transform_indices = @transform_11, window_bounds = array<i64: 1, 128>}, {transform_indices = @transform_12, window_bounds = array<i64: 512, 128>}]} {
    %get3A = arith.constant 0 : index
    %get3A_0 = arith.constant 0 : index
    %get3A_1 = arith.constant 0 : index
    %get3A_2 = vector.load %arg2[%get3A, %get3A_0, %get3A_1] : memref<4x512x32xf32, #tpu.memory_space<vmem>>, vector<1x512x32xf32>
    %get3A_3 = vector.shape_cast %get3A_2 : vector<1x512x32xf32> to vector<512x32xf32>
    %get3A_4 = arith.constant 1 : index
    %get3A_5 = arith.constant 0 : index
    %get3A_6 = arith.constant 0 : index
    %get3A_7 = vector.load %arg2[%get3A_4, %get3A_5, %get3A_6] : memref<4x512x32xf32, #tpu.memory_space<vmem>>, vector<1x512x32xf32>
    %get3A_8 = vector.shape_cast %get3A_7 : vector<1x512x32xf32> to vector<512x32xf32>
    %get3A_9 = arith.constant 2 : index
    %get3A_10 = arith.constant 0 : index
    %get3A_11 = arith.constant 0 : index
    %get3A_12 = vector.load %arg2[%get3A_9, %get3A_10, %get3A_11] : memref<4x512x32xf32, #tpu.memory_space<vmem>>, vector<1x512x32xf32>
    %get3A_13 = vector.shape_cast %get3A_12 : vector<1x512x32xf32> to vector<512x32xf32>
    %get3A_14 = arith.constant 3 : index
    %get3A_15 = arith.constant 0 : index
    %get3A_16 = arith.constant 0 : index
    %get3A_17 = vector.load %arg2[%get3A_14, %get3A_15, %get3A_16] : memref<4x512x32xf32, #tpu.memory_space<vmem>>, vector<1x512x32xf32>
    %get3A_18 = vector.shape_cast %get3A_17 : vector<1x512x32xf32> to vector<512x32xf32>
    %concatenate3A = tpu.concatenate %get3A_3, %get3A_8, %get3A_13, %get3A_18 in 1 : vector<512x32xf32>, vector<512x32xf32>, vector<512x32xf32>, vector<512x32xf32> -> vector<512x128xf32>
    %get3A_19 = arith.constant 0 : index
    %get3A_20 = arith.constant 0 : index
    %get3A_21 = vector.load %arg1[%get3A_19, %get3A_20] : memref<512x128xf32, #tpu.memory_space<vmem>>, vector<512x128xf32>
    %get3A_22 = arith.constant 0 : index
    %get3A_23 = arith.constant 0 : index
    %get3A_24 = vector.load %arg3[%get3A_22, %get3A_23] : memref<128x128xf32, #tpu.memory_space<vmem>>, vector<128x128xf32>
    %dot_general3A = arith.constant dense<0.000000e+00> : vector<512x128xf32>
    %dot_general3A_25 = tpu.matmul %concatenate3A, %get3A_24, %dot_general3A {dimension_numbers = #tpu.dot_dimension_numbers<[1], [0], [0], [1], [0, 0, 1, 1], [], []>, transpose_lhs_hint = false} : vector<512x128xf32>, vector<128x128xf32>, vector<512x128xf32> -> vector<512x128xf32>
    %add3A = arith.addf %get3A_21, %dot_general3A_25 : vector<512x128xf32>
    %get3A_26 = arith.constant 0 : index
    %get3A_27 = arith.constant 0 : index
    %get3A_28 = vector.load %arg4[%get3A_26, %get3A_27] : memref<1x128xf32, #tpu.memory_space<vmem>>, vector<1x128xf32>
    %add3A_29 = vector.broadcast %get3A_28 : vector<1x128xf32> to vector<512x128xf32>
    %add3A_30 = arith.addf %add3A, %add3A_29 : vector<512x128xf32>
    %get3A_31 = arith.constant 0 : index
    %get3A_32 = arith.constant 0 : index
    %get3A_33 = vector.load %arg5[%get3A_31, %get3A_32] : memref<1x128xf32, #tpu.memory_space<vmem>>, vector<1x128xf32>
    %get3A_34 = arith.constant 0 : index
    %get3A_35 = arith.constant 0 : index
    %get3A_36 = vector.load %arg6[%get3A_34, %get3A_35] : memref<1x128xf32, #tpu.memory_space<vmem>>, vector<1x128xf32>
    %reduce_sum3A = arith.constant dense<0.000000e+00> : vector<512xf32>
    %reduce_sum3A_37 = vector.multi_reduction <add>, %add3A_30, %reduce_sum3A [1] : vector<512x128xf32> to vector<512xf32>
    %broadcast_in_dim3A = vector.shape_cast %reduce_sum3A_37 : vector<512xf32> to vector<512x1xf32>
    %div3A = arith.constant 1.280000e+02 : f32
    %div3A_38 = vector.broadcast %div3A : f32 to vector<512x1xf32>
    %div3A_39 = arith.divf %broadcast_in_dim3A, %div3A_38 : vector<512x1xf32>
    %sub3A = vector.broadcast %div3A_39 : vector<512x1xf32> to vector<512x128xf32>
    %sub3A_40 = arith.subf %add3A_30, %sub3A : vector<512x128xf32>
    %integer_pow3A = arith.mulf %sub3A_40, %sub3A_40 : vector<512x128xf32>
    %reduce_sum3A_41 = arith.constant dense<0.000000e+00> : vector<512xf32>
    %reduce_sum3A_42 = vector.multi_reduction <add>, %integer_pow3A, %reduce_sum3A_41 [1] : vector<512x128xf32> to vector<512xf32>
    %broadcast_in_dim3A_43 = vector.shape_cast %reduce_sum3A_42 : vector<512xf32> to vector<512x1xf32>
    %div3A_44 = arith.constant 1.280000e+02 : f32
    %div3A_45 = vector.broadcast %div3A_44 : f32 to vector<512x1xf32>
    %div3A_46 = arith.divf %broadcast_in_dim3A_43, %div3A_45 : vector<512x1xf32>
    %sub3A_47 = vector.broadcast %div3A_39 : vector<512x1xf32> to vector<512x128xf32>
    %sub3A_48 = arith.subf %add3A_30, %sub3A_47 : vector<512x128xf32>
    %add3A_49 = arith.constant 9.99999974E-6 : f32
    %add3A_50 = vector.broadcast %add3A_49 : f32 to vector<512x1xf32>
    %add3A_51 = arith.addf %div3A_46, %add3A_50 : vector<512x1xf32>
    %sqrt3A = math.sqrt %add3A_51 : vector<512x1xf32>
    %div3A_52 = vector.broadcast %sqrt3A : vector<512x1xf32> to vector<512x128xf32>
    %div3A_53 = arith.divf %sub3A_48, %div3A_52 : vector<512x128xf32>
    %mul3A = vector.broadcast %get3A_33 : vector<1x128xf32> to vector<512x128xf32>
    %mul3A_54 = arith.mulf %div3A_53, %mul3A : vector<512x128xf32>
    %add3A_55 = vector.broadcast %get3A_36 : vector<1x128xf32> to vector<512x128xf32>
    %add3A_56 = arith.addf %mul3A_54, %add3A_55 : vector<512x128xf32>
    %get3A_57 = arith.constant 0 : index
    %get3A_58 = arith.constant 0 : index
    %get3A_59 = vector.load %arg7[%get3A_57, %get3A_58] : memref<128x2048xf32, #tpu.memory_space<vmem>>, vector<128x2048xf32>
    %dot_general3A_60 = arith.constant dense<0.000000e+00> : vector<512x2048xf32>
    %dot_general3A_61 = tpu.matmul %add3A_56, %get3A_59, %dot_general3A_60 {dimension_numbers = #tpu.dot_dimension_numbers<[1], [0], [0], [1], [0, 0, 1, 1], [], []>, transpose_lhs_hint = false} : vector<512x128xf32>, vector<128x2048xf32>, vector<512x2048xf32> -> vector<512x2048xf32>
    %get3A_62 = arith.constant 0 : index
    %get3A_63 = arith.constant 0 : index
    %get3A_64 = vector.load %arg8[%get3A_62, %get3A_63] : memref<1x2048xf32, #tpu.memory_space<vmem>>, vector<1x2048xf32>
    %add3A_65 = vector.broadcast %get3A_64 : vector<1x2048xf32> to vector<512x2048xf32>
    %add3A_66 = arith.addf %dot_general3A_61, %add3A_65 : vector<512x2048xf32>
    %max3A = arith.constant 0.000000e+00 : f32
    %max3A_67 = vector.broadcast %max3A : f32 to vector<512x2048xf32>
    %max3A_68 = arith.maximumf %add3A_66, %max3A_67 : vector<512x2048xf32>
    %get3A_69 = arith.constant 0 : index
    %get3A_70 = arith.constant 0 : index
    %get3A_71 = vector.load %arg9[%get3A_69, %get3A_70] : memref<2048x128xf32, #tpu.memory_space<vmem>>, vector<2048x128xf32>
    %dot_general3A_72 = arith.constant dense<0.000000e+00> : vector<512x128xf32>
    %dot_general3A_73 = tpu.matmul %max3A_68, %get3A_71, %dot_general3A_72 {dimension_numbers = #tpu.dot_dimension_numbers<[1], [0], [0], [1], [0, 0, 1, 1], [], []>, transpose_lhs_hint = false} : vector<512x2048xf32>, vector<2048x128xf32>, vector<512x128xf32> -> vector<512x128xf32>
    %get3A_74 = arith.constant 0 : index
    %get3A_75 = arith.constant 0 : index
    %get3A_76 = vector.load %arg10[%get3A_74, %get3A_75] : memref<1x128xf32, #tpu.memory_space<vmem>>, vector<1x128xf32>
    %add3A_77 = vector.broadcast %get3A_76 : vector<1x128xf32> to vector<512x128xf32>
    %add3A_78 = arith.addf %dot_general3A_73, %add3A_77 : vector<512x128xf32>
    %add3A_79 = arith.addf %add3A_56, %add3A_78 : vector<512x128xf32>
    %get3A_80 = arith.constant 0 : index
    %get3A_81 = arith.constant 0 : index
    %get3A_82 = vector.load %arg11[%get3A_80, %get3A_81] : memref<1x128xf32, #tpu.memory_space<vmem>>, vector<1x128xf32>
    %get3A_83 = arith.constant 0 : index
    %get3A_84 = arith.constant 0 : index
    %get3A_85 = vector.load %arg12[%get3A_83, %get3A_84] : memref<1x128xf32, #tpu.memory_space<vmem>>, vector<1x128xf32>
    %reduce_sum3A_86 = arith.constant dense<0.000000e+00> : vector<512xf32>
    %reduce_sum3A_87 = vector.multi_reduction <add>, %add3A_79, %reduce_sum3A_86 [1] : vector<512x128xf32> to vector<512xf32>
    %broadcast_in_dim3A_88 = vector.shape_cast %reduce_sum3A_87 : vector<512xf32> to vector<512x1xf32>
    %div3A_89 = arith.constant 1.280000e+02 : f32
    %div3A_90 = vector.broadcast %div3A_89 : f32 to vector<512x1xf32>
    %div3A_91 = arith.divf %broadcast_in_dim3A_88, %div3A_90 : vector<512x1xf32>
    %sub3A_92 = vector.broadcast %div3A_91 : vector<512x1xf32> to vector<512x128xf32>
    %sub3A_93 = arith.subf %add3A_79, %sub3A_92 : vector<512x128xf32>
    %integer_pow3A_94 = arith.mulf %sub3A_93, %sub3A_93 : vector<512x128xf32>
    %reduce_sum3A_95 = arith.constant dense<0.000000e+00> : vector<512xf32>
    %reduce_sum3A_96 = vector.multi_reduction <add>, %integer_pow3A_94, %reduce_sum3A_95 [1] : vector<512x128xf32> to vector<512xf32>
    %broadcast_in_dim3A_97 = vector.shape_cast %reduce_sum3A_96 : vector<512xf32> to vector<512x1xf32>
    %div3A_98 = arith.constant 1.280000e+02 : f32
    %div3A_99 = vector.broadcast %div3A_98 : f32 to vector<512x1xf32>
    %div3A_100 = arith.divf %broadcast_in_dim3A_97, %div3A_99 : vector<512x1xf32>
    %sub3A_101 = vector.broadcast %div3A_91 : vector<512x1xf32> to vector<512x128xf32>
    %sub3A_102 = arith.subf %add3A_79, %sub3A_101 : vector<512x128xf32>
    %add3A_103 = arith.constant 9.99999974E-6 : f32
    %add3A_104 = vector.broadcast %add3A_103 : f32 to vector<512x1xf32>
    %add3A_105 = arith.addf %div3A_100, %add3A_104 : vector<512x1xf32>
    %sqrt3A_106 = math.sqrt %add3A_105 : vector<512x1xf32>
    %div3A_107 = vector.broadcast %sqrt3A_106 : vector<512x1xf32> to vector<512x128xf32>
    %div3A_108 = arith.divf %sub3A_102, %div3A_107 : vector<512x128xf32>
    %mul3A_109 = vector.broadcast %get3A_82 : vector<1x128xf32> to vector<512x128xf32>
    %mul3A_110 = arith.mulf %div3A_108, %mul3A_109 : vector<512x128xf32>
    %add3A_111 = vector.broadcast %get3A_85 : vector<1x128xf32> to vector<512x128xf32>
    %add3A_112 = arith.addf %mul3A_110, %add3A_111 : vector<512x128xf32>
    %swap3A = arith.constant 0 : index
    %swap3A_113 = arith.constant 0 : index
    %swap3A_114 = vector.load %arg13[%swap3A, %swap3A_113] : memref<512x128xf32, #tpu.memory_space<vmem>>, vector<512x128xf32>
    tpu.vector_store %arg13[%swap3A, %swap3A_113], %add3A_112 {strides = array<i32>} : memref<512x128xf32, #tpu.memory_space<vmem>>, vector<512x128xf32>,
    return
  }
  func.func @transform_0(%arg0: i32) -> (i32, i32) {
    %c0_i32 = arith.constant 0 : i32
    %c0_i32_0 = arith.constant 0 : i32
    return %arg0, %c0_i32 : i32, i32
  }
  func.func @transform_1(%arg0: i32) -> (i32, i32, i32) {
    %c0_i32 = arith.constant 0 : i32
    %c0_i32_0 = arith.constant 0 : i32
    %c0_i32_1 = arith.constant 0 : i32
    return %c0_i32, %arg0, %c0_i32_0 : i32, i32, i32
  }
  func.func @transform_2(%arg0: i32) -> (i32, i32) {
    %c0_i32 = arith.constant 0 : i32
    %c0_i32_0 = arith.constant 0 : i32
    %c0_i32_1 = arith.constant 0 : i32
    return %c0_i32, %c0_i32_0 : i32, i32
  }
  func.func @transform_3(%arg0: i32) -> (i32, i32) {
    %c0_i32 = arith.constant 0 : i32
    %c0_i32_0 = arith.constant 0 : i32
    %c0_i32_1 = arith.constant 0 : i32
    return %c0_i32, %c0_i32_0 : i32, i32
  }
  func.func @transform_4(%arg0: i32) -> (i32, i32) {
    %c0_i32 = arith.constant 0 : i32
    %c0_i32_0 = arith.constant 0 : i32
    %c0_i32_1 = arith.constant 0 : i32
    return %c0_i32, %c0_i32_0 : i32, i32
  }
  func.func @transform_5(%arg0: i32) -> (i32, i32) {
    %c0_i32 = arith.constant 0 : i32
    %c0_i32_0 = arith.constant 0 : i32
    %c0_i32_1 = arith.constant 0 : i32
    return %c0_i32, %c0_i32_0 : i32, i32
  }
  func.func @transform_6(%arg0: i32) -> (i32, i32) {
    %c0_i32 = arith.constant 0 : i32
    %c0_i32_0 = arith.constant 0 : i32
    %c0_i32_1 = arith.constant 0 : i32
    return %c0_i32, %c0_i32_0 : i32, i32
  }
  func.func @transform_7(%arg0: i32) -> (i32, i32) {
    %c0_i32 = arith.constant 0 : i32
    %c0_i32_0 = arith.constant 0 : i32
    %c0_i32_1 = arith.constant 0 : i32
    return %c0_i32, %c0_i32_0 : i32, i32
  }
  func.func @transform_8(%arg0: i32) -> (i32, i32) {
    %c0_i32 = arith.constant 0 : i32
    %c0_i32_0 = arith.constant 0 : i32
    %c0_i32_1 = arith.constant 0 : i32
    return %c0_i32, %c0_i32_0 : i32, i32
  }
  func.func @transform_9(%arg0: i32) -> (i32, i32) {
    %c0_i32 = arith.constant 0 : i32
    %c0_i32_0 = arith.constant 0 : i32
    %c0_i32_1 = arith.constant 0 : i32
    return %c0_i32, %c0_i32_0 : i32, i32
  }
  func.func @transform_10(%arg0: i32) -> (i32, i32) {
    %c0_i32 = arith.constant 0 : i32
    %c0_i32_0 = arith.constant 0 : i32
    %c0_i32_1 = arith.constant 0 : i32
    return %c0_i32, %c0_i32_0 : i32, i32
  }
  func.func @transform_11(%arg0: i32) -> (i32, i32) {
    %c0_i32 = arith.constant 0 : i32
    %c0_i32_0 = arith.constant 0 : i32
    %c0_i32_1 = arith.constant 0 : i32
    return %c0_i32, %c0_i32_0 : i32, i32
  }
  func.func @transform_12(%arg0: i32) -> (i32, i32) {
    %c0_i32 = arith.constant 0 : i32
    %c0_i32_0 = arith.constant 0 : i32
    return %arg0, %c0_i32 : i32, i32
  }
}

module attributes {stable_mosaic.version = 14 : i64} {
  func.func @_z1_body(%arg0: i32, %arg1: memref<512x128xf32, #tpu.memory_space<vmem>>, %arg2: memref<2x512x128xf32, #tpu.memory_space<vmem>>, %arg3: memref<128x128xf32, #tpu.memory_space<vmem>>, %arg4: memref<512x128xf32, #tpu.memory_space<vmem>>) attributes {dimension_semantics = [#tpu.dimension_semantics<arbitrary>], iteration_bounds = array<i64: 20>, scalar_prefetch = 0 : i64, scratch_operands = 0 : i64, tpu.core_type = #tpu.core_type<tc>, window_params = [{transform_indices = @transform_0, window_bounds = array<i64: 512, 128>}, {transform_indices = @transform_1, window_bounds = array<i64: 2, 512, 128>}, {pipeline_mode = #tpu.pipeline_mode<synchronous>, transform_indices = @transform_2, window_bounds = array<i64: 128, 128>}, {transform_indices = @transform_3, window_bounds = array<i64: 512, 128>}]} {
    %get3A = arith.constant 0 : index
    %get3A_0 = arith.constant 0 : index
    %get3A_1 = arith.constant 0 : index
    %get3A_2 = vector.load %arg2[%get3A, %get3A_0, %get3A_1] : memref<2x512x128xf32, #tpu.memory_space<vmem>>, vector<1x512x128xf32>
    %get3A_3 = vector.shape_cast %get3A_2 : vector<1x512x128xf32> to vector<512x128xf32>
    %get3A_4 = arith.constant 1 : index
    %get3A_5 = arith.constant 0 : index
    %get3A_6 = arith.constant 0 : index
    %get3A_7 = vector.load %arg2[%get3A_4, %get3A_5, %get3A_6] : memref<2x512x128xf32, #tpu.memory_space<vmem>>, vector<1x512x128xf32>
    %get3A_8 = vector.shape_cast %get3A_7 : vector<1x512x128xf32> to vector<512x128xf32>
    %slice3A = vector.extract_strided_slice %get3A_3 {offsets = [0, 0], sizes = [512, 1], strides = [1, 1]} : vector<512x128xf32> to vector<512x1xf32>
    %slice3A_9 = vector.extract_strided_slice %get3A_8 {offsets = [0, 0], sizes = [512, 1], strides = [1, 1]} : vector<512x128xf32> to vector<512x1xf32>
    %add3A = arith.addf %slice3A, %slice3A_9 : vector<512x1xf32>
    %add3A_10 = arith.constant 1.000000e+00 : f32
    %add3A_11 = vector.broadcast %add3A_10 : f32 to vector<512x1xf32>
    %add3A_12 = arith.addf %add3A, %add3A_11 : vector<512x1xf32>
    %rsqrt3A = math.rsqrt %add3A_12 : vector<512x1xf32>
    %get3A_13 = arith.constant 0 : index
    %get3A_14 = arith.constant 0 : index
    %get3A_15 = vector.load %arg1[%get3A_13, %get3A_14] : memref<512x128xf32, #tpu.memory_space<vmem>>, vector<512x128xf32>
    %get3A_16 = arith.constant 0 : index
    %get3A_17 = arith.constant 0 : index
    %get3A_18 = vector.load %arg3[%get3A_16, %get3A_17] : memref<128x128xf32, #tpu.memory_space<vmem>>, vector<128x128xf32>
    %dot_general3A = arith.constant dense<0.000000e+00> : vector<512x128xf32>
    %dot_general3A_19 = tpu.matmul %get3A_15, %get3A_18, %dot_general3A {dimension_numbers = #tpu.dot_dimension_numbers<[1], [0], [0], [1], [0, 0, 1, 1], [], []>, transpose_lhs_hint = false} : vector<512x128xf32>, vector<128x128xf32>, vector<512x128xf32> -> vector<512x128xf32>
    %mul3A = vector.broadcast %rsqrt3A : vector<512x1xf32> to vector<512x128xf32>
    %mul3A_20 = arith.mulf %dot_general3A_19, %mul3A : vector<512x128xf32>
    %mul3A_21 = arith.constant 512 : i32
    %mul3A_22 = arith.muli %arg0, %mul3A_21 : i32
    %iota3A = tpu.iota {dimensions = array<i32: 0>} : vector<512x1xi32>
    %add3A_23 = vector.broadcast %mul3A_22 : i32 to vector<512x1xi32>
    %add3A_24 = arith.addi %add3A_23, %iota3A : vector<512x1xi32>
    %lt3A = arith.constant 10000 : i32
    %lt3A_25 = vector.broadcast %lt3A : i32 to vector<512x1xi32>
    %lt3A_26 = arith.cmpi slt, %add3A_24, %lt3A_25 : vector<512x1xi32>
    %jit3A = arith.constant 0.000000e+00 : f32
    %broadcast_in_dim3A = vector.shape_cast %lt3A_26 : vector<512x1xi1> to vector<512x1xi1>
    %broadcast_in_dim3A_27 = vector.broadcast %broadcast_in_dim3A : vector<512x1xi1> to vector<512x128xi1>
    %broadcast_in_dim3A_28 = vector.broadcast %jit3A : f32 to vector<512x128xf32>
    %select_n3A = arith.select %broadcast_in_dim3A_27, %mul3A_20, %broadcast_in_dim3A_28 : vector<512x128xi1>, vector<512x128xf32>
    %swap3A = arith.constant 0 : index
    %swap3A_29 = arith.constant 0 : index
    %swap3A_30 = vector.load %arg4[%swap3A, %swap3A_29] : memref<512x128xf32, #tpu.memory_space<vmem>>, vector<512x128xf32>
    tpu.vector_store %arg4[%swap3A, %swap3A_29], %select_n3A {strides = array<i32>} : memref<512x128xf32, #tpu.memory_space<vmem>>, vector<512x128xf32>,
    return
  }
  func.func @transform_0(%arg0: i32) -> (i32, i32) {
    %c0_i32 = arith.constant 0 : i32
    %c0_i32_0 = arith.constant 0 : i32
    return %arg0, %c0_i32 : i32, i32
  }
  func.func @transform_1(%arg0: i32) -> (i32, i32, i32) {
    %c0_i32 = arith.constant 0 : i32
    %c0_i32_0 = arith.constant 0 : i32
    %c0_i32_1 = arith.constant 0 : i32
    return %c0_i32, %arg0, %c0_i32_0 : i32, i32, i32
  }
  func.func @transform_2(%arg0: i32) -> (i32, i32) {
    %c0_i32 = arith.constant 0 : i32
    %c0_i32_0 = arith.constant 0 : i32
    %c0_i32_1 = arith.constant 0 : i32
    return %c0_i32, %c0_i32_0 : i32, i32
  }
  func.func @transform_3(%arg0: i32) -> (i32, i32) {
    %c0_i32 = arith.constant 0 : i32
    %c0_i32_0 = arith.constant 0 : i32
    return %arg0, %c0_i32 : i32, i32
  }
}

module attributes {stable_mosaic.version = 14 : i64} {
  func.func @_z_next_body(%arg0: i32, %arg1: memref<512x128xf32, #tpu.memory_space<vmem>>, %arg2: memref<2x512x128xf32, #tpu.memory_space<vmem>>, %arg3: memref<2x512x128xf32, #tpu.memory_space<vmem>>, %arg4: memref<1x128xf32, #tpu.memory_space<vmem>>, %arg5: memref<128x128xf32, #tpu.memory_space<vmem>>, %arg6: memref<512x128xf32, #tpu.memory_space<vmem>>) attributes {dimension_semantics = [#tpu.dimension_semantics<arbitrary>], iteration_bounds = array<i64: 20>, scalar_prefetch = 0 : i64, scratch_operands = 0 : i64, tpu.core_type = #tpu.core_type<tc>, window_params = [{transform_indices = @transform_0, window_bounds = array<i64: 512, 128>}, {transform_indices = @transform_1, window_bounds = array<i64: 2, 512, 128>}, {transform_indices = @transform_2, window_bounds = array<i64: 2, 512, 128>}, {pipeline_mode = #tpu.pipeline_mode<synchronous>, transform_indices = @transform_3, window_bounds = array<i64: 1, 128>}, {pipeline_mode = #tpu.pipeline_mode<synchronous>, transform_indices = @transform_4, window_bounds = array<i64: 128, 128>}, {transform_indices = @transform_5, window_bounds = array<i64: 512, 128>}]} {
    %get3A = arith.constant 0 : index
    %get3A_0 = arith.constant 0 : index
    %get3A_1 = arith.constant 0 : index
    %get3A_2 = vector.load %arg3[%get3A, %get3A_0, %get3A_1] : memref<2x512x128xf32, #tpu.memory_space<vmem>>, vector<1x512x128xf32>
    %get3A_3 = vector.shape_cast %get3A_2 : vector<1x512x128xf32> to vector<512x128xf32>
    %get3A_4 = arith.constant 1 : index
    %get3A_5 = arith.constant 0 : index
    %get3A_6 = arith.constant 0 : index
    %get3A_7 = vector.load %arg3[%get3A_4, %get3A_5, %get3A_6] : memref<2x512x128xf32, #tpu.memory_space<vmem>>, vector<1x512x128xf32>
    %get3A_8 = vector.shape_cast %get3A_7 : vector<1x512x128xf32> to vector<512x128xf32>
    %slice3A = vector.extract_strided_slice %get3A_3 {offsets = [0, 0], sizes = [512, 1], strides = [1, 1]} : vector<512x128xf32> to vector<512x1xf32>
    %slice3A_9 = vector.extract_strided_slice %get3A_8 {offsets = [0, 0], sizes = [512, 1], strides = [1, 1]} : vector<512x128xf32> to vector<512x1xf32>
    %add3A = arith.addf %slice3A, %slice3A_9 : vector<512x1xf32>
    %add3A_10 = arith.constant 1.000000e+00 : f32
    %add3A_11 = vector.broadcast %add3A_10 : f32 to vector<512x1xf32>
    %add3A_12 = arith.addf %add3A, %add3A_11 : vector<512x1xf32>
    %rsqrt3A = math.rsqrt %add3A_12 : vector<512x1xf32>
    %get3A_13 = arith.constant 0 : index
    %get3A_14 = arith.constant 0 : index
    %get3A_15 = arith.constant 0 : index
    %get3A_16 = vector.load %arg2[%get3A_13, %get3A_14, %get3A_15] : memref<2x512x128xf32, #tpu.memory_space<vmem>>, vector<1x512x128xf32>
    %get3A_17 = vector.shape_cast %get3A_16 : vector<1x512x128xf32> to vector<512x128xf32>
    %get3A_18 = arith.constant 1 : index
    %get3A_19 = arith.constant 0 : index
    %get3A_20 = arith.constant 0 : index
    %get3A_21 = vector.load %arg2[%get3A_18, %get3A_19, %get3A_20] : memref<2x512x128xf32, #tpu.memory_space<vmem>>, vector<1x512x128xf32>
    %get3A_22 = vector.shape_cast %get3A_21 : vector<1x512x128xf32> to vector<512x128xf32>
    %add3A_23 = arith.addf %get3A_17, %get3A_22 : vector<512x128xf32>
    %get3A_24 = arith.constant 0 : index
    %get3A_25 = arith.constant 0 : index
    %get3A_26 = vector.load %arg1[%get3A_24, %get3A_25] : memref<512x128xf32, #tpu.memory_space<vmem>>, vector<512x128xf32>
    %add3A_27 = arith.addf %add3A_23, %get3A_26 : vector<512x128xf32>
    %mul3A = vector.broadcast %rsqrt3A : vector<512x1xf32> to vector<512x128xf32>
    %mul3A_28 = arith.mulf %mul3A, %add3A_27 : vector<512x128xf32>
    %get3A_29 = arith.constant 0 : index
    %get3A_30 = arith.constant 0 : index
    %get3A_31 = vector.load %arg4[%get3A_29, %get3A_30] : memref<1x128xf32, #tpu.memory_space<vmem>>, vector<1x128xf32>
    %add3A_32 = vector.broadcast %get3A_31 : vector<1x128xf32> to vector<512x128xf32>
    %add3A_33 = arith.addf %mul3A_28, %add3A_32 : vector<512x128xf32>
    %max3A = arith.constant 0.000000e+00 : f32
    %max3A_34 = vector.broadcast %max3A : f32 to vector<512x128xf32>
    %max3A_35 = arith.maximumf %add3A_33, %max3A_34 : vector<512x128xf32>
    %get3A_36 = arith.constant 0 : index
    %get3A_37 = arith.constant 0 : index
    %get3A_38 = vector.load %arg5[%get3A_36, %get3A_37] : memref<128x128xf32, #tpu.memory_space<vmem>>, vector<128x128xf32>
    %dot_general3A = arith.constant dense<0.000000e+00> : vector<512x128xf32>
    %dot_general3A_39 = tpu.matmul %max3A_35, %get3A_38, %dot_general3A {dimension_numbers = #tpu.dot_dimension_numbers<[1], [0], [0], [1], [0, 0, 1, 1], [], []>, transpose_lhs_hint = false} : vector<512x128xf32>, vector<128x128xf32>, vector<512x128xf32> -> vector<512x128xf32>
    %mul3A_40 = vector.broadcast %rsqrt3A : vector<512x1xf32> to vector<512x128xf32>
    %mul3A_41 = arith.mulf %dot_general3A_39, %mul3A_40 : vector<512x128xf32>
    %mul3A_42 = arith.constant 512 : i32
    %mul3A_43 = arith.muli %arg0, %mul3A_42 : i32
    %iota3A = tpu.iota {dimensions = array<i32: 0>} : vector<512x1xi32>
    %add3A_44 = vector.broadcast %mul3A_43 : i32 to vector<512x1xi32>
    %add3A_45 = arith.addi %add3A_44, %iota3A : vector<512x1xi32>
    %lt3A = arith.constant 10000 : i32
    %lt3A_46 = vector.broadcast %lt3A : i32 to vector<512x1xi32>
    %lt3A_47 = arith.cmpi slt, %add3A_45, %lt3A_46 : vector<512x1xi32>
    %jit3A = arith.constant 0.000000e+00 : f32
    %broadcast_in_dim3A = vector.shape_cast %lt3A_47 : vector<512x1xi1> to vector<512x1xi1>
    %broadcast_in_dim3A_48 = vector.broadcast %broadcast_in_dim3A : vector<512x1xi1> to vector<512x128xi1>
    %broadcast_in_dim3A_49 = vector.broadcast %jit3A : f32 to vector<512x128xf32>
    %select_n3A = arith.select %broadcast_in_dim3A_48, %mul3A_41, %broadcast_in_dim3A_49 : vector<512x128xi1>, vector<512x128xf32>
    %swap3A = arith.constant 0 : index
    %swap3A_50 = arith.constant 0 : index
    %swap3A_51 = vector.load %arg6[%swap3A, %swap3A_50] : memref<512x128xf32, #tpu.memory_space<vmem>>, vector<512x128xf32>
    tpu.vector_store %arg6[%swap3A, %swap3A_50], %select_n3A {strides = array<i32>} : memref<512x128xf32, #tpu.memory_space<vmem>>, vector<512x128xf32>,
    return
  }
  func.func @transform_0(%arg0: i32) -> (i32, i32) {
    %c0_i32 = arith.constant 0 : i32
    %c0_i32_0 = arith.constant 0 : i32
    return %arg0, %c0_i32 : i32, i32
  }
  func.func @transform_1(%arg0: i32) -> (i32, i32, i32) {
    %c0_i32 = arith.constant 0 : i32
    %c0_i32_0 = arith.constant 0 : i32
    %c0_i32_1 = arith.constant 0 : i32
    return %c0_i32, %arg0, %c0_i32_0 : i32, i32, i32
  }
  func.func @transform_2(%arg0: i32) -> (i32, i32, i32) {
    %c0_i32 = arith.constant 0 : i32
    %c0_i32_0 = arith.constant 0 : i32
    %c0_i32_1 = arith.constant 0 : i32
    return %c0_i32, %arg0, %c0_i32_0 : i32, i32, i32
  }
  func.func @transform_3(%arg0: i32) -> (i32, i32) {
    %c0_i32 = arith.constant 0 : i32
    %c0_i32_0 = arith.constant 0 : i32
    %c0_i32_1 = arith.constant 0 : i32
    return %c0_i32, %c0_i32_0 : i32, i32
  }
  func.func @transform_4(%arg0: i32) -> (i32, i32) {
    %c0_i32 = arith.constant 0 : i32
    %c0_i32_0 = arith.constant 0 : i32
    %c0_i32_1 = arith.constant 0 : i32
    return %c0_i32, %c0_i32_0 : i32, i32
  }
  func.func @transform_5(%arg0: i32) -> (i32, i32) {
    %c0_i32 = arith.constant 0 : i32
    %c0_i32_0 = arith.constant 0 : i32
    return %arg0, %c0_i32 : i32, i32
  }
}

module attributes {stable_mosaic.version = 14 : i64} {
  func.func @_final_body(%arg0: i32, %arg1: memref<512x128xf32, #tpu.memory_space<vmem>>, %arg2: memref<2x512x128xf32, #tpu.memory_space<vmem>>, %arg3: memref<2x512x128xf32, #tpu.memory_space<vmem>>, %arg4: memref<1x128xf32, #tpu.memory_space<vmem>>, %arg5: memref<512x128xf32, #tpu.memory_space<vmem>>) attributes {dimension_semantics = [#tpu.dimension_semantics<arbitrary>], iteration_bounds = array<i64: 20>, scalar_prefetch = 0 : i64, scratch_operands = 0 : i64, tpu.core_type = #tpu.core_type<tc>, window_params = [{transform_indices = @transform_0, window_bounds = array<i64: 512, 128>}, {transform_indices = @transform_1, window_bounds = array<i64: 2, 512, 128>}, {transform_indices = @transform_2, window_bounds = array<i64: 2, 512, 128>}, {pipeline_mode = #tpu.pipeline_mode<synchronous>, transform_indices = @transform_3, window_bounds = array<i64: 1, 128>}, {transform_indices = @transform_4, window_bounds = array<i64: 512, 128>}]} {
    %get3A = arith.constant 0 : index
    %get3A_0 = arith.constant 0 : index
    %get3A_1 = arith.constant 0 : index
    %get3A_2 = vector.load %arg3[%get3A, %get3A_0, %get3A_1] : memref<2x512x128xf32, #tpu.memory_space<vmem>>, vector<1x512x128xf32>
    %get3A_3 = vector.shape_cast %get3A_2 : vector<1x512x128xf32> to vector<512x128xf32>
    %get3A_4 = arith.constant 1 : index
    %get3A_5 = arith.constant 0 : index
    %get3A_6 = arith.constant 0 : index
    %get3A_7 = vector.load %arg3[%get3A_4, %get3A_5, %get3A_6] : memref<2x512x128xf32, #tpu.memory_space<vmem>>, vector<1x512x128xf32>
    %get3A_8 = vector.shape_cast %get3A_7 : vector<1x512x128xf32> to vector<512x128xf32>
    %slice3A = vector.extract_strided_slice %get3A_3 {offsets = [0, 0], sizes = [512, 1], strides = [1, 1]} : vector<512x128xf32> to vector<512x1xf32>
    %slice3A_9 = vector.extract_strided_slice %get3A_8 {offsets = [0, 0], sizes = [512, 1], strides = [1, 1]} : vector<512x128xf32> to vector<512x1xf32>
    %add3A = arith.addf %slice3A, %slice3A_9 : vector<512x1xf32>
    %add3A_10 = arith.constant 1.000000e+00 : f32
    %add3A_11 = vector.broadcast %add3A_10 : f32 to vector<512x1xf32>
    %add3A_12 = arith.addf %add3A, %add3A_11 : vector<512x1xf32>
    %rsqrt3A = math.rsqrt %add3A_12 : vector<512x1xf32>
    %get3A_13 = arith.constant 0 : index
    %get3A_14 = arith.constant 0 : index
    %get3A_15 = arith.constant 0 : index
    %get3A_16 = vector.load %arg2[%get3A_13, %get3A_14, %get3A_15] : memref<2x512x128xf32, #tpu.memory_space<vmem>>, vector<1x512x128xf32>
    %get3A_17 = vector.shape_cast %get3A_16 : vector<1x512x128xf32> to vector<512x128xf32>
    %get3A_18 = arith.constant 1 : index
    %get3A_19 = arith.constant 0 : index
    %get3A_20 = arith.constant 0 : index
    %get3A_21 = vector.load %arg2[%get3A_18, %get3A_19, %get3A_20] : memref<2x512x128xf32, #tpu.memory_space<vmem>>, vector<1x512x128xf32>
    %get3A_22 = vector.shape_cast %get3A_21 : vector<1x512x128xf32> to vector<512x128xf32>
    %add3A_23 = arith.addf %get3A_17, %get3A_22 : vector<512x128xf32>
    %get3A_24 = arith.constant 0 : index
    %get3A_25 = arith.constant 0 : index
    %get3A_26 = vector.load %arg1[%get3A_24, %get3A_25] : memref<512x128xf32, #tpu.memory_space<vmem>>, vector<512x128xf32>
    %add3A_27 = arith.addf %add3A_23, %get3A_26 : vector<512x128xf32>
    %mul3A = vector.broadcast %rsqrt3A : vector<512x1xf32> to vector<512x128xf32>
    %mul3A_28 = arith.mulf %mul3A, %add3A_27 : vector<512x128xf32>
    %get3A_29 = arith.constant 0 : index
    %get3A_30 = arith.constant 0 : index
    %get3A_31 = vector.load %arg4[%get3A_29, %get3A_30] : memref<1x128xf32, #tpu.memory_space<vmem>>, vector<1x128xf32>
    %add3A_32 = vector.broadcast %get3A_31 : vector<1x128xf32> to vector<512x128xf32>
    %add3A_33 = arith.addf %mul3A_28, %add3A_32 : vector<512x128xf32>
    %swap3A = arith.constant 0 : index
    %swap3A_34 = arith.constant 0 : index
    %swap3A_35 = vector.load %arg5[%swap3A, %swap3A_34] : memref<512x128xf32, #tpu.memory_space<vmem>>, vector<512x128xf32>
    tpu.vector_store %arg5[%swap3A, %swap3A_34], %add3A_33 {strides = array<i32>} : memref<512x128xf32, #tpu.memory_space<vmem>>, vector<512x128xf32>,
    return
  }
  func.func @transform_0(%arg0: i32) -> (i32, i32) {
    %c0_i32 = arith.constant 0 : i32
    %c0_i32_0 = arith.constant 0 : i32
    return %arg0, %c0_i32 : i32, i32
  }
  func.func @transform_1(%arg0: i32) -> (i32, i32, i32) {
    %c0_i32 = arith.constant 0 : i32
    %c0_i32_0 = arith.constant 0 : i32
    %c0_i32_1 = arith.constant 0 : i32
    return %c0_i32, %arg0, %c0_i32_0 : i32, i32, i32
  }
  func.func @transform_2(%arg0: i32) -> (i32, i32, i32) {
    %c0_i32 = arith.constant 0 : i32
    %c0_i32_0 = arith.constant 0 : i32
    %c0_i32_1 = arith.constant 0 : i32
    return %c0_i32, %arg0, %c0_i32_0 : i32, i32, i32
  }
  func.func @transform_3(%arg0: i32) -> (i32, i32) {
    %c0_i32 = arith.constant 0 : i32
    %c0_i32_0 = arith.constant 0 : i32
    %c0_i32_1 = arith.constant 0 : i32
    return %c0_i32, %c0_i32_0 : i32, i32
  }
  func.func @transform_4(%arg0: i32) -> (i32, i32) {
    %c0_i32 = arith.constant 0 : i32
    %c0_i32_0 = arith.constant 0 : i32
    return %arg0, %c0_i32 : i32, i32
  }
}

</mosaic_0001>

<sc_bundles>
// kernel: kernel.13.cloned.1.call-start
scs
__scs_entry_jumppad:
0x0: {  	(pc) =	sbr.rel $0x88, $3  }
0x1: {  	(tag) =	ssettag $0x0;
	lr =	simm.s32 $0x1  }
0x2: {  	[smem:$0x3F89] =	sst lr;
	_ =	strace $0xD0000000  }
0x3: {  	_ = 	snop  }
0x4: {  	_ = 	snop  }
0x5: {  	_ = 	snop  }
0x6: {  	_ = 	snop  }
0x7: {  	_ = 	snop  }
__scs_overlays_trampoline_lowered:
0x8: {  	[smem:$0x3F98] =	sst s0  }
0x9: {  	[smem:$0x3F99] =	sst s1  }
0xa: {  	[smem:$0x3F9A] =	sst s2  }
0xb: {  	[smem:$0x3F9B] =	sst s3  }
0xc: {  	[smem:$0x3F9C] =	sst s4  }
0xd: {  	[smem:$0x3F9D] =	sst s5  }
0xe: {  	[smem:$0x3F9E] =	sst s6  }
0xf: {  	[smem:$0x3F9F] =	sst s7  }
0x10: {  	[smem:$0x3FA0] =	sst s8  }
0x11: {  	[smem:$0x3FA1] =	sst s9;
	s0 =	simm.s32 @!p0 $0x0  }
0x12: {  	s1 =	sld [smem:$0x3F87];
	s0 =	simm.s32 @p0 $0x1  }
0x13: {  	[smem:$0x3FA2] =	sst s0;
	s0 =	simm.s32 @!p1 $0x0  }
0x14: {  	s2 =	sld [smem:$0x3F86];
	s0 =	simm.s32 @p1 $0x1  }
0x15: {  	[smem:$0x3FA3] =	sst s0;
	s0 =	simm.s32 @!p2 $0x0  }
0x16: {  	s3 =	sld [smem:$0x3FDB];
	s0 =	simm.s32 @p2 $0x1  }
0x17: {  	s4 =	simm.s32 $0x1BF5;
	[smem:$0x3FA5] =	sst s0  }
0x18: {  	s0 =	sld [smem:$0x3F88];
	_ =	swait.ge [sflag:s4], $0x0  }
0x19: {  	s7 =	sld [smem:$0x3F89]  }
0x1a: {  	s8 =	sadd.s32 $0xFFFFE003, lr  }
0x1b: {  	s9 =	sadd.s32 $0xFFFFFEF7, lr;
	s5 =	simm.s32 $0xFFFFFFFF;
	p2 =	slt.u32 s8, $0xFFFFF086  }
0x1c: {  	p1 =	slt.u32 s9, $0xF7A;
	s5 =	simm.s32 @!p2 $0x0  }
0x1d: {  	s5 =	simm.s32 @p1 $0x1;
	p0 =	seq.s32 s7, s2  }
0x1e: {  	s7 =	smul.u32 @!p0 $0xF7A, s2;
	p2 =	seq.s32 @!p0 s5, $0x0  }
0x1f: {  	s9 =	smul.u32 $0xF7A, s1;
	s8 =	simm.s32 @!p0 $0x1BF5;
	p2 =	por !p2, p0  }
0x20: {  	[sflag:s8] =	ssyncset.s32 @!p0 $0xFFFFF086;
	s6 =	sadd.s32 @!p0 s3, s7;
	s7 =	simm.s32 @!p0 $0x108  }
0x21: {  	s3 =	sadd.s32 s3, s9;
	s6 =	sadd.s32 @!p0 $0x88, s6;
	s7 =	simm.s32 @p2 $0x1082  }
0x22: {  	[simem:s7], [sflag:s8] =	dma.local @!p0 [hbm:s6], $0xF7A  }
0x23: {  	s9 =	sor.u32 $0xD0000000, s2;
	s6 =	simm.s32 $0x108;
	_ =	swait.ge @!p0 [sflag:s8], $0x0  }
0x24: {  	s3 =	sadd.s32 $0x88, s3;
	s6 =	simm.s32 @!p1 $0x1082;
	[sflag:s4] =	ssyncset.s32 $0xFFFFF086  }
0x25: {  	[simem:s6], [sflag:s4] =	dma.local [hbm:s3], $0xF7A  }
0x26: {  	[smem:$0x3F89] =	sst s1;
	(tag) =	ssettag s2;
	_ =	strace s9  }
0x27: {  	s1 =	sld [smem:$0x3F99]  }
0x28: {  	s2 =	sld [smem:$0x3F9A]  }
0x29: {  	s4 =	sld [smem:$0x3F9C]  }
0x2a: {  	p0 =	seq.s32 s5, $0x0;
	s5 =	sld [smem:$0x3F9D]  }
0x2b: {  	s6 =	sld [smem:$0x3F9E]  }
0x2c: {  	s7 =	sld [smem:$0x3F9F]  }
0x2d: {  	s3 =	simm.s32 $0x108;
	s8 =	sld [smem:$0x3FA0]  }
0x2e: {  	s3 =	simm.s32 @!p0 $0x1082;
	s9 =	sld [smem:$0x3FA1]  }
0x2f: {  	lr =	sadd.s32 s0, s3;
	s0 =	sld [smem:$0x3F98]  }
0x30: {  	s3 =	sld [smem:$0x3F9B]  }
0x31: {  	[smem:$0x3FA4] =	sst s10  }
0x32: {  	s10 =	sld [smem:$0x3FA2];
	_ =	sdelay $0x3  }
0x33: {  	p0 =	seq.s32 s10, $0x1;
	s10 =	sld [smem:$0x3FA4];
	_ =	sdelay $0x3  }
0x34: {  	[smem:$0x3FA4] =	sst s10  }
0x35: {  	s10 =	sld [smem:$0x3FA3];
	_ =	sdelay $0x3  }
0x36: {  	p1 =	seq.s32 s10, $0x1;
	s10 =	sld [smem:$0x3FA4];
	_ =	sdelay $0x3  }
0x37: {  	[smem:$0x3FA4] =	sst s10  }
0x38: {  	s10 =	sld [smem:$0x3FA5]  }
0x39: {  	_ = 	snop;
	(pc) =	sbr.ind lr, $3  }
0x3a: {  	_ = 	snop  }
0x3b: {  	_ = 	snop  }
0x3c: {  	p2 =	seq.s32 s10, $0x1;
	s10 =	sld [smem:$0x3FA4]  }
0x3d: {  	_ =	shalt  }
0x3e: {  	_ =	shalt  }
0x3f: {  	_ =	shalt  }
0x40: {  	_ =	shalt  }
0x41: {  	_ =	shalt  }
0x42: {  	_ =	shalt  }
0x43: {  	_ =	shalt  }
0x44: {  	_ =	shalt  }
0x45: {  	_ =	shalt  }
0x46: {  	_ =	shalt  }
0x47: {  	_ =	shalt  }
0x48: {  	_ =	shalt  }
0x49: {  	_ =	shalt  }
0x4a: {  	_ =	shalt  }
0x4b: {  	_ =	shalt  }
0x4c: {  	_ =	shalt  }
0x4d: {  	_ =	shalt  }
0x4e: {  	_ =	shalt  }
0x4f: {  	_ =	shalt  }
0x50: {  	_ =	shalt  }
0x51: {  	_ =	shalt  }
0x52: {  	_ =	shalt  }
0x53: {  	_ =	shalt  }
0x54: {  	_ =	shalt  }
0x55: {  	_ =	shalt  }
0x56: {  	_ =	shalt  }
0x57: {  	_ =	shalt  }
0x58: {  	_ =	shalt  }
0x59: {  	_ =	shalt  }
0x5a: {  	_ =	shalt  }
0x5b: {  	_ =	shalt  }
0x5c: {  	_ =	shalt  }
0x5d: {  	_ =	shalt  }
0x5e: {  	_ =	shalt  }
0x5f: {  	_ =	shalt  }
0x60: {  	_ =	shalt  }
0x61: {  	_ =	shalt  }
0x62: {  	_ =	shalt  }
0x63: {  	_ =	shalt  }
0x64: {  	_ =	shalt  }
0x65: {  	_ =	shalt  }
0x66: {  	_ =	shalt  }
0x67: {  	_ =	shalt  }
0x68: {  	_ =	shalt  }
0x69: {  	_ =	shalt  }
0x6a: {  	_ =	shalt  }
0x6b: {  	_ =	shalt  }
0x6c: {  	_ =	shalt  }
0x6d: {  	_ =	shalt  }
0x6e: {  	_ =	shalt  }
0x6f: {  	_ =	shalt  }
0x70: {  	_ =	shalt  }
0x71: {  	_ =	shalt  }
0x72: {  	_ =	shalt  }
0x73: {  	_ =	shalt  }
0x74: {  	_ =	shalt  }
0x75: {  	_ =	shalt  }
0x76: {  	_ =	shalt  }
0x77: {  	_ =	shalt  }
0x78: {  	_ =	shalt  }
0x79: {  	_ =	shalt  }
0x7a: {  	_ =	shalt  }
0x7b: {  	_ =	shalt  }
0x7c: {  	_ =	shalt  }
0x7d: {  	_ =	shalt  }
0x7e: {  	_ =	shalt  }
0x7f: {  	_ =	shalt  }
0x80: {  	_ =	shalt  }
0x81: {  	_ =	shalt  }
0x82: {  	_ =	shalt  }
0x83: {  	_ =	shalt  }
0x84: {  	_ =	shalt  }
0x85: {  	_ =	shalt  }
0x86: {  	_ =	shalt  }
0x87: {  	_ =	shalt  }
.Lfunc_end0:
.L_simem_size_0:
called_computation_lowered:
.L_overlay_start_0:
0x88: {  	s2 =	sld [smem:$0x3FD9]  }
0x89: {  	s3 =	sld [smem:$0x3FFE];
	_ =	sdelay $0x1  }
0x8a: {  	s1 =	srdreg.scid  }
0x8b: {  	s0 =	sand.u32 $0x1, s1  }
0x8c: {  	s17 =	sshll.u32 s0, $0xA;
	s2 =	sadd.s32 s3, s2  }
0x8d: {  	s2 =	sadd.s32 s2, s17  }
0x8e: {  	[smem:$0x3FB0] =	sst s2  }
0x8f: {  	_ = 	snop  }
0x90: {  	s2 =	sld [smem:$0x3FD0];
	(tm) =	ssettm $0x1  }
0x91: {  	s18 =	sld [smem:$0x3FFB];
	_ =	sdelay $0x3  }
0x92: {  	_ =	strace s18  }
0x93: {  	s3 =	sld [smem:$0x3FFC];
	_ =	sdelay $0x3  }
0x94: {  	_ =	strace s3  }
0x95: {  	s3 =	sld [smem:$0x3FFD];
	_ =	sdelay $0x3  }
0x96: {  	_ =	strace s3  }
0x97: {  	_ =	strace $0x8FFFFFFF  }
0x98: {  	s19 =	sld [smem:$0x3FDB];
	_ =	sdelay $0x1  }
0x99: {  	s4 =	simm.s32 $_scs_section_size  }
0x9a: {  	s5 =	simm.s32 $_size__tile_overlayer_lowered;
	s6 =	simm.s32 $_tile_overlayer_lowered  }
0x9b: {  	s22 =	simm.s32 $0x1BFF;
	s21 =	sshll.u32 s6, $0x1;
	s3 =	sadd.s32 s4, s19  }
0x9c: {  	s7 =	simm.s32 $0x0;
	s20 =	sshll.u32 s5, $0x1;
	s5 =	sadd.s32 s21, s3  }
0x9d: {  	[timem:s7], [sflag:s22] =	dma.local [hbm:s5], s20  }
0x9e: {  	_ =	swait.ge [sflag:s22], s20  }
0x9f: {  	s4 =	ssub.s32 $0x0, s20;
	[sflag:s22] =	ssyncset.done $0x0  }
0xa0: {  	[sflag:s22] =	ssyncadd.s32 s4;
	_ =	sdelay $0x1  }
0xa1: {  	s23 =	simm.s32 $0x1B8B  }
0xa2: {  	_ =	swait.ge [sflag:s23], $0x1  }
0xa3: {  	[sflag:s23] =	ssyncset.done $0x0  }
0xa4: {  	s25 =	simm.s32 $0x1B8E;
	s24 =	sld [smem:$0x3FFE];
	[sflag:s23] =	ssyncadd.s32 $0xFFFFFFFF  }
0xa5: {  	s26 =	simm.s32 $execute0_lowered;
	[smem:$0x3FD2] =	sst s25  }
0xa6: {  	s5 =	sshll.u32 s26, $0x1;
	_ =	strace $0x80000046;
	[dreg:$0x1] =	wrdreg $0xFFFFFFFF  }
0xa7: {  	s28 =	simm.s32 $_size_execute0_lowered;
	s3 =	sadd.s32 s3, s5;
	[dreg:$0x0] =	wrdreg $0x0  }
0xa8: {  	s5 =	sshll.u32 s28, $0x1;
	[dreg:$0x2] =	wrdreg s3  }
0xa9: {  	[dreg:$0x3] =	wrdreg s5  }
0xaa: {  	[dreg:$0x4] =	wrdreg $0xC0  }
0xab: {  	_ =	task [dreg:s7], $0x5FFFF  }
0xac: {  	[dreg:$0x1] =	wrdreg $0xFFFFFFFF  }
0xad: {  	[dreg:$0x0] =	wrdreg $0x60  }
0xae: {  	[dreg:$0x2] =	wrdreg s2  }
0xaf: {  	[dreg:$0x3] =	wrdreg s24  }
0xb0: {  	[dreg:$0x4] =	wrdreg $0x68000  }
0xb1: {  	[dreg:$0x5] =	wrdreg $0x9  }
0xb2: {  	_ =	task.clear_ibuf [dreg:s7], $0x6FFFF;
	_ =	strace $0x90000046  }
0xb3: {  	s29 =	simm.s32 $0x9;
	_ =	strace $0x80000048  }
0xb4: {  	_ =	swait.ge [sflag:s29], $0x1  }
0xb5: {  	[sflag:s29] =	ssyncadd.s32 $0xFFFFFFFF  }
0xb6: {  	_ =	strace $0x90000048  }
0xb7: {  	_ =	sfence  }
0xb8: {  	s30 =	sld [smem:$0x0];
	_ =	sdelay $0x2  }
0xb9: {  	s31 =	sshll.u32 s1, $0xD;
	s1 =	sshrl.u32 s1, $0x2  }
0xba: {  	s3 =	sand.u32 $0x4000, s31;
	s1 =	sadd.s32 s1, s30  }
0xbb: {  	s0 =	sor.u32 s3, s0;
	s1 =	sshll.u32 s1, $0x11  }
0xbc: {  	s0 =	sor.u32 s1, s0  }
0xbd: {  	s0 =	sadd.s32 $0x8F2B, s0  }
0xbe: {  	[sflag:s0] =	ssyncadd.remote.s32 $0x1  }
0xbf: {  	_ =	sfence.sel $0xFFFF  }
0xc0: {  	[dreg:$0x0] =	wrdreg $0xFFFFFFFF;
	(pc) =	sbr.abs _section_cstart, $3  }
0xc1: {  	[dreg:$0x1] =	wrdreg $0xFFFFFFFF  }
0xc2: {  	_ =	task.clear_ibuf [dreg:s7], $0x2FFFF;
	_ =	strace $0x9FFFFFFF  }
0xc3: {  	(tm) =	ssettm $0x7FFFFFFF  }
tec
execute0_lowered:
.L_overlay_start_1:
0x0: {  	(tag) =	ssettag $0x1  }
0x1: {  	s7 =	rddreg [dreg:$0x0]  }
0x2: {  	s6 =	rddreg [dreg:$0x1]  }
0x3: {  	s1 =	rddreg [dreg:$0x2]  }
0x4: {  	s0 =	rddreg [dreg:$0x3];
	s2 =	simm.s32 $0x0  }
0x5: {  	s3 =	srdreg.scid;
	[smem:$0x7FF] =	sst s2;
	s4 =	sadd.s32 $0x5400, s6  }
0x6: {  	s5 =	sadd.s32 $0x5C00, s6;
	s8 =	sand.u32 $0x1, s3;
	s3 =	stileid.u32  }
0x7: {  	_ =	strace $0x80000047;
	s9 =	smul.u32 $0x28000, s8;
	s10 =	sshll.u32 s8, $0x4  }
0x8: {  	s8 =	ssub.s32 $0x2, s8;
	s11 =	smul.u32 $0x50000, s3;
	s31 =	sshll.u32 s3, $0x6  }
0x9: {  	s14 =	smul.u32 $0x2800, s3;
	s10 =	sor.u32 s3, s10;
	s29 =	sshrl.u32 s8, $0x1  }
0xa: {  	s9 =	sadd.s32 s9, s6;
	s10 =	smul.u32 $0x500, s10;
	s8 =	ssub.s32 s8, s29  }
0xb: {  	s30 =	sshrl.u32 s11, $0x2;
	s6 =	sor.u32 $0x1C01, s31;
	s11 =	simm.s32 $0x2800  }
0xc: {  	s12 =	sadd.s32 s30, s1;
	s13 =	sadd.s32 $0x8400, s9;
	s8 =	smax.u32 s8, $0x1  }
0xd: {  	s7 =	sadd.s32 s7, s10;
	s9 =	sshrl.u32 s12, $0x3;
	s10 =	simm.s32 $0x1  }
0xe: {  	s12 =	simm.s32 $0x80;
	s13 =	sadd.s32 s14, s13;
	s14 =	simm.s32 $0x0  }
.LBB2_1:
0xf: {  	[spmem:s9], [sflag:s6] =	dma.local [hbm:s5], $0x2800  }
0x10: {  	_ =	swait.ge [sflag:s10], $0x2800  }
0x11: {  	[sflag:s10] =	ssyncset.done $0x0  }
0x12: {  	[sflag:s10] =	ssyncadd.s32 $0xFFFFD800  }
0x13: {  	[tilespmem:s11], [sflag:$0x1] =	stream.linear.gather [hbm4b:s4+s2], $0x4000, $0x38;
	[tilespmem:$0x1A800] =	vst v63  }
0x14: {  	_ =	swait.ge [sflag:s10], $0x4000  }
0x15: {  	[sflag:s10] =	ssyncset.done $0x0  }
0x16: {  	[sflag:s10] =	ssyncadd.s32 $0xFFFFC000  }
0x17: {  	[tilespmem:s2], [sflag:$0x1] =	stream.linear.gather [hbm4b:s7+s2], $0x2800, $0x38;
	[tilespmem:$0x1A800] =	vst v63  }
0x18: {  	_ =	swait.ge [sflag:s10], $0x2800  }
0x19: {  	[sflag:s10] =	ssyncset.done $0x0  }
0x1a: {  	[sflag:s10] =	ssyncadd.s32 $0xFFFFD800  }
0x1b: {  	s15 =	simm.s32 $0x0;
	[bflag:$0x0] =	sbarrier.arrive $0xFFFF  }
0x1c: {  	[spmem:s1] =	stream.indirect.scatter.add.f32 [tilespmem:s11], [sflag:$0x1], $0x80, s15, s12, $0xb8;
	[tilespmem:$0x1A800] =	vst v63  }
0x1d: {  	_ =	swait.ge [sflag:s10], $0x4000  }
0x1e: {  	s15 =	simm.s32 $0x200;
	[sflag:s10] =	ssyncset.done $0x0  }
.LBB2_2:
0x1f: {  	s16 =	sshra.s32 s15, $0x2;
	[sflag:s10] =	ssyncadd.s32 $0xFFFFC000;
	p0 =	sne.s32 s15, $0x9E00  }
0x20: {  	[spmem:s1] =	stream.indirect.scatter.add.f32 [tilespmem:s11], [sflag:$0x1], $0x80, s16, s12, $0xb8;
	[tilespmem:$0x1A800] =	vst v63  }
.Ltmp0:
0x21: {  	_ = 	snop;
	(pc) =	sbr.rel @p0 .LBB2_2-.Ltmp0, $4  }
0x22: {  	_ = 	snop  }
0x23: {  	s15 =	sadd.s32 $0x200, s15  }
0x24: {  	_ =	swait.ge [sflag:s10], $0x4000  }
0x25: {  	[sflag:s10] =	ssyncset.done $0x0  }
0x26: {  	s14 =	sadd.s32 $0x1, s14  }
0x27: {  	[sflag:s10] =	ssyncadd.s32 $0xFFFFC000;
	p0 =	sne.s32 s14, s8  }
.Ltmp1:
0x28: {  	[bflag:$0x0] =	sbarrier.arrive $0xFFFF;
	(pc) =	sbr.rel @p0 .LBB2_1-.Ltmp1, $4  }
0x29: {  	[hbm:s13], [sflag:s6] =	dma.local [spmem:s9], $0x2800  }
0x2a: {  	_ =	swait.ge [sflag:s10], $0x2800  }
0x2b: {  	[sflag:s10] =	ssyncset.done $0x0  }
0x2c: {  	[sflag:s10] =	ssyncadd.s32 $0xFFFFD800  }
0x2d: {  	_ =	sfence.sel $0x180000  }
0x2e: {  	[bflag:$0x0] =	sbarrier.arrive $0xFFFF  }
0x2f: {  	p0 =	sne.s32 s3, $0x0;
	_ =	strace $0x90000047  }
0x30: {  	s0 =	sadd.s32 @!p0 $0x100000, s0;
	[bflag:$0x2] =	sbarrier.arrive $0xFFFF  }
0x31: {  	[sflag:s0] =	ssyncadd.tile.s32 @!p0 $0x1;
	_ =	shalt  }
.Lfunc_end2:
_tile_overlayer_lowered:
.L_overlay_start_2:
0x32: {  	(tag) =	ssettag $0x2  }
0x33: {  	s0 =	rddreg [dreg:$0x0];
	s2 =	stileid.u32  }
0x34: {  	s1 =	rddreg [dreg:$0x1];
	p0 =	sne.s32 s2, $0x0  }
0x35: {  	s3 =	rddreg [dreg:$0x2];
	[bflag:$0x3] =	sbarrier.arrive $0xFFFF;
	s2 =	simm.s32 @!p0 $0x1C01  }
0x36: {  	[timem:s3], [sflag:s2] =	dma.local @!p0 [hbm:s0], s1  }
0x37: {  	s0 =	simm.s32 @!p0 $0x1  }
0x38: {  	_ =	swait.ge @!p0 [sflag:s0], s1  }
0x39: {  	s1 =	ssub.s32 @!p0 $0x0, s1;
	[sflag:s0] =	ssyncset.done @!p0 $0x0  }
0x3a: {  	[sflag:s0] =	ssyncadd.s32 @!p0 s1  }
0x3b: {  	[bflag:$0x3] =	sbarrier.arrive $0xFFFF  }
0x3c: {  	_ =	shalt  }

// kernel: kernel.16.cloned.1.call-start
scs
__scs_entry_jumppad:
0x0: {  	(pc) =	sbr.rel $0x88, $3  }
0x1: {  	(tag) =	ssettag $0x0;
	lr =	simm.s32 $0x1  }
0x2: {  	[smem:$0x3F89] =	sst lr;
	_ =	strace $0xD0000000  }
0x3: {  	_ = 	snop  }
0x4: {  	_ = 	snop  }
0x5: {  	_ = 	snop  }
0x6: {  	_ = 	snop  }
0x7: {  	_ = 	snop  }
__scs_overlays_trampoline_lowered:
0x8: {  	[smem:$0x3F98] =	sst s0  }
0x9: {  	[smem:$0x3F99] =	sst s1  }
0xa: {  	[smem:$0x3F9A] =	sst s2  }
0xb: {  	[smem:$0x3F9B] =	sst s3  }
0xc: {  	[smem:$0x3F9C] =	sst s4  }
0xd: {  	[smem:$0x3F9D] =	sst s5  }
0xe: {  	[smem:$0x3F9E] =	sst s6  }
0xf: {  	[smem:$0x3F9F] =	sst s7  }
0x10: {  	[smem:$0x3FA0] =	sst s8  }
0x11: {  	[smem:$0x3FA1] =	sst s9;
	s0 =	simm.s32 @!p0 $0x0  }
0x12: {  	s1 =	sld [smem:$0x3F87];
	s0 =	simm.s32 @p0 $0x1  }
0x13: {  	[smem:$0x3FA2] =	sst s0;
	s0 =	simm.s32 @!p1 $0x0  }
0x14: {  	s2 =	sld [smem:$0x3F86];
	s0 =	simm.s32 @p1 $0x1  }
0x15: {  	[smem:$0x3FA3] =	sst s0;
	s0 =	simm.s32 @!p2 $0x0  }
0x16: {  	s3 =	sld [smem:$0x3FDB];
	s0 =	simm.s32 @p2 $0x1  }
0x17: {  	s4 =	simm.s32 $0x1BF5;
	[smem:$0x3FA5] =	sst s0  }
0x18: {  	s0 =	sld [smem:$0x3F88];
	_ =	swait.ge [sflag:s4], $0x0  }
0x19: {  	s7 =	sld [smem:$0x3F89]  }
0x1a: {  	s8 =	sadd.s32 $0xFFFFE003, lr  }
0x1b: {  	s9 =	sadd.s32 $0xFFFFFEF7, lr;
	s5 =	simm.s32 $0xFFFFFFFF;
	p2 =	slt.u32 s8, $0xFFFFF086  }
0x1c: {  	p1 =	slt.u32 s9, $0xF7A;
	s5 =	simm.s32 @!p2 $0x0  }
0x1d: {  	s5 =	simm.s32 @p1 $0x1;
	p0 =	seq.s32 s7, s2  }
0x1e: {  	s7 =	smul.u32 @!p0 $0xF7A, s2;
	p2 =	seq.s32 @!p0 s5, $0x0  }
0x1f: {  	s9 =	smul.u32 $0xF7A, s1;
	s8 =	simm.s32 @!p0 $0x1BF5;
	p2 =	por !p2, p0  }
0x20: {  	[sflag:s8] =	ssyncset.s32 @!p0 $0xFFFFF086;
	s6 =	sadd.s32 @!p0 s3, s7;
	s7 =	simm.s32 @!p0 $0x108  }
0x21: {  	s3 =	sadd.s32 s3, s9;
	s6 =	sadd.s32 @!p0 $0x88, s6;
	s7 =	simm.s32 @p2 $0x1082  }
0x22: {  	[simem:s7], [sflag:s8] =	dma.local @!p0 [hbm:s6], $0xF7A  }
0x23: {  	s9 =	sor.u32 $0xD0000000, s2;
	s6 =	simm.s32 $0x108;
	_ =	swait.ge @!p0 [sflag:s8], $0x0  }
0x24: {  	s3 =	sadd.s32 $0x88, s3;
	s6 =	simm.s32 @!p1 $0x1082;
	[sflag:s4] =	ssyncset.s32 $0xFFFFF086  }
0x25: {  	[simem:s6], [sflag:s4] =	dma.local [hbm:s3], $0xF7A  }
0x26: {  	[smem:$0x3F89] =	sst s1;
	(tag) =	ssettag s2;
	_ =	strace s9  }
0x27: {  	s1 =	sld [smem:$0x3F99]  }
0x28: {  	s2 =	sld [smem:$0x3F9A]  }
0x29: {  	s4 =	sld [smem:$0x3F9C]  }
0x2a: {  	p0 =	seq.s32 s5, $0x0;
	s5 =	sld [smem:$0x3F9D]  }
0x2b: {  	s6 =	sld [smem:$0x3F9E]  }
0x2c: {  	s7 =	sld [smem:$0x3F9F]  }
0x2d: {  	s3 =	simm.s32 $0x108;
	s8 =	sld [smem:$0x3FA0]  }
0x2e: {  	s3 =	simm.s32 @!p0 $0x1082;
	s9 =	sld [smem:$0x3FA1]  }
0x2f: {  	lr =	sadd.s32 s0, s3;
	s0 =	sld [smem:$0x3F98]  }
0x30: {  	s3 =	sld [smem:$0x3F9B]  }
0x31: {  	[smem:$0x3FA4] =	sst s10  }
0x32: {  	s10 =	sld [smem:$0x3FA2];
	_ =	sdelay $0x3  }
0x33: {  	p0 =	seq.s32 s10, $0x1;
	s10 =	sld [smem:$0x3FA4];
	_ =	sdelay $0x3  }
0x34: {  	[smem:$0x3FA4] =	sst s10  }
0x35: {  	s10 =	sld [smem:$0x3FA3];
	_ =	sdelay $0x3  }
0x36: {  	p1 =	seq.s32 s10, $0x1;
	s10 =	sld [smem:$0x3FA4];
	_ =	sdelay $0x3  }
0x37: {  	[smem:$0x3FA4] =	sst s10  }
0x38: {  	s10 =	sld [smem:$0x3FA5]  }
0x39: {  	_ = 	snop;
	(pc) =	sbr.ind lr, $3  }
0x3a: {  	_ = 	snop  }
0x3b: {  	_ = 	snop  }
0x3c: {  	p2 =	seq.s32 s10, $0x1;
	s10 =	sld [smem:$0x3FA4]  }
0x3d: {  	_ =	shalt  }
0x3e: {  	_ =	shalt  }
0x3f: {  	_ =	shalt  }
0x40: {  	_ =	shalt  }
0x41: {  	_ =	shalt  }
0x42: {  	_ =	shalt  }
0x43: {  	_ =	shalt  }
0x44: {  	_ =	shalt  }
0x45: {  	_ =	shalt  }
0x46: {  	_ =	shalt  }
0x47: {  	_ =	shalt  }
0x48: {  	_ =	shalt  }
0x49: {  	_ =	shalt  }
0x4a: {  	_ =	shalt  }
0x4b: {  	_ =	shalt  }
0x4c: {  	_ =	shalt  }
0x4d: {  	_ =	shalt  }
0x4e: {  	_ =	shalt  }
0x4f: {  	_ =	shalt  }
0x50: {  	_ =	shalt  }
0x51: {  	_ =	shalt  }
0x52: {  	_ =	shalt  }
0x53: {  	_ =	shalt  }
0x54: {  	_ =	shalt  }
0x55: {  	_ =	shalt  }
0x56: {  	_ =	shalt  }
0x57: {  	_ =	shalt  }
0x58: {  	_ =	shalt  }
0x59: {  	_ =	shalt  }
0x5a: {  	_ =	shalt  }
0x5b: {  	_ =	shalt  }
0x5c: {  	_ =	shalt  }
0x5d: {  	_ =	shalt  }
0x5e: {  	_ =	shalt  }
0x5f: {  	_ =	shalt  }
0x60: {  	_ =	shalt  }
0x61: {  	_ =	shalt  }
0x62: {  	_ =	shalt  }
0x63: {  	_ =	shalt  }
0x64: {  	_ =	shalt  }
0x65: {  	_ =	shalt  }
0x66: {  	_ =	shalt  }
0x67: {  	_ =	shalt  }
0x68: {  	_ =	shalt  }
0x69: {  	_ =	shalt  }
0x6a: {  	_ =	shalt  }
0x6b: {  	_ =	shalt  }
0x6c: {  	_ =	shalt  }
0x6d: {  	_ =	shalt  }
0x6e: {  	_ =	shalt  }
0x6f: {  	_ =	shalt  }
0x70: {  	_ =	shalt  }
0x71: {  	_ =	shalt  }
0x72: {  	_ =	shalt  }
0x73: {  	_ =	shalt  }
0x74: {  	_ =	shalt  }
0x75: {  	_ =	shalt  }
0x76: {  	_ =	shalt  }
0x77: {  	_ =	shalt  }
0x78: {  	_ =	shalt  }
0x79: {  	_ =	shalt  }
0x7a: {  	_ =	shalt  }
0x7b: {  	_ =	shalt  }
0x7c: {  	_ =	shalt  }
0x7d: {  	_ =	shalt  }
0x7e: {  	_ =	shalt  }
0x7f: {  	_ =	shalt  }
0x80: {  	_ =	shalt  }
0x81: {  	_ =	shalt  }
0x82: {  	_ =	shalt  }
0x83: {  	_ =	shalt  }
0x84: {  	_ =	shalt  }
0x85: {  	_ =	shalt  }
0x86: {  	_ =	shalt  }
0x87: {  	_ =	shalt  }
.Lfunc_end0:
.L_simem_size_0:
called_computation.1_lowered:
.L_overlay_start_0:
0x88: {  	s2 =	sld [smem:$0x3FD9]  }
0x89: {  	s3 =	sld [smem:$0x3FFE];
	_ =	sdelay $0x1  }
0x8a: {  	s1 =	srdreg.scid  }
0x8b: {  	s0 =	sand.u32 $0x1, s1  }
0x8c: {  	s17 =	sshll.u32 s0, $0xA;
	s2 =	sadd.s32 s3, s2  }
0x8d: {  	s2 =	sadd.s32 s2, s17  }
0x8e: {  	[smem:$0x3FB0] =	sst s2  }
0x8f: {  	_ = 	snop  }
0x90: {  	s2 =	sld [smem:$0x3FD0];
	(tm) =	ssettm $0x1  }
0x91: {  	s18 =	sld [smem:$0x3FFB];
	_ =	sdelay $0x3  }
0x92: {  	_ =	strace s18  }
0x93: {  	s3 =	sld [smem:$0x3FFC];
	_ =	sdelay $0x3  }
0x94: {  	_ =	strace s3  }
0x95: {  	s3 =	sld [smem:$0x3FFD];
	_ =	sdelay $0x3  }
0x96: {  	_ =	strace s3  }
0x97: {  	_ =	strace $0x8FFFFFFF  }
0x98: {  	s19 =	sld [smem:$0x3FDB];
	_ =	sdelay $0x1  }
0x99: {  	s4 =	simm.s32 $_scs_section_size  }
0x9a: {  	s5 =	simm.s32 $_size__tile_overlayer_lowered;
	s6 =	simm.s32 $_tile_overlayer_lowered  }
0x9b: {  	s22 =	simm.s32 $0x1BFF;
	s21 =	sshll.u32 s6, $0x1;
	s3 =	sadd.s32 s4, s19  }
0x9c: {  	s7 =	simm.s32 $0x0;
	s20 =	sshll.u32 s5, $0x1;
	s5 =	sadd.s32 s21, s3  }
0x9d: {  	[timem:s7], [sflag:s22] =	dma.local [hbm:s5], s20  }
0x9e: {  	_ =	swait.ge [sflag:s22], s20  }
0x9f: {  	s4 =	ssub.s32 $0x0, s20;
	[sflag:s22] =	ssyncset.done $0x0  }
0xa0: {  	[sflag:s22] =	ssyncadd.s32 s4;
	_ =	sdelay $0x1  }
0xa1: {  	s23 =	simm.s32 $0x1B8B  }
0xa2: {  	_ =	swait.ge [sflag:s23], $0x1  }
0xa3: {  	[sflag:s23] =	ssyncset.done $0x0  }
0xa4: {  	s25 =	simm.s32 $0x1B8E;
	s24 =	sld [smem:$0x3FFE];
	[sflag:s23] =	ssyncadd.s32 $0xFFFFFFFF  }
0xa5: {  	s26 =	simm.s32 $execute0_lowered;
	[smem:$0x3FD2] =	sst s25  }
0xa6: {  	s5 =	sshll.u32 s26, $0x1;
	_ =	strace $0x80000049;
	[dreg:$0x1] =	wrdreg $0xFFFFFFFF  }
0xa7: {  	s28 =	simm.s32 $_size_execute0_lowered;
	s3 =	sadd.s32 s3, s5;
	[dreg:$0x0] =	wrdreg $0x0  }
0xa8: {  	s5 =	sshll.u32 s28, $0x1;
	[dreg:$0x2] =	wrdreg s3  }
0xa9: {  	[dreg:$0x3] =	wrdreg s5  }
0xaa: {  	[dreg:$0x4] =	wrdreg $0xC0  }
0xab: {  	_ =	task [dreg:s7], $0x5FFFF  }
0xac: {  	[dreg:$0x1] =	wrdreg $0xFFFFFFFF  }
0xad: {  	[dreg:$0x0] =	wrdreg $0x60  }
0xae: {  	[dreg:$0x2] =	wrdreg s24  }
0xaf: {  	[dreg:$0x3] =	wrdreg s2  }
0xb0: {  	[dreg:$0x4] =	wrdreg $0xA8000  }
0xb1: {  	[dreg:$0x5] =	wrdreg $0x9  }
0xb2: {  	_ =	task.clear_ibuf [dreg:s7], $0x6FFFF;
	_ =	strace $0x90000049  }
0xb3: {  	s29 =	simm.s32 $0x9;
	_ =	strace $0x8000004B  }
0xb4: {  	_ =	swait.ge [sflag:s29], $0x1  }
0xb5: {  	[sflag:s29] =	ssyncadd.s32 $0xFFFFFFFF  }
0xb6: {  	_ =	strace $0x9000004B  }
0xb7: {  	_ =	sfence  }
0xb8: {  	s30 =	sld [smem:$0x0];
	_ =	sdelay $0x2  }
0xb9: {  	s31 =	sshll.u32 s1, $0xD;
	s1 =	sshrl.u32 s1, $0x2  }
0xba: {  	s3 =	sand.u32 $0x4000, s31;
	s1 =	sadd.s32 s1, s30  }
0xbb: {  	s0 =	sor.u32 s3, s0;
	s1 =	sshll.u32 s1, $0x11  }
0xbc: {  	s0 =	sor.u32 s1, s0  }
0xbd: {  	s0 =	sadd.s32 $0x8F2B, s0  }
0xbe: {  	[sflag:s0] =	ssyncadd.remote.s32 $0x1  }
0xbf: {  	_ =	sfence.sel $0xFFFF  }
0xc0: {  	[dreg:$0x0] =	wrdreg $0xFFFFFFFF;
	(pc) =	sbr.abs _section_cstart, $3  }
0xc1: {  	[dreg:$0x1] =	wrdreg $0xFFFFFFFF  }
0xc2: {  	_ =	task.clear_ibuf [dreg:s7], $0x2FFFF;
	_ =	strace $0x9FFFFFFF  }
0xc3: {  	(tm) =	ssettm $0x7FFFFFFF  }
tec
execute0_lowered:
.L_overlay_start_1:
0x0: {  	(tag) =	ssettag $0x1  }
0x1: {  	s6 =	rddreg [dreg:$0x0]  }
0x2: {  	s10 =	rddreg [dreg:$0x1]  }
0x3: {  	s1 =	rddreg [dreg:$0x2]  }
0x4: {  	s0 =	rddreg [dreg:$0x3]  }
0x5: {  	s2 =	simm.s32 $0x0;
	s4 =	srdreg.scid;
	s16 =	simm.s32 $0x2800  }
0x6: {  	s17 =	simm.s32 $0x6800;
	s18 =	simm.s32 $0x1;
	s19 =	simm.s32 $0x2  }
0x7: {  	s20 =	simm.s32 $0x1380;
	s21 =	simm.s32 $0x2700;
	s22 =	simm.s32 $0x2780  }
0x8: {  	[smem:$0x7FF] =	sst s2;
	s3 =	sadd.s32 $0x62400, s6;
	s7 =	sand.u32 $0x1, s4  }
0x9: {  	s9 =	sadd.s32 $0x58400, s6;
	s5 =	sadd.s32 $0x5C00, s6;
	s4 =	stileid.u32  }
0xa: {  	_ =	strace $0x8000004A;
	s8 =	smul.u32 $0x28000, s7;
	s11 =	ssub.s32 $0x2, s7  }
0xb: {  	s7 =	sshll.u32 s7, $0x4;
	s13 =	smul.u32 $0x50000, s4;
	s29 =	sshll.u32 s4, $0x6  }
0xc: {  	s24 =	smul.u32 $0x2800, s4;
	s12 =	sshrl.u32 s11, $0x1;
	s7 =	sor.u32 s4, s7  }
0xd: {  	s14 =	sadd.s32 s8, s6;
	s11 =	ssub.s32 s11, s12;
	s26 =	smul.u32 $0x2800, s7  }
0xe: {  	s28 =	sshrl.u32 s13, $0x2;
	s30 =	smul.u32 $0x500, s7;
	s6 =	sor.u32 $0x1C03, s29  }
0xf: {  	s13 =	simm.s32 $0x3;
	s15 =	sadd.s32 s28, s1;
	s23 =	sadd.s32 $0x8A400, s14  }
0x10: {  	s11 =	smax.u32 s11, $0x1;
	s14 =	simm.s32 $0x1400;
	s31 =	sshrl.u32 s26, $0x3  }
0x11: {  	s7 =	sadd.s32 s9, s30;
	s8 =	sadd.s32 s10, s30;
	s12 =	sadd.s32 $0x280, s31  }
0x12: {  	s23 =	sadd.s32 s24, s23;
	s24 =	simm.s32 $0x0;
	s9 =	sadd.s32 s9, s12  }
0x13: {  	s10 =	sadd.s32 s10, s12;
	s12 =	sshrl.u32 s15, $0x3;
	s15 =	simm.s32 $0x80  }
.LBB2_1:
0x14: {  	[spmem:s12], [sflag:s6] =	dma.local [hbm:s5], $0x2800  }
0x15: {  	_ =	swait.ge [sflag:s13], $0x2800  }
0x16: {  	[sflag:s13] =	ssyncset.done $0x0  }
0x17: {  	[sflag:s13] =	ssyncadd.s32 $0xFFFFD800  }
0x18: {  	[bflag:$0x0] =	sbarrier.arrive $0xFFFF  }
0x19: {  	[tilespmem:s2], [sflag:$0x3] =	stream.linear.gather [hbm4b:s7+s2], $0x1400, $0x38;
	[tilespmem:$0x1E800] =	vst v63  }
0x1a: {  	_ =	swait.ge [sflag:s13], $0x1400  }
0x1b: {  	[sflag:s13] =	ssyncset.done $0x0  }
0x1c: {  	[sflag:s13] =	ssyncadd.s32 $0xFFFFEC00  }
0x1d: {  	[tilespmem:s14], [sflag:$0x3] =	stream.linear.gather [hbm4b:s8+s2], $0x1400, $0x38;
	[tilespmem:$0x1E800] =	vst v63  }
0x1e: {  	_ =	swait.ge [sflag:s13], $0x1400  }
0x1f: {  	[sflag:s13] =	ssyncset.done $0x0  }
0x20: {  	[sflag:s13] =	ssyncadd.s32 $0xFFFFEC00  }
0x21: {  	[tilespmem:s16], [sflag:$0x1] =	stream.indirect.gather [hbm4b:s3+s15], $0x80, s2, s15, $0xb8;
	[tilespmem:$0x1E800] =	vst v63  }
0x22: {  	s25 =	simm.s32 $0x80  }
0x23: {  	[tilespmem:s17], [sflag:$0x2] =	stream.indirect.gather [hbm4b:s3+s15], $0x80, s25, s15, $0xb8;
	[tilespmem:$0x1E800] =	vst v63  }
0x24: {  	_ =	swait.ge [sflag:s18], $0x4000  }
0x25: {  	[sflag:s18] =	ssyncset.done $0x0  }
0x26: {  	s29 =	simm.s32 $0x1400;
	[sflag:s18] =	ssyncadd.s32 $0xFFFFC000  }
0x27: {  	[spmem:s1] =	stream.indirect.scatter.add.f32 [tilespmem:s16], [sflag:$0x3], $0x80, s29, s15, $0xb8;
	[tilespmem:$0x1E800] =	vst v63  }
0x28: {  	_ =	swait.ge [sflag:s13], $0x4000  }
0x29: {  	[sflag:s13] =	ssyncset.done $0x0  }
0x2a: {  	s30 =	simm.s32 $0x100;
	[sflag:s13] =	ssyncadd.s32 $0xFFFFC000  }
0x2b: {  	[tilespmem:s16], [sflag:$0x1] =	stream.indirect.gather [hbm4b:s3+s15], $0x80, s30, s15, $0xb8;
	[tilespmem:$0x1E800] =	vst v63  }
0x2c: {  	_ =	swait.ge [sflag:s19], $0x4000  }
0x2d: {  	[sflag:s19] =	ssyncset.done $0x0  }
0x2e: {  	s31 =	simm.s32 $0x1480;
	[sflag:s19] =	ssyncadd.s32 $0xFFFFC000  }
0x2f: {  	[spmem:s1] =	stream.indirect.scatter.add.f32 [tilespmem:s17], [sflag:$0x3], $0x80, s31, s15, $0xb8;
	[tilespmem:$0x1E800] =	vst v63  }
0x30: {  	_ =	swait.ge [sflag:s13], $0x4000  }
0x31: {  	s26 =	simm.s32 $0x800;
	s25 =	simm.s32 $0x100;
	[sflag:s13] =	ssyncset.done $0x0  }
.LBB2_2:
0x32: {  	s28 =	sadd.s32 $0x80, s25  }
0x33: {  	[sflag:s13] =	ssyncadd.s32 $0xFFFFC000;
	s29 =	smov.u32 s26;
	s30 =	sadd.s32 $0x400, s26  }
0x34: {  	[tilespmem:s17], [sflag:$0x2] =	stream.indirect.gather [hbm4b:s3+s15], $0x80, s28, s15, $0xb8;
	[tilespmem:$0x1E800] =	vst v63  }
0x35: {  	p0 =	sne.s32 s26, $0x4800;
	_ =	swait.ge [sflag:s18], $0x4000  }
0x36: {  	[sflag:s18] =	ssyncset.done $0x0  }
0x37: {  	s26 =	sadd.s32 $0x1400, s25;
	[sflag:s18] =	ssyncadd.s32 $0xFFFFC000  }
0x38: {  	[spmem:s1] =	stream.indirect.scatter.add.f32 [tilespmem:s16], [sflag:$0x3], $0x80, s26, s15, $0xb8;
	[tilespmem:$0x1E800] =	vst v63  }
0x39: {  	_ =	swait.ge [sflag:s13], $0x4000  }
0x3a: {  	[sflag:s13] =	ssyncset.done $0x0  }
0x3b: {  	s26 =	sadd.s32 $0x100, s25;
	[sflag:s13] =	ssyncadd.s32 $0xFFFFC000  }
0x3c: {  	[tilespmem:s16], [sflag:$0x1] =	stream.indirect.gather [hbm4b:s3+s15], $0x80, s26, s15, $0xb8;
	[tilespmem:$0x1E800] =	vst v63  }
0x3d: {  	_ =	swait.ge [sflag:s19], $0x4000  }
.Ltmp0:
0x3e: {  	[sflag:s19] =	ssyncset.done $0x0;
	(pc) =	sbr.rel @p0 .LBB2_2-.Ltmp0, $4  }
0x3f: {  	s25 =	sadd.s32 $0x1480, s25;
	[sflag:s19] =	ssyncadd.s32 $0xFFFFC000  }
0x40: {  	[spmem:s1] =	stream.indirect.scatter.add.f32 [tilespmem:s17], [sflag:$0x3], $0x80, s25, s15, $0xb8;
	[tilespmem:$0x1E800] =	vst v63  }
0x41: {  	_ =	swait.ge [sflag:s13], $0x4000  }
0x42: {  	s26 =	smov.u32 s30;
	s25 =	sshra.s32 s29, $0x2;
	[sflag:s13] =	ssyncset.done $0x0  }
0x43: {  	s26 =	sadd.s32 $0x80, s25;
	[sflag:s13] =	ssyncadd.s32 $0xFFFFC000  }
0x44: {  	[tilespmem:s17], [sflag:$0x2] =	stream.indirect.gather [hbm4b:s3+s15], $0x80, s26, s15, $0xb8;
	[tilespmem:$0x1E800] =	vst v63  }
0x45: {  	_ =	swait.ge [sflag:s18], $0x4000  }
0x46: {  	[sflag:s18] =	ssyncset.done $0x0  }
0x47: {  	s29 =	sadd.s32 $0x1400, s25;
	[sflag:s18] =	ssyncadd.s32 $0xFFFFC000  }
0x48: {  	[spmem:s1] =	stream.indirect.scatter.add.f32 [tilespmem:s16], [sflag:$0x3], $0x80, s29, s15, $0xb8;
	[tilespmem:$0x1E800] =	vst v63  }
0x49: {  	_ =	swait.ge [sflag:s13], $0x4000  }
0x4a: {  	[sflag:s13] =	ssyncset.done $0x0  }
0x4b: {  	s30 =	sadd.s32 $0x100, s25;
	[sflag:s13] =	ssyncadd.s32 $0xFFFFC000  }
0x4c: {  	[tilespmem:s16], [sflag:$0x1] =	stream.indirect.gather [hbm4b:s3+s15], $0x80, s30, s15, $0xb8;
	[tilespmem:$0x1E800] =	vst v63  }
0x4d: {  	_ =	swait.ge [sflag:s19], $0x4000  }
0x4e: {  	[sflag:s19] =	ssyncset.done $0x0  }
0x4f: {  	s31 =	sadd.s32 $0x1480, s25;
	[sflag:s19] =	ssyncadd.s32 $0xFFFFC000  }
0x50: {  	[spmem:s1] =	stream.indirect.scatter.add.f32 [tilespmem:s17], [sflag:$0x3], $0x80, s31, s15, $0xb8;
	[tilespmem:$0x1E800] =	vst v63  }
0x51: {  	_ =	swait.ge [sflag:s13], $0x4000  }
0x52: {  	[sflag:s13] =	ssyncset.done $0x0  }
0x53: {  	[sflag:s13] =	ssyncadd.s32 $0xFFFFC000  }
0x54: {  	[tilespmem:s17], [sflag:$0x2] =	stream.indirect.gather [hbm4b:s3+s15], $0x80, s20, s15, $0xb8;
	[tilespmem:$0x1E800] =	vst v63  }
0x55: {  	_ =	swait.ge [sflag:s18], $0x4000  }
0x56: {  	[sflag:s18] =	ssyncset.done $0x0  }
0x57: {  	[sflag:s18] =	ssyncadd.s32 $0xFFFFC000  }
0x58: {  	[spmem:s1] =	stream.indirect.scatter.add.f32 [tilespmem:s16], [sflag:$0x3], $0x80, s21, s15, $0xb8;
	[tilespmem:$0x1E800] =	vst v63  }
0x59: {  	_ =	swait.ge [sflag:s13], $0x4000  }
0x5a: {  	[sflag:s13] =	ssyncset.done $0x0  }
0x5b: {  	[sflag:s13] =	ssyncadd.s32 $0xFFFFC000  }
0x5c: {  	_ =	swait.ge [sflag:s19], $0x4000  }
0x5d: {  	[sflag:s19] =	ssyncset.done $0x0  }
0x5e: {  	[sflag:s19] =	ssyncadd.s32 $0xFFFFC000  }
0x5f: {  	[spmem:s1] =	stream.indirect.scatter.add.f32 [tilespmem:s17], [sflag:$0x3], $0x80, s22, s15, $0xb8;
	[tilespmem:$0x1E800] =	vst v63  }
0x60: {  	_ =	swait.ge [sflag:s13], $0x4000  }
0x61: {  	[sflag:s13] =	ssyncset.done $0x0  }
0x62: {  	s26 =	simm.s32 $0x0;
	[sflag:s13] =	ssyncadd.s32 $0xFFFFC000  }
0x63: {  	[tilespmem:s26], [sflag:$0x3] =	stream.linear.gather [hbm4b:s9+s26], $0x1400, $0x38;
	[tilespmem:$0x1E800] =	vst v63  }
0x64: {  	_ =	swait.ge [sflag:s13], $0x1400  }
0x65: {  	[sflag:s13] =	ssyncset.done $0x0  }
0x66: {  	[sflag:s13] =	ssyncadd.s32 $0xFFFFEC00  }
0x67: {  	[tilespmem:s14], [sflag:$0x3] =	stream.linear.gather [hbm4b:s10+s26], $0x1400, $0x38;
	[tilespmem:$0x1E800] =	vst v63  }
0x68: {  	_ =	swait.ge [sflag:s13], $0x1400  }
0x69: {  	[sflag:s13] =	ssyncset.done $0x0  }
0x6a: {  	[sflag:s13] =	ssyncadd.s32 $0xFFFFEC00  }
0x6b: {  	[tilespmem:s16], [sflag:$0x1] =	stream.indirect.gather [hbm4b:s3+s15], $0x80, s26, s15, $0xb8;
	[tilespmem:$0x1E800] =	vst v63  }
0x6c: {  	s28 =	simm.s32 $0x80  }
0x6d: {  	[tilespmem:s17], [sflag:$0x2] =	stream.indirect.gather [hbm4b:s3+s15], $0x80, s28, s15, $0xb8;
	[tilespmem:$0x1E800] =	vst v63  }
0x6e: {  	_ =	swait.ge [sflag:s18], $0x4000  }
0x6f: {  	[sflag:s18] =	ssyncset.done $0x0  }
0x70: {  	s29 =	simm.s32 $0x1400;
	[sflag:s18] =	ssyncadd.s32 $0xFFFFC000  }
0x71: {  	[spmem:s1] =	stream.indirect.scatter.add.f32 [tilespmem:s16], [sflag:$0x3], $0x80, s29, s15, $0xb8;
	[tilespmem:$0x1E800] =	vst v63  }
0x72: {  	_ =	swait.ge [sflag:s13], $0x4000  }
0x73: {  	[sflag:s13] =	ssyncset.done $0x0  }
0x74: {  	s30 =	simm.s32 $0x100;
	[sflag:s13] =	ssyncadd.s32 $0xFFFFC000  }
0x75: {  	[tilespmem:s16], [sflag:$0x1] =	stream.indirect.gather [hbm4b:s3+s15], $0x80, s30, s15, $0xb8;
	[tilespmem:$0x1E800] =	vst v63  }
0x76: {  	_ =	swait.ge [sflag:s19], $0x4000  }
0x77: {  	[sflag:s19] =	ssyncset.done $0x0  }
0x78: {  	s31 =	simm.s32 $0x1480;
	[sflag:s19] =	ssyncadd.s32 $0xFFFFC000  }
0x79: {  	[spmem:s1] =	stream.indirect.scatter.add.f32 [tilespmem:s17], [sflag:$0x3], $0x80, s31, s15, $0xb8;
	[tilespmem:$0x1E800] =	vst v63  }
0x7a: {  	_ =	swait.ge [sflag:s13], $0x4000  }
0x7b: {  	s25 =	simm.s32 $0x100;
	s26 =	simm.s32 $0x800;
	[sflag:s13] =	ssyncset.done $0x0  }
.LBB2_4:
0x7c: {  	s28 =	sadd.s32 $0x80, s25  }
0x7d: {  	[sflag:s13] =	ssyncadd.s32 $0xFFFFC000;
	s29 =	smov.u32 s26;
	s30 =	sadd.s32 $0x400, s26  }
0x7e: {  	[tilespmem:s17], [sflag:$0x2] =	stream.indirect.gather [hbm4b:s3+s15], $0x80, s28, s15, $0xb8;
	[tilespmem:$0x1E800] =	vst v63  }
0x7f: {  	p0 =	sne.s32 s26, $0x4800;
	_ =	swait.ge [sflag:s18], $0x4000  }
0x80: {  	[sflag:s18] =	ssyncset.done $0x0  }
0x81: {  	s26 =	sadd.s32 $0x1400, s25;
	[sflag:s18] =	ssyncadd.s32 $0xFFFFC000  }
0x82: {  	[spmem:s1] =	stream.indirect.scatter.add.f32 [tilespmem:s16], [sflag:$0x3], $0x80, s26, s15, $0xb8;
	[tilespmem:$0x1E800] =	vst v63  }
0x83: {  	_ =	swait.ge [sflag:s13], $0x4000  }
0x84: {  	[sflag:s13] =	ssyncset.done $0x0  }
0x85: {  	s26 =	sadd.s32 $0x100, s25;
	[sflag:s13] =	ssyncadd.s32 $0xFFFFC000  }
0x86: {  	[tilespmem:s16], [sflag:$0x1] =	stream.indirect.gather [hbm4b:s3+s15], $0x80, s26, s15, $0xb8;
	[tilespmem:$0x1E800] =	vst v63  }
0x87: {  	_ =	swait.ge [sflag:s19], $0x4000  }
.Ltmp1:
0x88: {  	[sflag:s19] =	ssyncset.done $0x0;
	(pc) =	sbr.rel @p0 .LBB2_4-.Ltmp1, $4  }
0x89: {  	s25 =	sadd.s32 $0x1480, s25;
	[sflag:s19] =	ssyncadd.s32 $0xFFFFC000  }
0x8a: {  	[spmem:s1] =	stream.indirect.scatter.add.f32 [tilespmem:s17], [sflag:$0x3], $0x80, s25, s15, $0xb8;
	[tilespmem:$0x1E800] =	vst v63  }
0x8b: {  	_ =	swait.ge [sflag:s13], $0x4000  }
0x8c: {  	s26 =	smov.u32 s30;
	s25 =	sshra.s32 s29, $0x2;
	[sflag:s13] =	ssyncset.done $0x0  }
0x8d: {  	s26 =	sadd.s32 $0x80, s25;
	[sflag:s13] =	ssyncadd.s32 $0xFFFFC000  }
0x8e: {  	[tilespmem:s17], [sflag:$0x2] =	stream.indirect.gather [hbm4b:s3+s15], $0x80, s26, s15, $0xb8;
	[tilespmem:$0x1E800] =	vst v63  }
0x8f: {  	_ =	swait.ge [sflag:s18], $0x4000  }
0x90: {  	[sflag:s18] =	ssyncset.done $0x0  }
0x91: {  	s29 =	sadd.s32 $0x1400, s25;
	[sflag:s18] =	ssyncadd.s32 $0xFFFFC000  }
0x92: {  	[spmem:s1] =	stream.indirect.scatter.add.f32 [tilespmem:s16], [sflag:$0x3], $0x80, s29, s15, $0xb8;
	[tilespmem:$0x1E800] =	vst v63  }
0x93: {  	_ =	swait.ge [sflag:s13], $0x4000  }
0x94: {  	[sflag:s13] =	ssyncset.done $0x0  }
0x95: {  	s30 =	sadd.s32 $0x100, s25;
	[sflag:s13] =	ssyncadd.s32 $0xFFFFC000  }
0x96: {  	[tilespmem:s16], [sflag:$0x1] =	stream.indirect.gather [hbm4b:s3+s15], $0x80, s30, s15, $0xb8;
	[tilespmem:$0x1E800] =	vst v63  }
0x97: {  	_ =	swait.ge [sflag:s19], $0x4000  }
0x98: {  	[sflag:s19] =	ssyncset.done $0x0  }
0x99: {  	s31 =	sadd.s32 $0x1480, s25;
	[sflag:s19] =	ssyncadd.s32 $0xFFFFC000  }
0x9a: {  	[spmem:s1] =	stream.indirect.scatter.add.f32 [tilespmem:s17], [sflag:$0x3], $0x80, s31, s15, $0xb8;
	[tilespmem:$0x1E800] =	vst v63  }
0x9b: {  	_ =	swait.ge [sflag:s13], $0x4000  }
0x9c: {  	[sflag:s13] =	ssyncset.done $0x0  }
0x9d: {  	[sflag:s13] =	ssyncadd.s32 $0xFFFFC000  }
0x9e: {  	[tilespmem:s17], [sflag:$0x2] =	stream.indirect.gather [hbm4b:s3+s15], $0x80, s20, s15, $0xb8;
	[tilespmem:$0x1E800] =	vst v63  }
0x9f: {  	_ =	swait.ge [sflag:s18], $0x4000  }
0xa0: {  	[sflag:s18] =	ssyncset.done $0x0  }
0xa1: {  	[sflag:s18] =	ssyncadd.s32 $0xFFFFC000  }
0xa2: {  	[spmem:s1] =	stream.indirect.scatter.add.f32 [tilespmem:s16], [sflag:$0x3], $0x80, s21, s15, $0xb8;
	[tilespmem:$0x1E800] =	vst v63  }
0xa3: {  	_ =	swait.ge [sflag:s13], $0x4000  }
0xa4: {  	[sflag:s13] =	ssyncset.done $0x0  }
0xa5: {  	[sflag:s13] =	ssyncadd.s32 $0xFFFFC000  }
0xa6: {  	_ =	swait.ge [sflag:s19], $0x4000  }
0xa7: {  	[sflag:s19] =	ssyncset.done $0x0  }
0xa8: {  	[sflag:s19] =	ssyncadd.s32 $0xFFFFC000  }
0xa9: {  	[spmem:s1] =	stream.indirect.scatter.add.f32 [tilespmem:s17], [sflag:$0x3], $0x80, s22, s15, $0xb8;
	[tilespmem:$0x1E800] =	vst v63  }
0xaa: {  	_ =	swait.ge [sflag:s13], $0x4000  }
0xab: {  	s24 =	sadd.s32 $0x1, s24;
	[sflag:s13] =	ssyncset.done $0x0  }
0xac: {  	p0 =	sne.s32 s24, s11;
	[sflag:s13] =	ssyncadd.s32 $0xFFFFC000  }
.Ltmp2:
0xad: {  	[bflag:$0x0] =	sbarrier.arrive $0xFFFF;
	(pc) =	sbr.rel @p0 .LBB2_1-.Ltmp2, $4  }
0xae: {  	[hbm:s23], [sflag:s6] =	dma.local [spmem:s12], $0x2800  }
0xaf: {  	_ =	swait.ge [sflag:s13], $0x2800  }
0xb0: {  	[sflag:s13] =	ssyncset.done $0x0  }
0xb1: {  	[sflag:s13] =	ssyncadd.s32 $0xFFFFD800  }
0xb2: {  	_ =	sfence.sel $0x180000  }
0xb3: {  	[bflag:$0x0] =	sbarrier.arrive $0xFFFF  }
0xb4: {  	p0 =	sne.s32 s4, $0x0;
	_ =	strace $0x9000004A  }
0xb5: {  	s0 =	sadd.s32 @!p0 $0x100000, s0;
	[bflag:$0x2] =	sbarrier.arrive $0xFFFF  }
0xb6: {  	[sflag:s0] =	ssyncadd.tile.s32 @!p0 $0x1;
	_ =	shalt  }
.Lfunc_end2:
_tile_overlayer_lowered:
.L_overlay_start_2:
0xb7: {  	(tag) =	ssettag $0x2  }
0xb8: {  	s0 =	rddreg [dreg:$0x0];
	s2 =	stileid.u32  }
0xb9: {  	s1 =	rddreg [dreg:$0x1];
	p0 =	sne.s32 s2, $0x0  }
0xba: {  	s3 =	rddreg [dreg:$0x2];
	[bflag:$0x3] =	sbarrier.arrive $0xFFFF;
	s2 =	simm.s32 @!p0 $0x1C03  }
0xbb: {  	[timem:s3], [sflag:s2] =	dma.local @!p0 [hbm:s0], s1  }
0xbc: {  	s0 =	simm.s32 @!p0 $0x3  }
0xbd: {  	_ =	swait.ge @!p0 [sflag:s0], s1  }
0xbe: {  	s1 =	ssub.s32 @!p0 $0x0, s1;
	[sflag:s0] =	ssyncset.done @!p0 $0x0  }
0xbf: {  	[sflag:s0] =	ssyncadd.s32 @!p0 s1  }
0xc0: {  	[bflag:$0x3] =	sbarrier.arrive $0xFFFF  }
0xc1: {  	_ =	shalt  }

// kernel: kernel.19.cloned.1.call-start
scs
__scs_entry_jumppad:
0x0: {  	(pc) =	sbr.rel $0x88, $3  }
0x1: {  	(tag) =	ssettag $0x0;
	lr =	simm.s32 $0x1  }
0x2: {  	[smem:$0x3F89] =	sst lr;
	_ =	strace $0xD0000000  }
0x3: {  	_ = 	snop  }
0x4: {  	_ = 	snop  }
0x5: {  	_ = 	snop  }
0x6: {  	_ = 	snop  }
0x7: {  	_ = 	snop  }
__scs_overlays_trampoline_lowered:
0x8: {  	[smem:$0x3F98] =	sst s0  }
0x9: {  	[smem:$0x3F99] =	sst s1  }
0xa: {  	[smem:$0x3F9A] =	sst s2  }
0xb: {  	[smem:$0x3F9B] =	sst s3  }
0xc: {  	[smem:$0x3F9C] =	sst s4  }
0xd: {  	[smem:$0x3F9D] =	sst s5  }
0xe: {  	[smem:$0x3F9E] =	sst s6  }
0xf: {  	[smem:$0x3F9F] =	sst s7  }
0x10: {  	[smem:$0x3FA0] =	sst s8  }
0x11: {  	[smem:$0x3FA1] =	sst s9;
	s0 =	simm.s32 @!p0 $0x0  }
0x12: {  	s1 =	sld [smem:$0x3F87];
	s0 =	simm.s32 @p0 $0x1  }
0x13: {  	[smem:$0x3FA2] =	sst s0;
	s0 =	simm.s32 @!p1 $0x0  }
0x14: {  	s2 =	sld [smem:$0x3F86];
	s0 =	simm.s32 @p1 $0x1  }
0x15: {  	[smem:$0x3FA3] =	sst s0;
	s0 =	simm.s32 @!p2 $0x0  }
0x16: {  	s3 =	sld [smem:$0x3FDB];
	s0 =	simm.s32 @p2 $0x1  }
0x17: {  	s4 =	simm.s32 $0x1BF5;
	[smem:$0x3FA5] =	sst s0  }
0x18: {  	s0 =	sld [smem:$0x3F88];
	_ =	swait.ge [sflag:s4], $0x0  }
0x19: {  	s7 =	sld [smem:$0x3F89]  }
0x1a: {  	s8 =	sadd.s32 $0xFFFFE003, lr  }
0x1b: {  	s9 =	sadd.s32 $0xFFFFFEF7, lr;
	s5 =	simm.s32 $0xFFFFFFFF;
	p2 =	slt.u32 s8, $0xFFFFF086  }
0x1c: {  	p1 =	slt.u32 s9, $0xF7A;
	s5 =	simm.s32 @!p2 $0x0  }
0x1d: {  	s5 =	simm.s32 @p1 $0x1;
	p0 =	seq.s32 s7, s2  }
0x1e: {  	s7 =	smul.u32 @!p0 $0xF7A, s2;
	p2 =	seq.s32 @!p0 s5, $0x0  }
0x1f: {  	s9 =	smul.u32 $0xF7A, s1;
	s8 =	simm.s32 @!p0 $0x1BF5;
	p2 =	por !p2, p0  }
0x20: {  	[sflag:s8] =	ssyncset.s32 @!p0 $0xFFFFF086;
	s6 =	sadd.s32 @!p0 s3, s7;
	s7 =	simm.s32 @!p0 $0x108  }
0x21: {  	s3 =	sadd.s32 s3, s9;
	s6 =	sadd.s32 @!p0 $0x88, s6;
	s7 =	simm.s32 @p2 $0x1082  }
0x22: {  	[simem:s7], [sflag:s8] =	dma.local @!p0 [hbm:s6], $0xF7A  }
0x23: {  	s9 =	sor.u32 $0xD0000000, s2;
	s6 =	simm.s32 $0x108;
	_ =	swait.ge @!p0 [sflag:s8], $0x0  }
0x24: {  	s3 =	sadd.s32 $0x88, s3;
	s6 =	simm.s32 @!p1 $0x1082;
	[sflag:s4] =	ssyncset.s32 $0xFFFFF086  }
0x25: {  	[simem:s6], [sflag:s4] =	dma.local [hbm:s3], $0xF7A  }
0x26: {  	[smem:$0x3F89] =	sst s1;
	(tag) =	ssettag s2;
	_ =	strace s9  }
0x27: {  	s1 =	sld [smem:$0x3F99]  }
0x28: {  	s2 =	sld [smem:$0x3F9A]  }
0x29: {  	s4 =	sld [smem:$0x3F9C]  }
0x2a: {  	p0 =	seq.s32 s5, $0x0;
	s5 =	sld [smem:$0x3F9D]  }
0x2b: {  	s6 =	sld [smem:$0x3F9E]  }
0x2c: {  	s7 =	sld [smem:$0x3F9F]  }
0x2d: {  	s3 =	simm.s32 $0x108;
	s8 =	sld [smem:$0x3FA0]  }
0x2e: {  	s3 =	simm.s32 @!p0 $0x1082;
	s9 =	sld [smem:$0x3FA1]  }
0x2f: {  	lr =	sadd.s32 s0, s3;
	s0 =	sld [smem:$0x3F98]  }
0x30: {  	s3 =	sld [smem:$0x3F9B]  }
0x31: {  	[smem:$0x3FA4] =	sst s10  }
0x32: {  	s10 =	sld [smem:$0x3FA2];
	_ =	sdelay $0x3  }
0x33: {  	p0 =	seq.s32 s10, $0x1;
	s10 =	sld [smem:$0x3FA4];
	_ =	sdelay $0x3  }
0x34: {  	[smem:$0x3FA4] =	sst s10  }
0x35: {  	s10 =	sld [smem:$0x3FA3];
	_ =	sdelay $0x3  }
0x36: {  	p1 =	seq.s32 s10, $0x1;
	s10 =	sld [smem:$0x3FA4];
	_ =	sdelay $0x3  }
0x37: {  	[smem:$0x3FA4] =	sst s10  }
0x38: {  	s10 =	sld [smem:$0x3FA5]  }
0x39: {  	_ = 	snop;
	(pc) =	sbr.ind lr, $3  }
0x3a: {  	_ = 	snop  }
0x3b: {  	_ = 	snop  }
0x3c: {  	p2 =	seq.s32 s10, $0x1;
	s10 =	sld [smem:$0x3FA4]  }
0x3d: {  	_ =	shalt  }
0x3e: {  	_ =	shalt  }
0x3f: {  	_ =	shalt  }
0x40: {  	_ =	shalt  }
0x41: {  	_ =	shalt  }
0x42: {  	_ =	shalt  }
0x43: {  	_ =	shalt  }
0x44: {  	_ =	shalt  }
0x45: {  	_ =	shalt  }
0x46: {  	_ =	shalt  }
0x47: {  	_ =	shalt  }
0x48: {  	_ =	shalt  }
0x49: {  	_ =	shalt  }
0x4a: {  	_ =	shalt  }
0x4b: {  	_ =	shalt  }
0x4c: {  	_ =	shalt  }
0x4d: {  	_ =	shalt  }
0x4e: {  	_ =	shalt  }
0x4f: {  	_ =	shalt  }
0x50: {  	_ =	shalt  }
0x51: {  	_ =	shalt  }
0x52: {  	_ =	shalt  }
0x53: {  	_ =	shalt  }
0x54: {  	_ =	shalt  }
0x55: {  	_ =	shalt  }
0x56: {  	_ =	shalt  }
0x57: {  	_ =	shalt  }
0x58: {  	_ =	shalt  }
0x59: {  	_ =	shalt  }
0x5a: {  	_ =	shalt  }
0x5b: {  	_ =	shalt  }
0x5c: {  	_ =	shalt  }
0x5d: {  	_ =	shalt  }
0x5e: {  	_ =	shalt  }
0x5f: {  	_ =	shalt  }
0x60: {  	_ =	shalt  }
0x61: {  	_ =	shalt  }
0x62: {  	_ =	shalt  }
0x63: {  	_ =	shalt  }
0x64: {  	_ =	shalt  }
0x65: {  	_ =	shalt  }
0x66: {  	_ =	shalt  }
0x67: {  	_ =	shalt  }
0x68: {  	_ =	shalt  }
0x69: {  	_ =	shalt  }
0x6a: {  	_ =	shalt  }
0x6b: {  	_ =	shalt  }
0x6c: {  	_ =	shalt  }
0x6d: {  	_ =	shalt  }
0x6e: {  	_ =	shalt  }
0x6f: {  	_ =	shalt  }
0x70: {  	_ =	shalt  }
0x71: {  	_ =	shalt  }
0x72: {  	_ =	shalt  }
0x73: {  	_ =	shalt  }
0x74: {  	_ =	shalt  }
0x75: {  	_ =	shalt  }
0x76: {  	_ =	shalt  }
0x77: {  	_ =	shalt  }
0x78: {  	_ =	shalt  }
0x79: {  	_ =	shalt  }
0x7a: {  	_ =	shalt  }
0x7b: {  	_ =	shalt  }
0x7c: {  	_ =	shalt  }
0x7d: {  	_ =	shalt  }
0x7e: {  	_ =	shalt  }
0x7f: {  	_ =	shalt  }
0x80: {  	_ =	shalt  }
0x81: {  	_ =	shalt  }
0x82: {  	_ =	shalt  }
0x83: {  	_ =	shalt  }
0x84: {  	_ =	shalt  }
0x85: {  	_ =	shalt  }
0x86: {  	_ =	shalt  }
0x87: {  	_ =	shalt  }
.Lfunc_end0:
.L_simem_size_0:
called_computation.2_lowered:
.L_overlay_start_0:
0x88: {  	s2 =	sld [smem:$0x3FD9]  }
0x89: {  	s3 =	sld [smem:$0x3FFE];
	_ =	sdelay $0x1  }
0x8a: {  	s1 =	srdreg.scid  }
0x8b: {  	s0 =	sand.u32 $0x1, s1  }
0x8c: {  	s17 =	sshll.u32 s0, $0xA;
	s2 =	sadd.s32 s3, s2  }
0x8d: {  	s2 =	sadd.s32 s2, s17  }
0x8e: {  	[smem:$0x3FB0] =	sst s2  }
0x8f: {  	_ = 	snop  }
0x90: {  	s2 =	sld [smem:$0x3FD0];
	(tm) =	ssettm $0x1  }
0x91: {  	s18 =	sld [smem:$0x3FFB];
	_ =	sdelay $0x3  }
0x92: {  	_ =	strace s18  }
0x93: {  	s3 =	sld [smem:$0x3FFC];
	_ =	sdelay $0x3  }
0x94: {  	_ =	strace s3  }
0x95: {  	s3 =	sld [smem:$0x3FFD];
	_ =	sdelay $0x3  }
0x96: {  	_ =	strace s3  }
0x97: {  	_ =	strace $0x8FFFFFFF  }
0x98: {  	s19 =	sld [smem:$0x3FDB];
	_ =	sdelay $0x1  }
0x99: {  	s4 =	simm.s32 $_scs_section_size  }
0x9a: {  	s5 =	simm.s32 $_size__tile_overlayer_lowered;
	s6 =	simm.s32 $_tile_overlayer_lowered  }
0x9b: {  	s22 =	simm.s32 $0x1BFF;
	s21 =	sshll.u32 s6, $0x1;
	s3 =	sadd.s32 s4, s19  }
0x9c: {  	s7 =	simm.s32 $0x0;
	s20 =	sshll.u32 s5, $0x1;
	s5 =	sadd.s32 s21, s3  }
0x9d: {  	[timem:s7], [sflag:s22] =	dma.local [hbm:s5], s20  }
0x9e: {  	_ =	swait.ge [sflag:s22], s20  }
0x9f: {  	s4 =	ssub.s32 $0x0, s20;
	[sflag:s22] =	ssyncset.done $0x0  }
0xa0: {  	[sflag:s22] =	ssyncadd.s32 s4;
	_ =	sdelay $0x1  }
0xa1: {  	s23 =	simm.s32 $0x1B8B  }
0xa2: {  	_ =	swait.ge [sflag:s23], $0x1  }
0xa3: {  	[sflag:s23] =	ssyncset.done $0x0  }
0xa4: {  	s25 =	simm.s32 $0x1B8E;
	s24 =	sld [smem:$0x3FFE];
	[sflag:s23] =	ssyncadd.s32 $0xFFFFFFFF  }
0xa5: {  	s26 =	simm.s32 $execute0_lowered;
	[smem:$0x3FD2] =	sst s25  }
0xa6: {  	s5 =	sshll.u32 s26, $0x1;
	_ =	strace $0x8000004C;
	[dreg:$0x1] =	wrdreg $0xFFFFFFFF  }
0xa7: {  	s28 =	simm.s32 $_size_execute0_lowered;
	s3 =	sadd.s32 s3, s5;
	[dreg:$0x0] =	wrdreg $0x0  }
0xa8: {  	s5 =	sshll.u32 s28, $0x1;
	[dreg:$0x2] =	wrdreg s3  }
0xa9: {  	[dreg:$0x3] =	wrdreg s5  }
0xaa: {  	[dreg:$0x4] =	wrdreg $0xC0  }
0xab: {  	_ =	task [dreg:s7], $0x5FFFF  }
0xac: {  	[dreg:$0x1] =	wrdreg $0xFFFFFFFF  }
0xad: {  	[dreg:$0x0] =	wrdreg $0x60  }
0xae: {  	[dreg:$0x2] =	wrdreg s24  }
0xaf: {  	[dreg:$0x3] =	wrdreg s2  }
0xb0: {  	[dreg:$0x4] =	wrdreg $0xA8000  }
0xb1: {  	[dreg:$0x5] =	wrdreg $0x9  }
0xb2: {  	_ =	task.clear_ibuf [dreg:s7], $0x6FFFF;
	_ =	strace $0x9000004C  }
0xb3: {  	s29 =	simm.s32 $0x9;
	_ =	strace $0x8000004E  }
0xb4: {  	_ =	swait.ge [sflag:s29], $0x1  }
0xb5: {  	[sflag:s29] =	ssyncadd.s32 $0xFFFFFFFF  }
0xb6: {  	_ =	strace $0x9000004E  }
0xb7: {  	_ =	sfence  }
0xb8: {  	s30 =	sld [smem:$0x0];
	_ =	sdelay $0x2  }
0xb9: {  	s31 =	sshll.u32 s1, $0xD;
	s1 =	sshrl.u32 s1, $0x2  }
0xba: {  	s3 =	sand.u32 $0x4000, s31;
	s1 =	sadd.s32 s1, s30  }
0xbb: {  	s0 =	sor.u32 s3, s0;
	s1 =	sshll.u32 s1, $0x11  }
0xbc: {  	s0 =	sor.u32 s1, s0  }
0xbd: {  	s0 =	sadd.s32 $0x8F2B, s0  }
0xbe: {  	[sflag:s0] =	ssyncadd.remote.s32 $0x1  }
0xbf: {  	_ =	sfence.sel $0xFFFF  }
0xc0: {  	[dreg:$0x0] =	wrdreg $0xFFFFFFFF;
	(pc) =	sbr.abs _section_cstart, $3  }
0xc1: {  	[dreg:$0x1] =	wrdreg $0xFFFFFFFF  }
0xc2: {  	_ =	task.clear_ibuf [dreg:s7], $0x2FFFF;
	_ =	strace $0x9FFFFFFF  }
0xc3: {  	(tm) =	ssettm $0x7FFFFFFF  }
tec
execute0_lowered:
.L_overlay_start_1:
0x0: {  	(tag) =	ssettag $0x1  }
0x1: {  	s6 =	rddreg [dreg:$0x0]  }
0x2: {  	s10 =	rddreg [dreg:$0x1]  }
0x3: {  	s1 =	rddreg [dreg:$0x2]  }
0x4: {  	s0 =	rddreg [dreg:$0x3]  }
0x5: {  	s2 =	simm.s32 $0x0;
	s4 =	srdreg.scid;
	s16 =	simm.s32 $0x2800  }
0x6: {  	s17 =	simm.s32 $0x6800;
	s18 =	simm.s32 $0x1;
	s19 =	simm.s32 $0x2  }
0x7: {  	s20 =	simm.s32 $0x1380;
	s21 =	simm.s32 $0x2700;
	s22 =	simm.s32 $0x2780  }
0x8: {  	[smem:$0x7FF] =	sst s2;
	s3 =	sadd.s32 $0x62400, s6;
	s7 =	sand.u32 $0x1, s4  }
0x9: {  	s9 =	sadd.s32 $0x58400, s6;
	s5 =	sadd.s32 $0x5C00, s6;
	s4 =	stileid.u32  }
0xa: {  	_ =	strace $0x8000004D;
	s8 =	smul.u32 $0x28000, s7;
	s11 =	ssub.s32 $0x2, s7  }
0xb: {  	s7 =	sshll.u32 s7, $0x4;
	s13 =	smul.u32 $0x50000, s4;
	s29 =	sshll.u32 s4, $0x6  }
0xc: {  	s24 =	smul.u32 $0x2800, s4;
	s12 =	sshrl.u32 s11, $0x1;
	s7 =	sor.u32 s4, s7  }
0xd: {  	s14 =	sadd.s32 s8, s6;
	s11 =	ssub.s32 s11, s12;
	s26 =	smul.u32 $0x2800, s7  }
0xe: {  	s28 =	sshrl.u32 s13, $0x2;
	s30 =	smul.u32 $0x500, s7;
	s6 =	sor.u32 $0x1C03, s29  }
0xf: {  	s13 =	simm.s32 $0x3;
	s15 =	sadd.s32 s28, s1;
	s23 =	sadd.s32 $0x8A400, s14  }
0x10: {  	s11 =	smax.u32 s11, $0x1;
	s14 =	simm.s32 $0x1400;
	s31 =	sshrl.u32 s26, $0x3  }
0x11: {  	s7 =	sadd.s32 s9, s30;
	s8 =	sadd.s32 s10, s30;
	s12 =	sadd.s32 $0x280, s31  }
0x12: {  	s23 =	sadd.s32 s24, s23;
	s24 =	simm.s32 $0x0;
	s9 =	sadd.s32 s9, s12  }
0x13: {  	s10 =	sadd.s32 s10, s12;
	s12 =	sshrl.u32 s15, $0x3;
	s15 =	simm.s32 $0x80  }
.LBB2_1:
0x14: {  	[spmem:s12], [sflag:s6] =	dma.local [hbm:s5], $0x2800  }
0x15: {  	_ =	swait.ge [sflag:s13], $0x2800  }
0x16: {  	[sflag:s13] =	ssyncset.done $0x0  }
0x17: {  	[sflag:s13] =	ssyncadd.s32 $0xFFFFD800  }
0x18: {  	[bflag:$0x0] =	sbarrier.arrive $0xFFFF  }
0x19: {  	[tilespmem:s2], [sflag:$0x3] =	stream.linear.gather [hbm4b:s7+s2], $0x1400, $0x38;
	[tilespmem:$0x1E800] =	vst v63  }
0x1a: {  	_ =	swait.ge [sflag:s13], $0x1400  }
0x1b: {  	[sflag:s13] =	ssyncset.done $0x0  }
0x1c: {  	[sflag:s13] =	ssyncadd.s32 $0xFFFFEC00  }
0x1d: {  	[tilespmem:s14], [sflag:$0x3] =	stream.linear.gather [hbm4b:s8+s2], $0x1400, $0x38;
	[tilespmem:$0x1E800] =	vst v63  }
0x1e: {  	_ =	swait.ge [sflag:s13], $0x1400  }
0x1f: {  	[sflag:s13] =	ssyncset.done $0x0  }
0x20: {  	[sflag:s13] =	ssyncadd.s32 $0xFFFFEC00  }
0x21: {  	[tilespmem:s16], [sflag:$0x1] =	stream.indirect.gather [hbm4b:s3+s15], $0x80, s2, s15, $0xb8;
	[tilespmem:$0x1E800] =	vst v63  }
0x22: {  	s25 =	simm.s32 $0x80  }
0x23: {  	[tilespmem:s17], [sflag:$0x2] =	stream.indirect.gather [hbm4b:s3+s15], $0x80, s25, s15, $0xb8;
	[tilespmem:$0x1E800] =	vst v63  }
0x24: {  	_ =	swait.ge [sflag:s18], $0x4000  }
0x25: {  	[sflag:s18] =	ssyncset.done $0x0  }
0x26: {  	s29 =	simm.s32 $0x1400;
	[sflag:s18] =	ssyncadd.s32 $0xFFFFC000  }
0x27: {  	[spmem:s1] =	stream.indirect.scatter.add.f32 [tilespmem:s16], [sflag:$0x3], $0x80, s29, s15, $0xb8;
	[tilespmem:$0x1E800] =	vst v63  }
0x28: {  	_ =	swait.ge [sflag:s13], $0x4000  }
0x29: {  	[sflag:s13] =	ssyncset.done $0x0  }
0x2a: {  	s30 =	simm.s32 $0x100;
	[sflag:s13] =	ssyncadd.s32 $0xFFFFC000  }
0x2b: {  	[tilespmem:s16], [sflag:$0x1] =	stream.indirect.gather [hbm4b:s3+s15], $0x80, s30, s15, $0xb8;
	[tilespmem:$0x1E800] =	vst v63  }
0x2c: {  	_ =	swait.ge [sflag:s19], $0x4000  }
0x2d: {  	[sflag:s19] =	ssyncset.done $0x0  }
0x2e: {  	s31 =	simm.s32 $0x1480;
	[sflag:s19] =	ssyncadd.s32 $0xFFFFC000  }
0x2f: {  	[spmem:s1] =	stream.indirect.scatter.add.f32 [tilespmem:s17], [sflag:$0x3], $0x80, s31, s15, $0xb8;
	[tilespmem:$0x1E800] =	vst v63  }
0x30: {  	_ =	swait.ge [sflag:s13], $0x4000  }
0x31: {  	s26 =	simm.s32 $0x800;
	s25 =	simm.s32 $0x100;
	[sflag:s13] =	ssyncset.done $0x0  }
.LBB2_2:
0x32: {  	s28 =	sadd.s32 $0x80, s25  }
0x33: {  	[sflag:s13] =	ssyncadd.s32 $0xFFFFC000;
	s29 =	smov.u32 s26;
	s30 =	sadd.s32 $0x400, s26  }
0x34: {  	[tilespmem:s17], [sflag:$0x2] =	stream.indirect.gather [hbm4b:s3+s15], $0x80, s28, s15, $0xb8;
	[tilespmem:$0x1E800] =	vst v63  }
0x35: {  	p0 =	sne.s32 s26, $0x4800;
	_ =	swait.ge [sflag:s18], $0x4000  }
0x36: {  	[sflag:s18] =	ssyncset.done $0x0  }
0x37: {  	s26 =	sadd.s32 $0x1400, s25;
	[sflag:s18] =	ssyncadd.s32 $0xFFFFC000  }
0x38: {  	[spmem:s1] =	stream.indirect.scatter.add.f32 [tilespmem:s16], [sflag:$0x3], $0x80, s26, s15, $0xb8;
	[tilespmem:$0x1E800] =	vst v63  }
0x39: {  	_ =	swait.ge [sflag:s13], $0x4000  }
0x3a: {  	[sflag:s13] =	ssyncset.done $0x0  }
0x3b: {  	s26 =	sadd.s32 $0x100, s25;
	[sflag:s13] =	ssyncadd.s32 $0xFFFFC000  }
0x3c: {  	[tilespmem:s16], [sflag:$0x1] =	stream.indirect.gather [hbm4b:s3+s15], $0x80, s26, s15, $0xb8;
	[tilespmem:$0x1E800] =	vst v63  }
0x3d: {  	_ =	swait.ge [sflag:s19], $0x4000  }
.Ltmp0:
0x3e: {  	[sflag:s19] =	ssyncset.done $0x0;
	(pc) =	sbr.rel @p0 .LBB2_2-.Ltmp0, $4  }
0x3f: {  	s25 =	sadd.s32 $0x1480, s25;
	[sflag:s19] =	ssyncadd.s32 $0xFFFFC000  }
0x40: {  	[spmem:s1] =	stream.indirect.scatter.add.f32 [tilespmem:s17], [sflag:$0x3], $0x80, s25, s15, $0xb8;
	[tilespmem:$0x1E800] =	vst v63  }
0x41: {  	_ =	swait.ge [sflag:s13], $0x4000  }
0x42: {  	s26 =	smov.u32 s30;
	s25 =	sshra.s32 s29, $0x2;
	[sflag:s13] =	ssyncset.done $0x0  }
0x43: {  	s26 =	sadd.s32 $0x80, s25;
	[sflag:s13] =	ssyncadd.s32 $0xFFFFC000  }
0x44: {  	[tilespmem:s17], [sflag:$0x2] =	stream.indirect.gather [hbm4b:s3+s15], $0x80, s26, s15, $0xb8;
	[tilespmem:$0x1E800] =	vst v63  }
0x45: {  	_ =	swait.ge [sflag:s18], $0x4000  }
0x46: {  	[sflag:s18] =	ssyncset.done $0x0  }
0x47: {  	s29 =	sadd.s32 $0x1400, s25;
	[sflag:s18] =	ssyncadd.s32 $0xFFFFC000  }
0x48: {  	[spmem:s1] =	stream.indirect.scatter.add.f32 [tilespmem:s16], [sflag:$0x3], $0x80, s29, s15, $0xb8;
	[tilespmem:$0x1E800] =	vst v63  }
0x49: {  	_ =	swait.ge [sflag:s13], $0x4000  }
0x4a: {  	[sflag:s13] =	ssyncset.done $0x0  }
0x4b: {  	s30 =	sadd.s32 $0x100, s25;
	[sflag:s13] =	ssyncadd.s32 $0xFFFFC000  }
0x4c: {  	[tilespmem:s16], [sflag:$0x1] =	stream.indirect.gather [hbm4b:s3+s15], $0x80, s30, s15, $0xb8;
	[tilespmem:$0x1E800] =	vst v63  }
0x4d: {  	_ =	swait.ge [sflag:s19], $0x4000  }
0x4e: {  	[sflag:s19] =	ssyncset.done $0x0  }
0x4f: {  	s31 =	sadd.s32 $0x1480, s25;
	[sflag:s19] =	ssyncadd.s32 $0xFFFFC000  }
0x50: {  	[spmem:s1] =	stream.indirect.scatter.add.f32 [tilespmem:s17], [sflag:$0x3], $0x80, s31, s15, $0xb8;
	[tilespmem:$0x1E800] =	vst v63  }
0x51: {  	_ =	swait.ge [sflag:s13], $0x4000  }
0x52: {  	[sflag:s13] =	ssyncset.done $0x0  }
0x53: {  	[sflag:s13] =	ssyncadd.s32 $0xFFFFC000  }
0x54: {  	[tilespmem:s17], [sflag:$0x2] =	stream.indirect.gather [hbm4b:s3+s15], $0x80, s20, s15, $0xb8;
	[tilespmem:$0x1E800] =	vst v63  }
0x55: {  	_ =	swait.ge [sflag:s18], $0x4000  }
0x56: {  	[sflag:s18] =	ssyncset.done $0x0  }
0x57: {  	[sflag:s18] =	ssyncadd.s32 $0xFFFFC000  }
0x58: {  	[spmem:s1] =	stream.indirect.scatter.add.f32 [tilespmem:s16], [sflag:$0x3], $0x80, s21, s15, $0xb8;
	[tilespmem:$0x1E800] =	vst v63  }
0x59: {  	_ =	swait.ge [sflag:s13], $0x4000  }
0x5a: {  	[sflag:s13] =	ssyncset.done $0x0  }
0x5b: {  	[sflag:s13] =	ssyncadd.s32 $0xFFFFC000  }
0x5c: {  	_ =	swait.ge [sflag:s19], $0x4000  }
0x5d: {  	[sflag:s19] =	ssyncset.done $0x0  }
0x5e: {  	[sflag:s19] =	ssyncadd.s32 $0xFFFFC000  }
0x5f: {  	[spmem:s1] =	stream.indirect.scatter.add.f32 [tilespmem:s17], [sflag:$0x3], $0x80, s22, s15, $0xb8;
	[tilespmem:$0x1E800] =	vst v63  }
0x60: {  	_ =	swait.ge [sflag:s13], $0x4000  }
0x61: {  	[sflag:s13] =	ssyncset.done $0x0  }
0x62: {  	s26 =	simm.s32 $0x0;
	[sflag:s13] =	ssyncadd.s32 $0xFFFFC000  }
0x63: {  	[tilespmem:s26], [sflag:$0x3] =	stream.linear.gather [hbm4b:s9+s26], $0x1400, $0x38;
	[tilespmem:$0x1E800] =	vst v63  }
0x64: {  	_ =	swait.ge [sflag:s13], $0x1400  }
0x65: {  	[sflag:s13] =	ssyncset.done $0x0  }
0x66: {  	[sflag:s13] =	ssyncadd.s32 $0xFFFFEC00  }
0x67: {  	[tilespmem:s14], [sflag:$0x3] =	stream.linear.gather [hbm4b:s10+s26], $0x1400, $0x38;
	[tilespmem:$0x1E800] =	vst v63  }
0x68: {  	_ =	swait.ge [sflag:s13], $0x1400  }
0x69: {  	[sflag:s13] =	ssyncset.done $0x0  }
0x6a: {  	[sflag:s13] =	ssyncadd.s32 $0xFFFFEC00  }
0x6b: {  	[tilespmem:s16], [sflag:$0x1] =	stream.indirect.gather [hbm4b:s3+s15], $0x80, s26, s15, $0xb8;
	[tilespmem:$0x1E800] =	vst v63  }
0x6c: {  	s28 =	simm.s32 $0x80  }
0x6d: {  	[tilespmem:s17], [sflag:$0x2] =	stream.indirect.gather [hbm4b:s3+s15], $0x80, s28, s15, $0xb8;
	[tilespmem:$0x1E800] =	vst v63  }
0x6e: {  	_ =	swait.ge [sflag:s18], $0x4000  }
0x6f: {  	[sflag:s18] =	ssyncset.done $0x0  }
0x70: {  	s29 =	simm.s32 $0x1400;
	[sflag:s18] =	ssyncadd.s32 $0xFFFFC000  }
0x71: {  	[spmem:s1] =	stream.indirect.scatter.add.f32 [tilespmem:s16], [sflag:$0x3], $0x80, s29, s15, $0xb8;
	[tilespmem:$0x1E800] =	vst v63  }
0x72: {  	_ =	swait.ge [sflag:s13], $0x4000  }
0x73: {  	[sflag:s13] =	ssyncset.done $0x0  }
0x74: {  	s30 =	simm.s32 $0x100;
	[sflag:s13] =	ssyncadd.s32 $0xFFFFC000  }
0x75: {  	[tilespmem:s16], [sflag:$0x1] =	stream.indirect.gather [hbm4b:s3+s15], $0x80, s30, s15, $0xb8;
	[tilespmem:$0x1E800] =	vst v63  }
0x76: {  	_ =	swait.ge [sflag:s19], $0x4000  }
0x77: {  	[sflag:s19] =	ssyncset.done $0x0  }
0x78: {  	s31 =	simm.s32 $0x1480;
	[sflag:s19] =	ssyncadd.s32 $0xFFFFC000  }
0x79: {  	[spmem:s1] =	stream.indirect.scatter.add.f32 [tilespmem:s17], [sflag:$0x3], $0x80, s31, s15, $0xb8;
	[tilespmem:$0x1E800] =	vst v63  }
0x7a: {  	_ =	swait.ge [sflag:s13], $0x4000  }
0x7b: {  	s25 =	simm.s32 $0x100;
	s26 =	simm.s32 $0x800;
	[sflag:s13] =	ssyncset.done $0x0  }
.LBB2_4:
0x7c: {  	s28 =	sadd.s32 $0x80, s25  }
0x7d: {  	[sflag:s13] =	ssyncadd.s32 $0xFFFFC000;
	s29 =	smov.u32 s26;
	s30 =	sadd.s32 $0x400, s26  }
0x7e: {  	[tilespmem:s17], [sflag:$0x2] =	stream.indirect.gather [hbm4b:s3+s15], $0x80, s28, s15, $0xb8;
	[tilespmem:$0x1E800] =	vst v63  }
0x7f: {  	p0 =	sne.s32 s26, $0x4800;
	_ =	swait.ge [sflag:s18], $0x4000  }
0x80: {  	[sflag:s18] =	ssyncset.done $0x0  }
0x81: {  	s26 =	sadd.s32 $0x1400, s25;
	[sflag:s18] =	ssyncadd.s32 $0xFFFFC000  }
0x82: {  	[spmem:s1] =	stream.indirect.scatter.add.f32 [tilespmem:s16], [sflag:$0x3], $0x80, s26, s15, $0xb8;
	[tilespmem:$0x1E800] =	vst v63  }
0x83: {  	_ =	swait.ge [sflag:s13], $0x4000  }
0x84: {  	[sflag:s13] =	ssyncset.done $0x0  }
0x85: {  	s26 =	sadd.s32 $0x100, s25;
	[sflag:s13] =	ssyncadd.s32 $0xFFFFC000  }
0x86: {  	[tilespmem:s16], [sflag:$0x1] =	stream.indirect.gather [hbm4b:s3+s15], $0x80, s26, s15, $0xb8;
	[tilespmem:$0x1E800] =	vst v63  }
0x87: {  	_ =	swait.ge [sflag:s19], $0x4000  }
.Ltmp1:
0x88: {  	[sflag:s19] =	ssyncset.done $0x0;
	(pc) =	sbr.rel @p0 .LBB2_4-.Ltmp1, $4  }
0x89: {  	s25 =	sadd.s32 $0x1480, s25;
	[sflag:s19] =	ssyncadd.s32 $0xFFFFC000  }
0x8a: {  	[spmem:s1] =	stream.indirect.scatter.add.f32 [tilespmem:s17], [sflag:$0x3], $0x80, s25, s15, $0xb8;
	[tilespmem:$0x1E800] =	vst v63  }
0x8b: {  	_ =	swait.ge [sflag:s13], $0x4000  }
0x8c: {  	s26 =	smov.u32 s30;
	s25 =	sshra.s32 s29, $0x2;
	[sflag:s13] =	ssyncset.done $0x0  }
0x8d: {  	s26 =	sadd.s32 $0x80, s25;
	[sflag:s13] =	ssyncadd.s32 $0xFFFFC000  }
0x8e: {  	[tilespmem:s17], [sflag:$0x2] =	stream.indirect.gather [hbm4b:s3+s15], $0x80, s26, s15, $0xb8;
	[tilespmem:$0x1E800] =	vst v63  }
0x8f: {  	_ =	swait.ge [sflag:s18], $0x4000  }
0x90: {  	[sflag:s18] =	ssyncset.done $0x0  }
0x91: {  	s29 =	sadd.s32 $0x1400, s25;
	[sflag:s18] =	ssyncadd.s32 $0xFFFFC000  }
0x92: {  	[spmem:s1] =	stream.indirect.scatter.add.f32 [tilespmem:s16], [sflag:$0x3], $0x80, s29, s15, $0xb8;
	[tilespmem:$0x1E800] =	vst v63  }
0x93: {  	_ =	swait.ge [sflag:s13], $0x4000  }
0x94: {  	[sflag:s13] =	ssyncset.done $0x0  }
0x95: {  	s30 =	sadd.s32 $0x100, s25;
	[sflag:s13] =	ssyncadd.s32 $0xFFFFC000  }
0x96: {  	[tilespmem:s16], [sflag:$0x1] =	stream.indirect.gather [hbm4b:s3+s15], $0x80, s30, s15, $0xb8;
	[tilespmem:$0x1E800] =	vst v63  }
0x97: {  	_ =	swait.ge [sflag:s19], $0x4000  }
0x98: {  	[sflag:s19] =	ssyncset.done $0x0  }
0x99: {  	s31 =	sadd.s32 $0x1480, s25;
	[sflag:s19] =	ssyncadd.s32 $0xFFFFC000  }
0x9a: {  	[spmem:s1] =	stream.indirect.scatter.add.f32 [tilespmem:s17], [sflag:$0x3], $0x80, s31, s15, $0xb8;
	[tilespmem:$0x1E800] =	vst v63  }
0x9b: {  	_ =	swait.ge [sflag:s13], $0x4000  }
0x9c: {  	[sflag:s13] =	ssyncset.done $0x0  }
0x9d: {  	[sflag:s13] =	ssyncadd.s32 $0xFFFFC000  }
0x9e: {  	[tilespmem:s17], [sflag:$0x2] =	stream.indirect.gather [hbm4b:s3+s15], $0x80, s20, s15, $0xb8;
	[tilespmem:$0x1E800] =	vst v63  }
0x9f: {  	_ =	swait.ge [sflag:s18], $0x4000  }
0xa0: {  	[sflag:s18] =	ssyncset.done $0x0  }
0xa1: {  	[sflag:s18] =	ssyncadd.s32 $0xFFFFC000  }
0xa2: {  	[spmem:s1] =	stream.indirect.scatter.add.f32 [tilespmem:s16], [sflag:$0x3], $0x80, s21, s15, $0xb8;
	[tilespmem:$0x1E800] =	vst v63  }
0xa3: {  	_ =	swait.ge [sflag:s13], $0x4000  }
0xa4: {  	[sflag:s13] =	ssyncset.done $0x0  }
0xa5: {  	[sflag:s13] =	ssyncadd.s32 $0xFFFFC000  }
0xa6: {  	_ =	swait.ge [sflag:s19], $0x4000  }
0xa7: {  	[sflag:s19] =	ssyncset.done $0x0  }
0xa8: {  	[sflag:s19] =	ssyncadd.s32 $0xFFFFC000  }
0xa9: {  	[spmem:s1] =	stream.indirect.scatter.add.f32 [tilespmem:s17], [sflag:$0x3], $0x80, s22, s15, $0xb8;
	[tilespmem:$0x1E800] =	vst v63  }
0xaa: {  	_ =	swait.ge [sflag:s13], $0x4000  }
0xab: {  	s24 =	sadd.s32 $0x1, s24;
	[sflag:s13] =	ssyncset.done $0x0  }
0xac: {  	p0 =	sne.s32 s24, s11;
	[sflag:s13] =	ssyncadd.s32 $0xFFFFC000  }
.Ltmp2:
0xad: {  	[bflag:$0x0] =	sbarrier.arrive $0xFFFF;
	(pc) =	sbr.rel @p0 .LBB2_1-.Ltmp2, $4  }
0xae: {  	[hbm:s23], [sflag:s6] =	dma.local [spmem:s12], $0x2800  }
0xaf: {  	_ =	swait.ge [sflag:s13], $0x2800  }
0xb0: {  	[sflag:s13] =	ssyncset.done $0x0  }
0xb1: {  	[sflag:s13] =	ssyncadd.s32 $0xFFFFD800  }
0xb2: {  	_ =	sfence.sel $0x180000  }
0xb3: {  	[bflag:$0x0] =	sbarrier.arrive $0xFFFF  }
0xb4: {  	p0 =	sne.s32 s4, $0x0;
	_ =	strace $0x9000004D  }
0xb5: {  	s0 =	sadd.s32 @!p0 $0x100000, s0;
	[bflag:$0x2] =	sbarrier.arrive $0xFFFF  }
0xb6: {  	[sflag:s0] =	ssyncadd.tile.s32 @!p0 $0x1;
	_ =	shalt  }
.Lfunc_end2:
_tile_overlayer_lowered:
.L_overlay_start_2:
0xb7: {  	(tag) =	ssettag $0x2  }
0xb8: {  	s0 =	rddreg [dreg:$0x0];
	s2 =	stileid.u32  }
0xb9: {  	s1 =	rddreg [dreg:$0x1];
	p0 =	sne.s32 s2, $0x0  }
0xba: {  	s3 =	rddreg [dreg:$0x2];
	[bflag:$0x3] =	sbarrier.arrive $0xFFFF;
	s2 =	simm.s32 @!p0 $0x1C03  }
0xbb: {  	[timem:s3], [sflag:s2] =	dma.local @!p0 [hbm:s0], s1  }
0xbc: {  	s0 =	simm.s32 @!p0 $0x3  }
0xbd: {  	_ =	swait.ge @!p0 [sflag:s0], s1  }
0xbe: {  	s1 =	ssub.s32 @!p0 $0x0, s1;
	[sflag:s0] =	ssyncset.done @!p0 $0x0  }
0xbf: {  	[sflag:s0] =	ssyncadd.s32 @!p0 s1  }
0xc0: {  	[bflag:$0x3] =	sbarrier.arrive $0xFFFF  }
0xc1: {  	_ =	shalt  }

// kernel: kernel.22.cloned.1.call-start
scs
__scs_entry_jumppad:
0x0: {  	(pc) =	sbr.rel $0x88, $3  }
0x1: {  	(tag) =	ssettag $0x0;
	lr =	simm.s32 $0x1  }
0x2: {  	[smem:$0x3F89] =	sst lr;
	_ =	strace $0xD0000000  }
0x3: {  	_ = 	snop  }
0x4: {  	_ = 	snop  }
0x5: {  	_ = 	snop  }
0x6: {  	_ = 	snop  }
0x7: {  	_ = 	snop  }
__scs_overlays_trampoline_lowered:
0x8: {  	[smem:$0x3F98] =	sst s0  }
0x9: {  	[smem:$0x3F99] =	sst s1  }
0xa: {  	[smem:$0x3F9A] =	sst s2  }
0xb: {  	[smem:$0x3F9B] =	sst s3  }
0xc: {  	[smem:$0x3F9C] =	sst s4  }
0xd: {  	[smem:$0x3F9D] =	sst s5  }
0xe: {  	[smem:$0x3F9E] =	sst s6  }
0xf: {  	[smem:$0x3F9F] =	sst s7  }
0x10: {  	[smem:$0x3FA0] =	sst s8  }
0x11: {  	[smem:$0x3FA1] =	sst s9;
	s0 =	simm.s32 @!p0 $0x0  }
0x12: {  	s1 =	sld [smem:$0x3F87];
	s0 =	simm.s32 @p0 $0x1  }
0x13: {  	[smem:$0x3FA2] =	sst s0;
	s0 =	simm.s32 @!p1 $0x0  }
0x14: {  	s2 =	sld [smem:$0x3F86];
	s0 =	simm.s32 @p1 $0x1  }
0x15: {  	[smem:$0x3FA3] =	sst s0;
	s0 =	simm.s32 @!p2 $0x0  }
0x16: {  	s3 =	sld [smem:$0x3FDB];
	s0 =	simm.s32 @p2 $0x1  }
0x17: {  	s4 =	simm.s32 $0x1BF5;
	[smem:$0x3FA5] =	sst s0  }
0x18: {  	s0 =	sld [smem:$0x3F88];
	_ =	swait.ge [sflag:s4], $0x0  }
0x19: {  	s7 =	sld [smem:$0x3F89]  }
0x1a: {  	s8 =	sadd.s32 $0xFFFFE003, lr  }
0x1b: {  	s9 =	sadd.s32 $0xFFFFFEF7, lr;
	s5 =	simm.s32 $0xFFFFFFFF;
	p2 =	slt.u32 s8, $0xFFFFF086  }
0x1c: {  	p1 =	slt.u32 s9, $0xF7A;
	s5 =	simm.s32 @!p2 $0x0  }
0x1d: {  	s5 =	simm.s32 @p1 $0x1;
	p0 =	seq.s32 s7, s2  }
0x1e: {  	s7 =	smul.u32 @!p0 $0xF7A, s2;
	p2 =	seq.s32 @!p0 s5, $0x0  }
0x1f: {  	s9 =	smul.u32 $0xF7A, s1;
	s8 =	simm.s32 @!p0 $0x1BF5;
	p2 =	por !p2, p0  }
0x20: {  	[sflag:s8] =	ssyncset.s32 @!p0 $0xFFFFF086;
	s6 =	sadd.s32 @!p0 s3, s7;
	s7 =	simm.s32 @!p0 $0x108  }
0x21: {  	s3 =	sadd.s32 s3, s9;
	s6 =	sadd.s32 @!p0 $0x88, s6;
	s7 =	simm.s32 @p2 $0x1082  }
0x22: {  	[simem:s7], [sflag:s8] =	dma.local @!p0 [hbm:s6], $0xF7A  }
0x23: {  	s9 =	sor.u32 $0xD0000000, s2;
	s6 =	simm.s32 $0x108;
	_ =	swait.ge @!p0 [sflag:s8], $0x0  }
0x24: {  	s3 =	sadd.s32 $0x88, s3;
	s6 =	simm.s32 @!p1 $0x1082;
	[sflag:s4] =	ssyncset.s32 $0xFFFFF086  }
0x25: {  	[simem:s6], [sflag:s4] =	dma.local [hbm:s3], $0xF7A  }
0x26: {  	[smem:$0x3F89] =	sst s1;
	(tag) =	ssettag s2;
	_ =	strace s9  }
0x27: {  	s1 =	sld [smem:$0x3F99]  }
0x28: {  	s2 =	sld [smem:$0x3F9A]  }
0x29: {  	s4 =	sld [smem:$0x3F9C]  }
0x2a: {  	p0 =	seq.s32 s5, $0x0;
	s5 =	sld [smem:$0x3F9D]  }
0x2b: {  	s6 =	sld [smem:$0x3F9E]  }
0x2c: {  	s7 =	sld [smem:$0x3F9F]  }
0x2d: {  	s3 =	simm.s32 $0x108;
	s8 =	sld [smem:$0x3FA0]  }
0x2e: {  	s3 =	simm.s32 @!p0 $0x1082;
	s9 =	sld [smem:$0x3FA1]  }
0x2f: {  	lr =	sadd.s32 s0, s3;
	s0 =	sld [smem:$0x3F98]  }
0x30: {  	s3 =	sld [smem:$0x3F9B]  }
0x31: {  	[smem:$0x3FA4] =	sst s10  }
0x32: {  	s10 =	sld [smem:$0x3FA2];
	_ =	sdelay $0x3  }
0x33: {  	p0 =	seq.s32 s10, $0x1;
	s10 =	sld [smem:$0x3FA4];
	_ =	sdelay $0x3  }
0x34: {  	[smem:$0x3FA4] =	sst s10  }
0x35: {  	s10 =	sld [smem:$0x3FA3];
	_ =	sdelay $0x3  }
0x36: {  	p1 =	seq.s32 s10, $0x1;
	s10 =	sld [smem:$0x3FA4];
	_ =	sdelay $0x3  }
0x37: {  	[smem:$0x3FA4] =	sst s10  }
0x38: {  	s10 =	sld [smem:$0x3FA5]  }
0x39: {  	_ = 	snop;
	(pc) =	sbr.ind lr, $3  }
0x3a: {  	_ = 	snop  }
0x3b: {  	_ = 	snop  }
0x3c: {  	p2 =	seq.s32 s10, $0x1;
	s10 =	sld [smem:$0x3FA4]  }
0x3d: {  	_ =	shalt  }
0x3e: {  	_ =	shalt  }
0x3f: {  	_ =	shalt  }
0x40: {  	_ =	shalt  }
0x41: {  	_ =	shalt  }
0x42: {  	_ =	shalt  }
0x43: {  	_ =	shalt  }
0x44: {  	_ =	shalt  }
0x45: {  	_ =	shalt  }
0x46: {  	_ =	shalt  }
0x47: {  	_ =	shalt  }
0x48: {  	_ =	shalt  }
0x49: {  	_ =	shalt  }
0x4a: {  	_ =	shalt  }
0x4b: {  	_ =	shalt  }
0x4c: {  	_ =	shalt  }
0x4d: {  	_ =	shalt  }
0x4e: {  	_ =	shalt  }
0x4f: {  	_ =	shalt  }
0x50: {  	_ =	shalt  }
0x51: {  	_ =	shalt  }
0x52: {  	_ =	shalt  }
0x53: {  	_ =	shalt  }
0x54: {  	_ =	shalt  }
0x55: {  	_ =	shalt  }
0x56: {  	_ =	shalt  }
0x57: {  	_ =	shalt  }
0x58: {  	_ =	shalt  }
0x59: {  	_ =	shalt  }
0x5a: {  	_ =	shalt  }
0x5b: {  	_ =	shalt  }
0x5c: {  	_ =	shalt  }
0x5d: {  	_ =	shalt  }
0x5e: {  	_ =	shalt  }
0x5f: {  	_ =	shalt  }
0x60: {  	_ =	shalt  }
0x61: {  	_ =	shalt  }
0x62: {  	_ =	shalt  }
0x63: {  	_ =	shalt  }
0x64: {  	_ =	shalt  }
0x65: {  	_ =	shalt  }
0x66: {  	_ =	shalt  }
0x67: {  	_ =	shalt  }
0x68: {  	_ =	shalt  }
0x69: {  	_ =	shalt  }
0x6a: {  	_ =	shalt  }
0x6b: {  	_ =	shalt  }
0x6c: {  	_ =	shalt  }
0x6d: {  	_ =	shalt  }
0x6e: {  	_ =	shalt  }
0x6f: {  	_ =	shalt  }
0x70: {  	_ =	shalt  }
0x71: {  	_ =	shalt  }
0x72: {  	_ =	shalt  }
0x73: {  	_ =	shalt  }
0x74: {  	_ =	shalt  }
0x75: {  	_ =	shalt  }
0x76: {  	_ =	shalt  }
0x77: {  	_ =	shalt  }
0x78: {  	_ =	shalt  }
0x79: {  	_ =	shalt  }
0x7a: {  	_ =	shalt  }
0x7b: {  	_ =	shalt  }
0x7c: {  	_ =	shalt  }
0x7d: {  	_ =	shalt  }
0x7e: {  	_ =	shalt  }
0x7f: {  	_ =	shalt  }
0x80: {  	_ =	shalt  }
0x81: {  	_ =	shalt  }
0x82: {  	_ =	shalt  }
0x83: {  	_ =	shalt  }
0x84: {  	_ =	shalt  }
0x85: {  	_ =	shalt  }
0x86: {  	_ =	shalt  }
0x87: {  	_ =	shalt  }
.Lfunc_end0:
.L_simem_size_0:
called_computation.3_lowered:
.L_overlay_start_0:
0x88: {  	s2 =	sld [smem:$0x3FD9]  }
0x89: {  	s3 =	sld [smem:$0x3FFE];
	_ =	sdelay $0x1  }
0x8a: {  	s1 =	srdreg.scid  }
0x8b: {  	s0 =	sand.u32 $0x1, s1  }
0x8c: {  	s17 =	sshll.u32 s0, $0xA;
	s2 =	sadd.s32 s3, s2  }
0x8d: {  	s2 =	sadd.s32 s2, s17  }
0x8e: {  	[smem:$0x3FB0] =	sst s2  }
0x8f: {  	_ = 	snop  }
0x90: {  	s2 =	sld [smem:$0x3FD0];
	(tm) =	ssettm $0x1  }
0x91: {  	s18 =	sld [smem:$0x3FFB];
	_ =	sdelay $0x3  }
0x92: {  	_ =	strace s18  }
0x93: {  	s3 =	sld [smem:$0x3FFC];
	_ =	sdelay $0x3  }
0x94: {  	_ =	strace s3  }
0x95: {  	s3 =	sld [smem:$0x3FFD];
	_ =	sdelay $0x3  }
0x96: {  	_ =	strace s3  }
0x97: {  	_ =	strace $0x8FFFFFFF  }
0x98: {  	s19 =	sld [smem:$0x3FDB];
	_ =	sdelay $0x1  }
0x99: {  	s4 =	simm.s32 $_scs_section_size  }
0x9a: {  	s5 =	simm.s32 $_size__tile_overlayer_lowered;
	s6 =	simm.s32 $_tile_overlayer_lowered  }
0x9b: {  	s22 =	simm.s32 $0x1BFF;
	s21 =	sshll.u32 s6, $0x1;
	s3 =	sadd.s32 s4, s19  }
0x9c: {  	s7 =	simm.s32 $0x0;
	s20 =	sshll.u32 s5, $0x1;
	s5 =	sadd.s32 s21, s3  }
0x9d: {  	[timem:s7], [sflag:s22] =	dma.local [hbm:s5], s20  }
0x9e: {  	_ =	swait.ge [sflag:s22], s20  }
0x9f: {  	s4 =	ssub.s32 $0x0, s20;
	[sflag:s22] =	ssyncset.done $0x0  }
0xa0: {  	[sflag:s22] =	ssyncadd.s32 s4;
	_ =	sdelay $0x1  }
0xa1: {  	s23 =	simm.s32 $0x1B8B  }
0xa2: {  	_ =	swait.ge [sflag:s23], $0x1  }
0xa3: {  	[sflag:s23] =	ssyncset.done $0x0  }
0xa4: {  	s25 =	simm.s32 $0x1B8E;
	s24 =	sld [smem:$0x3FFE];
	[sflag:s23] =	ssyncadd.s32 $0xFFFFFFFF  }
0xa5: {  	s26 =	simm.s32 $execute0_lowered;
	[smem:$0x3FD2] =	sst s25  }
0xa6: {  	s5 =	sshll.u32 s26, $0x1;
	_ =	strace $0x8000004F;
	[dreg:$0x1] =	wrdreg $0xFFFFFFFF  }
0xa7: {  	s28 =	simm.s32 $_size_execute0_lowered;
	s3 =	sadd.s32 s3, s5;
	[dreg:$0x0] =	wrdreg $0x0  }
0xa8: {  	s5 =	sshll.u32 s28, $0x1;
	[dreg:$0x2] =	wrdreg s3  }
0xa9: {  	[dreg:$0x3] =	wrdreg s5  }
0xaa: {  	[dreg:$0x4] =	wrdreg $0xC0  }
0xab: {  	_ =	task [dreg:s7], $0x5FFFF  }
0xac: {  	[dreg:$0x1] =	wrdreg $0xFFFFFFFF  }
0xad: {  	[dreg:$0x0] =	wrdreg $0x60  }
0xae: {  	[dreg:$0x2] =	wrdreg s24  }
0xaf: {  	[dreg:$0x3] =	wrdreg s2  }
0xb0: {  	[dreg:$0x4] =	wrdreg $0xA8000  }
0xb1: {  	[dreg:$0x5] =	wrdreg $0x9  }
0xb2: {  	_ =	task.clear_ibuf [dreg:s7], $0x6FFFF;
	_ =	strace $0x9000004F  }
0xb3: {  	s29 =	simm.s32 $0x9;
	_ =	strace $0x80000051  }
0xb4: {  	_ =	swait.ge [sflag:s29], $0x1  }
0xb5: {  	[sflag:s29] =	ssyncadd.s32 $0xFFFFFFFF  }
0xb6: {  	_ =	strace $0x90000051  }
0xb7: {  	_ =	sfence  }
0xb8: {  	s30 =	sld [smem:$0x0];
	_ =	sdelay $0x2  }
0xb9: {  	s31 =	sshll.u32 s1, $0xD;
	s1 =	sshrl.u32 s1, $0x2  }
0xba: {  	s3 =	sand.u32 $0x4000, s31;
	s1 =	sadd.s32 s1, s30  }
0xbb: {  	s0 =	sor.u32 s3, s0;
	s1 =	sshll.u32 s1, $0x11  }
0xbc: {  	s0 =	sor.u32 s1, s0  }
0xbd: {  	s0 =	sadd.s32 $0x8F2B, s0  }
0xbe: {  	[sflag:s0] =	ssyncadd.remote.s32 $0x1  }
0xbf: {  	_ =	sfence.sel $0xFFFF  }
0xc0: {  	[dreg:$0x0] =	wrdreg $0xFFFFFFFF;
	(pc) =	sbr.abs _section_cstart, $3  }
0xc1: {  	[dreg:$0x1] =	wrdreg $0xFFFFFFFF  }
0xc2: {  	_ =	task.clear_ibuf [dreg:s7], $0x2FFFF;
	_ =	strace $0x9FFFFFFF  }
0xc3: {  	(tm) =	ssettm $0x7FFFFFFF  }
tec
execute0_lowered:
.L_overlay_start_1:
0x0: {  	(tag) =	ssettag $0x1  }
0x1: {  	s6 =	rddreg [dreg:$0x0]  }
0x2: {  	s10 =	rddreg [dreg:$0x1]  }
0x3: {  	s1 =	rddreg [dreg:$0x2]  }
0x4: {  	s0 =	rddreg [dreg:$0x3]  }
0x5: {  	s2 =	simm.s32 $0x0;
	s4 =	srdreg.scid;
	s16 =	simm.s32 $0x2800  }
0x6: {  	s17 =	simm.s32 $0x6800;
	s18 =	simm.s32 $0x1;
	s19 =	simm.s32 $0x2  }
0x7: {  	s20 =	simm.s32 $0x1380;
	s21 =	simm.s32 $0x2700;
	s22 =	simm.s32 $0x2780  }
0x8: {  	[smem:$0x7FF] =	sst s2;
	s3 =	sadd.s32 $0x62400, s6;
	s7 =	sand.u32 $0x1, s4  }
0x9: {  	s9 =	sadd.s32 $0x58400, s6;
	s5 =	sadd.s32 $0x5C00, s6;
	s4 =	stileid.u32  }
0xa: {  	_ =	strace $0x80000050;
	s8 =	smul.u32 $0x28000, s7;
	s11 =	ssub.s32 $0x2, s7  }
0xb: {  	s7 =	sshll.u32 s7, $0x4;
	s13 =	smul.u32 $0x50000, s4;
	s29 =	sshll.u32 s4, $0x6  }
0xc: {  	s24 =	smul.u32 $0x2800, s4;
	s12 =	sshrl.u32 s11, $0x1;
	s7 =	sor.u32 s4, s7  }
0xd: {  	s14 =	sadd.s32 s8, s6;
	s11 =	ssub.s32 s11, s12;
	s26 =	smul.u32 $0x2800, s7  }
0xe: {  	s28 =	sshrl.u32 s13, $0x2;
	s30 =	smul.u32 $0x500, s7;
	s6 =	sor.u32 $0x1C03, s29  }
0xf: {  	s13 =	simm.s32 $0x3;
	s15 =	sadd.s32 s28, s1;
	s23 =	sadd.s32 $0x8A400, s14  }
0x10: {  	s11 =	smax.u32 s11, $0x1;
	s14 =	simm.s32 $0x1400;
	s31 =	sshrl.u32 s26, $0x3  }
0x11: {  	s7 =	sadd.s32 s9, s30;
	s8 =	sadd.s32 s10, s30;
	s12 =	sadd.s32 $0x280, s31  }
0x12: {  	s23 =	sadd.s32 s24, s23;
	s24 =	simm.s32 $0x0;
	s9 =	sadd.s32 s9, s12  }
0x13: {  	s10 =	sadd.s32 s10, s12;
	s12 =	sshrl.u32 s15, $0x3;
	s15 =	simm.s32 $0x80  }
.LBB2_1:
0x14: {  	[spmem:s12], [sflag:s6] =	dma.local [hbm:s5], $0x2800  }
0x15: {  	_ =	swait.ge [sflag:s13], $0x2800  }
0x16: {  	[sflag:s13] =	ssyncset.done $0x0  }
0x17: {  	[sflag:s13] =	ssyncadd.s32 $0xFFFFD800  }
0x18: {  	[bflag:$0x0] =	sbarrier.arrive $0xFFFF  }
0x19: {  	[tilespmem:s2], [sflag:$0x3] =	stream.linear.gather [hbm4b:s7+s2], $0x1400, $0x38;
	[tilespmem:$0x1E800] =	vst v63  }
0x1a: {  	_ =	swait.ge [sflag:s13], $0x1400  }
0x1b: {  	[sflag:s13] =	ssyncset.done $0x0  }
0x1c: {  	[sflag:s13] =	ssyncadd.s32 $0xFFFFEC00  }
0x1d: {  	[tilespmem:s14], [sflag:$0x3] =	stream.linear.gather [hbm4b:s8+s2], $0x1400, $0x38;
	[tilespmem:$0x1E800] =	vst v63  }
0x1e: {  	_ =	swait.ge [sflag:s13], $0x1400  }
0x1f: {  	[sflag:s13] =	ssyncset.done $0x0  }
0x20: {  	[sflag:s13] =	ssyncadd.s32 $0xFFFFEC00  }
0x21: {  	[tilespmem:s16], [sflag:$0x1] =	stream.indirect.gather [hbm4b:s3+s15], $0x80, s2, s15, $0xb8;
	[tilespmem:$0x1E800] =	vst v63  }
0x22: {  	s25 =	simm.s32 $0x80  }
0x23: {  	[tilespmem:s17], [sflag:$0x2] =	stream.indirect.gather [hbm4b:s3+s15], $0x80, s25, s15, $0xb8;
	[tilespmem:$0x1E800] =	vst v63  }
0x24: {  	_ =	swait.ge [sflag:s18], $0x4000  }
0x25: {  	[sflag:s18] =	ssyncset.done $0x0  }
0x26: {  	s29 =	simm.s32 $0x1400;
	[sflag:s18] =	ssyncadd.s32 $0xFFFFC000  }
0x27: {  	[spmem:s1] =	stream.indirect.scatter.add.f32 [tilespmem:s16], [sflag:$0x3], $0x80, s29, s15, $0xb8;
	[tilespmem:$0x1E800] =	vst v63  }
0x28: {  	_ =	swait.ge [sflag:s13], $0x4000  }
0x29: {  	[sflag:s13] =	ssyncset.done $0x0  }
0x2a: {  	s30 =	simm.s32 $0x100;
	[sflag:s13] =	ssyncadd.s32 $0xFFFFC000  }
0x2b: {  	[tilespmem:s16], [sflag:$0x1] =	stream.indirect.gather [hbm4b:s3+s15], $0x80, s30, s15, $0xb8;
	[tilespmem:$0x1E800] =	vst v63  }
0x2c: {  	_ =	swait.ge [sflag:s19], $0x4000  }
0x2d: {  	[sflag:s19] =	ssyncset.done $0x0  }
0x2e: {  	s31 =	simm.s32 $0x1480;
	[sflag:s19] =	ssyncadd.s32 $0xFFFFC000  }
0x2f: {  	[spmem:s1] =	stream.indirect.scatter.add.f32 [tilespmem:s17], [sflag:$0x3], $0x80, s31, s15, $0xb8;
	[tilespmem:$0x1E800] =	vst v63  }
0x30: {  	_ =	swait.ge [sflag:s13], $0x4000  }
0x31: {  	s26 =	simm.s32 $0x800;
	s25 =	simm.s32 $0x100;
	[sflag:s13] =	ssyncset.done $0x0  }
.LBB2_2:
0x32: {  	s28 =	sadd.s32 $0x80, s25  }
0x33: {  	[sflag:s13] =	ssyncadd.s32 $0xFFFFC000;
	s29 =	smov.u32 s26;
	s30 =	sadd.s32 $0x400, s26  }
0x34: {  	[tilespmem:s17], [sflag:$0x2] =	stream.indirect.gather [hbm4b:s3+s15], $0x80, s28, s15, $0xb8;
	[tilespmem:$0x1E800] =	vst v63  }
0x35: {  	p0 =	sne.s32 s26, $0x4800;
	_ =	swait.ge [sflag:s18], $0x4000  }
0x36: {  	[sflag:s18] =	ssyncset.done $0x0  }
0x37: {  	s26 =	sadd.s32 $0x1400, s25;
	[sflag:s18] =	ssyncadd.s32 $0xFFFFC000  }
0x38: {  	[spmem:s1] =	stream.indirect.scatter.add.f32 [tilespmem:s16], [sflag:$0x3], $0x80, s26, s15, $0xb8;
	[tilespmem:$0x1E800] =	vst v63  }
0x39: {  	_ =	swait.ge [sflag:s13], $0x4000  }
0x3a: {  	[sflag:s13] =	ssyncset.done $0x0  }
0x3b: {  	s26 =	sadd.s32 $0x100, s25;
	[sflag:s13] =	ssyncadd.s32 $0xFFFFC000  }
0x3c: {  	[tilespmem:s16], [sflag:$0x1] =	stream.indirect.gather [hbm4b:s3+s15], $0x80, s26, s15, $0xb8;
	[tilespmem:$0x1E800] =	vst v63  }
0x3d: {  	_ =	swait.ge [sflag:s19], $0x4000  }
.Ltmp0:
0x3e: {  	[sflag:s19] =	ssyncset.done $0x0;
	(pc) =	sbr.rel @p0 .LBB2_2-.Ltmp0, $4  }
0x3f: {  	s25 =	sadd.s32 $0x1480, s25;
	[sflag:s19] =	ssyncadd.s32 $0xFFFFC000  }
0x40: {  	[spmem:s1] =	stream.indirect.scatter.add.f32 [tilespmem:s17], [sflag:$0x3], $0x80, s25, s15, $0xb8;
	[tilespmem:$0x1E800] =	vst v63  }
0x41: {  	_ =	swait.ge [sflag:s13], $0x4000  }
0x42: {  	s26 =	smov.u32 s30;
	s25 =	sshra.s32 s29, $0x2;
	[sflag:s13] =	ssyncset.done $0x0  }
0x43: {  	s26 =	sadd.s32 $0x80, s25;
	[sflag:s13] =	ssyncadd.s32 $0xFFFFC000  }
0x44: {  	[tilespmem:s17], [sflag:$0x2] =	stream.indirect.gather [hbm4b:s3+s15], $0x80, s26, s15, $0xb8;
	[tilespmem:$0x1E800] =	vst v63  }
0x45: {  	_ =	swait.ge [sflag:s18], $0x4000  }
0x46: {  	[sflag:s18] =	ssyncset.done $0x0  }
0x47: {  	s29 =	sadd.s32 $0x1400, s25;
	[sflag:s18] =	ssyncadd.s32 $0xFFFFC000  }
0x48: {  	[spmem:s1] =	stream.indirect.scatter.add.f32 [tilespmem:s16], [sflag:$0x3], $0x80, s29, s15, $0xb8;
	[tilespmem:$0x1E800] =	vst v63  }
0x49: {  	_ =	swait.ge [sflag:s13], $0x4000  }
0x4a: {  	[sflag:s13] =	ssyncset.done $0x0  }
0x4b: {  	s30 =	sadd.s32 $0x100, s25;
	[sflag:s13] =	ssyncadd.s32 $0xFFFFC000  }
0x4c: {  	[tilespmem:s16], [sflag:$0x1] =	stream.indirect.gather [hbm4b:s3+s15], $0x80, s30, s15, $0xb8;
	[tilespmem:$0x1E800] =	vst v63  }
0x4d: {  	_ =	swait.ge [sflag:s19], $0x4000  }
0x4e: {  	[sflag:s19] =	ssyncset.done $0x0  }
0x4f: {  	s31 =	sadd.s32 $0x1480, s25;
	[sflag:s19] =	ssyncadd.s32 $0xFFFFC000  }
0x50: {  	[spmem:s1] =	stream.indirect.scatter.add.f32 [tilespmem:s17], [sflag:$0x3], $0x80, s31, s15, $0xb8;
	[tilespmem:$0x1E800] =	vst v63  }
0x51: {  	_ =	swait.ge [sflag:s13], $0x4000  }
0x52: {  	[sflag:s13] =	ssyncset.done $0x0  }
0x53: {  	[sflag:s13] =	ssyncadd.s32 $0xFFFFC000  }
0x54: {  	[tilespmem:s17], [sflag:$0x2] =	stream.indirect.gather [hbm4b:s3+s15], $0x80, s20, s15, $0xb8;
	[tilespmem:$0x1E800] =	vst v63  }
0x55: {  	_ =	swait.ge [sflag:s18], $0x4000  }
0x56: {  	[sflag:s18] =	ssyncset.done $0x0  }
0x57: {  	[sflag:s18] =	ssyncadd.s32 $0xFFFFC000  }
0x58: {  	[spmem:s1] =	stream.indirect.scatter.add.f32 [tilespmem:s16], [sflag:$0x3], $0x80, s21, s15, $0xb8;
	[tilespmem:$0x1E800] =	vst v63  }
0x59: {  	_ =	swait.ge [sflag:s13], $0x4000  }
0x5a: {  	[sflag:s13] =	ssyncset.done $0x0  }
0x5b: {  	[sflag:s13] =	ssyncadd.s32 $0xFFFFC000  }
0x5c: {  	_ =	swait.ge [sflag:s19], $0x4000  }
0x5d: {  	[sflag:s19] =	ssyncset.done $0x0  }
0x5e: {  	[sflag:s19] =	ssyncadd.s32 $0xFFFFC000  }
0x5f: {  	[spmem:s1] =	stream.indirect.scatter.add.f32 [tilespmem:s17], [sflag:$0x3], $0x80, s22, s15, $0xb8;
	[tilespmem:$0x1E800] =	vst v63  }
0x60: {  	_ =	swait.ge [sflag:s13], $0x4000  }
0x61: {  	[sflag:s13] =	ssyncset.done $0x0  }
0x62: {  	s26 =	simm.s32 $0x0;
	[sflag:s13] =	ssyncadd.s32 $0xFFFFC000  }
0x63: {  	[tilespmem:s26], [sflag:$0x3] =	stream.linear.gather [hbm4b:s9+s26], $0x1400, $0x38;
	[tilespmem:$0x1E800] =	vst v63  }
0x64: {  	_ =	swait.ge [sflag:s13], $0x1400  }
0x65: {  	[sflag:s13] =	ssyncset.done $0x0  }
0x66: {  	[sflag:s13] =	ssyncadd.s32 $0xFFFFEC00  }
0x67: {  	[tilespmem:s14], [sflag:$0x3] =	stream.linear.gather [hbm4b:s10+s26], $0x1400, $0x38;
	[tilespmem:$0x1E800] =	vst v63  }
0x68: {  	_ =	swait.ge [sflag:s13], $0x1400  }
0x69: {  	[sflag:s13] =	ssyncset.done $0x0  }
0x6a: {  	[sflag:s13] =	ssyncadd.s32 $0xFFFFEC00  }
0x6b: {  	[tilespmem:s16], [sflag:$0x1] =	stream.indirect.gather [hbm4b:s3+s15], $0x80, s26, s15, $0xb8;
	[tilespmem:$0x1E800] =	vst v63  }
0x6c: {  	s28 =	simm.s32 $0x80  }
0x6d: {  	[tilespmem:s17], [sflag:$0x2] =	stream.indirect.gather [hbm4b:s3+s15], $0x80, s28, s15, $0xb8;
	[tilespmem:$0x1E800] =	vst v63  }
0x6e: {  	_ =	swait.ge [sflag:s18], $0x4000  }
0x6f: {  	[sflag:s18] =	ssyncset.done $0x0  }
0x70: {  	s29 =	simm.s32 $0x1400;
	[sflag:s18] =	ssyncadd.s32 $0xFFFFC000  }
0x71: {  	[spmem:s1] =	stream.indirect.scatter.add.f32 [tilespmem:s16], [sflag:$0x3], $0x80, s29, s15, $0xb8;
	[tilespmem:$0x1E800] =	vst v63  }
0x72: {  	_ =	swait.ge [sflag:s13], $0x4000  }
0x73: {  	[sflag:s13] =	ssyncset.done $0x0  }
0x74: {  	s30 =	simm.s32 $0x100;
	[sflag:s13] =	ssyncadd.s32 $0xFFFFC000  }
0x75: {  	[tilespmem:s16], [sflag:$0x1] =	stream.indirect.gather [hbm4b:s3+s15], $0x80, s30, s15, $0xb8;
	[tilespmem:$0x1E800] =	vst v63  }
0x76: {  	_ =	swait.ge [sflag:s19], $0x4000  }
0x77: {  	[sflag:s19] =	ssyncset.done $0x0  }
0x78: {  	s31 =	simm.s32 $0x1480;
	[sflag:s19] =	ssyncadd.s32 $0xFFFFC000  }
0x79: {  	[spmem:s1] =	stream.indirect.scatter.add.f32 [tilespmem:s17], [sflag:$0x3], $0x80, s31, s15, $0xb8;
	[tilespmem:$0x1E800] =	vst v63  }
0x7a: {  	_ =	swait.ge [sflag:s13], $0x4000  }
0x7b: {  	s25 =	simm.s32 $0x100;
	s26 =	simm.s32 $0x800;
	[sflag:s13] =	ssyncset.done $0x0  }
.LBB2_4:
0x7c: {  	s28 =	sadd.s32 $0x80, s25  }
0x7d: {  	[sflag:s13] =	ssyncadd.s32 $0xFFFFC000;
	s29 =	smov.u32 s26;
	s30 =	sadd.s32 $0x400, s26  }
0x7e: {  	[tilespmem:s17], [sflag:$0x2] =	stream.indirect.gather [hbm4b:s3+s15], $0x80, s28, s15, $0xb8;
	[tilespmem:$0x1E800] =	vst v63  }
0x7f: {  	p0 =	sne.s32 s26, $0x4800;
	_ =	swait.ge [sflag:s18], $0x4000  }
0x80: {  	[sflag:s18] =	ssyncset.done $0x0  }
0x81: {  	s26 =	sadd.s32 $0x1400, s25;
	[sflag:s18] =	ssyncadd.s32 $0xFFFFC000  }
0x82: {  	[spmem:s1] =	stream.indirect.scatter.add.f32 [tilespmem:s16], [sflag:$0x3], $0x80, s26, s15, $0xb8;
	[tilespmem:$0x1E800] =	vst v63  }
0x83: {  	_ =	swait.ge [sflag:s13], $0x4000  }
0x84: {  	[sflag:s13] =	ssyncset.done $0x0  }
0x85: {  	s26 =	sadd.s32 $0x100, s25;
	[sflag:s13] =	ssyncadd.s32 $0xFFFFC000  }
0x86: {  	[tilespmem:s16], [sflag:$0x1] =	stream.indirect.gather [hbm4b:s3+s15], $0x80, s26, s15, $0xb8;
	[tilespmem:$0x1E800] =	vst v63  }
0x87: {  	_ =	swait.ge [sflag:s19], $0x4000  }
.Ltmp1:
0x88: {  	[sflag:s19] =	ssyncset.done $0x0;
	(pc) =	sbr.rel @p0 .LBB2_4-.Ltmp1, $4  }
0x89: {  	s25 =	sadd.s32 $0x1480, s25;
	[sflag:s19] =	ssyncadd.s32 $0xFFFFC000  }
0x8a: {  	[spmem:s1] =	stream.indirect.scatter.add.f32 [tilespmem:s17], [sflag:$0x3], $0x80, s25, s15, $0xb8;
	[tilespmem:$0x1E800] =	vst v63  }
0x8b: {  	_ =	swait.ge [sflag:s13], $0x4000  }
0x8c: {  	s26 =	smov.u32 s30;
	s25 =	sshra.s32 s29, $0x2;
	[sflag:s13] =	ssyncset.done $0x0  }
0x8d: {  	s26 =	sadd.s32 $0x80, s25;
	[sflag:s13] =	ssyncadd.s32 $0xFFFFC000  }
0x8e: {  	[tilespmem:s17], [sflag:$0x2] =	stream.indirect.gather [hbm4b:s3+s15], $0x80, s26, s15, $0xb8;
	[tilespmem:$0x1E800] =	vst v63  }
0x8f: {  	_ =	swait.ge [sflag:s18], $0x4000  }
0x90: {  	[sflag:s18] =	ssyncset.done $0x0  }
0x91: {  	s29 =	sadd.s32 $0x1400, s25;
	[sflag:s18] =	ssyncadd.s32 $0xFFFFC000  }
0x92: {  	[spmem:s1] =	stream.indirect.scatter.add.f32 [tilespmem:s16], [sflag:$0x3], $0x80, s29, s15, $0xb8;
	[tilespmem:$0x1E800] =	vst v63  }
0x93: {  	_ =	swait.ge [sflag:s13], $0x4000  }
0x94: {  	[sflag:s13] =	ssyncset.done $0x0  }
0x95: {  	s30 =	sadd.s32 $0x100, s25;
	[sflag:s13] =	ssyncadd.s32 $0xFFFFC000  }
0x96: {  	[tilespmem:s16], [sflag:$0x1] =	stream.indirect.gather [hbm4b:s3+s15], $0x80, s30, s15, $0xb8;
	[tilespmem:$0x1E800] =	vst v63  }
0x97: {  	_ =	swait.ge [sflag:s19], $0x4000  }
0x98: {  	[sflag:s19] =	ssyncset.done $0x0  }
0x99: {  	s31 =	sadd.s32 $0x1480, s25;
	[sflag:s19] =	ssyncadd.s32 $0xFFFFC000  }
0x9a: {  	[spmem:s1] =	stream.indirect.scatter.add.f32 [tilespmem:s17], [sflag:$0x3], $0x80, s31, s15, $0xb8;
	[tilespmem:$0x1E800] =	vst v63  }
0x9b: {  	_ =	swait.ge [sflag:s13], $0x4000  }
0x9c: {  	[sflag:s13] =	ssyncset.done $0x0  }
0x9d: {  	[sflag:s13] =	ssyncadd.s32 $0xFFFFC000  }
0x9e: {  	[tilespmem:s17], [sflag:$0x2] =	stream.indirect.gather [hbm4b:s3+s15], $0x80, s20, s15, $0xb8;
	[tilespmem:$0x1E800] =	vst v63  }
0x9f: {  	_ =	swait.ge [sflag:s18], $0x4000  }
0xa0: {  	[sflag:s18] =	ssyncset.done $0x0  }
0xa1: {  	[sflag:s18] =	ssyncadd.s32 $0xFFFFC000  }
0xa2: {  	[spmem:s1] =	stream.indirect.scatter.add.f32 [tilespmem:s16], [sflag:$0x3], $0x80, s21, s15, $0xb8;
	[tilespmem:$0x1E800] =	vst v63  }
0xa3: {  	_ =	swait.ge [sflag:s13], $0x4000  }
0xa4: {  	[sflag:s13] =	ssyncset.done $0x0  }
0xa5: {  	[sflag:s13] =	ssyncadd.s32 $0xFFFFC000  }
0xa6: {  	_ =	swait.ge [sflag:s19], $0x4000  }
0xa7: {  	[sflag:s19] =	ssyncset.done $0x0  }
0xa8: {  	[sflag:s19] =	ssyncadd.s32 $0xFFFFC000  }
0xa9: {  	[spmem:s1] =	stream.indirect.scatter.add.f32 [tilespmem:s17], [sflag:$0x3], $0x80, s22, s15, $0xb8;
	[tilespmem:$0x1E800] =	vst v63  }
0xaa: {  	_ =	swait.ge [sflag:s13], $0x4000  }
0xab: {  	s24 =	sadd.s32 $0x1, s24;
	[sflag:s13] =	ssyncset.done $0x0  }
0xac: {  	p0 =	sne.s32 s24, s11;
	[sflag:s13] =	ssyncadd.s32 $0xFFFFC000  }
.Ltmp2:
0xad: {  	[bflag:$0x0] =	sbarrier.arrive $0xFFFF;
	(pc) =	sbr.rel @p0 .LBB2_1-.Ltmp2, $4  }
0xae: {  	[hbm:s23], [sflag:s6] =	dma.local [spmem:s12], $0x2800  }
0xaf: {  	_ =	swait.ge [sflag:s13], $0x2800  }
0xb0: {  	[sflag:s13] =	ssyncset.done $0x0  }
0xb1: {  	[sflag:s13] =	ssyncadd.s32 $0xFFFFD800  }
0xb2: {  	_ =	sfence.sel $0x180000  }
0xb3: {  	[bflag:$0x0] =	sbarrier.arrive $0xFFFF  }
0xb4: {  	p0 =	sne.s32 s4, $0x0;
	_ =	strace $0x90000050  }
0xb5: {  	s0 =	sadd.s32 @!p0 $0x100000, s0;
	[bflag:$0x2] =	sbarrier.arrive $0xFFFF  }
0xb6: {  	[sflag:s0] =	ssyncadd.tile.s32 @!p0 $0x1;
	_ =	shalt  }
.Lfunc_end2:
_tile_overlayer_lowered:
.L_overlay_start_2:
0xb7: {  	(tag) =	ssettag $0x2  }
0xb8: {  	s0 =	rddreg [dreg:$0x0];
	s2 =	stileid.u32  }
0xb9: {  	s1 =	rddreg [dreg:$0x1];
	p0 =	sne.s32 s2, $0x0  }
0xba: {  	s3 =	rddreg [dreg:$0x2];
	[bflag:$0x3] =	sbarrier.arrive $0xFFFF;
	s2 =	simm.s32 @!p0 $0x1C03  }
0xbb: {  	[timem:s3], [sflag:s2] =	dma.local @!p0 [hbm:s0], s1  }
0xbc: {  	s0 =	simm.s32 @!p0 $0x3  }
0xbd: {  	_ =	swait.ge @!p0 [sflag:s0], s1  }
0xbe: {  	s1 =	ssub.s32 @!p0 $0x0, s1;
	[sflag:s0] =	ssyncset.done @!p0 $0x0  }
0xbf: {  	[sflag:s0] =	ssyncadd.s32 @!p0 s1  }
0xc0: {  	[bflag:$0x3] =	sbarrier.arrive $0xFFFF  }
0xc1: {  	_ =	shalt  }

</sc_bundles>
